<compile_context>
chip_gen: v7x
topology: tpu7x:2x2x1
jax: 0.10.2.dev20260603
libtpu: 0.0.44.dev20260713+nightly
codegen_flags: <defaults>
</compile_context>

<pallas_src>
import jax
import jax.numpy as jnp
import numpy as np
from jax import lax
from jax.experimental import pallas as pl
from jax.experimental.pallas import tpu as pltpu
from jax.experimental.pallas import tpu_sc as plsc

N = 10000
E = 320000
IN_C = 128
OUT_C = 32
HEADS = 4
R = 8
NEG_SLOPE = 0.2
HO = HEADS * OUT_C
W = HO + 16

NC = 2
NS = 16
NW = NC * NS
CH = 64
NCHUNK = 158
EWP = NCHUNK * CH
EP = NW * EWP
NPAD = 10240
NPS = NPAD // NS


def _tc_transform_kernel(x_ref, w_ref, pt_ref, qr_ref, kr_ref,
                         xt_ref, qt_ref):
    xt_std = jnp.dot(x_ref[...], w_ref[0], preferred_element_type=jnp.float32)
    xt_int = jnp.dot(xt_std, pt_ref[...], preferred_element_type=jnp.float32)
    krow = jnp.dot(xt_std, kr_ref[...], preferred_element_type=jnp.float32)
    xt_ref[...] = jnp.concatenate([xt_int, krow], axis=1)
    qt_ref[...] = jnp.dot(xt_std, qr_ref[...], preferred_element_type=jnp.float32)


def _tc_index_kernel(src_ref, dst_ref, et_ref, iq_ref, ik_ref):
    t = et_ref[...] * N
    iq_ref[...] = t + dst_ref[...]
    ik_ref[...] = t + src_ref[...]


def _sc_edge_kernel(meta_hbm, qtab_ref, xtab_ref,
                    acc_out,
                    acc_s,
                    mv0, mv1, mv2, mv3, mv4, mv5,
                    qb0, xb0, qb1, xb1, qb2, xb2,
                    semg0, semg1, semg2, sems0, sems1, sems2,
                    semm0, semm1, semm2, semm3, semm4, semm5):
    c = lax.axis_index("c")
    s = lax.axis_index("s")
    wid = s * NC + c
    n0 = s * NPS

    zv = jnp.zeros((16,), jnp.float32)
    slots = ((qb0, xb0, semg0, sems0),
             (qb1, xb1, semg1, sems1),
             (qb2, xb2, semg2, sems2))
    metas = ((mv0, semm0), (mv1, semm1), (mv2, semm2),
             (mv3, semm3), (mv4, semm4), (mv5, semm5))

    def _zrow(e, _):
        for j in range(W // 16):
            xb0[e, pl.ds(j * 16, 16)] = zv
        return _

    lax.fori_loop(0, CH, _zrow, 0)
    for kk in range(NPS // CH):
        pltpu.sync_copy(xb0, acc_s.at[pl.ds(n0 + kk * CH, CH)])
    plsc.subcore_barrier()

    def _meta_fetch(ci, m):
        mv, semm = metas[m]
        pltpu.async_copy(meta_hbm.at[wid, ci], mv, semm)

    def _meta_wait(m):
        mv, semm = metas[m]
        pltpu.make_async_copy(meta_hbm.at[wid, 0], mv, semm).wait()

    def _fire(ci, slot, m, drain):
        qb, xb, semg, sems = slots[slot]
        mv, semm = metas[m]
        _meta_wait(m)

        def _dr():
            pltpu.make_async_copy(xb, acc_s.at[mv.at[2]], sems).wait()

        if drain is None:
            pass
        elif drain is True:
            _dr()
        else:
            pl.when(drain)(_dr)
        pltpu.async_copy(qtab_ref.at[mv.at[0]], qb, semg)
        pltpu.async_copy(xtab_ref.at[mv.at[1]], xb, semg)

    def _consume(ci, slot, m):
        qb, xb, semg, sems = slots[slot]
        mv, semm = metas[m]
        pltpu.make_async_copy(qtab_ref.at[mv.at[0]], qb, semg).wait()
        pltpu.make_async_copy(xtab_ref.at[mv.at[1]], xb, semg).wait()
        nv = E - (wid * EWP + ci * CH)
        tl = pl.ds(HO, 16)

        def _edge_fast(e, _):
            srow = qb[e] + xb[e, tl]
            a = jnp.exp(jnp.maximum(srow, srow * NEG_SLOPE))
            xb[e, tl] = a
            for j in range(HO // 16):
                sl = pl.ds(j * 16, 16)
                xb[e, sl] = xb[e, sl] * a
            return _

        def _edge_masked(e, _):
            srow = qb[e] + xb[e, tl]
            live = (e < nv).astype(jnp.float32)
            a = jnp.exp(jnp.maximum(srow, srow * NEG_SLOPE)) * live
            xb[e, tl] = a
            for j in range(HO // 16):
                sl = pl.ds(j * 16, 16)
                xb[e, sl] = xb[e, sl] * a
            return _

        @pl.when(nv >= CH)
        def _():
            lax.fori_loop(0, CH, _edge_fast, 0)

        @pl.when(nv < CH)
        def _():
            lax.fori_loop(0, CH, _edge_masked, 0)

        pltpu.async_copy(xb, acc_s.at[mv.at[2]], sems, add=True)

    for j in range(5):
        _meta_fetch(j, j)
    _fire(0, 0, 0, None)
    _fire(1, 1, 1, None)

    def _six(cb, carry):
        c0 = cb * 6
        for j in range(6):
            cc = c0 + j

            @pl.when(cc < NCHUNK)
            def _step(cc=cc, j=j):
                _consume(cc, j % 3, j % 6)

                @pl.when(cc + 2 < NCHUNK)
                def _s1():
                    _fire(cc + 2, (j + 2) % 3, (j + 2) % 6, cc >= 1)

                @pl.when(cc + 5 < NCHUNK)
                def _s2():
                    _meta_fetch(cc + 5, (j + 5) % 6)

        return carry

    lax.fori_loop(0, (NCHUNK + 5) // 6, _six, 0)
    for cc in (NCHUNK - 3, NCHUNK - 2, NCHUNK - 1):
        qb, xb, semg, sems = slots[cc % 3]
        mv, semm = metas[cc % 6]
        pltpu.make_async_copy(xb, acc_s.at[mv.at[2]], sems).wait()
    plsc.subcore_barrier()

    pltpu.sync_copy(acc_s.at[pl.ds(n0, NPS)], acc_out.at[c, pl.ds(n0, NPS)])


def _tc_finalize_kernel(acc_ref, p_ref, qm_ref, b_ref, out_ref):
    asum = acc_ref[0] + acc_ref[1]
    std = jnp.dot(asum[:, :HO], p_ref[...], preferred_element_type=jnp.float32)
    dstd = jnp.dot(asum[:, HO:], qm_ref[...], preferred_element_type=jnp.float32)
    out_ref[...] = std / (dstd + 1e-16) + b_ref[...]


def _build_perms():
    pt = np.zeros((HO, HO), np.float32)
    for h in range(HEADS):
        for cc in range(OUT_C):
            pt[h * OUT_C + cc, cc * HEADS + h] = 1.0
    p = pt.T
    qm = np.zeros((16, HO), np.float32)
    for h in range(HEADS):
        for cc in range(OUT_C):
            qm[h, h * OUT_C + cc] = 1.0
    return pt, p, qm


_PT_NP, _P_NP, _QM_NP = _build_perms()


@jax.jit
def kernel(x, edge_index, edge_type, weight, q, k, bias):
    src = jnp.pad(edge_index[0], (0, EP - E)).reshape(EP // 128, 128)
    dst = jnp.pad(edge_index[1], (0, EP - E)).reshape(EP // 128, 128)
    etp = jnp.pad(edge_type, (0, EP - E)).reshape(EP // 128, 128)
    qrep = jnp.tile(q, (1, 16 // HEADS))
    krep = jnp.tile(k, (1, 16 // HEADS))
    pt = jnp.asarray(_PT_NP)
    p = jnp.asarray(_P_NP)
    qm = jnp.asarray(_QM_NP)
    bias2d = bias.reshape(1, HO)

    nb = 1000
    grid_a = (R, N // nb)
    xtab, qtab = pl.pallas_call(
        _tc_transform_kernel,
        grid=grid_a,
        in_specs=[
            pl.BlockSpec((nb, IN_C), lambda r, i: (i, 0)),
            pl.BlockSpec((1, IN_C, HO), lambda r, i: (r, 0, 0)),
            pl.BlockSpec((HO, HO), lambda r, i: (0, 0)),
            pl.BlockSpec((IN_C, 16), lambda r, i: (0, 0)),
            pl.BlockSpec((IN_C, 16), lambda r, i: (0, 0)),
        ],
        out_specs=[
            pl.BlockSpec((nb, W), lambda r, i: (r * (N // nb) + i, 0)),
            pl.BlockSpec((nb, 16), lambda r, i: (r * (N // nb) + i, 0)),
        ],
        out_shape=[
            jax.ShapeDtypeStruct((R * N, W), jnp.float32),
            jax.ShapeDtypeStruct((R * N, 16), jnp.float32),
        ],
    )(x, weight, pt, qrep, krep)

    ib = 632
    idxq, idxk = pl.pallas_call(
        _tc_index_kernel,
        grid=(EP // 128 // ib,),
        in_specs=[pl.BlockSpec((ib, 128), lambda i: (i, 0))] * 3,
        out_specs=[pl.BlockSpec((ib, 128), lambda i: (i, 0))] * 2,
        out_shape=[jax.ShapeDtypeStruct((EP // 128, 128), jnp.int32)] * 2,
    )(src, dst, etp)
    meta3 = jnp.stack([idxq.reshape(NW, NCHUNK, CH),
                       idxk.reshape(NW, NCHUNK, CH),
                       dst.reshape(NW, NCHUNK, CH)], axis=2)

    mesh = plsc.VectorSubcoreMesh(core_axis_name="c", subcore_axis_name="s",
                                  num_cores=NC, num_subcores=NS)
    sc_edge = pl.kernel(
        _sc_edge_kernel,
        out_type=jax.ShapeDtypeStruct((NC, NPAD, W), jnp.float32),
        mesh=mesh,
        scratch_types=(
            pltpu.VMEM_SHARED((NPAD, W), jnp.float32),
        ) + tuple(pltpu.VMEM((3, CH), jnp.int32) for _ in range(6))
        + (
            pltpu.VMEM((CH, 16), jnp.float32),
            pltpu.VMEM((CH, W), jnp.float32),
            pltpu.VMEM((CH, 16), jnp.float32),
            pltpu.VMEM((CH, W), jnp.float32),
            pltpu.VMEM((CH, 16), jnp.float32),
            pltpu.VMEM((CH, W), jnp.float32),
        ) + tuple(pltpu.SemaphoreType.DMA for _ in range(12)),
        compiler_params=pltpu.CompilerParams(use_tc_tiling_on_sc=False),
    )
    acc_parts = sc_edge(meta3, qtab, xtab)

    grid_c = (N // nb,)
    out = pl.pallas_call(
        _tc_finalize_kernel,
        grid=grid_c,
        in_specs=[
            pl.BlockSpec((NC, nb, W), lambda i: (0, i, 0)),
            pl.BlockSpec((HO, HO), lambda i: (0, 0)),
            pl.BlockSpec((16, HO), lambda i: (0, 0)),
            pl.BlockSpec((1, HO), lambda i: (0, 0)),
        ],
        out_specs=pl.BlockSpec((nb, HO), lambda i: (i, 0)),
        out_shape=jax.ShapeDtypeStruct((N, HO), jnp.float32),
    )(acc_parts, p, qm, bias2d)

    return out

# --- scband reference (transcript-rebuilt; emitter-appended) ---
"""Pipeline reference for scband-rgat-22935125360817 (READ-ONLY COPY).

The authoritative reference and input builder live on the scoring server;
editing this copy changes nothing except your own understanding.
"""

import jax, jax.numpy as jnp
import numpy as np

N = 10000
E = 320000
IN_C = 128
OUT_C = 32
HEADS = 4
DIM = 1
R = 8
NEG_SLOPE = 0.2


def setup_inputs(seed: int = 0) -> dict:
    key = jax.random.key(seed)
    ks = jax.random.split(key, 8)
    x = jax.random.normal(ks[0], (N, IN_C), dtype=jnp.float32)
    edge_index = jax.random.randint(ks[1], (2, E), 0, N, dtype=jnp.int32)
    edge_type = jax.random.randint(ks[2], (E,), 0, R, dtype=jnp.int32)
    # learned parameters (glorot-style init)
    weight = jax.random.normal(ks[3], (R, IN_C, HEADS * OUT_C), dtype=jnp.float32) * np.sqrt(2.0 / (IN_C + HEADS * OUT_C))
    q = jax.random.normal(ks[4], (HEADS * OUT_C, HEADS * DIM), dtype=jnp.float32) * np.sqrt(2.0 / (HEADS * OUT_C + HEADS * DIM))
    k = jax.random.normal(ks[5], (HEADS * OUT_C, HEADS * DIM), dtype=jnp.float32) * np.sqrt(2.0 / (HEADS * OUT_C + HEADS * DIM))
    bias = jnp.zeros((HEADS * DIM * OUT_C,), dtype=jnp.float32)
    return {"x": x, "edge_index": edge_index, "edge_type": edge_type,
            "weight": weight, "q": q, "k": k, "bias": bias}


def reference(x, edge_index, edge_type, weight, q, k, bias):
    src = edge_index[0]
    dst = edge_index[1]
    # Per-relation transform of all nodes, then gather per edge.
    # Mathematically identical to bmm(x_e.unsqueeze(1), weight[edge_type]).
    xt = jnp.einsum('nc,rcd->rnd', x, weight)          # [R, N, H*O]
    outi = xt[edge_type, dst]                          # [E, H*O] (x_i = dst node)
    outj = xt[edge_type, src]                          # [E, H*O] (x_j = src node)
    qi = outi @ q                                      # [E, H]
    kj = outj @ k                                      # [E, H]
    alpha = jax.nn.leaky_relu(qi + kj, NEG_SLOPE)      # additive self-attention
    # across-relation softmax over incoming edges of each dst node
    seg_max = jax.ops.segment_max(alpha, dst, num_segments=N)
    seg_max = jnp.where(jnp.isfinite(seg_max), seg_max, 0.0)
    a = jnp.exp(alpha - seg_max[dst])
    denom = jax.ops.segment_sum(a, dst, num_segments=N)
    a = a / (denom[dst] + 1e-16)                       # [E, H]
    # message = alpha * outj, aggregated with scatter-add at dst
    msg = a[:, :, None] * outj.reshape(E, HEADS, OUT_C)
    out = jax.ops.segment_sum(msg.reshape(E, HEADS * OUT_C), dst, num_segments=N)
    # update: concat heads + bias
    return out + bias

if __name__ == "__main__":
    import jax
    _d = setup_inputs()
    print(jax.jit(kernel)(*tuple(_d.values())))

</pallas_src>

<mosaic_0001>
#map = affine_map<(d0, d1) -> (0, 0, 0, 0)>
#map1 = affine_map<(d0, d1) -> (0, 0)>
#map2 = affine_map<(d0, d1) -> (0, 0, 0)>
module attributes {stable_mosaic.version = 14 : i64} {
  func.func @_sc_edge_kernel(%arg0: i32, %arg1: i32, %arg2: memref<32x158x3x64xi32, #tpu.memory_space<hbm>>, %arg3: memref<80000x16xf32, #tpu.memory_space<hbm>>, %arg4: memref<80000x144xf32, #tpu.memory_space<hbm>>, %arg5: memref<2x10240x144xf32, #tpu.memory_space<hbm>>, %arg6: memref<10240x144xf32, #tpu.memory_space<vmem_shared>>, %arg7: memref<3x64xi32, #tpu.memory_space<vmem>>, %arg8: memref<3x64xi32, #tpu.memory_space<vmem>>, %arg9: memref<3x64xi32, #tpu.memory_space<vmem>>, %arg10: memref<3x64xi32, #tpu.memory_space<vmem>>, %arg11: memref<3x64xi32, #tpu.memory_space<vmem>>, %arg12: memref<3x64xi32, #tpu.memory_space<vmem>>, %arg13: memref<64x16xf32, #tpu.memory_space<vmem>>, %arg14: memref<64x144xf32, #tpu.memory_space<vmem>>, %arg15: memref<64x16xf32, #tpu.memory_space<vmem>>, %arg16: memref<64x144xf32, #tpu.memory_space<vmem>>, %arg17: memref<64x16xf32, #tpu.memory_space<vmem>>, %arg18: memref<64x144xf32, #tpu.memory_space<vmem>>, %arg19: memref<!tpu.dma_semaphore, #tpu.memory_space<semaphore_mem>>, %arg20: memref<!tpu.dma_semaphore, #tpu.memory_space<semaphore_mem>>, %arg21: memref<!tpu.dma_semaphore, #tpu.memory_space<semaphore_mem>>, %arg22: memref<!tpu.dma_semaphore, #tpu.memory_space<semaphore_mem>>, %arg23: memref<!tpu.dma_semaphore, #tpu.memory_space<semaphore_mem>>, %arg24: memref<!tpu.dma_semaphore, #tpu.memory_space<semaphore_mem>>, %arg25: memref<!tpu.dma_semaphore, #tpu.memory_space<semaphore_mem>>, %arg26: memref<!tpu.dma_semaphore, #tpu.memory_space<semaphore_mem>>, %arg27: memref<!tpu.dma_semaphore, #tpu.memory_space<semaphore_mem>>, %arg28: memref<!tpu.dma_semaphore, #tpu.memory_space<semaphore_mem>>, %arg29: memref<!tpu.dma_semaphore, #tpu.memory_space<semaphore_mem>>, %arg30: memref<!tpu.dma_semaphore, #tpu.memory_space<semaphore_mem>>) attributes {dimension_semantics = [#tpu.dimension_semantics<core_parallel>, #tpu.dimension_semantics<subcore_parallel>], iteration_bounds = array<i64: 2, 16>, scalar_prefetch = 0 : i64, scratch_operands = 25 : i64, tpu.core_type = #tpu.core_type<sc_vector_subcore>, window_params = [{transform_indices = #map}, {transform_indices = #map1}, {transform_indices = #map1}, {transform_indices = #map2}]} {
    %mul3A = arith.constant 2 : i32
    %mul3A_0 = arith.muli %arg1, %mul3A : i32
    %add3A = arith.addi %mul3A_0, %arg0 : i32
    %mul3A_1 = arith.constant 640 : i32
    %mul3A_2 = arith.muli %arg1, %mul3A_1 : i32
    %broadcast_in_dim3A = arith.constant 0.000000e+00 : f32
    %broadcast_in_dim3A_3 = vector.broadcast %broadcast_in_dim3A : f32 to vector<16xf32>
    %scan3A = arith.constant 0 : i32
    %scan3A_4 = arith.constant 0 : i32
    %scan3A_5 = arith.constant 64 : i32
    %scan3A_6 = arith.addi %scan3A_4, %scan3A_5 : i32
    %scan3A_7 = arith.constant 1 : i32
    scf.for %scan3A_146 = %scan3A_4 to %scan3A_6 step %scan3A_7  : i32 {
      %swap3A = arith.index_cast %scan3A_146 : i32 to index
      %swap3A_147 = arith.constant 0 : index
      %swap3A_148 = tpu.vector_load %arg14[%swap3A, %swap3A_147] {strides = array<i32>} : memref<64x144xf32, #tpu.memory_space<vmem>>, vector<1x16xf32>,
      %swap3A_149 = vector.shape_cast %swap3A_148 : vector<1x16xf32> to vector<16xf32>
      %swap3A_150 = vector.shape_cast %broadcast_in_dim3A_3 : vector<16xf32> to vector<1x16xf32>
      tpu.vector_store %arg14[%swap3A, %swap3A_147], %swap3A_150 {strides = array<i32>} : memref<64x144xf32, #tpu.memory_space<vmem>>, vector<1x16xf32>,
      %swap3A_151 = arith.index_cast %scan3A_146 : i32 to index
      %swap3A_152 = arith.constant 16 : index
      %swap3A_153 = tpu.vector_load %arg14[%swap3A_151, %swap3A_152] {strides = array<i32>} : memref<64x144xf32, #tpu.memory_space<vmem>>, vector<1x16xf32>,
      %swap3A_154 = vector.shape_cast %swap3A_153 : vector<1x16xf32> to vector<16xf32>
      %swap3A_155 = vector.shape_cast %broadcast_in_dim3A_3 : vector<16xf32> to vector<1x16xf32>
      tpu.vector_store %arg14[%swap3A_151, %swap3A_152], %swap3A_155 {strides = array<i32>} : memref<64x144xf32, #tpu.memory_space<vmem>>, vector<1x16xf32>,
      %swap3A_156 = arith.index_cast %scan3A_146 : i32 to index
      %swap3A_157 = arith.constant 32 : index
      %swap3A_158 = tpu.vector_load %arg14[%swap3A_156, %swap3A_157] {strides = array<i32>} : memref<64x144xf32, #tpu.memory_space<vmem>>, vector<1x16xf32>,
      %swap3A_159 = vector.shape_cast %swap3A_158 : vector<1x16xf32> to vector<16xf32>
      %swap3A_160 = vector.shape_cast %broadcast_in_dim3A_3 : vector<16xf32> to vector<1x16xf32>
      tpu.vector_store %arg14[%swap3A_156, %swap3A_157], %swap3A_160 {strides = array<i32>} : memref<64x144xf32, #tpu.memory_space<vmem>>, vector<1x16xf32>,
      %swap3A_161 = arith.index_cast %scan3A_146 : i32 to index
      %swap3A_162 = arith.constant 48 : index
      %swap3A_163 = tpu.vector_load %arg14[%swap3A_161, %swap3A_162] {strides = array<i32>} : memref<64x144xf32, #tpu.memory_space<vmem>>, vector<1x16xf32>,
      %swap3A_164 = vector.shape_cast %swap3A_163 : vector<1x16xf32> to vector<16xf32>
      %swap3A_165 = vector.shape_cast %broadcast_in_dim3A_3 : vector<16xf32> to vector<1x16xf32>
      tpu.vector_store %arg14[%swap3A_161, %swap3A_162], %swap3A_165 {strides = array<i32>} : memref<64x144xf32, #tpu.memory_space<vmem>>, vector<1x16xf32>,
      %swap3A_166 = arith.index_cast %scan3A_146 : i32 to index
      %swap3A_167 = arith.constant 64 : index
      %swap3A_168 = tpu.vector_load %arg14[%swap3A_166, %swap3A_167] {strides = array<i32>} : memref<64x144xf32, #tpu.memory_space<vmem>>, vector<1x16xf32>,
      %swap3A_169 = vector.shape_cast %swap3A_168 : vector<1x16xf32> to vector<16xf32>
      %swap3A_170 = vector.shape_cast %broadcast_in_dim3A_3 : vector<16xf32> to vector<1x16xf32>
      tpu.vector_store %arg14[%swap3A_166, %swap3A_167], %swap3A_170 {strides = array<i32>} : memref<64x144xf32, #tpu.memory_space<vmem>>, vector<1x16xf32>,
      %swap3A_171 = arith.index_cast %scan3A_146 : i32 to index
      %swap3A_172 = arith.constant 80 : index
      %swap3A_173 = tpu.vector_load %arg14[%swap3A_171, %swap3A_172] {strides = array<i32>} : memref<64x144xf32, #tpu.memory_space<vmem>>, vector<1x16xf32>,
      %swap3A_174 = vector.shape_cast %swap3A_173 : vector<1x16xf32> to vector<16xf32>
      %swap3A_175 = vector.shape_cast %broadcast_in_dim3A_3 : vector<16xf32> to vector<1x16xf32>
      tpu.vector_store %arg14[%swap3A_171, %swap3A_172], %swap3A_175 {strides = array<i32>} : memref<64x144xf32, #tpu.memory_space<vmem>>, vector<1x16xf32>,
      %swap3A_176 = arith.index_cast %scan3A_146 : i32 to index
      %swap3A_177 = arith.constant 96 : index
      %swap3A_178 = tpu.vector_load %arg14[%swap3A_176, %swap3A_177] {strides = array<i32>} : memref<64x144xf32, #tpu.memory_space<vmem>>, vector<1x16xf32>,
      %swap3A_179 = vector.shape_cast %swap3A_178 : vector<1x16xf32> to vector<16xf32>
      %swap3A_180 = vector.shape_cast %broadcast_in_dim3A_3 : vector<16xf32> to vector<1x16xf32>
      tpu.vector_store %arg14[%swap3A_176, %swap3A_177], %swap3A_180 {strides = array<i32>} : memref<64x144xf32, #tpu.memory_space<vmem>>, vector<1x16xf32>,
      %swap3A_181 = arith.index_cast %scan3A_146 : i32 to index
      %swap3A_182 = arith.constant 112 : index
      %swap3A_183 = tpu.vector_load %arg14[%swap3A_181, %swap3A_182] {strides = array<i32>} : memref<64x144xf32, #tpu.memory_space<vmem>>, vector<1x16xf32>,
      %swap3A_184 = vector.shape_cast %swap3A_183 : vector<1x16xf32> to vector<16xf32>
      %swap3A_185 = vector.shape_cast %broadcast_in_dim3A_3 : vector<16xf32> to vector<1x16xf32>
      tpu.vector_store %arg14[%swap3A_181, %swap3A_182], %swap3A_185 {strides = array<i32>} : memref<64x144xf32, #tpu.memory_space<vmem>>, vector<1x16xf32>,
      %swap3A_186 = arith.index_cast %scan3A_146 : i32 to index
      %swap3A_187 = arith.constant 128 : index
      %swap3A_188 = tpu.vector_load %arg14[%swap3A_186, %swap3A_187] {strides = array<i32>} : memref<64x144xf32, #tpu.memory_space<vmem>>, vector<1x16xf32>,
      %swap3A_189 = vector.shape_cast %swap3A_188 : vector<1x16xf32> to vector<16xf32>
      %swap3A_190 = vector.shape_cast %broadcast_in_dim3A_3 : vector<16xf32> to vector<1x16xf32>
      tpu.vector_store %arg14[%swap3A_186, %swap3A_187], %swap3A_190 {strides = array<i32>} : memref<64x144xf32, #tpu.memory_space<vmem>>, vector<1x16xf32>,
    }
    %scan3A_8 = arith.constant 64 : i32
    %add3A_9 = arith.constant 0 : i32
    %add3A_10 = arith.addi %mul3A_2, %add3A_9 : i32
    "tpu.region"() ({
      %run_scoped3A = tpu.sem_alloc : memref<!tpu.dma_semaphore, #tpu.memory_space<semaphore_mem>>
      %dma_start3A_146 = arith.constant 0 : i32
      %dma_start3A_147 = tpu.memref_slice %arg6[%add3A_10, %dma_start3A_146] : memref<10240x144xf32, #tpu.memory_space<vmem_shared>> -> memref<64x144xf32, #tpu.memory_space<vmem_shared>>
      %dma_start3A_148 = arith.constant 0 : i32
      %dma_start3A_149 = tpu.memref_slice %arg6[%add3A_10, %dma_start3A_148] : memref<10240x144xf32, #tpu.memory_space<vmem_shared>> -> memref<64x144xf32, #tpu.memory_space<vmem_shared>>
      tpu.enqueue_dma source(%arg14 : memref<64x144xf32, #tpu.memory_space<vmem>>) target(%dma_start3A_149 : memref<64x144xf32, #tpu.memory_space<vmem_shared>>) target_semaphore(%run_scoped3A : memref<!tpu.dma_semaphore, #tpu.memory_space<semaphore_mem>>)
      %dma_wait3A_150 = arith.constant 0 : i32
      %dma_wait3A_151 = tpu.memref_slice %arg6[%add3A_10, %dma_wait3A_150] : memref<10240x144xf32, #tpu.memory_space<vmem_shared>> -> memref<64x144xf32, #tpu.memory_space<vmem_shared>>
      %dma_wait3A_152 = arith.constant 0 : i32
      %dma_wait3A_153 = tpu.memref_slice %arg6[%add3A_10, %dma_wait3A_152] : memref<10240x144xf32, #tpu.memory_space<vmem_shared>> -> memref<64x144xf32, #tpu.memory_space<vmem_shared>>
      tpu.wait_dma2 semaphore(%run_scoped3A : memref<!tpu.dma_semaphore, #tpu.memory_space<semaphore_mem>>) src(%arg14 : memref<64x144xf32, #tpu.memory_space<vmem>>) dst(%dma_wait3A_153 : memref<64x144xf32, #tpu.memory_space<vmem_shared>>)
      tpu.yield
    }) : () -> ()
    %add3A_11 = arith.constant 64 : i32
    %add3A_12 = arith.addi %mul3A_2, %add3A_11 : i32
    "tpu.region"() ({
      %run_scoped3A = tpu.sem_alloc : memref<!tpu.dma_semaphore, #tpu.memory_space<semaphore_mem>>
      %dma_start3A_146 = arith.constant 0 : i32
      %dma_start3A_147 = tpu.memref_slice %arg6[%add3A_12, %dma_start3A_146] : memref<10240x144xf32, #tpu.memory_space<vmem_shared>> -> memref<64x144xf32, #tpu.memory_space<vmem_shared>>
      %dma_start3A_148 = arith.constant 0 : i32
      %dma_start3A_149 = tpu.memref_slice %arg6[%add3A_12, %dma_start3A_148] : memref<10240x144xf32, #tpu.memory_space<vmem_shared>> -> memref<64x144xf32, #tpu.memory_space<vmem_shared>>
      tpu.enqueue_dma source(%arg14 : memref<64x144xf32, #tpu.memory_space<vmem>>) target(%dma_start3A_149 : memref<64x144xf32, #tpu.memory_space<vmem_shared>>) target_semaphore(%run_scoped3A : memref<!tpu.dma_semaphore, #tpu.memory_space<semaphore_mem>>)
      %dma_wait3A_150 = arith.constant 0 : i32
      %dma_wait3A_151 = tpu.memref_slice %arg6[%add3A_12, %dma_wait3A_150] : memref<10240x144xf32, #tpu.memory_space<vmem_shared>> -> memref<64x144xf32, #tpu.memory_space<vmem_shared>>
      %dma_wait3A_152 = arith.constant 0 : i32
      %dma_wait3A_153 = tpu.memref_slice %arg6[%add3A_12, %dma_wait3A_152] : memref<10240x144xf32, #tpu.memory_space<vmem_shared>> -> memref<64x144xf32, #tpu.memory_space<vmem_shared>>
      tpu.wait_dma2 semaphore(%run_scoped3A : memref<!tpu.dma_semaphore, #tpu.memory_space<semaphore_mem>>) src(%arg14 : memref<64x144xf32, #tpu.memory_space<vmem>>) dst(%dma_wait3A_153 : memref<64x144xf32, #tpu.memory_space<vmem_shared>>)
      tpu.yield
    }) : () -> ()
    %add3A_13 = arith.constant 128 : i32
    %add3A_14 = arith.addi %mul3A_2, %add3A_13 : i32
    "tpu.region"() ({
      %run_scoped3A = tpu.sem_alloc : memref<!tpu.dma_semaphore, #tpu.memory_space<semaphore_mem>>
      %dma_start3A_146 = arith.constant 0 : i32
      %dma_start3A_147 = tpu.memref_slice %arg6[%add3A_14, %dma_start3A_146] : memref<10240x144xf32, #tpu.memory_space<vmem_shared>> -> memref<64x144xf32, #tpu.memory_space<vmem_shared>>
      %dma_start3A_148 = arith.constant 0 : i32
      %dma_start3A_149 = tpu.memref_slice %arg6[%add3A_14, %dma_start3A_148] : memref<10240x144xf32, #tpu.memory_space<vmem_shared>> -> memref<64x144xf32, #tpu.memory_space<vmem_shared>>
      tpu.enqueue_dma source(%arg14 : memref<64x144xf32, #tpu.memory_space<vmem>>) target(%dma_start3A_149 : memref<64x144xf32, #tpu.memory_space<vmem_shared>>) target_semaphore(%run_scoped3A : memref<!tpu.dma_semaphore, #tpu.memory_space<semaphore_mem>>)
      %dma_wait3A_150 = arith.constant 0 : i32
      %dma_wait3A_151 = tpu.memref_slice %arg6[%add3A_14, %dma_wait3A_150] : memref<10240x144xf32, #tpu.memory_space<vmem_shared>> -> memref<64x144xf32, #tpu.memory_space<vmem_shared>>
      %dma_wait3A_152 = arith.constant 0 : i32
      %dma_wait3A_153 = tpu.memref_slice %arg6[%add3A_14, %dma_wait3A_152] : memref<10240x144xf32, #tpu.memory_space<vmem_shared>> -> memref<64x144xf32, #tpu.memory_space<vmem_shared>>
      tpu.wait_dma2 semaphore(%run_scoped3A : memref<!tpu.dma_semaphore, #tpu.memory_space<semaphore_mem>>) src(%arg14 : memref<64x144xf32, #tpu.memory_space<vmem>>) dst(%dma_wait3A_153 : memref<64x144xf32, #tpu.memory_space<vmem_shared>>)
      tpu.yield
    }) : () -> ()
    %add3A_15 = arith.constant 192 : i32
    %add3A_16 = arith.addi %mul3A_2, %add3A_15 : i32
    "tpu.region"() ({
      %run_scoped3A = tpu.sem_alloc : memref<!tpu.dma_semaphore, #tpu.memory_space<semaphore_mem>>
      %dma_start3A_146 = arith.constant 0 : i32
      %dma_start3A_147 = tpu.memref_slice %arg6[%add3A_16, %dma_start3A_146] : memref<10240x144xf32, #tpu.memory_space<vmem_shared>> -> memref<64x144xf32, #tpu.memory_space<vmem_shared>>
      %dma_start3A_148 = arith.constant 0 : i32
      %dma_start3A_149 = tpu.memref_slice %arg6[%add3A_16, %dma_start3A_148] : memref<10240x144xf32, #tpu.memory_space<vmem_shared>> -> memref<64x144xf32, #tpu.memory_space<vmem_shared>>
      tpu.enqueue_dma source(%arg14 : memref<64x144xf32, #tpu.memory_space<vmem>>) target(%dma_start3A_149 : memref<64x144xf32, #tpu.memory_space<vmem_shared>>) target_semaphore(%run_scoped3A : memref<!tpu.dma_semaphore, #tpu.memory_space<semaphore_mem>>)
      %dma_wait3A_150 = arith.constant 0 : i32
      %dma_wait3A_151 = tpu.memref_slice %arg6[%add3A_16, %dma_wait3A_150] : memref<10240x144xf32, #tpu.memory_space<vmem_shared>> -> memref<64x144xf32, #tpu.memory_space<vmem_shared>>
      %dma_wait3A_152 = arith.constant 0 : i32
      %dma_wait3A_153 = tpu.memref_slice %arg6[%add3A_16, %dma_wait3A_152] : memref<10240x144xf32, #tpu.memory_space<vmem_shared>> -> memref<64x144xf32, #tpu.memory_space<vmem_shared>>
      tpu.wait_dma2 semaphore(%run_scoped3A : memref<!tpu.dma_semaphore, #tpu.memory_space<semaphore_mem>>) src(%arg14 : memref<64x144xf32, #tpu.memory_space<vmem>>) dst(%dma_wait3A_153 : memref<64x144xf32, #tpu.memory_space<vmem_shared>>)
      tpu.yield
    }) : () -> ()
    %add3A_17 = arith.constant 256 : i32
    %add3A_18 = arith.addi %mul3A_2, %add3A_17 : i32
    "tpu.region"() ({
      %run_scoped3A = tpu.sem_alloc : memref<!tpu.dma_semaphore, #tpu.memory_space<semaphore_mem>>
      %dma_start3A_146 = arith.constant 0 : i32
      %dma_start3A_147 = tpu.memref_slice %arg6[%add3A_18, %dma_start3A_146] : memref<10240x144xf32, #tpu.memory_space<vmem_shared>> -> memref<64x144xf32, #tpu.memory_space<vmem_shared>>
      %dma_start3A_148 = arith.constant 0 : i32
      %dma_start3A_149 = tpu.memref_slice %arg6[%add3A_18, %dma_start3A_148] : memref<10240x144xf32, #tpu.memory_space<vmem_shared>> -> memref<64x144xf32, #tpu.memory_space<vmem_shared>>
      tpu.enqueue_dma source(%arg14 : memref<64x144xf32, #tpu.memory_space<vmem>>) target(%dma_start3A_149 : memref<64x144xf32, #tpu.memory_space<vmem_shared>>) target_semaphore(%run_scoped3A : memref<!tpu.dma_semaphore, #tpu.memory_space<semaphore_mem>>)
      %dma_wait3A_150 = arith.constant 0 : i32
      %dma_wait3A_151 = tpu.memref_slice %arg6[%add3A_18, %dma_wait3A_150] : memref<10240x144xf32, #tpu.memory_space<vmem_shared>> -> memref<64x144xf32, #tpu.memory_space<vmem_shared>>
      %dma_wait3A_152 = arith.constant 0 : i32
      %dma_wait3A_153 = tpu.memref_slice %arg6[%add3A_18, %dma_wait3A_152] : memref<10240x144xf32, #tpu.memory_space<vmem_shared>> -> memref<64x144xf32, #tpu.memory_space<vmem_shared>>
      tpu.wait_dma2 semaphore(%run_scoped3A : memref<!tpu.dma_semaphore, #tpu.memory_space<semaphore_mem>>) src(%arg14 : memref<64x144xf32, #tpu.memory_space<vmem>>) dst(%dma_wait3A_153 : memref<64x144xf32, #tpu.memory_space<vmem_shared>>)
      tpu.yield
    }) : () -> ()
    %add3A_19 = arith.constant 320 : i32
    %add3A_20 = arith.addi %mul3A_2, %add3A_19 : i32
    "tpu.region"() ({
      %run_scoped3A = tpu.sem_alloc : memref<!tpu.dma_semaphore, #tpu.memory_space<semaphore_mem>>
      %dma_start3A_146 = arith.constant 0 : i32
      %dma_start3A_147 = tpu.memref_slice %arg6[%add3A_20, %dma_start3A_146] : memref<10240x144xf32, #tpu.memory_space<vmem_shared>> -> memref<64x144xf32, #tpu.memory_space<vmem_shared>>
      %dma_start3A_148 = arith.constant 0 : i32
      %dma_start3A_149 = tpu.memref_slice %arg6[%add3A_20, %dma_start3A_148] : memref<10240x144xf32, #tpu.memory_space<vmem_shared>> -> memref<64x144xf32, #tpu.memory_space<vmem_shared>>
      tpu.enqueue_dma source(%arg14 : memref<64x144xf32, #tpu.memory_space<vmem>>) target(%dma_start3A_149 : memref<64x144xf32, #tpu.memory_space<vmem_shared>>) target_semaphore(%run_scoped3A : memref<!tpu.dma_semaphore, #tpu.memory_space<semaphore_mem>>)
      %dma_wait3A_150 = arith.constant 0 : i32
      %dma_wait3A_151 = tpu.memref_slice %arg6[%add3A_20, %dma_wait3A_150] : memref<10240x144xf32, #tpu.memory_space<vmem_shared>> -> memref<64x144xf32, #tpu.memory_space<vmem_shared>>
      %dma_wait3A_152 = arith.constant 0 : i32
      %dma_wait3A_153 = tpu.memref_slice %arg6[%add3A_20, %dma_wait3A_152] : memref<10240x144xf32, #tpu.memory_space<vmem_shared>> -> memref<64x144xf32, #tpu.memory_space<vmem_shared>>
      tpu.wait_dma2 semaphore(%run_scoped3A : memref<!tpu.dma_semaphore, #tpu.memory_space<semaphore_mem>>) src(%arg14 : memref<64x144xf32, #tpu.memory_space<vmem>>) dst(%dma_wait3A_153 : memref<64x144xf32, #tpu.memory_space<vmem_shared>>)
      tpu.yield
    }) : () -> ()
    %add3A_21 = arith.constant 384 : i32
    %add3A_22 = arith.addi %mul3A_2, %add3A_21 : i32
    "tpu.region"() ({
      %run_scoped3A = tpu.sem_alloc : memref<!tpu.dma_semaphore, #tpu.memory_space<semaphore_mem>>
      %dma_start3A_146 = arith.constant 0 : i32
      %dma_start3A_147 = tpu.memref_slice %arg6[%add3A_22, %dma_start3A_146] : memref<10240x144xf32, #tpu.memory_space<vmem_shared>> -> memref<64x144xf32, #tpu.memory_space<vmem_shared>>
      %dma_start3A_148 = arith.constant 0 : i32
      %dma_start3A_149 = tpu.memref_slice %arg6[%add3A_22, %dma_start3A_148] : memref<10240x144xf32, #tpu.memory_space<vmem_shared>> -> memref<64x144xf32, #tpu.memory_space<vmem_shared>>
      tpu.enqueue_dma source(%arg14 : memref<64x144xf32, #tpu.memory_space<vmem>>) target(%dma_start3A_149 : memref<64x144xf32, #tpu.memory_space<vmem_shared>>) target_semaphore(%run_scoped3A : memref<!tpu.dma_semaphore, #tpu.memory_space<semaphore_mem>>)
      %dma_wait3A_150 = arith.constant 0 : i32
      %dma_wait3A_151 = tpu.memref_slice %arg6[%add3A_22, %dma_wait3A_150] : memref<10240x144xf32, #tpu.memory_space<vmem_shared>> -> memref<64x144xf32, #tpu.memory_space<vmem_shared>>
      %dma_wait3A_152 = arith.constant 0 : i32
      %dma_wait3A_153 = tpu.memref_slice %arg6[%add3A_22, %dma_wait3A_152] : memref<10240x144xf32, #tpu.memory_space<vmem_shared>> -> memref<64x144xf32, #tpu.memory_space<vmem_shared>>
      tpu.wait_dma2 semaphore(%run_scoped3A : memref<!tpu.dma_semaphore, #tpu.memory_space<semaphore_mem>>) src(%arg14 : memref<64x144xf32, #tpu.memory_space<vmem>>) dst(%dma_wait3A_153 : memref<64x144xf32, #tpu.memory_space<vmem_shared>>)
      tpu.yield
    }) : () -> ()
    %add3A_23 = arith.constant 448 : i32
    %add3A_24 = arith.addi %mul3A_2, %add3A_23 : i32
    "tpu.region"() ({
      %run_scoped3A = tpu.sem_alloc : memref<!tpu.dma_semaphore, #tpu.memory_space<semaphore_mem>>
      %dma_start3A_146 = arith.constant 0 : i32
      %dma_start3A_147 = tpu.memref_slice %arg6[%add3A_24, %dma_start3A_146] : memref<10240x144xf32, #tpu.memory_space<vmem_shared>> -> memref<64x144xf32, #tpu.memory_space<vmem_shared>>
      %dma_start3A_148 = arith.constant 0 : i32
      %dma_start3A_149 = tpu.memref_slice %arg6[%add3A_24, %dma_start3A_148] : memref<10240x144xf32, #tpu.memory_space<vmem_shared>> -> memref<64x144xf32, #tpu.memory_space<vmem_shared>>
      tpu.enqueue_dma source(%arg14 : memref<64x144xf32, #tpu.memory_space<vmem>>) target(%dma_start3A_149 : memref<64x144xf32, #tpu.memory_space<vmem_shared>>) target_semaphore(%run_scoped3A : memref<!tpu.dma_semaphore, #tpu.memory_space<semaphore_mem>>)
      %dma_wait3A_150 = arith.constant 0 : i32
      %dma_wait3A_151 = tpu.memref_slice %arg6[%add3A_24, %dma_wait3A_150] : memref<10240x144xf32, #tpu.memory_space<vmem_shared>> -> memref<64x144xf32, #tpu.memory_space<vmem_shared>>
      %dma_wait3A_152 = arith.constant 0 : i32
      %dma_wait3A_153 = tpu.memref_slice %arg6[%add3A_24, %dma_wait3A_152] : memref<10240x144xf32, #tpu.memory_space<vmem_shared>> -> memref<64x144xf32, #tpu.memory_space<vmem_shared>>
      tpu.wait_dma2 semaphore(%run_scoped3A : memref<!tpu.dma_semaphore, #tpu.memory_space<semaphore_mem>>) src(%arg14 : memref<64x144xf32, #tpu.memory_space<vmem>>) dst(%dma_wait3A_153 : memref<64x144xf32, #tpu.memory_space<vmem_shared>>)
      tpu.yield
    }) : () -> ()
    %add3A_25 = arith.constant 512 : i32
    %add3A_26 = arith.addi %mul3A_2, %add3A_25 : i32
    "tpu.region"() ({
      %run_scoped3A = tpu.sem_alloc : memref<!tpu.dma_semaphore, #tpu.memory_space<semaphore_mem>>
      %dma_start3A_146 = arith.constant 0 : i32
      %dma_start3A_147 = tpu.memref_slice %arg6[%add3A_26, %dma_start3A_146] : memref<10240x144xf32, #tpu.memory_space<vmem_shared>> -> memref<64x144xf32, #tpu.memory_space<vmem_shared>>
      %dma_start3A_148 = arith.constant 0 : i32
      %dma_start3A_149 = tpu.memref_slice %arg6[%add3A_26, %dma_start3A_148] : memref<10240x144xf32, #tpu.memory_space<vmem_shared>> -> memref<64x144xf32, #tpu.memory_space<vmem_shared>>
      tpu.enqueue_dma source(%arg14 : memref<64x144xf32, #tpu.memory_space<vmem>>) target(%dma_start3A_149 : memref<64x144xf32, #tpu.memory_space<vmem_shared>>) target_semaphore(%run_scoped3A : memref<!tpu.dma_semaphore, #tpu.memory_space<semaphore_mem>>)
      %dma_wait3A_150 = arith.constant 0 : i32
      %dma_wait3A_151 = tpu.memref_slice %arg6[%add3A_26, %dma_wait3A_150] : memref<10240x144xf32, #tpu.memory_space<vmem_shared>> -> memref<64x144xf32, #tpu.memory_space<vmem_shared>>
      %dma_wait3A_152 = arith.constant 0 : i32
      %dma_wait3A_153 = tpu.memref_slice %arg6[%add3A_26, %dma_wait3A_152] : memref<10240x144xf32, #tpu.memory_space<vmem_shared>> -> memref<64x144xf32, #tpu.memory_space<vmem_shared>>
      tpu.wait_dma2 semaphore(%run_scoped3A : memref<!tpu.dma_semaphore, #tpu.memory_space<semaphore_mem>>) src(%arg14 : memref<64x144xf32, #tpu.memory_space<vmem>>) dst(%dma_wait3A_153 : memref<64x144xf32, #tpu.memory_space<vmem_shared>>)
      tpu.yield
    }) : () -> ()
    %add3A_27 = arith.constant 576 : i32
    %add3A_28 = arith.addi %mul3A_2, %add3A_27 : i32
    "tpu.region"() ({
      %run_scoped3A = tpu.sem_alloc : memref<!tpu.dma_semaphore, #tpu.memory_space<semaphore_mem>>
      %dma_start3A_146 = arith.constant 0 : i32
      %dma_start3A_147 = tpu.memref_slice %arg6[%add3A_28, %dma_start3A_146] : memref<10240x144xf32, #tpu.memory_space<vmem_shared>> -> memref<64x144xf32, #tpu.memory_space<vmem_shared>>
      %dma_start3A_148 = arith.constant 0 : i32
      %dma_start3A_149 = tpu.memref_slice %arg6[%add3A_28, %dma_start3A_148] : memref<10240x144xf32, #tpu.memory_space<vmem_shared>> -> memref<64x144xf32, #tpu.memory_space<vmem_shared>>
      tpu.enqueue_dma source(%arg14 : memref<64x144xf32, #tpu.memory_space<vmem>>) target(%dma_start3A_149 : memref<64x144xf32, #tpu.memory_space<vmem_shared>>) target_semaphore(%run_scoped3A : memref<!tpu.dma_semaphore, #tpu.memory_space<semaphore_mem>>)
      %dma_wait3A_150 = arith.constant 0 : i32
      %dma_wait3A_151 = tpu.memref_slice %arg6[%add3A_28, %dma_wait3A_150] : memref<10240x144xf32, #tpu.memory_space<vmem_shared>> -> memref<64x144xf32, #tpu.memory_space<vmem_shared>>
      %dma_wait3A_152 = arith.constant 0 : i32
      %dma_wait3A_153 = tpu.memref_slice %arg6[%add3A_28, %dma_wait3A_152] : memref<10240x144xf32, #tpu.memory_space<vmem_shared>> -> memref<64x144xf32, #tpu.memory_space<vmem_shared>>
      tpu.wait_dma2 semaphore(%run_scoped3A : memref<!tpu.dma_semaphore, #tpu.memory_space<semaphore_mem>>) src(%arg14 : memref<64x144xf32, #tpu.memory_space<vmem>>) dst(%dma_wait3A_153 : memref<64x144xf32, #tpu.memory_space<vmem_shared>>)
      tpu.yield
    }) : () -> ()
    %barrier3A = arith.constant 0 : index
    tpu.barrier barrier_id(%barrier3A)
    %dma_start3A = arith.constant 0 : i32
    %dma_start3A_29 = arith.constant 0 : i32
    %dma_start3A_30 = arith.constant 0 : i32
    %dma_start3A_31 = tpu.memref_slice %arg2[%add3A, %dma_start3A, %dma_start3A_29, %dma_start3A_30] : memref<32x158x3x64xi32, #tpu.memory_space<hbm>> -> memref<1x1x3x64xi32, #tpu.memory_space<hbm>>
    %dma_start3A_32 = tpu.memref_squeeze %dma_start3A_31 : memref<1x1x3x64xi32, #tpu.memory_space<hbm>> -> memref<3x64xi32, #tpu.memory_space<hbm>>
    %dma_start3A_33 = arith.constant 0 : i32
    %dma_start3A_34 = arith.constant 0 : i32
    %dma_start3A_35 = tpu.memref_slice %arg2[%add3A, %dma_start3A, %dma_start3A_33, %dma_start3A_34] : memref<32x158x3x64xi32, #tpu.memory_space<hbm>> -> memref<1x1x3x64xi32, #tpu.memory_space<hbm>>
    %dma_start3A_36 = tpu.memref_squeeze %dma_start3A_35 : memref<1x1x3x64xi32, #tpu.memory_space<hbm>> -> memref<3x64xi32, #tpu.memory_space<hbm>>
    tpu.enqueue_dma source(%dma_start3A_36 : memref<3x64xi32, #tpu.memory_space<hbm>>) target(%arg7 : memref<3x64xi32, #tpu.memory_space<vmem>>) target_semaphore(%arg25 : memref<!tpu.dma_semaphore, #tpu.memory_space<semaphore_mem>>)
    %dma_start3A_37 = arith.constant 1 : i32
    %dma_start3A_38 = arith.constant 0 : i32
    %dma_start3A_39 = arith.constant 0 : i32
    %dma_start3A_40 = tpu.memref_slice %arg2[%add3A, %dma_start3A_37, %dma_start3A_38, %dma_start3A_39] : memref<32x158x3x64xi32, #tpu.memory_space<hbm>> -> memref<1x1x3x64xi32, #tpu.memory_space<hbm>>
    %dma_start3A_41 = tpu.memref_squeeze %dma_start3A_40 : memref<1x1x3x64xi32, #tpu.memory_space<hbm>> -> memref<3x64xi32, #tpu.memory_space<hbm>>
    %dma_start3A_42 = arith.constant 0 : i32
    %dma_start3A_43 = arith.constant 0 : i32
    %dma_start3A_44 = tpu.memref_slice %arg2[%add3A, %dma_start3A_37, %dma_start3A_42, %dma_start3A_43] : memref<32x158x3x64xi32, #tpu.memory_space<hbm>> -> memref<1x1x3x64xi32, #tpu.memory_space<hbm>>
    %dma_start3A_45 = tpu.memref_squeeze %dma_start3A_44 : memref<1x1x3x64xi32, #tpu.memory_space<hbm>> -> memref<3x64xi32, #tpu.memory_space<hbm>>
    tpu.enqueue_dma source(%dma_start3A_45 : memref<3x64xi32, #tpu.memory_space<hbm>>) target(%arg8 : memref<3x64xi32, #tpu.memory_space<vmem>>) target_semaphore(%arg26 : memref<!tpu.dma_semaphore, #tpu.memory_space<semaphore_mem>>)
    %dma_start3A_46 = arith.constant 2 : i32
    %dma_start3A_47 = arith.constant 0 : i32
    %dma_start3A_48 = arith.constant 0 : i32
    %dma_start3A_49 = tpu.memref_slice %arg2[%add3A, %dma_start3A_46, %dma_start3A_47, %dma_start3A_48] : memref<32x158x3x64xi32, #tpu.memory_space<hbm>> -> memref<1x1x3x64xi32, #tpu.memory_space<hbm>>
    %dma_start3A_50 = tpu.memref_squeeze %dma_start3A_49 : memref<1x1x3x64xi32, #tpu.memory_space<hbm>> -> memref<3x64xi32, #tpu.memory_space<hbm>>
    %dma_start3A_51 = arith.constant 0 : i32
    %dma_start3A_52 = arith.constant 0 : i32
    %dma_start3A_53 = tpu.memref_slice %arg2[%add3A, %dma_start3A_46, %dma_start3A_51, %dma_start3A_52] : memref<32x158x3x64xi32, #tpu.memory_space<hbm>> -> memref<1x1x3x64xi32, #tpu.memory_space<hbm>>
    %dma_start3A_54 = tpu.memref_squeeze %dma_start3A_53 : memref<1x1x3x64xi32, #tpu.memory_space<hbm>> -> memref<3x64xi32, #tpu.memory_space<hbm>>
    tpu.enqueue_dma source(%dma_start3A_54 : memref<3x64xi32, #tpu.memory_space<hbm>>) target(%arg9 : memref<3x64xi32, #tpu.memory_space<vmem>>) target_semaphore(%arg27 : memref<!tpu.dma_semaphore, #tpu.memory_space<semaphore_mem>>)
    %dma_start3A_55 = arith.constant 3 : i32
    %dma_start3A_56 = arith.constant 0 : i32
    %dma_start3A_57 = arith.constant 0 : i32
    %dma_start3A_58 = tpu.memref_slice %arg2[%add3A, %dma_start3A_55, %dma_start3A_56, %dma_start3A_57] : memref<32x158x3x64xi32, #tpu.memory_space<hbm>> -> memref<1x1x3x64xi32, #tpu.memory_space<hbm>>
    %dma_start3A_59 = tpu.memref_squeeze %dma_start3A_58 : memref<1x1x3x64xi32, #tpu.memory_space<hbm>> -> memref<3x64xi32, #tpu.memory_space<hbm>>
    %dma_start3A_60 = arith.constant 0 : i32
    %dma_start3A_61 = arith.constant 0 : i32
    %dma_start3A_62 = tpu.memref_slice %arg2[%add3A, %dma_start3A_55, %dma_start3A_60, %dma_start3A_61] : memref<32x158x3x64xi32, #tpu.memory_space<hbm>> -> memref<1x1x3x64xi32, #tpu.memory_space<hbm>>
    %dma_start3A_63 = tpu.memref_squeeze %dma_start3A_62 : memref<1x1x3x64xi32, #tpu.memory_space<hbm>> -> memref<3x64xi32, #tpu.memory_space<hbm>>
    tpu.enqueue_dma source(%dma_start3A_63 : memref<3x64xi32, #tpu.memory_space<hbm>>) target(%arg10 : memref<3x64xi32, #tpu.memory_space<vmem>>) target_semaphore(%arg28 : memref<!tpu.dma_semaphore, #tpu.memory_space<semaphore_mem>>)
    %dma_start3A_64 = arith.constant 4 : i32
    %dma_start3A_65 = arith.constant 0 : i32
    %dma_start3A_66 = arith.constant 0 : i32
    %dma_start3A_67 = tpu.memref_slice %arg2[%add3A, %dma_start3A_64, %dma_start3A_65, %dma_start3A_66] : memref<32x158x3x64xi32, #tpu.memory_space<hbm>> -> memref<1x1x3x64xi32, #tpu.memory_space<hbm>>
    %dma_start3A_68 = tpu.memref_squeeze %dma_start3A_67 : memref<1x1x3x64xi32, #tpu.memory_space<hbm>> -> memref<3x64xi32, #tpu.memory_space<hbm>>
    %dma_start3A_69 = arith.constant 0 : i32
    %dma_start3A_70 = arith.constant 0 : i32
    %dma_start3A_71 = tpu.memref_slice %arg2[%add3A, %dma_start3A_64, %dma_start3A_69, %dma_start3A_70] : memref<32x158x3x64xi32, #tpu.memory_space<hbm>> -> memref<1x1x3x64xi32, #tpu.memory_space<hbm>>
    %dma_start3A_72 = tpu.memref_squeeze %dma_start3A_71 : memref<1x1x3x64xi32, #tpu.memory_space<hbm>> -> memref<3x64xi32, #tpu.memory_space<hbm>>
    tpu.enqueue_dma source(%dma_start3A_72 : memref<3x64xi32, #tpu.memory_space<hbm>>) target(%arg11 : memref<3x64xi32, #tpu.memory_space<vmem>>) target_semaphore(%arg29 : memref<!tpu.dma_semaphore, #tpu.memory_space<semaphore_mem>>)
    %dma_wait3A = arith.constant 0 : i32
    %dma_wait3A_73 = arith.constant 0 : i32
    %dma_wait3A_74 = arith.constant 0 : i32
    %dma_wait3A_75 = tpu.memref_slice %arg2[%add3A, %dma_wait3A, %dma_wait3A_73, %dma_wait3A_74] : memref<32x158x3x64xi32, #tpu.memory_space<hbm>> -> memref<1x1x3x64xi32, #tpu.memory_space<hbm>>
    %dma_wait3A_76 = tpu.memref_squeeze %dma_wait3A_75 : memref<1x1x3x64xi32, #tpu.memory_space<hbm>> -> memref<3x64xi32, #tpu.memory_space<hbm>>
    %dma_wait3A_77 = arith.constant 0 : i32
    %dma_wait3A_78 = arith.constant 0 : i32
    %dma_wait3A_79 = tpu.memref_slice %arg2[%add3A, %dma_wait3A, %dma_wait3A_77, %dma_wait3A_78] : memref<32x158x3x64xi32, #tpu.memory_space<hbm>> -> memref<1x1x3x64xi32, #tpu.memory_space<hbm>>
    %dma_wait3A_80 = tpu.memref_squeeze %dma_wait3A_79 : memref<1x1x3x64xi32, #tpu.memory_space<hbm>> -> memref<3x64xi32, #tpu.memory_space<hbm>>
    tpu.wait_dma2 semaphore(%arg25 : memref<!tpu.dma_semaphore, #tpu.memory_space<semaphore_mem>>) src(%dma_wait3A_80 : memref<3x64xi32, #tpu.memory_space<hbm>>) dst(%arg7 : memref<3x64xi32, #tpu.memory_space<vmem>>)
    %dma_start3A_81 = arith.constant 0 : i32
    %dma_start3A_82 = arith.constant 0 : i32
    %dma_start3A_83 = tpu.memref_slice %arg7[%dma_start3A_81, %dma_start3A_82] : memref<3x64xi32, #tpu.memory_space<vmem>> -> memref<1x64xi32, #tpu.memory_space<vmem>>
    %dma_start3A_84 = tpu.memref_squeeze %dma_start3A_83 : memref<1x64xi32, #tpu.memory_space<vmem>> -> memref<64xi32, #tpu.memory_space<vmem>>
    %dma_start3A_85 = arith.constant 0 : i32
    %dma_start3A_86 = arith.constant 0 : i32
    %dma_start3A_87 = tpu.memref_slice %arg3[%dma_start3A_85, %dma_start3A_86] : memref<80000x16xf32, #tpu.memory_space<hbm>> -> memref<80000x16xf32, #tpu.memory_space<hbm>>
    tpu.enqueue_indirect_dma source(%dma_start3A_87 : memref<80000x16xf32, #tpu.memory_space<hbm>>) target(%arg13 : memref<64x16xf32, #tpu.memory_space<vmem>>) offsets(%dma_start3A_84 : memref<64xi32, #tpu.memory_space<vmem>>) semaphore(%arg19 : memref<!tpu.dma_semaphore, #tpu.memory_space<semaphore_mem>>)
    %dma_start3A_88 = arith.constant 1 : i32
    %dma_start3A_89 = arith.constant 0 : i32
    %dma_start3A_90 = tpu.memref_slice %arg7[%dma_start3A_88, %dma_start3A_89] : memref<3x64xi32, #tpu.memory_space<vmem>> -> memref<1x64xi32, #tpu.memory_space<vmem>>
    %dma_start3A_91 = tpu.memref_squeeze %dma_start3A_90 : memref<1x64xi32, #tpu.memory_space<vmem>> -> memref<64xi32, #tpu.memory_space<vmem>>
    %dma_start3A_92 = arith.constant 0 : i32
    %dma_start3A_93 = arith.constant 0 : i32
    %dma_start3A_94 = tpu.memref_slice %arg4[%dma_start3A_92, %dma_start3A_93] : memref<80000x144xf32, #tpu.memory_space<hbm>> -> memref<80000x144xf32, #tpu.memory_space<hbm>>
    tpu.enqueue_indirect_dma source(%dma_start3A_94 : memref<80000x144xf32, #tpu.memory_space<hbm>>) target(%arg14 : memref<64x144xf32, #tpu.memory_space<vmem>>) offsets(%dma_start3A_91 : memref<64xi32, #tpu.memory_space<vmem>>) semaphore(%arg19 : memref<!tpu.dma_semaphore, #tpu.memory_space<semaphore_mem>>)
    %dma_wait3A_95 = arith.constant 0 : i32
    %dma_wait3A_96 = arith.constant 0 : i32
    %dma_wait3A_97 = arith.constant 0 : i32
    %dma_wait3A_98 = tpu.memref_slice %arg2[%add3A, %dma_wait3A_95, %dma_wait3A_96, %dma_wait3A_97] : memref<32x158x3x64xi32, #tpu.memory_space<hbm>> -> memref<1x1x3x64xi32, #tpu.memory_space<hbm>>
    %dma_wait3A_99 = tpu.memref_squeeze %dma_wait3A_98 : memref<1x1x3x64xi32, #tpu.memory_space<hbm>> -> memref<3x64xi32, #tpu.memory_space<hbm>>
    %dma_wait3A_100 = arith.constant 0 : i32
    %dma_wait3A_101 = arith.constant 0 : i32
    %dma_wait3A_102 = tpu.memref_slice %arg2[%add3A, %dma_wait3A_95, %dma_wait3A_100, %dma_wait3A_101] : memref<32x158x3x64xi32, #tpu.memory_space<hbm>> -> memref<1x1x3x64xi32, #tpu.memory_space<hbm>>
    %dma_wait3A_103 = tpu.memref_squeeze %dma_wait3A_102 : memref<1x1x3x64xi32, #tpu.memory_space<hbm>> -> memref<3x64xi32, #tpu.memory_space<hbm>>
    tpu.wait_dma2 semaphore(%arg26 : memref<!tpu.dma_semaphore, #tpu.memory_space<semaphore_mem>>) src(%dma_wait3A_103 : memref<3x64xi32, #tpu.memory_space<hbm>>) dst(%arg8 : memref<3x64xi32, #tpu.memory_space<vmem>>)
    %dma_start3A_104 = arith.constant 0 : i32
    %dma_start3A_105 = arith.constant 0 : i32
    %dma_start3A_106 = tpu.memref_slice %arg8[%dma_start3A_104, %dma_start3A_105] : memref<3x64xi32, #tpu.memory_space<vmem>> -> memref<1x64xi32, #tpu.memory_space<vmem>>
    %dma_start3A_107 = tpu.memref_squeeze %dma_start3A_106 : memref<1x64xi32, #tpu.memory_space<vmem>> -> memref<64xi32, #tpu.memory_space<vmem>>
    %dma_start3A_108 = arith.constant 0 : i32
    %dma_start3A_109 = arith.constant 0 : i32
    %dma_start3A_110 = tpu.memref_slice %arg3[%dma_start3A_108, %dma_start3A_109] : memref<80000x16xf32, #tpu.memory_space<hbm>> -> memref<80000x16xf32, #tpu.memory_space<hbm>>
    tpu.enqueue_indirect_dma source(%dma_start3A_110 : memref<80000x16xf32, #tpu.memory_space<hbm>>) target(%arg15 : memref<64x16xf32, #tpu.memory_space<vmem>>) offsets(%dma_start3A_107 : memref<64xi32, #tpu.memory_space<vmem>>) semaphore(%arg20 : memref<!tpu.dma_semaphore, #tpu.memory_space<semaphore_mem>>)
    %dma_start3A_111 = arith.constant 1 : i32
    %dma_start3A_112 = arith.constant 0 : i32
    %dma_start3A_113 = tpu.memref_slice %arg8[%dma_start3A_111, %dma_start3A_112] : memref<3x64xi32, #tpu.memory_space<vmem>> -> memref<1x64xi32, #tpu.memory_space<vmem>>
    %dma_start3A_114 = tpu.memref_squeeze %dma_start3A_113 : memref<1x64xi32, #tpu.memory_space<vmem>> -> memref<64xi32, #tpu.memory_space<vmem>>
    %dma_start3A_115 = arith.constant 0 : i32
    %dma_start3A_116 = arith.constant 0 : i32
    %dma_start3A_117 = tpu.memref_slice %arg4[%dma_start3A_115, %dma_start3A_116] : memref<80000x144xf32, #tpu.memory_space<hbm>> -> memref<80000x144xf32, #tpu.memory_space<hbm>>
    tpu.enqueue_indirect_dma source(%dma_start3A_117 : memref<80000x144xf32, #tpu.memory_space<hbm>>) target(%arg16 : memref<64x144xf32, #tpu.memory_space<vmem>>) offsets(%dma_start3A_114 : memref<64xi32, #tpu.memory_space<vmem>>) semaphore(%arg20 : memref<!tpu.dma_semaphore, #tpu.memory_space<semaphore_mem>>)
    %scan3A_118 = arith.constant 0 : i32
    %scan3A_119 = arith.constant 0 : i32
    %scan3A_120 = arith.constant 27 : i32
    %scan3A_121 = arith.addi %scan3A_119, %scan3A_120 : i32
    %scan3A_122 = arith.constant 1 : i32
    scf.for %scan3A_146 = %scan3A_119 to %scan3A_121 step %scan3A_122  : i32 {
      %mul3A_147 = arith.constant 6 : i32
      %mul3A_148 = arith.muli %scan3A_146, %mul3A_147 : i32
      %add3A_149 = arith.constant 0 : i32
      %add3A_150 = arith.addi %mul3A_148, %add3A_149 : i32
      %lt3A = arith.constant 158 : i32
      %lt3A_151 = arith.cmpi slt, %add3A_150, %lt3A : i32
      %convert_element_type3A = arith.extui %lt3A_151 : i1 to i32
      %cond3A = arith.constant 0 : i32
      %cond3A_152 = arith.cmpi ne, %convert_element_type3A, %cond3A : i32
      scf.if %cond3A_152 {
        %dma_wait3A_188 = arith.constant 0 : i32
        %dma_wait3A_189 = arith.constant 0 : i32
        %dma_wait3A_190 = tpu.memref_slice %arg7[%dma_wait3A_188, %dma_wait3A_189] : memref<3x64xi32, #tpu.memory_space<vmem>> -> memref<1x64xi32, #tpu.memory_space<vmem>>
        %dma_wait3A_191 = tpu.memref_squeeze %dma_wait3A_190 : memref<1x64xi32, #tpu.memory_space<vmem>> -> memref<64xi32, #tpu.memory_space<vmem>>
        %dma_wait3A_192 = arith.constant 0 : i32
        %dma_wait3A_193 = arith.constant 0 : i32
        %dma_wait3A_194 = tpu.memref_slice %arg3[%dma_wait3A_192, %dma_wait3A_193] : memref<80000x16xf32, #tpu.memory_space<hbm>> -> memref<80000x16xf32, #tpu.memory_space<hbm>>
        tpu.wait_indirect_dma semaphore(%arg19 : memref<!tpu.dma_semaphore, #tpu.memory_space<semaphore_mem>>) src(%dma_wait3A_194 : memref<80000x16xf32, #tpu.memory_space<hbm>>) dst(%arg13 : memref<64x16xf32, #tpu.memory_space<vmem>>)
        %dma_wait3A_195 = arith.constant 1 : i32
        %dma_wait3A_196 = arith.constant 0 : i32
        %dma_wait3A_197 = tpu.memref_slice %arg7[%dma_wait3A_195, %dma_wait3A_196] : memref<3x64xi32, #tpu.memory_space<vmem>> -> memref<1x64xi32, #tpu.memory_space<vmem>>
        %dma_wait3A_198 = tpu.memref_squeeze %dma_wait3A_197 : memref<1x64xi32, #tpu.memory_space<vmem>> -> memref<64xi32, #tpu.memory_space<vmem>>
        %dma_wait3A_199 = arith.constant 0 : i32
        %dma_wait3A_200 = arith.constant 0 : i32
        %dma_wait3A_201 = tpu.memref_slice %arg4[%dma_wait3A_199, %dma_wait3A_200] : memref<80000x144xf32, #tpu.memory_space<hbm>> -> memref<80000x144xf32, #tpu.memory_space<hbm>>
        tpu.wait_indirect_dma semaphore(%arg19 : memref<!tpu.dma_semaphore, #tpu.memory_space<semaphore_mem>>) src(%dma_wait3A_201 : memref<80000x144xf32, #tpu.memory_space<hbm>>) dst(%arg14 : memref<64x144xf32, #tpu.memory_space<vmem>>)
        %mul3A_202 = arith.constant 10112 : i32
        %mul3A_203 = arith.muli %add3A, %mul3A_202 : i32
        %mul3A_204 = arith.constant 64 : i32
        %mul3A_205 = arith.muli %add3A_150, %mul3A_204 : i32
        %add3A_206 = arith.addi %mul3A_203, %mul3A_205 : i32
        %sub3A = arith.constant 320000 : i32
        %sub3A_207 = arith.subi %sub3A, %add3A_206 : i32
        %ge3A = arith.constant 64 : i32
        %ge3A_208 = arith.cmpi sge, %sub3A_207, %ge3A : i32
        %convert_element_type3A_209 = arith.extui %ge3A_208 : i1 to i32
        %cond3A_210 = arith.constant 0 : i32
        %cond3A_211 = arith.cmpi ne, %convert_element_type3A_209, %cond3A_210 : i32
        scf.if %cond3A_211 {
          %scan3A_238 = arith.constant 0 : i32
          %scan3A_239 = arith.constant 0 : i32
          %scan3A_240 = arith.constant 64 : i32
          %scan3A_241 = arith.addi %scan3A_239, %scan3A_240 : i32
          %scan3A_242 = arith.constant 1 : i32
          scf.for %scan3A_244 = %scan3A_239 to %scan3A_241 step %scan3A_242  : i32 {
            %get3A = arith.index_cast %scan3A_244 : i32 to index
            %get3A_245 = arith.constant 0 : index
            %get3A_246 = tpu.vector_load %arg13[%get3A, %get3A_245] {strides = array<i32>} : memref<64x16xf32, #tpu.memory_space<vmem>>, vector<1x16xf32>,
            %get3A_247 = vector.shape_cast %get3A_246 : vector<1x16xf32> to vector<16xf32>
            %get3A_248 = arith.index_cast %scan3A_244 : i32 to index
            %get3A_249 = arith.constant 128 : index
            %get3A_250 = tpu.vector_load %arg14[%get3A_248, %get3A_249] {strides = array<i32>} : memref<64x144xf32, #tpu.memory_space<vmem>>, vector<1x16xf32>,
            %get3A_251 = vector.shape_cast %get3A_250 : vector<1x16xf32> to vector<16xf32>
            %add3A_252 = arith.addf %get3A_247, %get3A_251 : vector<16xf32>
            %mul3A_253 = arith.constant 2.000000e-01 : f32
            %mul3A_254 = vector.broadcast %mul3A_253 : f32 to vector<16xf32>
            %mul3A_255 = arith.mulf %add3A_252, %mul3A_254 : vector<16xf32>
            %max3A = arith.maximumf %add3A_252, %mul3A_255 : vector<16xf32>
            %exp3A = math.exp %max3A : vector<16xf32>
            %swap3A = arith.index_cast %scan3A_244 : i32 to index
            %swap3A_256 = arith.constant 128 : index
            %swap3A_257 = tpu.vector_load %arg14[%swap3A, %swap3A_256] {strides = array<i32>} : memref<64x144xf32, #tpu.memory_space<vmem>>, vector<1x16xf32>,
            %swap3A_258 = vector.shape_cast %swap3A_257 : vector<1x16xf32> to vector<16xf32>
            %swap3A_259 = vector.shape_cast %exp3A : vector<16xf32> to vector<1x16xf32>
            tpu.vector_store %arg14[%swap3A, %swap3A_256], %swap3A_259 {strides = array<i32>} : memref<64x144xf32, #tpu.memory_space<vmem>>, vector<1x16xf32>,
            %get3A_260 = arith.index_cast %scan3A_244 : i32 to index
            %get3A_261 = arith.constant 0 : index
            %get3A_262 = tpu.vector_load %arg14[%get3A_260, %get3A_261] {strides = array<i32>} : memref<64x144xf32, #tpu.memory_space<vmem>>, vector<1x16xf32>,
            %get3A_263 = vector.shape_cast %get3A_262 : vector<1x16xf32> to vector<16xf32>
            %mul3A_264 = arith.mulf %get3A_263, %exp3A : vector<16xf32>
            %swap3A_265 = arith.index_cast %scan3A_244 : i32 to index
            %swap3A_266 = arith.constant 0 : index
            %swap3A_267 = tpu.vector_load %arg14[%swap3A_265, %swap3A_266] {strides = array<i32>} : memref<64x144xf32, #tpu.memory_space<vmem>>, vector<1x16xf32>,
            %swap3A_268 = vector.shape_cast %swap3A_267 : vector<1x16xf32> to vector<16xf32>
            %swap3A_269 = vector.shape_cast %mul3A_264 : vector<16xf32> to vector<1x16xf32>
            tpu.vector_store %arg14[%swap3A_265, %swap3A_266], %swap3A_269 {strides = array<i32>} : memref<64x144xf32, #tpu.memory_space<vmem>>, vector<1x16xf32>,
            %get3A_270 = arith.index_cast %scan3A_244 : i32 to index
            %get3A_271 = arith.constant 16 : index
            %get3A_272 = tpu.vector_load %arg14[%get3A_270, %get3A_271] {strides = array<i32>} : memref<64x144xf32, #tpu.memory_space<vmem>>, vector<1x16xf32>,
            %get3A_273 = vector.shape_cast %get3A_272 : vector<1x16xf32> to vector<16xf32>
            %mul3A_274 = arith.mulf %get3A_273, %exp3A : vector<16xf32>
            %swap3A_275 = arith.index_cast %scan3A_244 : i32 to index
            %swap3A_276 = arith.constant 16 : index
            %swap3A_277 = tpu.vector_load %arg14[%swap3A_275, %swap3A_276] {strides = array<i32>} : memref<64x144xf32, #tpu.memory_space<vmem>>, vector<1x16xf32>,
            %swap3A_278 = vector.shape_cast %swap3A_277 : vector<1x16xf32> to vector<16xf32>
            %swap3A_279 = vector.shape_cast %mul3A_274 : vector<16xf32> to vector<1x16xf32>
            tpu.vector_store %arg14[%swap3A_275, %swap3A_276], %swap3A_279 {strides = array<i32>} : memref<64x144xf32, #tpu.memory_space<vmem>>, vector<1x16xf32>,
            %get3A_280 = arith.index_cast %scan3A_244 : i32 to index
            %get3A_281 = arith.constant 32 : index
            %get3A_282 = tpu.vector_load %arg14[%get3A_280, %get3A_281] {strides = array<i32>} : memref<64x144xf32, #tpu.memory_space<vmem>>, vector<1x16xf32>,
            %get3A_283 = vector.shape_cast %get3A_282 : vector<1x16xf32> to vector<16xf32>
            %mul3A_284 = arith.mulf %get3A_283, %exp3A : vector<16xf32>
            %swap3A_285 = arith.index_cast %scan3A_244 : i32 to index
            %swap3A_286 = arith.constant 32 : index
            %swap3A_287 = tpu.vector_load %arg14[%swap3A_285, %swap3A_286] {strides = array<i32>} : memref<64x144xf32, #tpu.memory_space<vmem>>, vector<1x16xf32>,
            %swap3A_288 = vector.shape_cast %swap3A_287 : vector<1x16xf32> to vector<16xf32>
            %swap3A_289 = vector.shape_cast %mul3A_284 : vector<16xf32> to vector<1x16xf32>
            tpu.vector_store %arg14[%swap3A_285, %swap3A_286], %swap3A_289 {strides = array<i32>} : memref<64x144xf32, #tpu.memory_space<vmem>>, vector<1x16xf32>,
            %get3A_290 = arith.index_cast %scan3A_244 : i32 to index
            %get3A_291 = arith.constant 48 : index
            %get3A_292 = tpu.vector_load %arg14[%get3A_290, %get3A_291] {strides = array<i32>} : memref<64x144xf32, #tpu.memory_space<vmem>>, vector<1x16xf32>,
            %get3A_293 = vector.shape_cast %get3A_292 : vector<1x16xf32> to vector<16xf32>
            %mul3A_294 = arith.mulf %get3A_293, %exp3A : vector<16xf32>
            %swap3A_295 = arith.index_cast %scan3A_244 : i32 to index
            %swap3A_296 = arith.constant 48 : index
            %swap3A_297 = tpu.vector_load %arg14[%swap3A_295, %swap3A_296] {strides = array<i32>} : memref<64x144xf32, #tpu.memory_space<vmem>>, vector<1x16xf32>,
            %swap3A_298 = vector.shape_cast %swap3A_297 : vector<1x16xf32> to vector<16xf32>
            %swap3A_299 = vector.shape_cast %mul3A_294 : vector<16xf32> to vector<1x16xf32>
            tpu.vector_store %arg14[%swap3A_295, %swap3A_296], %swap3A_299 {strides = array<i32>} : memref<64x144xf32, #tpu.memory_space<vmem>>, vector<1x16xf32>,
            %get3A_300 = arith.index_cast %scan3A_244 : i32 to index
            %get3A_301 = arith.constant 64 : index
            %get3A_302 = tpu.vector_load %arg14[%get3A_300, %get3A_301] {strides = array<i32>} : memref<64x144xf32, #tpu.memory_space<vmem>>, vector<1x16xf32>,
            %get3A_303 = vector.shape_cast %get3A_302 : vector<1x16xf32> to vector<16xf32>
            %mul3A_304 = arith.mulf %get3A_303, %exp3A : vector<16xf32>
            %swap3A_305 = arith.index_cast %scan3A_244 : i32 to index
            %swap3A_306 = arith.constant 64 : index
            %swap3A_307 = tpu.vector_load %arg14[%swap3A_305, %swap3A_306] {strides = array<i32>} : memref<64x144xf32, #tpu.memory_space<vmem>>, vector<1x16xf32>,
            %swap3A_308 = vector.shape_cast %swap3A_307 : vector<1x16xf32> to vector<16xf32>
            %swap3A_309 = vector.shape_cast %mul3A_304 : vector<16xf32> to vector<1x16xf32>
            tpu.vector_store %arg14[%swap3A_305, %swap3A_306], %swap3A_309 {strides = array<i32>} : memref<64x144xf32, #tpu.memory_space<vmem>>, vector<1x16xf32>,
            %get3A_310 = arith.index_cast %scan3A_244 : i32 to index
            %get3A_311 = arith.constant 80 : index
            %get3A_312 = tpu.vector_load %arg14[%get3A_310, %get3A_311] {strides = array<i32>} : memref<64x144xf32, #tpu.memory_space<vmem>>, vector<1x16xf32>,
            %get3A_313 = vector.shape_cast %get3A_312 : vector<1x16xf32> to vector<16xf32>
            %mul3A_314 = arith.mulf %get3A_313, %exp3A : vector<16xf32>
            %swap3A_315 = arith.index_cast %scan3A_244 : i32 to index
            %swap3A_316 = arith.constant 80 : index
            %swap3A_317 = tpu.vector_load %arg14[%swap3A_315, %swap3A_316] {strides = array<i32>} : memref<64x144xf32, #tpu.memory_space<vmem>>, vector<1x16xf32>,
            %swap3A_318 = vector.shape_cast %swap3A_317 : vector<1x16xf32> to vector<16xf32>
            %swap3A_319 = vector.shape_cast %mul3A_314 : vector<16xf32> to vector<1x16xf32>
            tpu.vector_store %arg14[%swap3A_315, %swap3A_316], %swap3A_319 {strides = array<i32>} : memref<64x144xf32, #tpu.memory_space<vmem>>, vector<1x16xf32>,
            %get3A_320 = arith.index_cast %scan3A_244 : i32 to index
            %get3A_321 = arith.constant 96 : index
            %get3A_322 = tpu.vector_load %arg14[%get3A_320, %get3A_321] {strides = array<i32>} : memref<64x144xf32, #tpu.memory_space<vmem>>, vector<1x16xf32>,
            %get3A_323 = vector.shape_cast %get3A_322 : vector<1x16xf32> to vector<16xf32>
            %mul3A_324 = arith.mulf %get3A_323, %exp3A : vector<16xf32>
            %swap3A_325 = arith.index_cast %scan3A_244 : i32 to index
            %swap3A_326 = arith.constant 96 : index
            %swap3A_327 = tpu.vector_load %arg14[%swap3A_325, %swap3A_326] {strides = array<i32>} : memref<64x144xf32, #tpu.memory_space<vmem>>, vector<1x16xf32>,
            %swap3A_328 = vector.shape_cast %swap3A_327 : vector<1x16xf32> to vector<16xf32>
            %swap3A_329 = vector.shape_cast %mul3A_324 : vector<16xf32> to vector<1x16xf32>
            tpu.vector_store %arg14[%swap3A_325, %swap3A_326], %swap3A_329 {strides = array<i32>} : memref<64x144xf32, #tpu.memory_space<vmem>>, vector<1x16xf32>,
            %get3A_330 = arith.index_cast %scan3A_244 : i32 to index
            %get3A_331 = arith.constant 112 : index
            %get3A_332 = tpu.vector_load %arg14[%get3A_330, %get3A_331] {strides = array<i32>} : memref<64x144xf32, #tpu.memory_space<vmem>>, vector<1x16xf32>,
            %get3A_333 = vector.shape_cast %get3A_332 : vector<1x16xf32> to vector<16xf32>
            %mul3A_334 = arith.mulf %get3A_333, %exp3A : vector<16xf32>
            %swap3A_335 = arith.index_cast %scan3A_244 : i32 to index
            %swap3A_336 = arith.constant 112 : index
            %swap3A_337 = tpu.vector_load %arg14[%swap3A_335, %swap3A_336] {strides = array<i32>} : memref<64x144xf32, #tpu.memory_space<vmem>>, vector<1x16xf32>,
            %swap3A_338 = vector.shape_cast %swap3A_337 : vector<1x16xf32> to vector<16xf32>
            %swap3A_339 = vector.shape_cast %mul3A_334 : vector<16xf32> to vector<1x16xf32>
            tpu.vector_store %arg14[%swap3A_335, %swap3A_336], %swap3A_339 {strides = array<i32>} : memref<64x144xf32, #tpu.memory_space<vmem>>, vector<1x16xf32>,
          }
          %scan3A_243 = arith.constant 64 : i32
        } else {
        }
        %lt3A_212 = arith.constant 64 : i32
        %lt3A_213 = arith.cmpi slt, %sub3A_207, %lt3A_212 : i32
        %convert_element_type3A_214 = arith.extui %lt3A_213 : i1 to i32
        %cond3A_215 = arith.constant 0 : i32
        %cond3A_216 = arith.cmpi ne, %convert_element_type3A_214, %cond3A_215 : i32
        scf.if %cond3A_216 {
          %scan3A_238 = arith.constant 0 : i32
          %scan3A_239 = arith.constant 0 : i32
          %scan3A_240 = arith.constant 64 : i32
          %scan3A_241 = arith.addi %scan3A_239, %scan3A_240 : i32
          %scan3A_242 = arith.constant 1 : i32
          scf.for %scan3A_244 = %scan3A_239 to %scan3A_241 step %scan3A_242  : i32 {
            %get3A = arith.index_cast %scan3A_244 : i32 to index
            %get3A_245 = arith.constant 0 : index
            %get3A_246 = tpu.vector_load %arg13[%get3A, %get3A_245] {strides = array<i32>} : memref<64x16xf32, #tpu.memory_space<vmem>>, vector<1x16xf32>,
            %get3A_247 = vector.shape_cast %get3A_246 : vector<1x16xf32> to vector<16xf32>
            %get3A_248 = arith.index_cast %scan3A_244 : i32 to index
            %get3A_249 = arith.constant 128 : index
            %get3A_250 = tpu.vector_load %arg14[%get3A_248, %get3A_249] {strides = array<i32>} : memref<64x144xf32, #tpu.memory_space<vmem>>, vector<1x16xf32>,
            %get3A_251 = vector.shape_cast %get3A_250 : vector<1x16xf32> to vector<16xf32>
            %add3A_252 = arith.addf %get3A_247, %get3A_251 : vector<16xf32>
            %lt3A_253 = arith.cmpi slt, %scan3A_244, %sub3A_207 : i32
            %convert_element_type3A_254 = arith.extui %lt3A_253 : i1 to i32
            %convert_element_type3A_255 = arith.sitofp %convert_element_type3A_254 : i32 to f32
            %mul3A_256 = arith.constant 2.000000e-01 : f32
            %mul3A_257 = vector.broadcast %mul3A_256 : f32 to vector<16xf32>
            %mul3A_258 = arith.mulf %add3A_252, %mul3A_257 : vector<16xf32>
            %max3A = arith.maximumf %add3A_252, %mul3A_258 : vector<16xf32>
            %exp3A = math.exp %max3A : vector<16xf32>
            %mul3A_259 = vector.broadcast %convert_element_type3A_255 : f32 to vector<16xf32>
            %mul3A_260 = arith.mulf %exp3A, %mul3A_259 : vector<16xf32>
            %swap3A = arith.index_cast %scan3A_244 : i32 to index
            %swap3A_261 = arith.constant 128 : index
            %swap3A_262 = tpu.vector_load %arg14[%swap3A, %swap3A_261] {strides = array<i32>} : memref<64x144xf32, #tpu.memory_space<vmem>>, vector<1x16xf32>,
            %swap3A_263 = vector.shape_cast %swap3A_262 : vector<1x16xf32> to vector<16xf32>
            %swap3A_264 = vector.shape_cast %mul3A_260 : vector<16xf32> to vector<1x16xf32>
            tpu.vector_store %arg14[%swap3A, %swap3A_261], %swap3A_264 {strides = array<i32>} : memref<64x144xf32, #tpu.memory_space<vmem>>, vector<1x16xf32>,
            %get3A_265 = arith.index_cast %scan3A_244 : i32 to index
            %get3A_266 = arith.constant 0 : index
            %get3A_267 = tpu.vector_load %arg14[%get3A_265, %get3A_266] {strides = array<i32>} : memref<64x144xf32, #tpu.memory_space<vmem>>, vector<1x16xf32>,
            %get3A_268 = vector.shape_cast %get3A_267 : vector<1x16xf32> to vector<16xf32>
            %mul3A_269 = arith.mulf %get3A_268, %mul3A_260 : vector<16xf32>
            %swap3A_270 = arith.index_cast %scan3A_244 : i32 to index
            %swap3A_271 = arith.constant 0 : index
            %swap3A_272 = tpu.vector_load %arg14[%swap3A_270, %swap3A_271] {strides = array<i32>} : memref<64x144xf32, #tpu.memory_space<vmem>>, vector<1x16xf32>,
            %swap3A_273 = vector.shape_cast %swap3A_272 : vector<1x16xf32> to vector<16xf32>
            %swap3A_274 = vector.shape_cast %mul3A_269 : vector<16xf32> to vector<1x16xf32>
            tpu.vector_store %arg14[%swap3A_270, %swap3A_271], %swap3A_274 {strides = array<i32>} : memref<64x144xf32, #tpu.memory_space<vmem>>, vector<1x16xf32>,
            %get3A_275 = arith.index_cast %scan3A_244 : i32 to index
            %get3A_276 = arith.constant 16 : index
            %get3A_277 = tpu.vector_load %arg14[%get3A_275, %get3A_276] {strides = array<i32>} : memref<64x144xf32, #tpu.memory_space<vmem>>, vector<1x16xf32>,
            %get3A_278 = vector.shape_cast %get3A_277 : vector<1x16xf32> to vector<16xf32>
            %mul3A_279 = arith.mulf %get3A_278, %mul3A_260 : vector<16xf32>
            %swap3A_280 = arith.index_cast %scan3A_244 : i32 to index
            %swap3A_281 = arith.constant 16 : index
            %swap3A_282 = tpu.vector_load %arg14[%swap3A_280, %swap3A_281] {strides = array<i32>} : memref<64x144xf32, #tpu.memory_space<vmem>>, vector<1x16xf32>,
            %swap3A_283 = vector.shape_cast %swap3A_282 : vector<1x16xf32> to vector<16xf32>
            %swap3A_284 = vector.shape_cast %mul3A_279 : vector<16xf32> to vector<1x16xf32>
            tpu.vector_store %arg14[%swap3A_280, %swap3A_281], %swap3A_284 {strides = array<i32>} : memref<64x144xf32, #tpu.memory_space<vmem>>, vector<1x16xf32>,
            %get3A_285 = arith.index_cast %scan3A_244 : i32 to index
            %get3A_286 = arith.constant 32 : index
            %get3A_287 = tpu.vector_load %arg14[%get3A_285, %get3A_286] {strides = array<i32>} : memref<64x144xf32, #tpu.memory_space<vmem>>, vector<1x16xf32>,
            %get3A_288 = vector.shape_cast %get3A_287 : vector<1x16xf32> to vector<16xf32>
            %mul3A_289 = arith.mulf %get3A_288, %mul3A_260 : vector<16xf32>
            %swap3A_290 = arith.index_cast %scan3A_244 : i32 to index
            %swap3A_291 = arith.constant 32 : index
            %swap3A_292 = tpu.vector_load %arg14[%swap3A_290, %swap3A_291] {strides = array<i32>} : memref<64x144xf32, #tpu.memory_space<vmem>>, vector<1x16xf32>,
            %swap3A_293 = vector.shape_cast %swap3A_292 : vector<1x16xf32> to vector<16xf32>
            %swap3A_294 = vector.shape_cast %mul3A_289 : vector<16xf32> to vector<1x16xf32>
            tpu.vector_store %arg14[%swap3A_290, %swap3A_291], %swap3A_294 {strides = array<i32>} : memref<64x144xf32, #tpu.memory_space<vmem>>, vector<1x16xf32>,
            %get3A_295 = arith.index_cast %scan3A_244 : i32 to index
            %get3A_296 = arith.constant 48 : index
            %get3A_297 = tpu.vector_load %arg14[%get3A_295, %get3A_296] {strides = array<i32>} : memref<64x144xf32, #tpu.memory_space<vmem>>, vector<1x16xf32>,
            %get3A_298 = vector.shape_cast %get3A_297 : vector<1x16xf32> to vector<16xf32>
            %mul3A_299 = arith.mulf %get3A_298, %mul3A_260 : vector<16xf32>
            %swap3A_300 = arith.index_cast %scan3A_244 : i32 to index
            %swap3A_301 = arith.constant 48 : index
            %swap3A_302 = tpu.vector_load %arg14[%swap3A_300, %swap3A_301] {strides = array<i32>} : memref<64x144xf32, #tpu.memory_space<vmem>>, vector<1x16xf32>,
            %swap3A_303 = vector.shape_cast %swap3A_302 : vector<1x16xf32> to vector<16xf32>
            %swap3A_304 = vector.shape_cast %mul3A_299 : vector<16xf32> to vector<1x16xf32>
            tpu.vector_store %arg14[%swap3A_300, %swap3A_301], %swap3A_304 {strides = array<i32>} : memref<64x144xf32, #tpu.memory_space<vmem>>, vector<1x16xf32>,
            %get3A_305 = arith.index_cast %scan3A_244 : i32 to index
            %get3A_306 = arith.constant 64 : index
            %get3A_307 = tpu.vector_load %arg14[%get3A_305, %get3A_306] {strides = array<i32>} : memref<64x144xf32, #tpu.memory_space<vmem>>, vector<1x16xf32>,
            %get3A_308 = vector.shape_cast %get3A_307 : vector<1x16xf32> to vector<16xf32>
            %mul3A_309 = arith.mulf %get3A_308, %mul3A_260 : vector<16xf32>
            %swap3A_310 = arith.index_cast %scan3A_244 : i32 to index
            %swap3A_311 = arith.constant 64 : index
            %swap3A_312 = tpu.vector_load %arg14[%swap3A_310, %swap3A_311] {strides = array<i32>} : memref<64x144xf32, #tpu.memory_space<vmem>>, vector<1x16xf32>,
            %swap3A_313 = vector.shape_cast %swap3A_312 : vector<1x16xf32> to vector<16xf32>
            %swap3A_314 = vector.shape_cast %mul3A_309 : vector<16xf32> to vector<1x16xf32>
            tpu.vector_store %arg14[%swap3A_310, %swap3A_311], %swap3A_314 {strides = array<i32>} : memref<64x144xf32, #tpu.memory_space<vmem>>, vector<1x16xf32>,
            %get3A_315 = arith.index_cast %scan3A_244 : i32 to index
            %get3A_316 = arith.constant 80 : index
            %get3A_317 = tpu.vector_load %arg14[%get3A_315, %get3A_316] {strides = array<i32>} : memref<64x144xf32, #tpu.memory_space<vmem>>, vector<1x16xf32>,
            %get3A_318 = vector.shape_cast %get3A_317 : vector<1x16xf32> to vector<16xf32>
            %mul3A_319 = arith.mulf %get3A_318, %mul3A_260 : vector<16xf32>
            %swap3A_320 = arith.index_cast %scan3A_244 : i32 to index
            %swap3A_321 = arith.constant 80 : index
            %swap3A_322 = tpu.vector_load %arg14[%swap3A_320, %swap3A_321] {strides = array<i32>} : memref<64x144xf32, #tpu.memory_space<vmem>>, vector<1x16xf32>,
            %swap3A_323 = vector.shape_cast %swap3A_322 : vector<1x16xf32> to vector<16xf32>
            %swap3A_324 = vector.shape_cast %mul3A_319 : vector<16xf32> to vector<1x16xf32>
            tpu.vector_store %arg14[%swap3A_320, %swap3A_321], %swap3A_324 {strides = array<i32>} : memref<64x144xf32, #tpu.memory_space<vmem>>, vector<1x16xf32>,
            %get3A_325 = arith.index_cast %scan3A_244 : i32 to index
            %get3A_326 = arith.constant 96 : index
            %get3A_327 = tpu.vector_load %arg14[%get3A_325, %get3A_326] {strides = array<i32>} : memref<64x144xf32, #tpu.memory_space<vmem>>, vector<1x16xf32>,
            %get3A_328 = vector.shape_cast %get3A_327 : vector<1x16xf32> to vector<16xf32>
            %mul3A_329 = arith.mulf %get3A_328, %mul3A_260 : vector<16xf32>
            %swap3A_330 = arith.index_cast %scan3A_244 : i32 to index
            %swap3A_331 = arith.constant 96 : index
            %swap3A_332 = tpu.vector_load %arg14[%swap3A_330, %swap3A_331] {strides = array<i32>} : memref<64x144xf32, #tpu.memory_space<vmem>>, vector<1x16xf32>,
            %swap3A_333 = vector.shape_cast %swap3A_332 : vector<1x16xf32> to vector<16xf32>
            %swap3A_334 = vector.shape_cast %mul3A_329 : vector<16xf32> to vector<1x16xf32>
            tpu.vector_store %arg14[%swap3A_330, %swap3A_331], %swap3A_334 {strides = array<i32>} : memref<64x144xf32, #tpu.memory_space<vmem>>, vector<1x16xf32>,
            %get3A_335 = arith.index_cast %scan3A_244 : i32 to index
            %get3A_336 = arith.constant 112 : index
            %get3A_337 = tpu.vector_load %arg14[%get3A_335, %get3A_336] {strides = array<i32>} : memref<64x144xf32, #tpu.memory_space<vmem>>, vector<1x16xf32>,
            %get3A_338 = vector.shape_cast %get3A_337 : vector<1x16xf32> to vector<16xf32>
            %mul3A_339 = arith.mulf %get3A_338, %mul3A_260 : vector<16xf32>
            %swap3A_340 = arith.index_cast %scan3A_244 : i32 to index
            %swap3A_341 = arith.constant 112 : index
            %swap3A_342 = tpu.vector_load %arg14[%swap3A_340, %swap3A_341] {strides = array<i32>} : memref<64x144xf32, #tpu.memory_space<vmem>>, vector<1x16xf32>,
            %swap3A_343 = vector.shape_cast %swap3A_342 : vector<1x16xf32> to vector<16xf32>
            %swap3A_344 = vector.shape_cast %mul3A_339 : vector<16xf32> to vector<1x16xf32>
            tpu.vector_store %arg14[%swap3A_340, %swap3A_341], %swap3A_344 {strides = array<i32>} : memref<64x144xf32, #tpu.memory_space<vmem>>, vector<1x16xf32>,
          }
          %scan3A_243 = arith.constant 64 : i32
        } else {
        }
        %dma_start3A_217 = arith.constant 2 : i32
        %dma_start3A_218 = arith.constant 0 : i32
        %dma_start3A_219 = tpu.memref_slice %arg7[%dma_start3A_217, %dma_start3A_218] : memref<3x64xi32, #tpu.memory_space<vmem>> -> memref<1x64xi32, #tpu.memory_space<vmem>>
        %dma_start3A_220 = tpu.memref_squeeze %dma_start3A_219 : memref<1x64xi32, #tpu.memory_space<vmem>> -> memref<64xi32, #tpu.memory_space<vmem>>
        %dma_start3A_221 = arith.constant 0 : i32
        %dma_start3A_222 = arith.constant 0 : i32
        %dma_start3A_223 = tpu.memref_slice %arg6[%dma_start3A_221, %dma_start3A_222] : memref<10240x144xf32, #tpu.memory_space<vmem_shared>> -> memref<10240x144xf32, #tpu.memory_space<vmem_shared>>
        tpu.enqueue_indirect_dma source(%arg14 : memref<64x144xf32, #tpu.memory_space<vmem>>) target(%dma_start3A_223 : memref<10240x144xf32, #tpu.memory_space<vmem_shared>>) offsets(%dma_start3A_220 : memref<64xi32, #tpu.memory_space<vmem>>) semaphore(%arg22 : memref<!tpu.dma_semaphore, #tpu.memory_space<semaphore_mem>>) {add = true}
        %add3A_224 = arith.constant 2 : i32
        %add3A_225 = arith.addi %add3A_150, %add3A_224 : i32
        %lt3A_226 = arith.constant 158 : i32
        %lt3A_227 = arith.cmpi slt, %add3A_225, %lt3A_226 : i32
        %convert_element_type3A_228 = arith.extui %lt3A_227 : i1 to i32
        %cond3A_229 = arith.constant 0 : i32
        %cond3A_230 = arith.cmpi ne, %convert_element_type3A_228, %cond3A_229 : i32
        scf.if %cond3A_230 {
          %add3A_238 = arith.constant 2 : i32
          %add3A_239 = arith.addi %add3A_150, %add3A_238 : i32
          %ge3A_240 = arith.constant 1 : i32
          %ge3A_241 = arith.cmpi sge, %add3A_150, %ge3A_240 : i32
          %dma_wait3A_242 = arith.constant 0 : i32
          %dma_wait3A_243 = arith.constant 0 : i32
          %dma_wait3A_244 = arith.constant 0 : i32
          %dma_wait3A_245 = tpu.memref_slice %arg2[%add3A, %dma_wait3A_242, %dma_wait3A_243, %dma_wait3A_244] : memref<32x158x3x64xi32, #tpu.memory_space<hbm>> -> memref<1x1x3x64xi32, #tpu.memory_space<hbm>>
          %dma_wait3A_246 = tpu.memref_squeeze %dma_wait3A_245 : memref<1x1x3x64xi32, #tpu.memory_space<hbm>> -> memref<3x64xi32, #tpu.memory_space<hbm>>
          %dma_wait3A_247 = arith.constant 0 : i32
          %dma_wait3A_248 = arith.constant 0 : i32
          %dma_wait3A_249 = tpu.memref_slice %arg2[%add3A, %dma_wait3A_242, %dma_wait3A_247, %dma_wait3A_248] : memref<32x158x3x64xi32, #tpu.memory_space<hbm>> -> memref<1x1x3x64xi32, #tpu.memory_space<hbm>>
          %dma_wait3A_250 = tpu.memref_squeeze %dma_wait3A_249 : memref<1x1x3x64xi32, #tpu.memory_space<hbm>> -> memref<3x64xi32, #tpu.memory_space<hbm>>
          tpu.wait_dma2 semaphore(%arg27 : memref<!tpu.dma_semaphore, #tpu.memory_space<semaphore_mem>>) src(%dma_wait3A_250 : memref<3x64xi32, #tpu.memory_space<hbm>>) dst(%arg9 : memref<3x64xi32, #tpu.memory_space<vmem>>)
          %convert_element_type3A_251 = arith.extui %ge3A_241 : i1 to i32
          %cond3A_252 = arith.constant 0 : i32
          %cond3A_253 = arith.cmpi ne, %convert_element_type3A_251, %cond3A_252 : i32
          scf.if %cond3A_253 {
            %dma_wait3A_268 = arith.constant 2 : i32
            %dma_wait3A_269 = arith.constant 0 : i32
            %dma_wait3A_270 = tpu.memref_slice %arg9[%dma_wait3A_268, %dma_wait3A_269] : memref<3x64xi32, #tpu.memory_space<vmem>> -> memref<1x64xi32, #tpu.memory_space<vmem>>
            %dma_wait3A_271 = tpu.memref_squeeze %dma_wait3A_270 : memref<1x64xi32, #tpu.memory_space<vmem>> -> memref<64xi32, #tpu.memory_space<vmem>>
            %dma_wait3A_272 = arith.constant 0 : i32
            %dma_wait3A_273 = arith.constant 0 : i32
            %dma_wait3A_274 = tpu.memref_slice %arg6[%dma_wait3A_272, %dma_wait3A_273] : memref<10240x144xf32, #tpu.memory_space<vmem_shared>> -> memref<10240x144xf32, #tpu.memory_space<vmem_shared>>
            tpu.wait_indirect_dma semaphore(%arg24 : memref<!tpu.dma_semaphore, #tpu.memory_space<semaphore_mem>>) src(%arg18 : memref<64x144xf32, #tpu.memory_space<vmem>>) dst(%dma_wait3A_274 : memref<10240x144xf32, #tpu.memory_space<vmem_shared>>)
          } else {
          }
          %dma_start3A_254 = arith.constant 0 : i32
          %dma_start3A_255 = arith.constant 0 : i32
          %dma_start3A_256 = tpu.memref_slice %arg9[%dma_start3A_254, %dma_start3A_255] : memref<3x64xi32, #tpu.memory_space<vmem>> -> memref<1x64xi32, #tpu.memory_space<vmem>>
          %dma_start3A_257 = tpu.memref_squeeze %dma_start3A_256 : memref<1x64xi32, #tpu.memory_space<vmem>> -> memref<64xi32, #tpu.memory_space<vmem>>
          %dma_start3A_258 = arith.constant 0 : i32
          %dma_start3A_259 = arith.constant 0 : i32
          %dma_start3A_260 = tpu.memref_slice %arg3[%dma_start3A_258, %dma_start3A_259] : memref<80000x16xf32, #tpu.memory_space<hbm>> -> memref<80000x16xf32, #tpu.memory_space<hbm>>
          tpu.enqueue_indirect_dma source(%dma_start3A_260 : memref<80000x16xf32, #tpu.memory_space<hbm>>) target(%arg17 : memref<64x16xf32, #tpu.memory_space<vmem>>) offsets(%dma_start3A_257 : memref<64xi32, #tpu.memory_space<vmem>>) semaphore(%arg21 : memref<!tpu.dma_semaphore, #tpu.memory_space<semaphore_mem>>)
          %dma_start3A_261 = arith.constant 1 : i32
          %dma_start3A_262 = arith.constant 0 : i32
          %dma_start3A_263 = tpu.memref_slice %arg9[%dma_start3A_261, %dma_start3A_262] : memref<3x64xi32, #tpu.memory_space<vmem>> -> memref<1x64xi32, #tpu.memory_space<vmem>>
          %dma_start3A_264 = tpu.memref_squeeze %dma_start3A_263 : memref<1x64xi32, #tpu.memory_space<vmem>> -> memref<64xi32, #tpu.memory_space<vmem>>
          %dma_start3A_265 = arith.constant 0 : i32
          %dma_start3A_266 = arith.constant 0 : i32
          %dma_start3A_267 = tpu.memref_slice %arg4[%dma_start3A_265, %dma_start3A_266] : memref<80000x144xf32, #tpu.memory_space<hbm>> -> memref<80000x144xf32, #tpu.memory_space<hbm>>
          tpu.enqueue_indirect_dma source(%dma_start3A_267 : memref<80000x144xf32, #tpu.memory_space<hbm>>) target(%arg18 : memref<64x144xf32, #tpu.memory_space<vmem>>) offsets(%dma_start3A_264 : memref<64xi32, #tpu.memory_space<vmem>>) semaphore(%arg21 : memref<!tpu.dma_semaphore, #tpu.memory_space<semaphore_mem>>)
        } else {
        }
        %add3A_231 = arith.constant 5 : i32
        %add3A_232 = arith.addi %add3A_150, %add3A_231 : i32
        %lt3A_233 = arith.constant 158 : i32
        %lt3A_234 = arith.cmpi slt, %add3A_232, %lt3A_233 : i32
        %convert_element_type3A_235 = arith.extui %lt3A_234 : i1 to i32
        %cond3A_236 = arith.constant 0 : i32
        %cond3A_237 = arith.cmpi ne, %convert_element_type3A_235, %cond3A_236 : i32
        scf.if %cond3A_237 {
          %add3A_238 = arith.constant 5 : i32
          %add3A_239 = arith.addi %add3A_150, %add3A_238 : i32
          %dma_start3A_240 = arith.constant 0 : i32
          %dma_start3A_241 = arith.constant 0 : i32
          %dma_start3A_242 = tpu.memref_slice %arg2[%add3A, %add3A_239, %dma_start3A_240, %dma_start3A_241] : memref<32x158x3x64xi32, #tpu.memory_space<hbm>> -> memref<1x1x3x64xi32, #tpu.memory_space<hbm>>
          %dma_start3A_243 = tpu.memref_squeeze %dma_start3A_242 : memref<1x1x3x64xi32, #tpu.memory_space<hbm>> -> memref<3x64xi32, #tpu.memory_space<hbm>>
          %dma_start3A_244 = arith.constant 0 : i32
          %dma_start3A_245 = arith.constant 0 : i32
          %dma_start3A_246 = tpu.memref_slice %arg2[%add3A, %add3A_239, %dma_start3A_244, %dma_start3A_245] : memref<32x158x3x64xi32, #tpu.memory_space<hbm>> -> memref<1x1x3x64xi32, #tpu.memory_space<hbm>>
          %dma_start3A_247 = tpu.memref_squeeze %dma_start3A_246 : memref<1x1x3x64xi32, #tpu.memory_space<hbm>> -> memref<3x64xi32, #tpu.memory_space<hbm>>
          tpu.enqueue_dma source(%dma_start3A_247 : memref<3x64xi32, #tpu.memory_space<hbm>>) target(%arg12 : memref<3x64xi32, #tpu.memory_space<vmem>>) target_semaphore(%arg30 : memref<!tpu.dma_semaphore, #tpu.memory_space<semaphore_mem>>)
        } else {
        }
      } else {
      }
      %add3A_153 = arith.constant 1 : i32
      %add3A_154 = arith.addi %mul3A_148, %add3A_153 : i32
      %lt3A_155 = arith.constant 158 : i32
      %lt3A_156 = arith.cmpi slt, %add3A_154, %lt3A_155 : i32
      %convert_element_type3A_157 = arith.extui %lt3A_156 : i1 to i32
      %cond3A_158 = arith.constant 0 : i32
      %cond3A_159 = arith.cmpi ne, %convert_element_type3A_157, %cond3A_158 : i32
      scf.if %cond3A_159 {
        %dma_wait3A_188 = arith.constant 0 : i32
        %dma_wait3A_189 = arith.constant 0 : i32
        %dma_wait3A_190 = tpu.memref_slice %arg8[%dma_wait3A_188, %dma_wait3A_189] : memref<3x64xi32, #tpu.memory_space<vmem>> -> memref<1x64xi32, #tpu.memory_space<vmem>>
        %dma_wait3A_191 = tpu.memref_squeeze %dma_wait3A_190 : memref<1x64xi32, #tpu.memory_space<vmem>> -> memref<64xi32, #tpu.memory_space<vmem>>
        %dma_wait3A_192 = arith.constant 0 : i32
        %dma_wait3A_193 = arith.constant 0 : i32
        %dma_wait3A_194 = tpu.memref_slice %arg3[%dma_wait3A_192, %dma_wait3A_193] : memref<80000x16xf32, #tpu.memory_space<hbm>> -> memref<80000x16xf32, #tpu.memory_space<hbm>>
        tpu.wait_indirect_dma semaphore(%arg20 : memref<!tpu.dma_semaphore, #tpu.memory_space<semaphore_mem>>) src(%dma_wait3A_194 : memref<80000x16xf32, #tpu.memory_space<hbm>>) dst(%arg15 : memref<64x16xf32, #tpu.memory_space<vmem>>)
        %dma_wait3A_195 = arith.constant 1 : i32
        %dma_wait3A_196 = arith.constant 0 : i32
        %dma_wait3A_197 = tpu.memref_slice %arg8[%dma_wait3A_195, %dma_wait3A_196] : memref<3x64xi32, #tpu.memory_space<vmem>> -> memref<1x64xi32, #tpu.memory_space<vmem>>
        %dma_wait3A_198 = tpu.memref_squeeze %dma_wait3A_197 : memref<1x64xi32, #tpu.memory_space<vmem>> -> memref<64xi32, #tpu.memory_space<vmem>>
        %dma_wait3A_199 = arith.constant 0 : i32
        %dma_wait3A_200 = arith.constant 0 : i32
        %dma_wait3A_201 = tpu.memref_slice %arg4[%dma_wait3A_199, %dma_wait3A_200] : memref<80000x144xf32, #tpu.memory_space<hbm>> -> memref<80000x144xf32, #tpu.memory_space<hbm>>
        tpu.wait_indirect_dma semaphore(%arg20 : memref<!tpu.dma_semaphore, #tpu.memory_space<semaphore_mem>>) src(%dma_wait3A_201 : memref<80000x144xf32, #tpu.memory_space<hbm>>) dst(%arg16 : memref<64x144xf32, #tpu.memory_space<vmem>>)
        %mul3A_202 = arith.constant 10112 : i32
        %mul3A_203 = arith.muli %add3A, %mul3A_202 : i32
        %mul3A_204 = arith.constant 64 : i32
        %mul3A_205 = arith.muli %add3A_154, %mul3A_204 : i32
        %add3A_206 = arith.addi %mul3A_203, %mul3A_205 : i32
        %sub3A = arith.constant 320000 : i32
        %sub3A_207 = arith.subi %sub3A, %add3A_206 : i32
        %ge3A = arith.constant 64 : i32
        %ge3A_208 = arith.cmpi sge, %sub3A_207, %ge3A : i32
        %convert_element_type3A_209 = arith.extui %ge3A_208 : i1 to i32
        %cond3A_210 = arith.constant 0 : i32
        %cond3A_211 = arith.cmpi ne, %convert_element_type3A_209, %cond3A_210 : i32
        scf.if %cond3A_211 {
          %scan3A_238 = arith.constant 0 : i32
          %scan3A_239 = arith.constant 0 : i32
          %scan3A_240 = arith.constant 64 : i32
          %scan3A_241 = arith.addi %scan3A_239, %scan3A_240 : i32
          %scan3A_242 = arith.constant 1 : i32
          scf.for %scan3A_244 = %scan3A_239 to %scan3A_241 step %scan3A_242  : i32 {
            %get3A = arith.index_cast %scan3A_244 : i32 to index
            %get3A_245 = arith.constant 0 : index
            %get3A_246 = tpu.vector_load %arg15[%get3A, %get3A_245] {strides = array<i32>} : memref<64x16xf32, #tpu.memory_space<vmem>>, vector<1x16xf32>,
            %get3A_247 = vector.shape_cast %get3A_246 : vector<1x16xf32> to vector<16xf32>
            %get3A_248 = arith.index_cast %scan3A_244 : i32 to index
            %get3A_249 = arith.constant 128 : index
            %get3A_250 = tpu.vector_load %arg16[%get3A_248, %get3A_249] {strides = array<i32>} : memref<64x144xf32, #tpu.memory_space<vmem>>, vector<1x16xf32>,
            %get3A_251 = vector.shape_cast %get3A_250 : vector<1x16xf32> to vector<16xf32>
            %add3A_252 = arith.addf %get3A_247, %get3A_251 : vector<16xf32>
            %mul3A_253 = arith.constant 2.000000e-01 : f32
            %mul3A_254 = vector.broadcast %mul3A_253 : f32 to vector<16xf32>
            %mul3A_255 = arith.mulf %add3A_252, %mul3A_254 : vector<16xf32>
            %max3A = arith.maximumf %add3A_252, %mul3A_255 : vector<16xf32>
            %exp3A = math.exp %max3A : vector<16xf32>
            %swap3A = arith.index_cast %scan3A_244 : i32 to index
            %swap3A_256 = arith.constant 128 : index
            %swap3A_257 = tpu.vector_load %arg16[%swap3A, %swap3A_256] {strides = array<i32>} : memref<64x144xf32, #tpu.memory_space<vmem>>, vector<1x16xf32>,
            %swap3A_258 = vector.shape_cast %swap3A_257 : vector<1x16xf32> to vector<16xf32>
            %swap3A_259 = vector.shape_cast %exp3A : vector<16xf32> to vector<1x16xf32>
            tpu.vector_store %arg16[%swap3A, %swap3A_256], %swap3A_259 {strides = array<i32>} : memref<64x144xf32, #tpu.memory_space<vmem>>, vector<1x16xf32>,
            %get3A_260 = arith.index_cast %scan3A_244 : i32 to index
            %get3A_261 = arith.constant 0 : index
            %get3A_262 = tpu.vector_load %arg16[%get3A_260, %get3A_261] {strides = array<i32>} : memref<64x144xf32, #tpu.memory_space<vmem>>, vector<1x16xf32>,
            %get3A_263 = vector.shape_cast %get3A_262 : vector<1x16xf32> to vector<16xf32>
            %mul3A_264 = arith.mulf %get3A_263, %exp3A : vector<16xf32>
            %swap3A_265 = arith.index_cast %scan3A_244 : i32 to index
            %swap3A_266 = arith.constant 0 : index
            %swap3A_267 = tpu.vector_load %arg16[%swap3A_265, %swap3A_266] {strides = array<i32>} : memref<64x144xf32, #tpu.memory_space<vmem>>, vector<1x16xf32>,
            %swap3A_268 = vector.shape_cast %swap3A_267 : vector<1x16xf32> to vector<16xf32>
            %swap3A_269 = vector.shape_cast %mul3A_264 : vector<16xf32> to vector<1x16xf32>
            tpu.vector_store %arg16[%swap3A_265, %swap3A_266], %swap3A_269 {strides = array<i32>} : memref<64x144xf32, #tpu.memory_space<vmem>>, vector<1x16xf32>,
            %get3A_270 = arith.index_cast %scan3A_244 : i32 to index
            %get3A_271 = arith.constant 16 : index
            %get3A_272 = tpu.vector_load %arg16[%get3A_270, %get3A_271] {strides = array<i32>} : memref<64x144xf32, #tpu.memory_space<vmem>>, vector<1x16xf32>,
            %get3A_273 = vector.shape_cast %get3A_272 : vector<1x16xf32> to vector<16xf32>
            %mul3A_274 = arith.mulf %get3A_273, %exp3A : vector<16xf32>
            %swap3A_275 = arith.index_cast %scan3A_244 : i32 to index
            %swap3A_276 = arith.constant 16 : index
            %swap3A_277 = tpu.vector_load %arg16[%swap3A_275, %swap3A_276] {strides = array<i32>} : memref<64x144xf32, #tpu.memory_space<vmem>>, vector<1x16xf32>,
            %swap3A_278 = vector.shape_cast %swap3A_277 : vector<1x16xf32> to vector<16xf32>
            %swap3A_279 = vector.shape_cast %mul3A_274 : vector<16xf32> to vector<1x16xf32>
            tpu.vector_store %arg16[%swap3A_275, %swap3A_276], %swap3A_279 {strides = array<i32>} : memref<64x144xf32, #tpu.memory_space<vmem>>, vector<1x16xf32>,
            %get3A_280 = arith.index_cast %scan3A_244 : i32 to index
            %get3A_281 = arith.constant 32 : index
            %get3A_282 = tpu.vector_load %arg16[%get3A_280, %get3A_281] {strides = array<i32>} : memref<64x144xf32, #tpu.memory_space<vmem>>, vector<1x16xf32>,
            %get3A_283 = vector.shape_cast %get3A_282 : vector<1x16xf32> to vector<16xf32>
            %mul3A_284 = arith.mulf %get3A_283, %exp3A : vector<16xf32>
            %swap3A_285 = arith.index_cast %scan3A_244 : i32 to index
            %swap3A_286 = arith.constant 32 : index
            %swap3A_287 = tpu.vector_load %arg16[%swap3A_285, %swap3A_286] {strides = array<i32>} : memref<64x144xf32, #tpu.memory_space<vmem>>, vector<1x16xf32>,
            %swap3A_288 = vector.shape_cast %swap3A_287 : vector<1x16xf32> to vector<16xf32>
            %swap3A_289 = vector.shape_cast %mul3A_284 : vector<16xf32> to vector<1x16xf32>
            tpu.vector_store %arg16[%swap3A_285, %swap3A_286], %swap3A_289 {strides = array<i32>} : memref<64x144xf32, #tpu.memory_space<vmem>>, vector<1x16xf32>,
            %get3A_290 = arith.index_cast %scan3A_244 : i32 to index
            %get3A_291 = arith.constant 48 : index
            %get3A_292 = tpu.vector_load %arg16[%get3A_290, %get3A_291] {strides = array<i32>} : memref<64x144xf32, #tpu.memory_space<vmem>>, vector<1x16xf32>,
            %get3A_293 = vector.shape_cast %get3A_292 : vector<1x16xf32> to vector<16xf32>
            %mul3A_294 = arith.mulf %get3A_293, %exp3A : vector<16xf32>
            %swap3A_295 = arith.index_cast %scan3A_244 : i32 to index
            %swap3A_296 = arith.constant 48 : index
            %swap3A_297 = tpu.vector_load %arg16[%swap3A_295, %swap3A_296] {strides = array<i32>} : memref<64x144xf32, #tpu.memory_space<vmem>>, vector<1x16xf32>,
            %swap3A_298 = vector.shape_cast %swap3A_297 : vector<1x16xf32> to vector<16xf32>
            %swap3A_299 = vector.shape_cast %mul3A_294 : vector<16xf32> to vector<1x16xf32>
            tpu.vector_store %arg16[%swap3A_295, %swap3A_296], %swap3A_299 {strides = array<i32>} : memref<64x144xf32, #tpu.memory_space<vmem>>, vector<1x16xf32>,
            %get3A_300 = arith.index_cast %scan3A_244 : i32 to index
            %get3A_301 = arith.constant 64 : index
            %get3A_302 = tpu.vector_load %arg16[%get3A_300, %get3A_301] {strides = array<i32>} : memref<64x144xf32, #tpu.memory_space<vmem>>, vector<1x16xf32>,
            %get3A_303 = vector.shape_cast %get3A_302 : vector<1x16xf32> to vector<16xf32>
            %mul3A_304 = arith.mulf %get3A_303, %exp3A : vector<16xf32>
            %swap3A_305 = arith.index_cast %scan3A_244 : i32 to index
            %swap3A_306 = arith.constant 64 : index
            %swap3A_307 = tpu.vector_load %arg16[%swap3A_305, %swap3A_306] {strides = array<i32>} : memref<64x144xf32, #tpu.memory_space<vmem>>, vector<1x16xf32>,
            %swap3A_308 = vector.shape_cast %swap3A_307 : vector<1x16xf32> to vector<16xf32>
            %swap3A_309 = vector.shape_cast %mul3A_304 : vector<16xf32> to vector<1x16xf32>
            tpu.vector_store %arg16[%swap3A_305, %swap3A_306], %swap3A_309 {strides = array<i32>} : memref<64x144xf32, #tpu.memory_space<vmem>>, vector<1x16xf32>,
            %get3A_310 = arith.index_cast %scan3A_244 : i32 to index
            %get3A_311 = arith.constant 80 : index
            %get3A_312 = tpu.vector_load %arg16[%get3A_310, %get3A_311] {strides = array<i32>} : memref<64x144xf32, #tpu.memory_space<vmem>>, vector<1x16xf32>,
            %get3A_313 = vector.shape_cast %get3A_312 : vector<1x16xf32> to vector<16xf32>
            %mul3A_314 = arith.mulf %get3A_313, %exp3A : vector<16xf32>
            %swap3A_315 = arith.index_cast %scan3A_244 : i32 to index
            %swap3A_316 = arith.constant 80 : index
            %swap3A_317 = tpu.vector_load %arg16[%swap3A_315, %swap3A_316] {strides = array<i32>} : memref<64x144xf32, #tpu.memory_space<vmem>>, vector<1x16xf32>,
            %swap3A_318 = vector.shape_cast %swap3A_317 : vector<1x16xf32> to vector<16xf32>
            %swap3A_319 = vector.shape_cast %mul3A_314 : vector<16xf32> to vector<1x16xf32>
            tpu.vector_store %arg16[%swap3A_315, %swap3A_316], %swap3A_319 {strides = array<i32>} : memref<64x144xf32, #tpu.memory_space<vmem>>, vector<1x16xf32>,
            %get3A_320 = arith.index_cast %scan3A_244 : i32 to index
            %get3A_321 = arith.constant 96 : index
            %get3A_322 = tpu.vector_load %arg16[%get3A_320, %get3A_321] {strides = array<i32>} : memref<64x144xf32, #tpu.memory_space<vmem>>, vector<1x16xf32>,
            %get3A_323 = vector.shape_cast %get3A_322 : vector<1x16xf32> to vector<16xf32>
            %mul3A_324 = arith.mulf %get3A_323, %exp3A : vector<16xf32>
            %swap3A_325 = arith.index_cast %scan3A_244 : i32 to index
            %swap3A_326 = arith.constant 96 : index
            %swap3A_327 = tpu.vector_load %arg16[%swap3A_325, %swap3A_326] {strides = array<i32>} : memref<64x144xf32, #tpu.memory_space<vmem>>, vector<1x16xf32>,
            %swap3A_328 = vector.shape_cast %swap3A_327 : vector<1x16xf32> to vector<16xf32>
            %swap3A_329 = vector.shape_cast %mul3A_324 : vector<16xf32> to vector<1x16xf32>
            tpu.vector_store %arg16[%swap3A_325, %swap3A_326], %swap3A_329 {strides = array<i32>} : memref<64x144xf32, #tpu.memory_space<vmem>>, vector<1x16xf32>,
            %get3A_330 = arith.index_cast %scan3A_244 : i32 to index
            %get3A_331 = arith.constant 112 : index
            %get3A_332 = tpu.vector_load %arg16[%get3A_330, %get3A_331] {strides = array<i32>} : memref<64x144xf32, #tpu.memory_space<vmem>>, vector<1x16xf32>,
            %get3A_333 = vector.shape_cast %get3A_332 : vector<1x16xf32> to vector<16xf32>
            %mul3A_334 = arith.mulf %get3A_333, %exp3A : vector<16xf32>
            %swap3A_335 = arith.index_cast %scan3A_244 : i32 to index
            %swap3A_336 = arith.constant 112 : index
            %swap3A_337 = tpu.vector_load %arg16[%swap3A_335, %swap3A_336] {strides = array<i32>} : memref<64x144xf32, #tpu.memory_space<vmem>>, vector<1x16xf32>,
            %swap3A_338 = vector.shape_cast %swap3A_337 : vector<1x16xf32> to vector<16xf32>
            %swap3A_339 = vector.shape_cast %mul3A_334 : vector<16xf32> to vector<1x16xf32>
            tpu.vector_store %arg16[%swap3A_335, %swap3A_336], %swap3A_339 {strides = array<i32>} : memref<64x144xf32, #tpu.memory_space<vmem>>, vector<1x16xf32>,
          }
          %scan3A_243 = arith.constant 64 : i32
        } else {
        }
        %lt3A_212 = arith.constant 64 : i32
        %lt3A_213 = arith.cmpi slt, %sub3A_207, %lt3A_212 : i32
        %convert_element_type3A_214 = arith.extui %lt3A_213 : i1 to i32
        %cond3A_215 = arith.constant 0 : i32
        %cond3A_216 = arith.cmpi ne, %convert_element_type3A_214, %cond3A_215 : i32
        scf.if %cond3A_216 {
          %scan3A_238 = arith.constant 0 : i32
          %scan3A_239 = arith.constant 0 : i32
          %scan3A_240 = arith.constant 64 : i32
          %scan3A_241 = arith.addi %scan3A_239, %scan3A_240 : i32
          %scan3A_242 = arith.constant 1 : i32
          scf.for %scan3A_244 = %scan3A_239 to %scan3A_241 step %scan3A_242  : i32 {
            %get3A = arith.index_cast %scan3A_244 : i32 to index
            %get3A_245 = arith.constant 0 : index
            %get3A_246 = tpu.vector_load %arg15[%get3A, %get3A_245] {strides = array<i32>} : memref<64x16xf32, #tpu.memory_space<vmem>>, vector<1x16xf32>,
            %get3A_247 = vector.shape_cast %get3A_246 : vector<1x16xf32> to vector<16xf32>
            %get3A_248 = arith.index_cast %scan3A_244 : i32 to index
            %get3A_249 = arith.constant 128 : index
            %get3A_250 = tpu.vector_load %arg16[%get3A_248, %get3A_249] {strides = array<i32>} : memref<64x144xf32, #tpu.memory_space<vmem>>, vector<1x16xf32>,
            %get3A_251 = vector.shape_cast %get3A_250 : vector<1x16xf32> to vector<16xf32>
            %add3A_252 = arith.addf %get3A_247, %get3A_251 : vector<16xf32>
            %lt3A_253 = arith.cmpi slt, %scan3A_244, %sub3A_207 : i32
            %convert_element_type3A_254 = arith.extui %lt3A_253 : i1 to i32
            %convert_element_type3A_255 = arith.sitofp %convert_element_type3A_254 : i32 to f32
            %mul3A_256 = arith.constant 2.000000e-01 : f32
            %mul3A_257 = vector.broadcast %mul3A_256 : f32 to vector<16xf32>
            %mul3A_258 = arith.mulf %add3A_252, %mul3A_257 : vector<16xf32>
            %max3A = arith.maximumf %add3A_252, %mul3A_258 : vector<16xf32>
            %exp3A = math.exp %max3A : vector<16xf32>
            %mul3A_259 = vector.broadcast %convert_element_type3A_255 : f32 to vector<16xf32>
            %mul3A_260 = arith.mulf %exp3A, %mul3A_259 : vector<16xf32>
            %swap3A = arith.index_cast %scan3A_244 : i32 to index
            %swap3A_261 = arith.constant 128 : index
            %swap3A_262 = tpu.vector_load %arg16[%swap3A, %swap3A_261] {strides = array<i32>} : memref<64x144xf32, #tpu.memory_space<vmem>>, vector<1x16xf32>,
            %swap3A_263 = vector.shape_cast %swap3A_262 : vector<1x16xf32> to vector<16xf32>
            %swap3A_264 = vector.shape_cast %mul3A_260 : vector<16xf32> to vector<1x16xf32>
            tpu.vector_store %arg16[%swap3A, %swap3A_261], %swap3A_264 {strides = array<i32>} : memref<64x144xf32, #tpu.memory_space<vmem>>, vector<1x16xf32>,
            %get3A_265 = arith.index_cast %scan3A_244 : i32 to index
            %get3A_266 = arith.constant 0 : index
            %get3A_267 = tpu.vector_load %arg16[%get3A_265, %get3A_266] {strides = array<i32>} : memref<64x144xf32, #tpu.memory_space<vmem>>, vector<1x16xf32>,
            %get3A_268 = vector.shape_cast %get3A_267 : vector<1x16xf32> to vector<16xf32>
            %mul3A_269 = arith.mulf %get3A_268, %mul3A_260 : vector<16xf32>
            %swap3A_270 = arith.index_cast %scan3A_244 : i32 to index
            %swap3A_271 = arith.constant 0 : index
            %swap3A_272 = tpu.vector_load %arg16[%swap3A_270, %swap3A_271] {strides = array<i32>} : memref<64x144xf32, #tpu.memory_space<vmem>>, vector<1x16xf32>,
            %swap3A_273 = vector.shape_cast %swap3A_272 : vector<1x16xf32> to vector<16xf32>
            %swap3A_274 = vector.shape_cast %mul3A_269 : vector<16xf32> to vector<1x16xf32>
            tpu.vector_store %arg16[%swap3A_270, %swap3A_271], %swap3A_274 {strides = array<i32>} : memref<64x144xf32, #tpu.memory_space<vmem>>, vector<1x16xf32>,
            %get3A_275 = arith.index_cast %scan3A_244 : i32 to index
            %get3A_276 = arith.constant 16 : index
            %get3A_277 = tpu.vector_load %arg16[%get3A_275, %get3A_276] {strides = array<i32>} : memref<64x144xf32, #tpu.memory_space<vmem>>, vector<1x16xf32>,
            %get3A_278 = vector.shape_cast %get3A_277 : vector<1x16xf32> to vector<16xf32>
            %mul3A_279 = arith.mulf %get3A_278, %mul3A_260 : vector<16xf32>
            %swap3A_280 = arith.index_cast %scan3A_244 : i32 to index
            %swap3A_281 = arith.constant 16 : index
            %swap3A_282 = tpu.vector_load %arg16[%swap3A_280, %swap3A_281] {strides = array<i32>} : memref<64x144xf32, #tpu.memory_space<vmem>>, vector<1x16xf32>,
            %swap3A_283 = vector.shape_cast %swap3A_282 : vector<1x16xf32> to vector<16xf32>
            %swap3A_284 = vector.shape_cast %mul3A_279 : vector<16xf32> to vector<1x16xf32>
            tpu.vector_store %arg16[%swap3A_280, %swap3A_281], %swap3A_284 {strides = array<i32>} : memref<64x144xf32, #tpu.memory_space<vmem>>, vector<1x16xf32>,
            %get3A_285 = arith.index_cast %scan3A_244 : i32 to index
            %get3A_286 = arith.constant 32 : index
            %get3A_287 = tpu.vector_load %arg16[%get3A_285, %get3A_286] {strides = array<i32>} : memref<64x144xf32, #tpu.memory_space<vmem>>, vector<1x16xf32>,
            %get3A_288 = vector.shape_cast %get3A_287 : vector<1x16xf32> to vector<16xf32>
            %mul3A_289 = arith.mulf %get3A_288, %mul3A_260 : vector<16xf32>
            %swap3A_290 = arith.index_cast %scan3A_244 : i32 to index
            %swap3A_291 = arith.constant 32 : index
            %swap3A_292 = tpu.vector_load %arg16[%swap3A_290, %swap3A_291] {strides = array<i32>} : memref<64x144xf32, #tpu.memory_space<vmem>>, vector<1x16xf32>,
            %swap3A_293 = vector.shape_cast %swap3A_292 : vector<1x16xf32> to vector<16xf32>
            %swap3A_294 = vector.shape_cast %mul3A_289 : vector<16xf32> to vector<1x16xf32>
            tpu.vector_store %arg16[%swap3A_290, %swap3A_291], %swap3A_294 {strides = array<i32>} : memref<64x144xf32, #tpu.memory_space<vmem>>, vector<1x16xf32>,
            %get3A_295 = arith.index_cast %scan3A_244 : i32 to index
            %get3A_296 = arith.constant 48 : index
            %get3A_297 = tpu.vector_load %arg16[%get3A_295, %get3A_296] {strides = array<i32>} : memref<64x144xf32, #tpu.memory_space<vmem>>, vector<1x16xf32>,
            %get3A_298 = vector.shape_cast %get3A_297 : vector<1x16xf32> to vector<16xf32>
            %mul3A_299 = arith.mulf %get3A_298, %mul3A_260 : vector<16xf32>
            %swap3A_300 = arith.index_cast %scan3A_244 : i32 to index
            %swap3A_301 = arith.constant 48 : index
            %swap3A_302 = tpu.vector_load %arg16[%swap3A_300, %swap3A_301] {strides = array<i32>} : memref<64x144xf32, #tpu.memory_space<vmem>>, vector<1x16xf32>,
            %swap3A_303 = vector.shape_cast %swap3A_302 : vector<1x16xf32> to vector<16xf32>
            %swap3A_304 = vector.shape_cast %mul3A_299 : vector<16xf32> to vector<1x16xf32>
            tpu.vector_store %arg16[%swap3A_300, %swap3A_301], %swap3A_304 {strides = array<i32>} : memref<64x144xf32, #tpu.memory_space<vmem>>, vector<1x16xf32>,
            %get3A_305 = arith.index_cast %scan3A_244 : i32 to index
            %get3A_306 = arith.constant 64 : index
            %get3A_307 = tpu.vector_load %arg16[%get3A_305, %get3A_306] {strides = array<i32>} : memref<64x144xf32, #tpu.memory_space<vmem>>, vector<1x16xf32>,
            %get3A_308 = vector.shape_cast %get3A_307 : vector<1x16xf32> to vector<16xf32>
            %mul3A_309 = arith.mulf %get3A_308, %mul3A_260 : vector<16xf32>
            %swap3A_310 = arith.index_cast %scan3A_244 : i32 to index
            %swap3A_311 = arith.constant 64 : index
            %swap3A_312 = tpu.vector_load %arg16[%swap3A_310, %swap3A_311] {strides = array<i32>} : memref<64x144xf32, #tpu.memory_space<vmem>>, vector<1x16xf32>,
            %swap3A_313 = vector.shape_cast %swap3A_312 : vector<1x16xf32> to vector<16xf32>
            %swap3A_314 = vector.shape_cast %mul3A_309 : vector<16xf32> to vector<1x16xf32>
            tpu.vector_store %arg16[%swap3A_310, %swap3A_311], %swap3A_314 {strides = array<i32>} : memref<64x144xf32, #tpu.memory_space<vmem>>, vector<1x16xf32>,
            %get3A_315 = arith.index_cast %scan3A_244 : i32 to index
            %get3A_316 = arith.constant 80 : index
            %get3A_317 = tpu.vector_load %arg16[%get3A_315, %get3A_316] {strides = array<i32>} : memref<64x144xf32, #tpu.memory_space<vmem>>, vector<1x16xf32>,
            %get3A_318 = vector.shape_cast %get3A_317 : vector<1x16xf32> to vector<16xf32>
            %mul3A_319 = arith.mulf %get3A_318, %mul3A_260 : vector<16xf32>
            %swap3A_320 = arith.index_cast %scan3A_244 : i32 to index
            %swap3A_321 = arith.constant 80 : index
            %swap3A_322 = tpu.vector_load %arg16[%swap3A_320, %swap3A_321] {strides = array<i32>} : memref<64x144xf32, #tpu.memory_space<vmem>>, vector<1x16xf32>,
            %swap3A_323 = vector.shape_cast %swap3A_322 : vector<1x16xf32> to vector<16xf32>
            %swap3A_324 = vector.shape_cast %mul3A_319 : vector<16xf32> to vector<1x16xf32>
            tpu.vector_store %arg16[%swap3A_320, %swap3A_321], %swap3A_324 {strides = array<i32>} : memref<64x144xf32, #tpu.memory_space<vmem>>, vector<1x16xf32>,
            %get3A_325 = arith.index_cast %scan3A_244 : i32 to index
            %get3A_326 = arith.constant 96 : index
            %get3A_327 = tpu.vector_load %arg16[%get3A_325, %get3A_326] {strides = array<i32>} : memref<64x144xf32, #tpu.memory_space<vmem>>, vector<1x16xf32>,
            %get3A_328 = vector.shape_cast %get3A_327 : vector<1x16xf32> to vector<16xf32>
            %mul3A_329 = arith.mulf %get3A_328, %mul3A_260 : vector<16xf32>
            %swap3A_330 = arith.index_cast %scan3A_244 : i32 to index
            %swap3A_331 = arith.constant 96 : index
            %swap3A_332 = tpu.vector_load %arg16[%swap3A_330, %swap3A_331] {strides = array<i32>} : memref<64x144xf32, #tpu.memory_space<vmem>>, vector<1x16xf32>,
            %swap3A_333 = vector.shape_cast %swap3A_332 : vector<1x16xf32> to vector<16xf32>
            %swap3A_334 = vector.shape_cast %mul3A_329 : vector<16xf32> to vector<1x16xf32>
            tpu.vector_store %arg16[%swap3A_330, %swap3A_331], %swap3A_334 {strides = array<i32>} : memref<64x144xf32, #tpu.memory_space<vmem>>, vector<1x16xf32>,
            %get3A_335 = arith.index_cast %scan3A_244 : i32 to index
            %get3A_336 = arith.constant 112 : index
            %get3A_337 = tpu.vector_load %arg16[%get3A_335, %get3A_336] {strides = array<i32>} : memref<64x144xf32, #tpu.memory_space<vmem>>, vector<1x16xf32>,
            %get3A_338 = vector.shape_cast %get3A_337 : vector<1x16xf32> to vector<16xf32>
            %mul3A_339 = arith.mulf %get3A_338, %mul3A_260 : vector<16xf32>
            %swap3A_340 = arith.index_cast %scan3A_244 : i32 to index
            %swap3A_341 = arith.constant 112 : index
            %swap3A_342 = tpu.vector_load %arg16[%swap3A_340, %swap3A_341] {strides = array<i32>} : memref<64x144xf32, #tpu.memory_space<vmem>>, vector<1x16xf32>,
            %swap3A_343 = vector.shape_cast %swap3A_342 : vector<1x16xf32> to vector<16xf32>
            %swap3A_344 = vector.shape_cast %mul3A_339 : vector<16xf32> to vector<1x16xf32>
            tpu.vector_store %arg16[%swap3A_340, %swap3A_341], %swap3A_344 {strides = array<i32>} : memref<64x144xf32, #tpu.memory_space<vmem>>, vector<1x16xf32>,
          }
          %scan3A_243 = arith.constant 64 : i32
        } else {
        }
        %dma_start3A_217 = arith.constant 2 : i32
        %dma_start3A_218 = arith.constant 0 : i32
        %dma_start3A_219 = tpu.memref_slice %arg8[%dma_start3A_217, %dma_start3A_218] : memref<3x64xi32, #tpu.memory_space<vmem>> -> memref<1x64xi32, #tpu.memory_space<vmem>>
        %dma_start3A_220 = tpu.memref_squeeze %dma_start3A_219 : memref<1x64xi32, #tpu.memory_space<vmem>> -> memref<64xi32, #tpu.memory_space<vmem>>
        %dma_start3A_221 = arith.constant 0 : i32
        %dma_start3A_222 = arith.constant 0 : i32
        %dma_start3A_223 = tpu.memref_slice %arg6[%dma_start3A_221, %dma_start3A_222] : memref<10240x144xf32, #tpu.memory_space<vmem_shared>> -> memref<10240x144xf32, #tpu.memory_space<vmem_shared>>
        tpu.enqueue_indirect_dma source(%arg16 : memref<64x144xf32, #tpu.memory_space<vmem>>) target(%dma_start3A_223 : memref<10240x144xf32, #tpu.memory_space<vmem_shared>>) offsets(%dma_start3A_220 : memref<64xi32, #tpu.memory_space<vmem>>) semaphore(%arg23 : memref<!tpu.dma_semaphore, #tpu.memory_space<semaphore_mem>>) {add = true}
        %add3A_224 = arith.constant 2 : i32
        %add3A_225 = arith.addi %add3A_154, %add3A_224 : i32
        %lt3A_226 = arith.constant 158 : i32
        %lt3A_227 = arith.cmpi slt, %add3A_225, %lt3A_226 : i32
        %convert_element_type3A_228 = arith.extui %lt3A_227 : i1 to i32
        %cond3A_229 = arith.constant 0 : i32
        %cond3A_230 = arith.cmpi ne, %convert_element_type3A_228, %cond3A_229 : i32
        scf.if %cond3A_230 {
          %add3A_238 = arith.constant 2 : i32
          %add3A_239 = arith.addi %add3A_154, %add3A_238 : i32
          %ge3A_240 = arith.constant 1 : i32
          %ge3A_241 = arith.cmpi sge, %add3A_154, %ge3A_240 : i32
          %dma_wait3A_242 = arith.constant 0 : i32
          %dma_wait3A_243 = arith.constant 0 : i32
          %dma_wait3A_244 = arith.constant 0 : i32
          %dma_wait3A_245 = tpu.memref_slice %arg2[%add3A, %dma_wait3A_242, %dma_wait3A_243, %dma_wait3A_244] : memref<32x158x3x64xi32, #tpu.memory_space<hbm>> -> memref<1x1x3x64xi32, #tpu.memory_space<hbm>>
          %dma_wait3A_246 = tpu.memref_squeeze %dma_wait3A_245 : memref<1x1x3x64xi32, #tpu.memory_space<hbm>> -> memref<3x64xi32, #tpu.memory_space<hbm>>
          %dma_wait3A_247 = arith.constant 0 : i32
          %dma_wait3A_248 = arith.constant 0 : i32
          %dma_wait3A_249 = tpu.memref_slice %arg2[%add3A, %dma_wait3A_242, %dma_wait3A_247, %dma_wait3A_248] : memref<32x158x3x64xi32, #tpu.memory_space<hbm>> -> memref<1x1x3x64xi32, #tpu.memory_space<hbm>>
          %dma_wait3A_250 = tpu.memref_squeeze %dma_wait3A_249 : memref<1x1x3x64xi32, #tpu.memory_space<hbm>> -> memref<3x64xi32, #tpu.memory_space<hbm>>
          tpu.wait_dma2 semaphore(%arg28 : memref<!tpu.dma_semaphore, #tpu.memory_space<semaphore_mem>>) src(%dma_wait3A_250 : memref<3x64xi32, #tpu.memory_space<hbm>>) dst(%arg10 : memref<3x64xi32, #tpu.memory_space<vmem>>)
          %convert_element_type3A_251 = arith.extui %ge3A_241 : i1 to i32
          %cond3A_252 = arith.constant 0 : i32
          %cond3A_253 = arith.cmpi ne, %convert_element_type3A_251, %cond3A_252 : i32
          scf.if %cond3A_253 {
            %dma_wait3A_268 = arith.constant 2 : i32
            %dma_wait3A_269 = arith.constant 0 : i32
            %dma_wait3A_270 = tpu.memref_slice %arg10[%dma_wait3A_268, %dma_wait3A_269] : memref<3x64xi32, #tpu.memory_space<vmem>> -> memref<1x64xi32, #tpu.memory_space<vmem>>
            %dma_wait3A_271 = tpu.memref_squeeze %dma_wait3A_270 : memref<1x64xi32, #tpu.memory_space<vmem>> -> memref<64xi32, #tpu.memory_space<vmem>>
            %dma_wait3A_272 = arith.constant 0 : i32
            %dma_wait3A_273 = arith.constant 0 : i32
            %dma_wait3A_274 = tpu.memref_slice %arg6[%dma_wait3A_272, %dma_wait3A_273] : memref<10240x144xf32, #tpu.memory_space<vmem_shared>> -> memref<10240x144xf32, #tpu.memory_space<vmem_shared>>
            tpu.wait_indirect_dma semaphore(%arg22 : memref<!tpu.dma_semaphore, #tpu.memory_space<semaphore_mem>>) src(%arg14 : memref<64x144xf32, #tpu.memory_space<vmem>>) dst(%dma_wait3A_274 : memref<10240x144xf32, #tpu.memory_space<vmem_shared>>)
          } else {
          }
          %dma_start3A_254 = arith.constant 0 : i32
          %dma_start3A_255 = arith.constant 0 : i32
          %dma_start3A_256 = tpu.memref_slice %arg10[%dma_start3A_254, %dma_start3A_255] : memref<3x64xi32, #tpu.memory_space<vmem>> -> memref<1x64xi32, #tpu.memory_space<vmem>>
          %dma_start3A_257 = tpu.memref_squeeze %dma_start3A_256 : memref<1x64xi32, #tpu.memory_space<vmem>> -> memref<64xi32, #tpu.memory_space<vmem>>
          %dma_start3A_258 = arith.constant 0 : i32
          %dma_start3A_259 = arith.constant 0 : i32
          %dma_start3A_260 = tpu.memref_slice %arg3[%dma_start3A_258, %dma_start3A_259] : memref<80000x16xf32, #tpu.memory_space<hbm>> -> memref<80000x16xf32, #tpu.memory_space<hbm>>
          tpu.enqueue_indirect_dma source(%dma_start3A_260 : memref<80000x16xf32, #tpu.memory_space<hbm>>) target(%arg13 : memref<64x16xf32, #tpu.memory_space<vmem>>) offsets(%dma_start3A_257 : memref<64xi32, #tpu.memory_space<vmem>>) semaphore(%arg19 : memref<!tpu.dma_semaphore, #tpu.memory_space<semaphore_mem>>)
          %dma_start3A_261 = arith.constant 1 : i32
          %dma_start3A_262 = arith.constant 0 : i32
          %dma_start3A_263 = tpu.memref_slice %arg10[%dma_start3A_261, %dma_start3A_262] : memref<3x64xi32, #tpu.memory_space<vmem>> -> memref<1x64xi32, #tpu.memory_space<vmem>>
          %dma_start3A_264 = tpu.memref_squeeze %dma_start3A_263 : memref<1x64xi32, #tpu.memory_space<vmem>> -> memref<64xi32, #tpu.memory_space<vmem>>
          %dma_start3A_265 = arith.constant 0 : i32
          %dma_start3A_266 = arith.constant 0 : i32
          %dma_start3A_267 = tpu.memref_slice %arg4[%dma_start3A_265, %dma_start3A_266] : memref<80000x144xf32, #tpu.memory_space<hbm>> -> memref<80000x144xf32, #tpu.memory_space<hbm>>
          tpu.enqueue_indirect_dma source(%dma_start3A_267 : memref<80000x144xf32, #tpu.memory_space<hbm>>) target(%arg14 : memref<64x144xf32, #tpu.memory_space<vmem>>) offsets(%dma_start3A_264 : memref<64xi32, #tpu.memory_space<vmem>>) semaphore(%arg19 : memref<!tpu.dma_semaphore, #tpu.memory_space<semaphore_mem>>)
        } else {
        }
        %add3A_231 = arith.constant 5 : i32
        %add3A_232 = arith.addi %add3A_154, %add3A_231 : i32
        %lt3A_233 = arith.constant 158 : i32
        %lt3A_234 = arith.cmpi slt, %add3A_232, %lt3A_233 : i32
        %convert_element_type3A_235 = arith.extui %lt3A_234 : i1 to i32
        %cond3A_236 = arith.constant 0 : i32
        %cond3A_237 = arith.cmpi ne, %convert_element_type3A_235, %cond3A_236 : i32
        scf.if %cond3A_237 {
          %add3A_238 = arith.constant 5 : i32
          %add3A_239 = arith.addi %add3A_154, %add3A_238 : i32
          %dma_start3A_240 = arith.constant 0 : i32
          %dma_start3A_241 = arith.constant 0 : i32
          %dma_start3A_242 = tpu.memref_slice %arg2[%add3A, %add3A_239, %dma_start3A_240, %dma_start3A_241] : memref<32x158x3x64xi32, #tpu.memory_space<hbm>> -> memref<1x1x3x64xi32, #tpu.memory_space<hbm>>
          %dma_start3A_243 = tpu.memref_squeeze %dma_start3A_242 : memref<1x1x3x64xi32, #tpu.memory_space<hbm>> -> memref<3x64xi32, #tpu.memory_space<hbm>>
          %dma_start3A_244 = arith.constant 0 : i32
          %dma_start3A_245 = arith.constant 0 : i32
          %dma_start3A_246 = tpu.memref_slice %arg2[%add3A, %add3A_239, %dma_start3A_244, %dma_start3A_245] : memref<32x158x3x64xi32, #tpu.memory_space<hbm>> -> memref<1x1x3x64xi32, #tpu.memory_space<hbm>>
          %dma_start3A_247 = tpu.memref_squeeze %dma_start3A_246 : memref<1x1x3x64xi32, #tpu.memory_space<hbm>> -> memref<3x64xi32, #tpu.memory_space<hbm>>
          tpu.enqueue_dma source(%dma_start3A_247 : memref<3x64xi32, #tpu.memory_space<hbm>>) target(%arg7 : memref<3x64xi32, #tpu.memory_space<vmem>>) target_semaphore(%arg25 : memref<!tpu.dma_semaphore, #tpu.memory_space<semaphore_mem>>)
        } else {
        }
      } else {
      }
      %add3A_160 = arith.constant 2 : i32
      %add3A_161 = arith.addi %mul3A_148, %add3A_160 : i32
      %lt3A_162 = arith.constant 158 : i32
      %lt3A_163 = arith.cmpi slt, %add3A_161, %lt3A_162 : i32
      %convert_element_type3A_164 = arith.extui %lt3A_163 : i1 to i32
      %cond3A_165 = arith.constant 0 : i32
      %cond3A_166 = arith.cmpi ne, %convert_element_type3A_164, %cond3A_165 : i32
      scf.if %cond3A_166 {
        %dma_wait3A_188 = arith.constant 0 : i32
        %dma_wait3A_189 = arith.constant 0 : i32
        %dma_wait3A_190 = tpu.memref_slice %arg9[%dma_wait3A_188, %dma_wait3A_189] : memref<3x64xi32, #tpu.memory_space<vmem>> -> memref<1x64xi32, #tpu.memory_space<vmem>>
        %dma_wait3A_191 = tpu.memref_squeeze %dma_wait3A_190 : memref<1x64xi32, #tpu.memory_space<vmem>> -> memref<64xi32, #tpu.memory_space<vmem>>
        %dma_wait3A_192 = arith.constant 0 : i32
        %dma_wait3A_193 = arith.constant 0 : i32
        %dma_wait3A_194 = tpu.memref_slice %arg3[%dma_wait3A_192, %dma_wait3A_193] : memref<80000x16xf32, #tpu.memory_space<hbm>> -> memref<80000x16xf32, #tpu.memory_space<hbm>>
        tpu.wait_indirect_dma semaphore(%arg21 : memref<!tpu.dma_semaphore, #tpu.memory_space<semaphore_mem>>) src(%dma_wait3A_194 : memref<80000x16xf32, #tpu.memory_space<hbm>>) dst(%arg17 : memref<64x16xf32, #tpu.memory_space<vmem>>)
        %dma_wait3A_195 = arith.constant 1 : i32
        %dma_wait3A_196 = arith.constant 0 : i32
        %dma_wait3A_197 = tpu.memref_slice %arg9[%dma_wait3A_195, %dma_wait3A_196] : memref<3x64xi32, #tpu.memory_space<vmem>> -> memref<1x64xi32, #tpu.memory_space<vmem>>
        %dma_wait3A_198 = tpu.memref_squeeze %dma_wait3A_197 : memref<1x64xi32, #tpu.memory_space<vmem>> -> memref<64xi32, #tpu.memory_space<vmem>>
        %dma_wait3A_199 = arith.constant 0 : i32
        %dma_wait3A_200 = arith.constant 0 : i32
        %dma_wait3A_201 = tpu.memref_slice %arg4[%dma_wait3A_199, %dma_wait3A_200] : memref<80000x144xf32, #tpu.memory_space<hbm>> -> memref<80000x144xf32, #tpu.memory_space<hbm>>
        tpu.wait_indirect_dma semaphore(%arg21 : memref<!tpu.dma_semaphore, #tpu.memory_space<semaphore_mem>>) src(%dma_wait3A_201 : memref<80000x144xf32, #tpu.memory_space<hbm>>) dst(%arg18 : memref<64x144xf32, #tpu.memory_space<vmem>>)
        %mul3A_202 = arith.constant 10112 : i32
        %mul3A_203 = arith.muli %add3A, %mul3A_202 : i32
        %mul3A_204 = arith.constant 64 : i32
        %mul3A_205 = arith.muli %add3A_161, %mul3A_204 : i32
        %add3A_206 = arith.addi %mul3A_203, %mul3A_205 : i32
        %sub3A = arith.constant 320000 : i32
        %sub3A_207 = arith.subi %sub3A, %add3A_206 : i32
        %ge3A = arith.constant 64 : i32
        %ge3A_208 = arith.cmpi sge, %sub3A_207, %ge3A : i32
        %convert_element_type3A_209 = arith.extui %ge3A_208 : i1 to i32
        %cond3A_210 = arith.constant 0 : i32
        %cond3A_211 = arith.cmpi ne, %convert_element_type3A_209, %cond3A_210 : i32
        scf.if %cond3A_211 {
          %scan3A_238 = arith.constant 0 : i32
          %scan3A_239 = arith.constant 0 : i32
          %scan3A_240 = arith.constant 64 : i32
          %scan3A_241 = arith.addi %scan3A_239, %scan3A_240 : i32
          %scan3A_242 = arith.constant 1 : i32
          scf.for %scan3A_244 = %scan3A_239 to %scan3A_241 step %scan3A_242  : i32 {
            %get3A = arith.index_cast %scan3A_244 : i32 to index
            %get3A_245 = arith.constant 0 : index
            %get3A_246 = tpu.vector_load %arg17[%get3A, %get3A_245] {strides = array<i32>} : memref<64x16xf32, #tpu.memory_space<vmem>>, vector<1x16xf32>,
            %get3A_247 = vector.shape_cast %get3A_246 : vector<1x16xf32> to vector<16xf32>
            %get3A_248 = arith.index_cast %scan3A_244 : i32 to index
            %get3A_249 = arith.constant 128 : index
            %get3A_250 = tpu.vector_load %arg18[%get3A_248, %get3A_249] {strides = array<i32>} : memref<64x144xf32, #tpu.memory_space<vmem>>, vector<1x16xf32>,
            %get3A_251 = vector.shape_cast %get3A_250 : vector<1x16xf32> to vector<16xf32>
            %add3A_252 = arith.addf %get3A_247, %get3A_251 : vector<16xf32>
            %mul3A_253 = arith.constant 2.000000e-01 : f32
            %mul3A_254 = vector.broadcast %mul3A_253 : f32 to vector<16xf32>
            %mul3A_255 = arith.mulf %add3A_252, %mul3A_254 : vector<16xf32>
            %max3A = arith.maximumf %add3A_252, %mul3A_255 : vector<16xf32>
            %exp3A = math.exp %max3A : vector<16xf32>
            %swap3A = arith.index_cast %scan3A_244 : i32 to index
            %swap3A_256 = arith.constant 128 : index
            %swap3A_257 = tpu.vector_load %arg18[%swap3A, %swap3A_256] {strides = array<i32>} : memref<64x144xf32, #tpu.memory_space<vmem>>, vector<1x16xf32>,
            %swap3A_258 = vector.shape_cast %swap3A_257 : vector<1x16xf32> to vector<16xf32>
            %swap3A_259 = vector.shape_cast %exp3A : vector<16xf32> to vector<1x16xf32>
            tpu.vector_store %arg18[%swap3A, %swap3A_256], %swap3A_259 {strides = array<i32>} : memref<64x144xf32, #tpu.memory_space<vmem>>, vector<1x16xf32>,
            %get3A_260 = arith.index_cast %scan3A_244 : i32 to index
            %get3A_261 = arith.constant 0 : index
            %get3A_262 = tpu.vector_load %arg18[%get3A_260, %get3A_261] {strides = array<i32>} : memref<64x144xf32, #tpu.memory_space<vmem>>, vector<1x16xf32>,
            %get3A_263 = vector.shape_cast %get3A_262 : vector<1x16xf32> to vector<16xf32>
            %mul3A_264 = arith.mulf %get3A_263, %exp3A : vector<16xf32>
            %swap3A_265 = arith.index_cast %scan3A_244 : i32 to index
            %swap3A_266 = arith.constant 0 : index
            %swap3A_267 = tpu.vector_load %arg18[%swap3A_265, %swap3A_266] {strides = array<i32>} : memref<64x144xf32, #tpu.memory_space<vmem>>, vector<1x16xf32>,
            %swap3A_268 = vector.shape_cast %swap3A_267 : vector<1x16xf32> to vector<16xf32>
            %swap3A_269 = vector.shape_cast %mul3A_264 : vector<16xf32> to vector<1x16xf32>
            tpu.vector_store %arg18[%swap3A_265, %swap3A_266], %swap3A_269 {strides = array<i32>} : memref<64x144xf32, #tpu.memory_space<vmem>>, vector<1x16xf32>,
            %get3A_270 = arith.index_cast %scan3A_244 : i32 to index
            %get3A_271 = arith.constant 16 : index
            %get3A_272 = tpu.vector_load %arg18[%get3A_270, %get3A_271] {strides = array<i32>} : memref<64x144xf32, #tpu.memory_space<vmem>>, vector<1x16xf32>,
            %get3A_273 = vector.shape_cast %get3A_272 : vector<1x16xf32> to vector<16xf32>
            %mul3A_274 = arith.mulf %get3A_273, %exp3A : vector<16xf32>
            %swap3A_275 = arith.index_cast %scan3A_244 : i32 to index
            %swap3A_276 = arith.constant 16 : index
            %swap3A_277 = tpu.vector_load %arg18[%swap3A_275, %swap3A_276] {strides = array<i32>} : memref<64x144xf32, #tpu.memory_space<vmem>>, vector<1x16xf32>,
            %swap3A_278 = vector.shape_cast %swap3A_277 : vector<1x16xf32> to vector<16xf32>
            %swap3A_279 = vector.shape_cast %mul3A_274 : vector<16xf32> to vector<1x16xf32>
            tpu.vector_store %arg18[%swap3A_275, %swap3A_276], %swap3A_279 {strides = array<i32>} : memref<64x144xf32, #tpu.memory_space<vmem>>, vector<1x16xf32>,
            %get3A_280 = arith.index_cast %scan3A_244 : i32 to index
            %get3A_281 = arith.constant 32 : index
            %get3A_282 = tpu.vector_load %arg18[%get3A_280, %get3A_281] {strides = array<i32>} : memref<64x144xf32, #tpu.memory_space<vmem>>, vector<1x16xf32>,
            %get3A_283 = vector.shape_cast %get3A_282 : vector<1x16xf32> to vector<16xf32>
            %mul3A_284 = arith.mulf %get3A_283, %exp3A : vector<16xf32>
            %swap3A_285 = arith.index_cast %scan3A_244 : i32 to index
            %swap3A_286 = arith.constant 32 : index
            %swap3A_287 = tpu.vector_load %arg18[%swap3A_285, %swap3A_286] {strides = array<i32>} : memref<64x144xf32, #tpu.memory_space<vmem>>, vector<1x16xf32>,
            %swap3A_288 = vector.shape_cast %swap3A_287 : vector<1x16xf32> to vector<16xf32>
            %swap3A_289 = vector.shape_cast %mul3A_284 : vector<16xf32> to vector<1x16xf32>
            tpu.vector_store %arg18[%swap3A_285, %swap3A_286], %swap3A_289 {strides = array<i32>} : memref<64x144xf32, #tpu.memory_space<vmem>>, vector<1x16xf32>,
            %get3A_290 = arith.index_cast %scan3A_244 : i32 to index
            %get3A_291 = arith.constant 48 : index
            %get3A_292 = tpu.vector_load %arg18[%get3A_290, %get3A_291] {strides = array<i32>} : memref<64x144xf32, #tpu.memory_space<vmem>>, vector<1x16xf32>,
            %get3A_293 = vector.shape_cast %get3A_292 : vector<1x16xf32> to vector<16xf32>
            %mul3A_294 = arith.mulf %get3A_293, %exp3A : vector<16xf32>
            %swap3A_295 = arith.index_cast %scan3A_244 : i32 to index
            %swap3A_296 = arith.constant 48 : index
            %swap3A_297 = tpu.vector_load %arg18[%swap3A_295, %swap3A_296] {strides = array<i32>} : memref<64x144xf32, #tpu.memory_space<vmem>>, vector<1x16xf32>,
            %swap3A_298 = vector.shape_cast %swap3A_297 : vector<1x16xf32> to vector<16xf32>
            %swap3A_299 = vector.shape_cast %mul3A_294 : vector<16xf32> to vector<1x16xf32>
            tpu.vector_store %arg18[%swap3A_295, %swap3A_296], %swap3A_299 {strides = array<i32>} : memref<64x144xf32, #tpu.memory_space<vmem>>, vector<1x16xf32>,
            %get3A_300 = arith.index_cast %scan3A_244 : i32 to index
            %get3A_301 = arith.constant 64 : index
            %get3A_302 = tpu.vector_load %arg18[%get3A_300, %get3A_301] {strides = array<i32>} : memref<64x144xf32, #tpu.memory_space<vmem>>, vector<1x16xf32>,
            %get3A_303 = vector.shape_cast %get3A_302 : vector<1x16xf32> to vector<16xf32>
            %mul3A_304 = arith.mulf %get3A_303, %exp3A : vector<16xf32>
            %swap3A_305 = arith.index_cast %scan3A_244 : i32 to index
            %swap3A_306 = arith.constant 64 : index
            %swap3A_307 = tpu.vector_load %arg18[%swap3A_305, %swap3A_306] {strides = array<i32>} : memref<64x144xf32, #tpu.memory_space<vmem>>, vector<1x16xf32>,
            %swap3A_308 = vector.shape_cast %swap3A_307 : vector<1x16xf32> to vector<16xf32>
            %swap3A_309 = vector.shape_cast %mul3A_304 : vector<16xf32> to vector<1x16xf32>
            tpu.vector_store %arg18[%swap3A_305, %swap3A_306], %swap3A_309 {strides = array<i32>} : memref<64x144xf32, #tpu.memory_space<vmem>>, vector<1x16xf32>,
            %get3A_310 = arith.index_cast %scan3A_244 : i32 to index
            %get3A_311 = arith.constant 80 : index
            %get3A_312 = tpu.vector_load %arg18[%get3A_310, %get3A_311] {strides = array<i32>} : memref<64x144xf32, #tpu.memory_space<vmem>>, vector<1x16xf32>,
            %get3A_313 = vector.shape_cast %get3A_312 : vector<1x16xf32> to vector<16xf32>
            %mul3A_314 = arith.mulf %get3A_313, %exp3A : vector<16xf32>
            %swap3A_315 = arith.index_cast %scan3A_244 : i32 to index
            %swap3A_316 = arith.constant 80 : index
            %swap3A_317 = tpu.vector_load %arg18[%swap3A_315, %swap3A_316] {strides = array<i32>} : memref<64x144xf32, #tpu.memory_space<vmem>>, vector<1x16xf32>,
            %swap3A_318 = vector.shape_cast %swap3A_317 : vector<1x16xf32> to vector<16xf32>
            %swap3A_319 = vector.shape_cast %mul3A_314 : vector<16xf32> to vector<1x16xf32>
            tpu.vector_store %arg18[%swap3A_315, %swap3A_316], %swap3A_319 {strides = array<i32>} : memref<64x144xf32, #tpu.memory_space<vmem>>, vector<1x16xf32>,
            %get3A_320 = arith.index_cast %scan3A_244 : i32 to index
            %get3A_321 = arith.constant 96 : index
            %get3A_322 = tpu.vector_load %arg18[%get3A_320, %get3A_321] {strides = array<i32>} : memref<64x144xf32, #tpu.memory_space<vmem>>, vector<1x16xf32>,
            %get3A_323 = vector.shape_cast %get3A_322 : vector<1x16xf32> to vector<16xf32>
            %mul3A_324 = arith.mulf %get3A_323, %exp3A : vector<16xf32>
            %swap3A_325 = arith.index_cast %scan3A_244 : i32 to index
            %swap3A_326 = arith.constant 96 : index
            %swap3A_327 = tpu.vector_load %arg18[%swap3A_325, %swap3A_326] {strides = array<i32>} : memref<64x144xf32, #tpu.memory_space<vmem>>, vector<1x16xf32>,
            %swap3A_328 = vector.shape_cast %swap3A_327 : vector<1x16xf32> to vector<16xf32>
            %swap3A_329 = vector.shape_cast %mul3A_324 : vector<16xf32> to vector<1x16xf32>
            tpu.vector_store %arg18[%swap3A_325, %swap3A_326], %swap3A_329 {strides = array<i32>} : memref<64x144xf32, #tpu.memory_space<vmem>>, vector<1x16xf32>,
            %get3A_330 = arith.index_cast %scan3A_244 : i32 to index
            %get3A_331 = arith.constant 112 : index
            %get3A_332 = tpu.vector_load %arg18[%get3A_330, %get3A_331] {strides = array<i32>} : memref<64x144xf32, #tpu.memory_space<vmem>>, vector<1x16xf32>,
            %get3A_333 = vector.shape_cast %get3A_332 : vector<1x16xf32> to vector<16xf32>
            %mul3A_334 = arith.mulf %get3A_333, %exp3A : vector<16xf32>
            %swap3A_335 = arith.index_cast %scan3A_244 : i32 to index
            %swap3A_336 = arith.constant 112 : index
            %swap3A_337 = tpu.vector_load %arg18[%swap3A_335, %swap3A_336] {strides = array<i32>} : memref<64x144xf32, #tpu.memory_space<vmem>>, vector<1x16xf32>,
            %swap3A_338 = vector.shape_cast %swap3A_337 : vector<1x16xf32> to vector<16xf32>
            %swap3A_339 = vector.shape_cast %mul3A_334 : vector<16xf32> to vector<1x16xf32>
            tpu.vector_store %arg18[%swap3A_335, %swap3A_336], %swap3A_339 {strides = array<i32>} : memref<64x144xf32, #tpu.memory_space<vmem>>, vector<1x16xf32>,
          }
          %scan3A_243 = arith.constant 64 : i32
        } else {
        }
        %lt3A_212 = arith.constant 64 : i32
        %lt3A_213 = arith.cmpi slt, %sub3A_207, %lt3A_212 : i32
        %convert_element_type3A_214 = arith.extui %lt3A_213 : i1 to i32
        %cond3A_215 = arith.constant 0 : i32
        %cond3A_216 = arith.cmpi ne, %convert_element_type3A_214, %cond3A_215 : i32
        scf.if %cond3A_216 {
          %scan3A_238 = arith.constant 0 : i32
          %scan3A_239 = arith.constant 0 : i32
          %scan3A_240 = arith.constant 64 : i32
          %scan3A_241 = arith.addi %scan3A_239, %scan3A_240 : i32
          %scan3A_242 = arith.constant 1 : i32
          scf.for %scan3A_244 = %scan3A_239 to %scan3A_241 step %scan3A_242  : i32 {
            %get3A = arith.index_cast %scan3A_244 : i32 to index
            %get3A_245 = arith.constant 0 : index
            %get3A_246 = tpu.vector_load %arg17[%get3A, %get3A_245] {strides = array<i32>} : memref<64x16xf32, #tpu.memory_space<vmem>>, vector<1x16xf32>,
            %get3A_247 = vector.shape_cast %get3A_246 : vector<1x16xf32> to vector<16xf32>
            %get3A_248 = arith.index_cast %scan3A_244 : i32 to index
            %get3A_249 = arith.constant 128 : index
            %get3A_250 = tpu.vector_load %arg18[%get3A_248, %get3A_249] {strides = array<i32>} : memref<64x144xf32, #tpu.memory_space<vmem>>, vector<1x16xf32>,
            %get3A_251 = vector.shape_cast %get3A_250 : vector<1x16xf32> to vector<16xf32>
            %add3A_252 = arith.addf %get3A_247, %get3A_251 : vector<16xf32>
            %lt3A_253 = arith.cmpi slt, %scan3A_244, %sub3A_207 : i32
            %convert_element_type3A_254 = arith.extui %lt3A_253 : i1 to i32
            %convert_element_type3A_255 = arith.sitofp %convert_element_type3A_254 : i32 to f32
            %mul3A_256 = arith.constant 2.000000e-01 : f32
            %mul3A_257 = vector.broadcast %mul3A_256 : f32 to vector<16xf32>
            %mul3A_258 = arith.mulf %add3A_252, %mul3A_257 : vector<16xf32>
            %max3A = arith.maximumf %add3A_252, %mul3A_258 : vector<16xf32>
            %exp3A = math.exp %max3A : vector<16xf32>
            %mul3A_259 = vector.broadcast %convert_element_type3A_255 : f32 to vector<16xf32>
            %mul3A_260 = arith.mulf %exp3A, %mul3A_259 : vector<16xf32>
            %swap3A = arith.index_cast %scan3A_244 : i32 to index
            %swap3A_261 = arith.constant 128 : index
            %swap3A_262 = tpu.vector_load %arg18[%swap3A, %swap3A_261] {strides = array<i32>} : memref<64x144xf32, #tpu.memory_space<vmem>>, vector<1x16xf32>,
            %swap3A_263 = vector.shape_cast %swap3A_262 : vector<1x16xf32> to vector<16xf32>
            %swap3A_264 = vector.shape_cast %mul3A_260 : vector<16xf32> to vector<1x16xf32>
            tpu.vector_store %arg18[%swap3A, %swap3A_261], %swap3A_264 {strides = array<i32>} : memref<64x144xf32, #tpu.memory_space<vmem>>, vector<1x16xf32>,
            %get3A_265 = arith.index_cast %scan3A_244 : i32 to index
            %get3A_266 = arith.constant 0 : index
            %get3A_267 = tpu.vector_load %arg18[%get3A_265, %get3A_266] {strides = array<i32>} : memref<64x144xf32, #tpu.memory_space<vmem>>, vector<1x16xf32>,
            %get3A_268 = vector.shape_cast %get3A_267 : vector<1x16xf32> to vector<16xf32>
            %mul3A_269 = arith.mulf %get3A_268, %mul3A_260 : vector<16xf32>
            %swap3A_270 = arith.index_cast %scan3A_244 : i32 to index
            %swap3A_271 = arith.constant 0 : index
            %swap3A_272 = tpu.vector_load %arg18[%swap3A_270, %swap3A_271] {strides = array<i32>} : memref<64x144xf32, #tpu.memory_space<vmem>>, vector<1x16xf32>,
            %swap3A_273 = vector.shape_cast %swap3A_272 : vector<1x16xf32> to vector<16xf32>
            %swap3A_274 = vector.shape_cast %mul3A_269 : vector<16xf32> to vector<1x16xf32>
            tpu.vector_store %arg18[%swap3A_270, %swap3A_271], %swap3A_274 {strides = array<i32>} : memref<64x144xf32, #tpu.memory_space<vmem>>, vector<1x16xf32>,
            %get3A_275 = arith.index_cast %scan3A_244 : i32 to index
            %get3A_276 = arith.constant 16 : index
            %get3A_277 = tpu.vector_load %arg18[%get3A_275, %get3A_276] {strides = array<i32>} : memref<64x144xf32, #tpu.memory_space<vmem>>, vector<1x16xf32>,
            %get3A_278 = vector.shape_cast %get3A_277 : vector<1x16xf32> to vector<16xf32>
            %mul3A_279 = arith.mulf %get3A_278, %mul3A_260 : vector<16xf32>
            %swap3A_280 = arith.index_cast %scan3A_244 : i32 to index
            %swap3A_281 = arith.constant 16 : index
            %swap3A_282 = tpu.vector_load %arg18[%swap3A_280, %swap3A_281] {strides = array<i32>} : memref<64x144xf32, #tpu.memory_space<vmem>>, vector<1x16xf32>,
            %swap3A_283 = vector.shape_cast %swap3A_282 : vector<1x16xf32> to vector<16xf32>
            %swap3A_284 = vector.shape_cast %mul3A_279 : vector<16xf32> to vector<1x16xf32>
            tpu.vector_store %arg18[%swap3A_280, %swap3A_281], %swap3A_284 {strides = array<i32>} : memref<64x144xf32, #tpu.memory_space<vmem>>, vector<1x16xf32>,
            %get3A_285 = arith.index_cast %scan3A_244 : i32 to index
            %get3A_286 = arith.constant 32 : index
            %get3A_287 = tpu.vector_load %arg18[%get3A_285, %get3A_286] {strides = array<i32>} : memref<64x144xf32, #tpu.memory_space<vmem>>, vector<1x16xf32>,
            %get3A_288 = vector.shape_cast %get3A_287 : vector<1x16xf32> to vector<16xf32>
            %mul3A_289 = arith.mulf %get3A_288, %mul3A_260 : vector<16xf32>
            %swap3A_290 = arith.index_cast %scan3A_244 : i32 to index
            %swap3A_291 = arith.constant 32 : index
            %swap3A_292 = tpu.vector_load %arg18[%swap3A_290, %swap3A_291] {strides = array<i32>} : memref<64x144xf32, #tpu.memory_space<vmem>>, vector<1x16xf32>,
            %swap3A_293 = vector.shape_cast %swap3A_292 : vector<1x16xf32> to vector<16xf32>
            %swap3A_294 = vector.shape_cast %mul3A_289 : vector<16xf32> to vector<1x16xf32>
            tpu.vector_store %arg18[%swap3A_290, %swap3A_291], %swap3A_294 {strides = array<i32>} : memref<64x144xf32, #tpu.memory_space<vmem>>, vector<1x16xf32>,
            %get3A_295 = arith.index_cast %scan3A_244 : i32 to index
            %get3A_296 = arith.constant 48 : index
            %get3A_297 = tpu.vector_load %arg18[%get3A_295, %get3A_296] {strides = array<i32>} : memref<64x144xf32, #tpu.memory_space<vmem>>, vector<1x16xf32>,
            %get3A_298 = vector.shape_cast %get3A_297 : vector<1x16xf32> to vector<16xf32>
            %mul3A_299 = arith.mulf %get3A_298, %mul3A_260 : vector<16xf32>
            %swap3A_300 = arith.index_cast %scan3A_244 : i32 to index
            %swap3A_301 = arith.constant 48 : index
            %swap3A_302 = tpu.vector_load %arg18[%swap3A_300, %swap3A_301] {strides = array<i32>} : memref<64x144xf32, #tpu.memory_space<vmem>>, vector<1x16xf32>,
            %swap3A_303 = vector.shape_cast %swap3A_302 : vector<1x16xf32> to vector<16xf32>
            %swap3A_304 = vector.shape_cast %mul3A_299 : vector<16xf32> to vector<1x16xf32>
            tpu.vector_store %arg18[%swap3A_300, %swap3A_301], %swap3A_304 {strides = array<i32>} : memref<64x144xf32, #tpu.memory_space<vmem>>, vector<1x16xf32>,
            %get3A_305 = arith.index_cast %scan3A_244 : i32 to index
            %get3A_306 = arith.constant 64 : index
            %get3A_307 = tpu.vector_load %arg18[%get3A_305, %get3A_306] {strides = array<i32>} : memref<64x144xf32, #tpu.memory_space<vmem>>, vector<1x16xf32>,
            %get3A_308 = vector.shape_cast %get3A_307 : vector<1x16xf32> to vector<16xf32>
            %mul3A_309 = arith.mulf %get3A_308, %mul3A_260 : vector<16xf32>
            %swap3A_310 = arith.index_cast %scan3A_244 : i32 to index
            %swap3A_311 = arith.constant 64 : index
            %swap3A_312 = tpu.vector_load %arg18[%swap3A_310, %swap3A_311] {strides = array<i32>} : memref<64x144xf32, #tpu.memory_space<vmem>>, vector<1x16xf32>,
            %swap3A_313 = vector.shape_cast %swap3A_312 : vector<1x16xf32> to vector<16xf32>
            %swap3A_314 = vector.shape_cast %mul3A_309 : vector<16xf32> to vector<1x16xf32>
            tpu.vector_store %arg18[%swap3A_310, %swap3A_311], %swap3A_314 {strides = array<i32>} : memref<64x144xf32, #tpu.memory_space<vmem>>, vector<1x16xf32>,
            %get3A_315 = arith.index_cast %scan3A_244 : i32 to index
            %get3A_316 = arith.constant 80 : index
            %get3A_317 = tpu.vector_load %arg18[%get3A_315, %get3A_316] {strides = array<i32>} : memref<64x144xf32, #tpu.memory_space<vmem>>, vector<1x16xf32>,
            %get3A_318 = vector.shape_cast %get3A_317 : vector<1x16xf32> to vector<16xf32>
            %mul3A_319 = arith.mulf %get3A_318, %mul3A_260 : vector<16xf32>
            %swap3A_320 = arith.index_cast %scan3A_244 : i32 to index
            %swap3A_321 = arith.constant 80 : index
            %swap3A_322 = tpu.vector_load %arg18[%swap3A_320, %swap3A_321] {strides = array<i32>} : memref<64x144xf32, #tpu.memory_space<vmem>>, vector<1x16xf32>,
            %swap3A_323 = vector.shape_cast %swap3A_322 : vector<1x16xf32> to vector<16xf32>
            %swap3A_324 = vector.shape_cast %mul3A_319 : vector<16xf32> to vector<1x16xf32>
            tpu.vector_store %arg18[%swap3A_320, %swap3A_321], %swap3A_324 {strides = array<i32>} : memref<64x144xf32, #tpu.memory_space<vmem>>, vector<1x16xf32>,
            %get3A_325 = arith.index_cast %scan3A_244 : i32 to index
            %get3A_326 = arith.constant 96 : index
            %get3A_327 = tpu.vector_load %arg18[%get3A_325, %get3A_326] {strides = array<i32>} : memref<64x144xf32, #tpu.memory_space<vmem>>, vector<1x16xf32>,
            %get3A_328 = vector.shape_cast %get3A_327 : vector<1x16xf32> to vector<16xf32>
            %mul3A_329 = arith.mulf %get3A_328, %mul3A_260 : vector<16xf32>
            %swap3A_330 = arith.index_cast %scan3A_244 : i32 to index
            %swap3A_331 = arith.constant 96 : index
            %swap3A_332 = tpu.vector_load %arg18[%swap3A_330, %swap3A_331] {strides = array<i32>} : memref<64x144xf32, #tpu.memory_space<vmem>>, vector<1x16xf32>,
            %swap3A_333 = vector.shape_cast %swap3A_332 : vector<1x16xf32> to vector<16xf32>
            %swap3A_334 = vector.shape_cast %mul3A_329 : vector<16xf32> to vector<1x16xf32>
            tpu.vector_store %arg18[%swap3A_330, %swap3A_331], %swap3A_334 {strides = array<i32>} : memref<64x144xf32, #tpu.memory_space<vmem>>, vector<1x16xf32>,
            %get3A_335 = arith.index_cast %scan3A_244 : i32 to index
            %get3A_336 = arith.constant 112 : index
            %get3A_337 = tpu.vector_load %arg18[%get3A_335, %get3A_336] {strides = array<i32>} : memref<64x144xf32, #tpu.memory_space<vmem>>, vector<1x16xf32>,
            %get3A_338 = vector.shape_cast %get3A_337 : vector<1x16xf32> to vector<16xf32>
            %mul3A_339 = arith.mulf %get3A_338, %mul3A_260 : vector<16xf32>
            %swap3A_340 = arith.index_cast %scan3A_244 : i32 to index
            %swap3A_341 = arith.constant 112 : index
            %swap3A_342 = tpu.vector_load %arg18[%swap3A_340, %swap3A_341] {strides = array<i32>} : memref<64x144xf32, #tpu.memory_space<vmem>>, vector<1x16xf32>,
            %swap3A_343 = vector.shape_cast %swap3A_342 : vector<1x16xf32> to vector<16xf32>
            %swap3A_344 = vector.shape_cast %mul3A_339 : vector<16xf32> to vector<1x16xf32>
            tpu.vector_store %arg18[%swap3A_340, %swap3A_341], %swap3A_344 {strides = array<i32>} : memref<64x144xf32, #tpu.memory_space<vmem>>, vector<1x16xf32>,
          }
          %scan3A_243 = arith.constant 64 : i32
        } else {
        }
        %dma_start3A_217 = arith.constant 2 : i32
        %dma_start3A_218 = arith.constant 0 : i32
        %dma_start3A_219 = tpu.memref_slice %arg9[%dma_start3A_217, %dma_start3A_218] : memref<3x64xi32, #tpu.memory_space<vmem>> -> memref<1x64xi32, #tpu.memory_space<vmem>>
        %dma_start3A_220 = tpu.memref_squeeze %dma_start3A_219 : memref<1x64xi32, #tpu.memory_space<vmem>> -> memref<64xi32, #tpu.memory_space<vmem>>
        %dma_start3A_221 = arith.constant 0 : i32
        %dma_start3A_222 = arith.constant 0 : i32
        %dma_start3A_223 = tpu.memref_slice %arg6[%dma_start3A_221, %dma_start3A_222] : memref<10240x144xf32, #tpu.memory_space<vmem_shared>> -> memref<10240x144xf32, #tpu.memory_space<vmem_shared>>
        tpu.enqueue_indirect_dma source(%arg18 : memref<64x144xf32, #tpu.memory_space<vmem>>) target(%dma_start3A_223 : memref<10240x144xf32, #tpu.memory_space<vmem_shared>>) offsets(%dma_start3A_220 : memref<64xi32, #tpu.memory_space<vmem>>) semaphore(%arg24 : memref<!tpu.dma_semaphore, #tpu.memory_space<semaphore_mem>>) {add = true}
        %add3A_224 = arith.constant 2 : i32
        %add3A_225 = arith.addi %add3A_161, %add3A_224 : i32
        %lt3A_226 = arith.constant 158 : i32
        %lt3A_227 = arith.cmpi slt, %add3A_225, %lt3A_226 : i32
        %convert_element_type3A_228 = arith.extui %lt3A_227 : i1 to i32
        %cond3A_229 = arith.constant 0 : i32
        %cond3A_230 = arith.cmpi ne, %convert_element_type3A_228, %cond3A_229 : i32
        scf.if %cond3A_230 {
          %add3A_238 = arith.constant 2 : i32
          %add3A_239 = arith.addi %add3A_161, %add3A_238 : i32
          %ge3A_240 = arith.constant 1 : i32
          %ge3A_241 = arith.cmpi sge, %add3A_161, %ge3A_240 : i32
          %dma_wait3A_242 = arith.constant 0 : i32
          %dma_wait3A_243 = arith.constant 0 : i32
          %dma_wait3A_244 = arith.constant 0 : i32
          %dma_wait3A_245 = tpu.memref_slice %arg2[%add3A, %dma_wait3A_242, %dma_wait3A_243, %dma_wait3A_244] : memref<32x158x3x64xi32, #tpu.memory_space<hbm>> -> memref<1x1x3x64xi32, #tpu.memory_space<hbm>>
          %dma_wait3A_246 = tpu.memref_squeeze %dma_wait3A_245 : memref<1x1x3x64xi32, #tpu.memory_space<hbm>> -> memref<3x64xi32, #tpu.memory_space<hbm>>
          %dma_wait3A_247 = arith.constant 0 : i32
          %dma_wait3A_248 = arith.constant 0 : i32
          %dma_wait3A_249 = tpu.memref_slice %arg2[%add3A, %dma_wait3A_242, %dma_wait3A_247, %dma_wait3A_248] : memref<32x158x3x64xi32, #tpu.memory_space<hbm>> -> memref<1x1x3x64xi32, #tpu.memory_space<hbm>>
          %dma_wait3A_250 = tpu.memref_squeeze %dma_wait3A_249 : memref<1x1x3x64xi32, #tpu.memory_space<hbm>> -> memref<3x64xi32, #tpu.memory_space<hbm>>
          tpu.wait_dma2 semaphore(%arg29 : memref<!tpu.dma_semaphore, #tpu.memory_space<semaphore_mem>>) src(%dma_wait3A_250 : memref<3x64xi32, #tpu.memory_space<hbm>>) dst(%arg11 : memref<3x64xi32, #tpu.memory_space<vmem>>)
          %convert_element_type3A_251 = arith.extui %ge3A_241 : i1 to i32
          %cond3A_252 = arith.constant 0 : i32
          %cond3A_253 = arith.cmpi ne, %convert_element_type3A_251, %cond3A_252 : i32
          scf.if %cond3A_253 {
            %dma_wait3A_268 = arith.constant 2 : i32
            %dma_wait3A_269 = arith.constant 0 : i32
            %dma_wait3A_270 = tpu.memref_slice %arg11[%dma_wait3A_268, %dma_wait3A_269] : memref<3x64xi32, #tpu.memory_space<vmem>> -> memref<1x64xi32, #tpu.memory_space<vmem>>
            %dma_wait3A_271 = tpu.memref_squeeze %dma_wait3A_270 : memref<1x64xi32, #tpu.memory_space<vmem>> -> memref<64xi32, #tpu.memory_space<vmem>>
            %dma_wait3A_272 = arith.constant 0 : i32
            %dma_wait3A_273 = arith.constant 0 : i32
            %dma_wait3A_274 = tpu.memref_slice %arg6[%dma_wait3A_272, %dma_wait3A_273] : memref<10240x144xf32, #tpu.memory_space<vmem_shared>> -> memref<10240x144xf32, #tpu.memory_space<vmem_shared>>
            tpu.wait_indirect_dma semaphore(%arg23 : memref<!tpu.dma_semaphore, #tpu.memory_space<semaphore_mem>>) src(%arg16 : memref<64x144xf32, #tpu.memory_space<vmem>>) dst(%dma_wait3A_274 : memref<10240x144xf32, #tpu.memory_space<vmem_shared>>)
          } else {
          }
          %dma_start3A_254 = arith.constant 0 : i32
          %dma_start3A_255 = arith.constant 0 : i32
          %dma_start3A_256 = tpu.memref_slice %arg11[%dma_start3A_254, %dma_start3A_255] : memref<3x64xi32, #tpu.memory_space<vmem>> -> memref<1x64xi32, #tpu.memory_space<vmem>>
          %dma_start3A_257 = tpu.memref_squeeze %dma_start3A_256 : memref<1x64xi32, #tpu.memory_space<vmem>> -> memref<64xi32, #tpu.memory_space<vmem>>
          %dma_start3A_258 = arith.constant 0 : i32
          %dma_start3A_259 = arith.constant 0 : i32
          %dma_start3A_260 = tpu.memref_slice %arg3[%dma_start3A_258, %dma_start3A_259] : memref<80000x16xf32, #tpu.memory_space<hbm>> -> memref<80000x16xf32, #tpu.memory_space<hbm>>
          tpu.enqueue_indirect_dma source(%dma_start3A_260 : memref<80000x16xf32, #tpu.memory_space<hbm>>) target(%arg15 : memref<64x16xf32, #tpu.memory_space<vmem>>) offsets(%dma_start3A_257 : memref<64xi32, #tpu.memory_space<vmem>>) semaphore(%arg20 : memref<!tpu.dma_semaphore, #tpu.memory_space<semaphore_mem>>)
          %dma_start3A_261 = arith.constant 1 : i32
          %dma_start3A_262 = arith.constant 0 : i32
          %dma_start3A_263 = tpu.memref_slice %arg11[%dma_start3A_261, %dma_start3A_262] : memref<3x64xi32, #tpu.memory_space<vmem>> -> memref<1x64xi32, #tpu.memory_space<vmem>>
          %dma_start3A_264 = tpu.memref_squeeze %dma_start3A_263 : memref<1x64xi32, #tpu.memory_space<vmem>> -> memref<64xi32, #tpu.memory_space<vmem>>
          %dma_start3A_265 = arith.constant 0 : i32
          %dma_start3A_266 = arith.constant 0 : i32
          %dma_start3A_267 = tpu.memref_slice %arg4[%dma_start3A_265, %dma_start3A_266] : memref<80000x144xf32, #tpu.memory_space<hbm>> -> memref<80000x144xf32, #tpu.memory_space<hbm>>
          tpu.enqueue_indirect_dma source(%dma_start3A_267 : memref<80000x144xf32, #tpu.memory_space<hbm>>) target(%arg16 : memref<64x144xf32, #tpu.memory_space<vmem>>) offsets(%dma_start3A_264 : memref<64xi32, #tpu.memory_space<vmem>>) semaphore(%arg20 : memref<!tpu.dma_semaphore, #tpu.memory_space<semaphore_mem>>)
        } else {
        }
        %add3A_231 = arith.constant 5 : i32
        %add3A_232 = arith.addi %add3A_161, %add3A_231 : i32
        %lt3A_233 = arith.constant 158 : i32
        %lt3A_234 = arith.cmpi slt, %add3A_232, %lt3A_233 : i32
        %convert_element_type3A_235 = arith.extui %lt3A_234 : i1 to i32
        %cond3A_236 = arith.constant 0 : i32
        %cond3A_237 = arith.cmpi ne, %convert_element_type3A_235, %cond3A_236 : i32
        scf.if %cond3A_237 {
          %add3A_238 = arith.constant 5 : i32
          %add3A_239 = arith.addi %add3A_161, %add3A_238 : i32
          %dma_start3A_240 = arith.constant 0 : i32
          %dma_start3A_241 = arith.constant 0 : i32
          %dma_start3A_242 = tpu.memref_slice %arg2[%add3A, %add3A_239, %dma_start3A_240, %dma_start3A_241] : memref<32x158x3x64xi32, #tpu.memory_space<hbm>> -> memref<1x1x3x64xi32, #tpu.memory_space<hbm>>
          %dma_start3A_243 = tpu.memref_squeeze %dma_start3A_242 : memref<1x1x3x64xi32, #tpu.memory_space<hbm>> -> memref<3x64xi32, #tpu.memory_space<hbm>>
          %dma_start3A_244 = arith.constant 0 : i32
          %dma_start3A_245 = arith.constant 0 : i32
          %dma_start3A_246 = tpu.memref_slice %arg2[%add3A, %add3A_239, %dma_start3A_244, %dma_start3A_245] : memref<32x158x3x64xi32, #tpu.memory_space<hbm>> -> memref<1x1x3x64xi32, #tpu.memory_space<hbm>>
          %dma_start3A_247 = tpu.memref_squeeze %dma_start3A_246 : memref<1x1x3x64xi32, #tpu.memory_space<hbm>> -> memref<3x64xi32, #tpu.memory_space<hbm>>
          tpu.enqueue_dma source(%dma_start3A_247 : memref<3x64xi32, #tpu.memory_space<hbm>>) target(%arg8 : memref<3x64xi32, #tpu.memory_space<vmem>>) target_semaphore(%arg26 : memref<!tpu.dma_semaphore, #tpu.memory_space<semaphore_mem>>)
        } else {
        }
      } else {
      }
      %add3A_167 = arith.constant 3 : i32
      %add3A_168 = arith.addi %mul3A_148, %add3A_167 : i32
      %lt3A_169 = arith.constant 158 : i32
      %lt3A_170 = arith.cmpi slt, %add3A_168, %lt3A_169 : i32
      %convert_element_type3A_171 = arith.extui %lt3A_170 : i1 to i32
      %cond3A_172 = arith.constant 0 : i32
      %cond3A_173 = arith.cmpi ne, %convert_element_type3A_171, %cond3A_172 : i32
      scf.if %cond3A_173 {
        %dma_wait3A_188 = arith.constant 0 : i32
        %dma_wait3A_189 = arith.constant 0 : i32
        %dma_wait3A_190 = tpu.memref_slice %arg10[%dma_wait3A_188, %dma_wait3A_189] : memref<3x64xi32, #tpu.memory_space<vmem>> -> memref<1x64xi32, #tpu.memory_space<vmem>>
        %dma_wait3A_191 = tpu.memref_squeeze %dma_wait3A_190 : memref<1x64xi32, #tpu.memory_space<vmem>> -> memref<64xi32, #tpu.memory_space<vmem>>
        %dma_wait3A_192 = arith.constant 0 : i32
        %dma_wait3A_193 = arith.constant 0 : i32
        %dma_wait3A_194 = tpu.memref_slice %arg3[%dma_wait3A_192, %dma_wait3A_193] : memref<80000x16xf32, #tpu.memory_space<hbm>> -> memref<80000x16xf32, #tpu.memory_space<hbm>>
        tpu.wait_indirect_dma semaphore(%arg19 : memref<!tpu.dma_semaphore, #tpu.memory_space<semaphore_mem>>) src(%dma_wait3A_194 : memref<80000x16xf32, #tpu.memory_space<hbm>>) dst(%arg13 : memref<64x16xf32, #tpu.memory_space<vmem>>)
        %dma_wait3A_195 = arith.constant 1 : i32
        %dma_wait3A_196 = arith.constant 0 : i32
        %dma_wait3A_197 = tpu.memref_slice %arg10[%dma_wait3A_195, %dma_wait3A_196] : memref<3x64xi32, #tpu.memory_space<vmem>> -> memref<1x64xi32, #tpu.memory_space<vmem>>
        %dma_wait3A_198 = tpu.memref_squeeze %dma_wait3A_197 : memref<1x64xi32, #tpu.memory_space<vmem>> -> memref<64xi32, #tpu.memory_space<vmem>>
        %dma_wait3A_199 = arith.constant 0 : i32
        %dma_wait3A_200 = arith.constant 0 : i32
        %dma_wait3A_201 = tpu.memref_slice %arg4[%dma_wait3A_199, %dma_wait3A_200] : memref<80000x144xf32, #tpu.memory_space<hbm>> -> memref<80000x144xf32, #tpu.memory_space<hbm>>
        tpu.wait_indirect_dma semaphore(%arg19 : memref<!tpu.dma_semaphore, #tpu.memory_space<semaphore_mem>>) src(%dma_wait3A_201 : memref<80000x144xf32, #tpu.memory_space<hbm>>) dst(%arg14 : memref<64x144xf32, #tpu.memory_space<vmem>>)
        %mul3A_202 = arith.constant 10112 : i32
        %mul3A_203 = arith.muli %add3A, %mul3A_202 : i32
        %mul3A_204 = arith.constant 64 : i32
        %mul3A_205 = arith.muli %add3A_168, %mul3A_204 : i32
        %add3A_206 = arith.addi %mul3A_203, %mul3A_205 : i32
        %sub3A = arith.constant 320000 : i32
        %sub3A_207 = arith.subi %sub3A, %add3A_206 : i32
        %ge3A = arith.constant 64 : i32
        %ge3A_208 = arith.cmpi sge, %sub3A_207, %ge3A : i32
        %convert_element_type3A_209 = arith.extui %ge3A_208 : i1 to i32
        %cond3A_210 = arith.constant 0 : i32
        %cond3A_211 = arith.cmpi ne, %convert_element_type3A_209, %cond3A_210 : i32
        scf.if %cond3A_211 {
          %scan3A_238 = arith.constant 0 : i32
          %scan3A_239 = arith.constant 0 : i32
          %scan3A_240 = arith.constant 64 : i32
          %scan3A_241 = arith.addi %scan3A_239, %scan3A_240 : i32
          %scan3A_242 = arith.constant 1 : i32
          scf.for %scan3A_244 = %scan3A_239 to %scan3A_241 step %scan3A_242  : i32 {
            %get3A = arith.index_cast %scan3A_244 : i32 to index
            %get3A_245 = arith.constant 0 : index
            %get3A_246 = tpu.vector_load %arg13[%get3A, %get3A_245] {strides = array<i32>} : memref<64x16xf32, #tpu.memory_space<vmem>>, vector<1x16xf32>,
            %get3A_247 = vector.shape_cast %get3A_246 : vector<1x16xf32> to vector<16xf32>
            %get3A_248 = arith.index_cast %scan3A_244 : i32 to index
            %get3A_249 = arith.constant 128 : index
            %get3A_250 = tpu.vector_load %arg14[%get3A_248, %get3A_249] {strides = array<i32>} : memref<64x144xf32, #tpu.memory_space<vmem>>, vector<1x16xf32>,
            %get3A_251 = vector.shape_cast %get3A_250 : vector<1x16xf32> to vector<16xf32>
            %add3A_252 = arith.addf %get3A_247, %get3A_251 : vector<16xf32>
            %mul3A_253 = arith.constant 2.000000e-01 : f32
            %mul3A_254 = vector.broadcast %mul3A_253 : f32 to vector<16xf32>
            %mul3A_255 = arith.mulf %add3A_252, %mul3A_254 : vector<16xf32>
            %max3A = arith.maximumf %add3A_252, %mul3A_255 : vector<16xf32>
            %exp3A = math.exp %max3A : vector<16xf32>
            %swap3A = arith.index_cast %scan3A_244 : i32 to index
            %swap3A_256 = arith.constant 128 : index
            %swap3A_257 = tpu.vector_load %arg14[%swap3A, %swap3A_256] {strides = array<i32>} : memref<64x144xf32, #tpu.memory_space<vmem>>, vector<1x16xf32>,
            %swap3A_258 = vector.shape_cast %swap3A_257 : vector<1x16xf32> to vector<16xf32>
            %swap3A_259 = vector.shape_cast %exp3A : vector<16xf32> to vector<1x16xf32>
            tpu.vector_store %arg14[%swap3A, %swap3A_256], %swap3A_259 {strides = array<i32>} : memref<64x144xf32, #tpu.memory_space<vmem>>, vector<1x16xf32>,
            %get3A_260 = arith.index_cast %scan3A_244 : i32 to index
            %get3A_261 = arith.constant 0 : index
            %get3A_262 = tpu.vector_load %arg14[%get3A_260, %get3A_261] {strides = array<i32>} : memref<64x144xf32, #tpu.memory_space<vmem>>, vector<1x16xf32>,
            %get3A_263 = vector.shape_cast %get3A_262 : vector<1x16xf32> to vector<16xf32>
            %mul3A_264 = arith.mulf %get3A_263, %exp3A : vector<16xf32>
            %swap3A_265 = arith.index_cast %scan3A_244 : i32 to index
            %swap3A_266 = arith.constant 0 : index
            %swap3A_267 = tpu.vector_load %arg14[%swap3A_265, %swap3A_266] {strides = array<i32>} : memref<64x144xf32, #tpu.memory_space<vmem>>, vector<1x16xf32>,
            %swap3A_268 = vector.shape_cast %swap3A_267 : vector<1x16xf32> to vector<16xf32>
            %swap3A_269 = vector.shape_cast %mul3A_264 : vector<16xf32> to vector<1x16xf32>
            tpu.vector_store %arg14[%swap3A_265, %swap3A_266], %swap3A_269 {strides = array<i32>} : memref<64x144xf32, #tpu.memory_space<vmem>>, vector<1x16xf32>,
            %get3A_270 = arith.index_cast %scan3A_244 : i32 to index
            %get3A_271 = arith.constant 16 : index
            %get3A_272 = tpu.vector_load %arg14[%get3A_270, %get3A_271] {strides = array<i32>} : memref<64x144xf32, #tpu.memory_space<vmem>>, vector<1x16xf32>,
            %get3A_273 = vector.shape_cast %get3A_272 : vector<1x16xf32> to vector<16xf32>
            %mul3A_274 = arith.mulf %get3A_273, %exp3A : vector<16xf32>
            %swap3A_275 = arith.index_cast %scan3A_244 : i32 to index
            %swap3A_276 = arith.constant 16 : index
            %swap3A_277 = tpu.vector_load %arg14[%swap3A_275, %swap3A_276] {strides = array<i32>} : memref<64x144xf32, #tpu.memory_space<vmem>>, vector<1x16xf32>,
            %swap3A_278 = vector.shape_cast %swap3A_277 : vector<1x16xf32> to vector<16xf32>
            %swap3A_279 = vector.shape_cast %mul3A_274 : vector<16xf32> to vector<1x16xf32>
            tpu.vector_store %arg14[%swap3A_275, %swap3A_276], %swap3A_279 {strides = array<i32>} : memref<64x144xf32, #tpu.memory_space<vmem>>, vector<1x16xf32>,
            %get3A_280 = arith.index_cast %scan3A_244 : i32 to index
            %get3A_281 = arith.constant 32 : index
            %get3A_282 = tpu.vector_load %arg14[%get3A_280, %get3A_281] {strides = array<i32>} : memref<64x144xf32, #tpu.memory_space<vmem>>, vector<1x16xf32>,
            %get3A_283 = vector.shape_cast %get3A_282 : vector<1x16xf32> to vector<16xf32>
            %mul3A_284 = arith.mulf %get3A_283, %exp3A : vector<16xf32>
            %swap3A_285 = arith.index_cast %scan3A_244 : i32 to index
            %swap3A_286 = arith.constant 32 : index
            %swap3A_287 = tpu.vector_load %arg14[%swap3A_285, %swap3A_286] {strides = array<i32>} : memref<64x144xf32, #tpu.memory_space<vmem>>, vector<1x16xf32>,
            %swap3A_288 = vector.shape_cast %swap3A_287 : vector<1x16xf32> to vector<16xf32>
            %swap3A_289 = vector.shape_cast %mul3A_284 : vector<16xf32> to vector<1x16xf32>
            tpu.vector_store %arg14[%swap3A_285, %swap3A_286], %swap3A_289 {strides = array<i32>} : memref<64x144xf32, #tpu.memory_space<vmem>>, vector<1x16xf32>,
            %get3A_290 = arith.index_cast %scan3A_244 : i32 to index
            %get3A_291 = arith.constant 48 : index
            %get3A_292 = tpu.vector_load %arg14[%get3A_290, %get3A_291] {strides = array<i32>} : memref<64x144xf32, #tpu.memory_space<vmem>>, vector<1x16xf32>,
            %get3A_293 = vector.shape_cast %get3A_292 : vector<1x16xf32> to vector<16xf32>
            %mul3A_294 = arith.mulf %get3A_293, %exp3A : vector<16xf32>
            %swap3A_295 = arith.index_cast %scan3A_244 : i32 to index
            %swap3A_296 = arith.constant 48 : index
            %swap3A_297 = tpu.vector_load %arg14[%swap3A_295, %swap3A_296] {strides = array<i32>} : memref<64x144xf32, #tpu.memory_space<vmem>>, vector<1x16xf32>,
            %swap3A_298 = vector.shape_cast %swap3A_297 : vector<1x16xf32> to vector<16xf32>
            %swap3A_299 = vector.shape_cast %mul3A_294 : vector<16xf32> to vector<1x16xf32>
            tpu.vector_store %arg14[%swap3A_295, %swap3A_296], %swap3A_299 {strides = array<i32>} : memref<64x144xf32, #tpu.memory_space<vmem>>, vector<1x16xf32>,
            %get3A_300 = arith.index_cast %scan3A_244 : i32 to index
            %get3A_301 = arith.constant 64 : index
            %get3A_302 = tpu.vector_load %arg14[%get3A_300, %get3A_301] {strides = array<i32>} : memref<64x144xf32, #tpu.memory_space<vmem>>, vector<1x16xf32>,
            %get3A_303 = vector.shape_cast %get3A_302 : vector<1x16xf32> to vector<16xf32>
            %mul3A_304 = arith.mulf %get3A_303, %exp3A : vector<16xf32>
            %swap3A_305 = arith.index_cast %scan3A_244 : i32 to index
            %swap3A_306 = arith.constant 64 : index
            %swap3A_307 = tpu.vector_load %arg14[%swap3A_305, %swap3A_306] {strides = array<i32>} : memref<64x144xf32, #tpu.memory_space<vmem>>, vector<1x16xf32>,
            %swap3A_308 = vector.shape_cast %swap3A_307 : vector<1x16xf32> to vector<16xf32>
            %swap3A_309 = vector.shape_cast %mul3A_304 : vector<16xf32> to vector<1x16xf32>
            tpu.vector_store %arg14[%swap3A_305, %swap3A_306], %swap3A_309 {strides = array<i32>} : memref<64x144xf32, #tpu.memory_space<vmem>>, vector<1x16xf32>,
            %get3A_310 = arith.index_cast %scan3A_244 : i32 to index
            %get3A_311 = arith.constant 80 : index
            %get3A_312 = tpu.vector_load %arg14[%get3A_310, %get3A_311] {strides = array<i32>} : memref<64x144xf32, #tpu.memory_space<vmem>>, vector<1x16xf32>,
            %get3A_313 = vector.shape_cast %get3A_312 : vector<1x16xf32> to vector<16xf32>
            %mul3A_314 = arith.mulf %get3A_313, %exp3A : vector<16xf32>
            %swap3A_315 = arith.index_cast %scan3A_244 : i32 to index
            %swap3A_316 = arith.constant 80 : index
            %swap3A_317 = tpu.vector_load %arg14[%swap3A_315, %swap3A_316] {strides = array<i32>} : memref<64x144xf32, #tpu.memory_space<vmem>>, vector<1x16xf32>,
            %swap3A_318 = vector.shape_cast %swap3A_317 : vector<1x16xf32> to vector<16xf32>
            %swap3A_319 = vector.shape_cast %mul3A_314 : vector<16xf32> to vector<1x16xf32>
            tpu.vector_store %arg14[%swap3A_315, %swap3A_316], %swap3A_319 {strides = array<i32>} : memref<64x144xf32, #tpu.memory_space<vmem>>, vector<1x16xf32>,
            %get3A_320 = arith.index_cast %scan3A_244 : i32 to index
            %get3A_321 = arith.constant 96 : index
            %get3A_322 = tpu.vector_load %arg14[%get3A_320, %get3A_321] {strides = array<i32>} : memref<64x144xf32, #tpu.memory_space<vmem>>, vector<1x16xf32>,
            %get3A_323 = vector.shape_cast %get3A_322 : vector<1x16xf32> to vector<16xf32>
            %mul3A_324 = arith.mulf %get3A_323, %exp3A : vector<16xf32>
            %swap3A_325 = arith.index_cast %scan3A_244 : i32 to index
            %swap3A_326 = arith.constant 96 : index
            %swap3A_327 = tpu.vector_load %arg14[%swap3A_325, %swap3A_326] {strides = array<i32>} : memref<64x144xf32, #tpu.memory_space<vmem>>, vector<1x16xf32>,
            %swap3A_328 = vector.shape_cast %swap3A_327 : vector<1x16xf32> to vector<16xf32>
            %swap3A_329 = vector.shape_cast %mul3A_324 : vector<16xf32> to vector<1x16xf32>
            tpu.vector_store %arg14[%swap3A_325, %swap3A_326], %swap3A_329 {strides = array<i32>} : memref<64x144xf32, #tpu.memory_space<vmem>>, vector<1x16xf32>,
            %get3A_330 = arith.index_cast %scan3A_244 : i32 to index
            %get3A_331 = arith.constant 112 : index
            %get3A_332 = tpu.vector_load %arg14[%get3A_330, %get3A_331] {strides = array<i32>} : memref<64x144xf32, #tpu.memory_space<vmem>>, vector<1x16xf32>,
            %get3A_333 = vector.shape_cast %get3A_332 : vector<1x16xf32> to vector<16xf32>
            %mul3A_334 = arith.mulf %get3A_333, %exp3A : vector<16xf32>
            %swap3A_335 = arith.index_cast %scan3A_244 : i32 to index
            %swap3A_336 = arith.constant 112 : index
            %swap3A_337 = tpu.vector_load %arg14[%swap3A_335, %swap3A_336] {strides = array<i32>} : memref<64x144xf32, #tpu.memory_space<vmem>>, vector<1x16xf32>,
            %swap3A_338 = vector.shape_cast %swap3A_337 : vector<1x16xf32> to vector<16xf32>
            %swap3A_339 = vector.shape_cast %mul3A_334 : vector<16xf32> to vector<1x16xf32>
            tpu.vector_store %arg14[%swap3A_335, %swap3A_336], %swap3A_339 {strides = array<i32>} : memref<64x144xf32, #tpu.memory_space<vmem>>, vector<1x16xf32>,
          }
          %scan3A_243 = arith.constant 64 : i32
        } else {
        }
        %lt3A_212 = arith.constant 64 : i32
        %lt3A_213 = arith.cmpi slt, %sub3A_207, %lt3A_212 : i32
        %convert_element_type3A_214 = arith.extui %lt3A_213 : i1 to i32
        %cond3A_215 = arith.constant 0 : i32
        %cond3A_216 = arith.cmpi ne, %convert_element_type3A_214, %cond3A_215 : i32
        scf.if %cond3A_216 {
          %scan3A_238 = arith.constant 0 : i32
          %scan3A_239 = arith.constant 0 : i32
          %scan3A_240 = arith.constant 64 : i32
          %scan3A_241 = arith.addi %scan3A_239, %scan3A_240 : i32
          %scan3A_242 = arith.constant 1 : i32
          scf.for %scan3A_244 = %scan3A_239 to %scan3A_241 step %scan3A_242  : i32 {
            %get3A = arith.index_cast %scan3A_244 : i32 to index
            %get3A_245 = arith.constant 0 : index
            %get3A_246 = tpu.vector_load %arg13[%get3A, %get3A_245] {strides = array<i32>} : memref<64x16xf32, #tpu.memory_space<vmem>>, vector<1x16xf32>,
            %get3A_247 = vector.shape_cast %get3A_246 : vector<1x16xf32> to vector<16xf32>
            %get3A_248 = arith.index_cast %scan3A_244 : i32 to index
            %get3A_249 = arith.constant 128 : index
            %get3A_250 = tpu.vector_load %arg14[%get3A_248, %get3A_249] {strides = array<i32>} : memref<64x144xf32, #tpu.memory_space<vmem>>, vector<1x16xf32>,
            %get3A_251 = vector.shape_cast %get3A_250 : vector<1x16xf32> to vector<16xf32>
            %add3A_252 = arith.addf %get3A_247, %get3A_251 : vector<16xf32>
            %lt3A_253 = arith.cmpi slt, %scan3A_244, %sub3A_207 : i32
            %convert_element_type3A_254 = arith.extui %lt3A_253 : i1 to i32
            %convert_element_type3A_255 = arith.sitofp %convert_element_type3A_254 : i32 to f32
            %mul3A_256 = arith.constant 2.000000e-01 : f32
            %mul3A_257 = vector.broadcast %mul3A_256 : f32 to vector<16xf32>
            %mul3A_258 = arith.mulf %add3A_252, %mul3A_257 : vector<16xf32>
            %max3A = arith.maximumf %add3A_252, %mul3A_258 : vector<16xf32>
            %exp3A = math.exp %max3A : vector<16xf32>
            %mul3A_259 = vector.broadcast %convert_element_type3A_255 : f32 to vector<16xf32>
            %mul3A_260 = arith.mulf %exp3A, %mul3A_259 : vector<16xf32>
            %swap3A = arith.index_cast %scan3A_244 : i32 to index
            %swap3A_261 = arith.constant 128 : index
            %swap3A_262 = tpu.vector_load %arg14[%swap3A, %swap3A_261] {strides = array<i32>} : memref<64x144xf32, #tpu.memory_space<vmem>>, vector<1x16xf32>,
            %swap3A_263 = vector.shape_cast %swap3A_262 : vector<1x16xf32> to vector<16xf32>
            %swap3A_264 = vector.shape_cast %mul3A_260 : vector<16xf32> to vector<1x16xf32>
            tpu.vector_store %arg14[%swap3A, %swap3A_261], %swap3A_264 {strides = array<i32>} : memref<64x144xf32, #tpu.memory_space<vmem>>, vector<1x16xf32>,
            %get3A_265 = arith.index_cast %scan3A_244 : i32 to index
            %get3A_266 = arith.constant 0 : index
            %get3A_267 = tpu.vector_load %arg14[%get3A_265, %get3A_266] {strides = array<i32>} : memref<64x144xf32, #tpu.memory_space<vmem>>, vector<1x16xf32>,
            %get3A_268 = vector.shape_cast %get3A_267 : vector<1x16xf32> to vector<16xf32>
            %mul3A_269 = arith.mulf %get3A_268, %mul3A_260 : vector<16xf32>
            %swap3A_270 = arith.index_cast %scan3A_244 : i32 to index
            %swap3A_271 = arith.constant 0 : index
            %swap3A_272 = tpu.vector_load %arg14[%swap3A_270, %swap3A_271] {strides = array<i32>} : memref<64x144xf32, #tpu.memory_space<vmem>>, vector<1x16xf32>,
            %swap3A_273 = vector.shape_cast %swap3A_272 : vector<1x16xf32> to vector<16xf32>
            %swap3A_274 = vector.shape_cast %mul3A_269 : vector<16xf32> to vector<1x16xf32>
            tpu.vector_store %arg14[%swap3A_270, %swap3A_271], %swap3A_274 {strides = array<i32>} : memref<64x144xf32, #tpu.memory_space<vmem>>, vector<1x16xf32>,
            %get3A_275 = arith.index_cast %scan3A_244 : i32 to index
            %get3A_276 = arith.constant 16 : index
            %get3A_277 = tpu.vector_load %arg14[%get3A_275, %get3A_276] {strides = array<i32>} : memref<64x144xf32, #tpu.memory_space<vmem>>, vector<1x16xf32>,
            %get3A_278 = vector.shape_cast %get3A_277 : vector<1x16xf32> to vector<16xf32>
            %mul3A_279 = arith.mulf %get3A_278, %mul3A_260 : vector<16xf32>
            %swap3A_280 = arith.index_cast %scan3A_244 : i32 to index
            %swap3A_281 = arith.constant 16 : index
            %swap3A_282 = tpu.vector_load %arg14[%swap3A_280, %swap3A_281] {strides = array<i32>} : memref<64x144xf32, #tpu.memory_space<vmem>>, vector<1x16xf32>,
            %swap3A_283 = vector.shape_cast %swap3A_282 : vector<1x16xf32> to vector<16xf32>
            %swap3A_284 = vector.shape_cast %mul3A_279 : vector<16xf32> to vector<1x16xf32>
            tpu.vector_store %arg14[%swap3A_280, %swap3A_281], %swap3A_284 {strides = array<i32>} : memref<64x144xf32, #tpu.memory_space<vmem>>, vector<1x16xf32>,
            %get3A_285 = arith.index_cast %scan3A_244 : i32 to index
            %get3A_286 = arith.constant 32 : index
            %get3A_287 = tpu.vector_load %arg14[%get3A_285, %get3A_286] {strides = array<i32>} : memref<64x144xf32, #tpu.memory_space<vmem>>, vector<1x16xf32>,
            %get3A_288 = vector.shape_cast %get3A_287 : vector<1x16xf32> to vector<16xf32>
            %mul3A_289 = arith.mulf %get3A_288, %mul3A_260 : vector<16xf32>
            %swap3A_290 = arith.index_cast %scan3A_244 : i32 to index
            %swap3A_291 = arith.constant 32 : index
            %swap3A_292 = tpu.vector_load %arg14[%swap3A_290, %swap3A_291] {strides = array<i32>} : memref<64x144xf32, #tpu.memory_space<vmem>>, vector<1x16xf32>,
            %swap3A_293 = vector.shape_cast %swap3A_292 : vector<1x16xf32> to vector<16xf32>
            %swap3A_294 = vector.shape_cast %mul3A_289 : vector<16xf32> to vector<1x16xf32>
            tpu.vector_store %arg14[%swap3A_290, %swap3A_291], %swap3A_294 {strides = array<i32>} : memref<64x144xf32, #tpu.memory_space<vmem>>, vector<1x16xf32>,
            %get3A_295 = arith.index_cast %scan3A_244 : i32 to index
            %get3A_296 = arith.constant 48 : index
            %get3A_297 = tpu.vector_load %arg14[%get3A_295, %get3A_296] {strides = array<i32>} : memref<64x144xf32, #tpu.memory_space<vmem>>, vector<1x16xf32>,
            %get3A_298 = vector.shape_cast %get3A_297 : vector<1x16xf32> to vector<16xf32>
            %mul3A_299 = arith.mulf %get3A_298, %mul3A_260 : vector<16xf32>
            %swap3A_300 = arith.index_cast %scan3A_244 : i32 to index
            %swap3A_301 = arith.constant 48 : index
            %swap3A_302 = tpu.vector_load %arg14[%swap3A_300, %swap3A_301] {strides = array<i32>} : memref<64x144xf32, #tpu.memory_space<vmem>>, vector<1x16xf32>,
            %swap3A_303 = vector.shape_cast %swap3A_302 : vector<1x16xf32> to vector<16xf32>
            %swap3A_304 = vector.shape_cast %mul3A_299 : vector<16xf32> to vector<1x16xf32>
            tpu.vector_store %arg14[%swap3A_300, %swap3A_301], %swap3A_304 {strides = array<i32>} : memref<64x144xf32, #tpu.memory_space<vmem>>, vector<1x16xf32>,
            %get3A_305 = arith.index_cast %scan3A_244 : i32 to index
            %get3A_306 = arith.constant 64 : index
            %get3A_307 = tpu.vector_load %arg14[%get3A_305, %get3A_306] {strides = array<i32>} : memref<64x144xf32, #tpu.memory_space<vmem>>, vector<1x16xf32>,
            %get3A_308 = vector.shape_cast %get3A_307 : vector<1x16xf32> to vector<16xf32>
            %mul3A_309 = arith.mulf %get3A_308, %mul3A_260 : vector<16xf32>
            %swap3A_310 = arith.index_cast %scan3A_244 : i32 to index
            %swap3A_311 = arith.constant 64 : index
            %swap3A_312 = tpu.vector_load %arg14[%swap3A_310, %swap3A_311] {strides = array<i32>} : memref<64x144xf32, #tpu.memory_space<vmem>>, vector<1x16xf32>,
            %swap3A_313 = vector.shape_cast %swap3A_312 : vector<1x16xf32> to vector<16xf32>
            %swap3A_314 = vector.shape_cast %mul3A_309 : vector<16xf32> to vector<1x16xf32>
            tpu.vector_store %arg14[%swap3A_310, %swap3A_311], %swap3A_314 {strides = array<i32>} : memref<64x144xf32, #tpu.memory_space<vmem>>, vector<1x16xf32>,
            %get3A_315 = arith.index_cast %scan3A_244 : i32 to index
            %get3A_316 = arith.constant 80 : index
            %get3A_317 = tpu.vector_load %arg14[%get3A_315, %get3A_316] {strides = array<i32>} : memref<64x144xf32, #tpu.memory_space<vmem>>, vector<1x16xf32>,
            %get3A_318 = vector.shape_cast %get3A_317 : vector<1x16xf32> to vector<16xf32>
            %mul3A_319 = arith.mulf %get3A_318, %mul3A_260 : vector<16xf32>
            %swap3A_320 = arith.index_cast %scan3A_244 : i32 to index
            %swap3A_321 = arith.constant 80 : index
            %swap3A_322 = tpu.vector_load %arg14[%swap3A_320, %swap3A_321] {strides = array<i32>} : memref<64x144xf32, #tpu.memory_space<vmem>>, vector<1x16xf32>,
            %swap3A_323 = vector.shape_cast %swap3A_322 : vector<1x16xf32> to vector<16xf32>
            %swap3A_324 = vector.shape_cast %mul3A_319 : vector<16xf32> to vector<1x16xf32>
            tpu.vector_store %arg14[%swap3A_320, %swap3A_321], %swap3A_324 {strides = array<i32>} : memref<64x144xf32, #tpu.memory_space<vmem>>, vector<1x16xf32>,
            %get3A_325 = arith.index_cast %scan3A_244 : i32 to index
            %get3A_326 = arith.constant 96 : index
            %get3A_327 = tpu.vector_load %arg14[%get3A_325, %get3A_326] {strides = array<i32>} : memref<64x144xf32, #tpu.memory_space<vmem>>, vector<1x16xf32>,
            %get3A_328 = vector.shape_cast %get3A_327 : vector<1x16xf32> to vector<16xf32>
            %mul3A_329 = arith.mulf %get3A_328, %mul3A_260 : vector<16xf32>
            %swap3A_330 = arith.index_cast %scan3A_244 : i32 to index
            %swap3A_331 = arith.constant 96 : index
            %swap3A_332 = tpu.vector_load %arg14[%swap3A_330, %swap3A_331] {strides = array<i32>} : memref<64x144xf32, #tpu.memory_space<vmem>>, vector<1x16xf32>,
            %swap3A_333 = vector.shape_cast %swap3A_332 : vector<1x16xf32> to vector<16xf32>
            %swap3A_334 = vector.shape_cast %mul3A_329 : vector<16xf32> to vector<1x16xf32>
            tpu.vector_store %arg14[%swap3A_330, %swap3A_331], %swap3A_334 {strides = array<i32>} : memref<64x144xf32, #tpu.memory_space<vmem>>, vector<1x16xf32>,
            %get3A_335 = arith.index_cast %scan3A_244 : i32 to index
            %get3A_336 = arith.constant 112 : index
            %get3A_337 = tpu.vector_load %arg14[%get3A_335, %get3A_336] {strides = array<i32>} : memref<64x144xf32, #tpu.memory_space<vmem>>, vector<1x16xf32>,
            %get3A_338 = vector.shape_cast %get3A_337 : vector<1x16xf32> to vector<16xf32>
            %mul3A_339 = arith.mulf %get3A_338, %mul3A_260 : vector<16xf32>
            %swap3A_340 = arith.index_cast %scan3A_244 : i32 to index
            %swap3A_341 = arith.constant 112 : index
            %swap3A_342 = tpu.vector_load %arg14[%swap3A_340, %swap3A_341] {strides = array<i32>} : memref<64x144xf32, #tpu.memory_space<vmem>>, vector<1x16xf32>,
            %swap3A_343 = vector.shape_cast %swap3A_342 : vector<1x16xf32> to vector<16xf32>
            %swap3A_344 = vector.shape_cast %mul3A_339 : vector<16xf32> to vector<1x16xf32>
            tpu.vector_store %arg14[%swap3A_340, %swap3A_341], %swap3A_344 {strides = array<i32>} : memref<64x144xf32, #tpu.memory_space<vmem>>, vector<1x16xf32>,
          }
          %scan3A_243 = arith.constant 64 : i32
        } else {
        }
        %dma_start3A_217 = arith.constant 2 : i32
        %dma_start3A_218 = arith.constant 0 : i32
        %dma_start3A_219 = tpu.memref_slice %arg10[%dma_start3A_217, %dma_start3A_218] : memref<3x64xi32, #tpu.memory_space<vmem>> -> memref<1x64xi32, #tpu.memory_space<vmem>>
        %dma_start3A_220 = tpu.memref_squeeze %dma_start3A_219 : memref<1x64xi32, #tpu.memory_space<vmem>> -> memref<64xi32, #tpu.memory_space<vmem>>
        %dma_start3A_221 = arith.constant 0 : i32
        %dma_start3A_222 = arith.constant 0 : i32
        %dma_start3A_223 = tpu.memref_slice %arg6[%dma_start3A_221, %dma_start3A_222] : memref<10240x144xf32, #tpu.memory_space<vmem_shared>> -> memref<10240x144xf32, #tpu.memory_space<vmem_shared>>
        tpu.enqueue_indirect_dma source(%arg14 : memref<64x144xf32, #tpu.memory_space<vmem>>) target(%dma_start3A_223 : memref<10240x144xf32, #tpu.memory_space<vmem_shared>>) offsets(%dma_start3A_220 : memref<64xi32, #tpu.memory_space<vmem>>) semaphore(%arg22 : memref<!tpu.dma_semaphore, #tpu.memory_space<semaphore_mem>>) {add = true}
        %add3A_224 = arith.constant 2 : i32
        %add3A_225 = arith.addi %add3A_168, %add3A_224 : i32
        %lt3A_226 = arith.constant 158 : i32
        %lt3A_227 = arith.cmpi slt, %add3A_225, %lt3A_226 : i32
        %convert_element_type3A_228 = arith.extui %lt3A_227 : i1 to i32
        %cond3A_229 = arith.constant 0 : i32
        %cond3A_230 = arith.cmpi ne, %convert_element_type3A_228, %cond3A_229 : i32
        scf.if %cond3A_230 {
          %add3A_238 = arith.constant 2 : i32
          %add3A_239 = arith.addi %add3A_168, %add3A_238 : i32
          %ge3A_240 = arith.constant 1 : i32
          %ge3A_241 = arith.cmpi sge, %add3A_168, %ge3A_240 : i32
          %dma_wait3A_242 = arith.constant 0 : i32
          %dma_wait3A_243 = arith.constant 0 : i32
          %dma_wait3A_244 = arith.constant 0 : i32
          %dma_wait3A_245 = tpu.memref_slice %arg2[%add3A, %dma_wait3A_242, %dma_wait3A_243, %dma_wait3A_244] : memref<32x158x3x64xi32, #tpu.memory_space<hbm>> -> memref<1x1x3x64xi32, #tpu.memory_space<hbm>>
          %dma_wait3A_246 = tpu.memref_squeeze %dma_wait3A_245 : memref<1x1x3x64xi32, #tpu.memory_space<hbm>> -> memref<3x64xi32, #tpu.memory_space<hbm>>
          %dma_wait3A_247 = arith.constant 0 : i32
          %dma_wait3A_248 = arith.constant 0 : i32
          %dma_wait3A_249 = tpu.memref_slice %arg2[%add3A, %dma_wait3A_242, %dma_wait3A_247, %dma_wait3A_248] : memref<32x158x3x64xi32, #tpu.memory_space<hbm>> -> memref<1x1x3x64xi32, #tpu.memory_space<hbm>>
          %dma_wait3A_250 = tpu.memref_squeeze %dma_wait3A_249 : memref<1x1x3x64xi32, #tpu.memory_space<hbm>> -> memref<3x64xi32, #tpu.memory_space<hbm>>
          tpu.wait_dma2 semaphore(%arg30 : memref<!tpu.dma_semaphore, #tpu.memory_space<semaphore_mem>>) src(%dma_wait3A_250 : memref<3x64xi32, #tpu.memory_space<hbm>>) dst(%arg12 : memref<3x64xi32, #tpu.memory_space<vmem>>)
          %convert_element_type3A_251 = arith.extui %ge3A_241 : i1 to i32
          %cond3A_252 = arith.constant 0 : i32
          %cond3A_253 = arith.cmpi ne, %convert_element_type3A_251, %cond3A_252 : i32
          scf.if %cond3A_253 {
            %dma_wait3A_268 = arith.constant 2 : i32
            %dma_wait3A_269 = arith.constant 0 : i32
            %dma_wait3A_270 = tpu.memref_slice %arg12[%dma_wait3A_268, %dma_wait3A_269] : memref<3x64xi32, #tpu.memory_space<vmem>> -> memref<1x64xi32, #tpu.memory_space<vmem>>
            %dma_wait3A_271 = tpu.memref_squeeze %dma_wait3A_270 : memref<1x64xi32, #tpu.memory_space<vmem>> -> memref<64xi32, #tpu.memory_space<vmem>>
            %dma_wait3A_272 = arith.constant 0 : i32
            %dma_wait3A_273 = arith.constant 0 : i32
            %dma_wait3A_274 = tpu.memref_slice %arg6[%dma_wait3A_272, %dma_wait3A_273] : memref<10240x144xf32, #tpu.memory_space<vmem_shared>> -> memref<10240x144xf32, #tpu.memory_space<vmem_shared>>
            tpu.wait_indirect_dma semaphore(%arg24 : memref<!tpu.dma_semaphore, #tpu.memory_space<semaphore_mem>>) src(%arg18 : memref<64x144xf32, #tpu.memory_space<vmem>>) dst(%dma_wait3A_274 : memref<10240x144xf32, #tpu.memory_space<vmem_shared>>)
          } else {
          }
          %dma_start3A_254 = arith.constant 0 : i32
          %dma_start3A_255 = arith.constant 0 : i32
          %dma_start3A_256 = tpu.memref_slice %arg12[%dma_start3A_254, %dma_start3A_255] : memref<3x64xi32, #tpu.memory_space<vmem>> -> memref<1x64xi32, #tpu.memory_space<vmem>>
          %dma_start3A_257 = tpu.memref_squeeze %dma_start3A_256 : memref<1x64xi32, #tpu.memory_space<vmem>> -> memref<64xi32, #tpu.memory_space<vmem>>
          %dma_start3A_258 = arith.constant 0 : i32
          %dma_start3A_259 = arith.constant 0 : i32
          %dma_start3A_260 = tpu.memref_slice %arg3[%dma_start3A_258, %dma_start3A_259] : memref<80000x16xf32, #tpu.memory_space<hbm>> -> memref<80000x16xf32, #tpu.memory_space<hbm>>
          tpu.enqueue_indirect_dma source(%dma_start3A_260 : memref<80000x16xf32, #tpu.memory_space<hbm>>) target(%arg17 : memref<64x16xf32, #tpu.memory_space<vmem>>) offsets(%dma_start3A_257 : memref<64xi32, #tpu.memory_space<vmem>>) semaphore(%arg21 : memref<!tpu.dma_semaphore, #tpu.memory_space<semaphore_mem>>)
          %dma_start3A_261 = arith.constant 1 : i32
          %dma_start3A_262 = arith.constant 0 : i32
          %dma_start3A_263 = tpu.memref_slice %arg12[%dma_start3A_261, %dma_start3A_262] : memref<3x64xi32, #tpu.memory_space<vmem>> -> memref<1x64xi32, #tpu.memory_space<vmem>>
          %dma_start3A_264 = tpu.memref_squeeze %dma_start3A_263 : memref<1x64xi32, #tpu.memory_space<vmem>> -> memref<64xi32, #tpu.memory_space<vmem>>
          %dma_start3A_265 = arith.constant 0 : i32
          %dma_start3A_266 = arith.constant 0 : i32
          %dma_start3A_267 = tpu.memref_slice %arg4[%dma_start3A_265, %dma_start3A_266] : memref<80000x144xf32, #tpu.memory_space<hbm>> -> memref<80000x144xf32, #tpu.memory_space<hbm>>
          tpu.enqueue_indirect_dma source(%dma_start3A_267 : memref<80000x144xf32, #tpu.memory_space<hbm>>) target(%arg18 : memref<64x144xf32, #tpu.memory_space<vmem>>) offsets(%dma_start3A_264 : memref<64xi32, #tpu.memory_space<vmem>>) semaphore(%arg21 : memref<!tpu.dma_semaphore, #tpu.memory_space<semaphore_mem>>)
        } else {
        }
        %add3A_231 = arith.constant 5 : i32
        %add3A_232 = arith.addi %add3A_168, %add3A_231 : i32
        %lt3A_233 = arith.constant 158 : i32
        %lt3A_234 = arith.cmpi slt, %add3A_232, %lt3A_233 : i32
        %convert_element_type3A_235 = arith.extui %lt3A_234 : i1 to i32
        %cond3A_236 = arith.constant 0 : i32
        %cond3A_237 = arith.cmpi ne, %convert_element_type3A_235, %cond3A_236 : i32
        scf.if %cond3A_237 {
          %add3A_238 = arith.constant 5 : i32
          %add3A_239 = arith.addi %add3A_168, %add3A_238 : i32
          %dma_start3A_240 = arith.constant 0 : i32
          %dma_start3A_241 = arith.constant 0 : i32
          %dma_start3A_242 = tpu.memref_slice %arg2[%add3A, %add3A_239, %dma_start3A_240, %dma_start3A_241] : memref<32x158x3x64xi32, #tpu.memory_space<hbm>> -> memref<1x1x3x64xi32, #tpu.memory_space<hbm>>
          %dma_start3A_243 = tpu.memref_squeeze %dma_start3A_242 : memref<1x1x3x64xi32, #tpu.memory_space<hbm>> -> memref<3x64xi32, #tpu.memory_space<hbm>>
          %dma_start3A_244 = arith.constant 0 : i32
          %dma_start3A_245 = arith.constant 0 : i32
          %dma_start3A_246 = tpu.memref_slice %arg2[%add3A, %add3A_239, %dma_start3A_244, %dma_start3A_245] : memref<32x158x3x64xi32, #tpu.memory_space<hbm>> -> memref<1x1x3x64xi32, #tpu.memory_space<hbm>>
          %dma_start3A_247 = tpu.memref_squeeze %dma_start3A_246 : memref<1x1x3x64xi32, #tpu.memory_space<hbm>> -> memref<3x64xi32, #tpu.memory_space<hbm>>
          tpu.enqueue_dma source(%dma_start3A_247 : memref<3x64xi32, #tpu.memory_space<hbm>>) target(%arg9 : memref<3x64xi32, #tpu.memory_space<vmem>>) target_semaphore(%arg27 : memref<!tpu.dma_semaphore, #tpu.memory_space<semaphore_mem>>)
        } else {
        }
      } else {
      }
      %add3A_174 = arith.constant 4 : i32
      %add3A_175 = arith.addi %mul3A_148, %add3A_174 : i32
      %lt3A_176 = arith.constant 158 : i32
      %lt3A_177 = arith.cmpi slt, %add3A_175, %lt3A_176 : i32
      %convert_element_type3A_178 = arith.extui %lt3A_177 : i1 to i32
      %cond3A_179 = arith.constant 0 : i32
      %cond3A_180 = arith.cmpi ne, %convert_element_type3A_178, %cond3A_179 : i32
      scf.if %cond3A_180 {
        %dma_wait3A_188 = arith.constant 0 : i32
        %dma_wait3A_189 = arith.constant 0 : i32
        %dma_wait3A_190 = tpu.memref_slice %arg11[%dma_wait3A_188, %dma_wait3A_189] : memref<3x64xi32, #tpu.memory_space<vmem>> -> memref<1x64xi32, #tpu.memory_space<vmem>>
        %dma_wait3A_191 = tpu.memref_squeeze %dma_wait3A_190 : memref<1x64xi32, #tpu.memory_space<vmem>> -> memref<64xi32, #tpu.memory_space<vmem>>
        %dma_wait3A_192 = arith.constant 0 : i32
        %dma_wait3A_193 = arith.constant 0 : i32
        %dma_wait3A_194 = tpu.memref_slice %arg3[%dma_wait3A_192, %dma_wait3A_193] : memref<80000x16xf32, #tpu.memory_space<hbm>> -> memref<80000x16xf32, #tpu.memory_space<hbm>>
        tpu.wait_indirect_dma semaphore(%arg20 : memref<!tpu.dma_semaphore, #tpu.memory_space<semaphore_mem>>) src(%dma_wait3A_194 : memref<80000x16xf32, #tpu.memory_space<hbm>>) dst(%arg15 : memref<64x16xf32, #tpu.memory_space<vmem>>)
        %dma_wait3A_195 = arith.constant 1 : i32
        %dma_wait3A_196 = arith.constant 0 : i32
        %dma_wait3A_197 = tpu.memref_slice %arg11[%dma_wait3A_195, %dma_wait3A_196] : memref<3x64xi32, #tpu.memory_space<vmem>> -> memref<1x64xi32, #tpu.memory_space<vmem>>
        %dma_wait3A_198 = tpu.memref_squeeze %dma_wait3A_197 : memref<1x64xi32, #tpu.memory_space<vmem>> -> memref<64xi32, #tpu.memory_space<vmem>>
        %dma_wait3A_199 = arith.constant 0 : i32
        %dma_wait3A_200 = arith.constant 0 : i32
        %dma_wait3A_201 = tpu.memref_slice %arg4[%dma_wait3A_199, %dma_wait3A_200] : memref<80000x144xf32, #tpu.memory_space<hbm>> -> memref<80000x144xf32, #tpu.memory_space<hbm>>
        tpu.wait_indirect_dma semaphore(%arg20 : memref<!tpu.dma_semaphore, #tpu.memory_space<semaphore_mem>>) src(%dma_wait3A_201 : memref<80000x144xf32, #tpu.memory_space<hbm>>) dst(%arg16 : memref<64x144xf32, #tpu.memory_space<vmem>>)
        %mul3A_202 = arith.constant 10112 : i32
        %mul3A_203 = arith.muli %add3A, %mul3A_202 : i32
        %mul3A_204 = arith.constant 64 : i32
        %mul3A_205 = arith.muli %add3A_175, %mul3A_204 : i32
        %add3A_206 = arith.addi %mul3A_203, %mul3A_205 : i32
        %sub3A = arith.constant 320000 : i32
        %sub3A_207 = arith.subi %sub3A, %add3A_206 : i32
        %ge3A = arith.constant 64 : i32
        %ge3A_208 = arith.cmpi sge, %sub3A_207, %ge3A : i32
        %convert_element_type3A_209 = arith.extui %ge3A_208 : i1 to i32
        %cond3A_210 = arith.constant 0 : i32
        %cond3A_211 = arith.cmpi ne, %convert_element_type3A_209, %cond3A_210 : i32
        scf.if %cond3A_211 {
          %scan3A_238 = arith.constant 0 : i32
          %scan3A_239 = arith.constant 0 : i32
          %scan3A_240 = arith.constant 64 : i32
          %scan3A_241 = arith.addi %scan3A_239, %scan3A_240 : i32
          %scan3A_242 = arith.constant 1 : i32
          scf.for %scan3A_244 = %scan3A_239 to %scan3A_241 step %scan3A_242  : i32 {
            %get3A = arith.index_cast %scan3A_244 : i32 to index
            %get3A_245 = arith.constant 0 : index
            %get3A_246 = tpu.vector_load %arg15[%get3A, %get3A_245] {strides = array<i32>} : memref<64x16xf32, #tpu.memory_space<vmem>>, vector<1x16xf32>,
            %get3A_247 = vector.shape_cast %get3A_246 : vector<1x16xf32> to vector<16xf32>
            %get3A_248 = arith.index_cast %scan3A_244 : i32 to index
            %get3A_249 = arith.constant 128 : index
            %get3A_250 = tpu.vector_load %arg16[%get3A_248, %get3A_249] {strides = array<i32>} : memref<64x144xf32, #tpu.memory_space<vmem>>, vector<1x16xf32>,
            %get3A_251 = vector.shape_cast %get3A_250 : vector<1x16xf32> to vector<16xf32>
            %add3A_252 = arith.addf %get3A_247, %get3A_251 : vector<16xf32>
            %mul3A_253 = arith.constant 2.000000e-01 : f32
            %mul3A_254 = vector.broadcast %mul3A_253 : f32 to vector<16xf32>
            %mul3A_255 = arith.mulf %add3A_252, %mul3A_254 : vector<16xf32>
            %max3A = arith.maximumf %add3A_252, %mul3A_255 : vector<16xf32>
            %exp3A = math.exp %max3A : vector<16xf32>
            %swap3A = arith.index_cast %scan3A_244 : i32 to index
            %swap3A_256 = arith.constant 128 : index
            %swap3A_257 = tpu.vector_load %arg16[%swap3A, %swap3A_256] {strides = array<i32>} : memref<64x144xf32, #tpu.memory_space<vmem>>, vector<1x16xf32>,
            %swap3A_258 = vector.shape_cast %swap3A_257 : vector<1x16xf32> to vector<16xf32>
            %swap3A_259 = vector.shape_cast %exp3A : vector<16xf32> to vector<1x16xf32>
            tpu.vector_store %arg16[%swap3A, %swap3A_256], %swap3A_259 {strides = array<i32>} : memref<64x144xf32, #tpu.memory_space<vmem>>, vector<1x16xf32>,
            %get3A_260 = arith.index_cast %scan3A_244 : i32 to index
            %get3A_261 = arith.constant 0 : index
            %get3A_262 = tpu.vector_load %arg16[%get3A_260, %get3A_261] {strides = array<i32>} : memref<64x144xf32, #tpu.memory_space<vmem>>, vector<1x16xf32>,
            %get3A_263 = vector.shape_cast %get3A_262 : vector<1x16xf32> to vector<16xf32>
            %mul3A_264 = arith.mulf %get3A_263, %exp3A : vector<16xf32>
            %swap3A_265 = arith.index_cast %scan3A_244 : i32 to index
            %swap3A_266 = arith.constant 0 : index
            %swap3A_267 = tpu.vector_load %arg16[%swap3A_265, %swap3A_266] {strides = array<i32>} : memref<64x144xf32, #tpu.memory_space<vmem>>, vector<1x16xf32>,
            %swap3A_268 = vector.shape_cast %swap3A_267 : vector<1x16xf32> to vector<16xf32>
            %swap3A_269 = vector.shape_cast %mul3A_264 : vector<16xf32> to vector<1x16xf32>
            tpu.vector_store %arg16[%swap3A_265, %swap3A_266], %swap3A_269 {strides = array<i32>} : memref<64x144xf32, #tpu.memory_space<vmem>>, vector<1x16xf32>,
            %get3A_270 = arith.index_cast %scan3A_244 : i32 to index
            %get3A_271 = arith.constant 16 : index
            %get3A_272 = tpu.vector_load %arg16[%get3A_270, %get3A_271] {strides = array<i32>} : memref<64x144xf32, #tpu.memory_space<vmem>>, vector<1x16xf32>,
            %get3A_273 = vector.shape_cast %get3A_272 : vector<1x16xf32> to vector<16xf32>
            %mul3A_274 = arith.mulf %get3A_273, %exp3A : vector<16xf32>
            %swap3A_275 = arith.index_cast %scan3A_244 : i32 to index
            %swap3A_276 = arith.constant 16 : index
            %swap3A_277 = tpu.vector_load %arg16[%swap3A_275, %swap3A_276] {strides = array<i32>} : memref<64x144xf32, #tpu.memory_space<vmem>>, vector<1x16xf32>,
            %swap3A_278 = vector.shape_cast %swap3A_277 : vector<1x16xf32> to vector<16xf32>
            %swap3A_279 = vector.shape_cast %mul3A_274 : vector<16xf32> to vector<1x16xf32>
            tpu.vector_store %arg16[%swap3A_275, %swap3A_276], %swap3A_279 {strides = array<i32>} : memref<64x144xf32, #tpu.memory_space<vmem>>, vector<1x16xf32>,
            %get3A_280 = arith.index_cast %scan3A_244 : i32 to index
            %get3A_281 = arith.constant 32 : index
            %get3A_282 = tpu.vector_load %arg16[%get3A_280, %get3A_281] {strides = array<i32>} : memref<64x144xf32, #tpu.memory_space<vmem>>, vector<1x16xf32>,
            %get3A_283 = vector.shape_cast %get3A_282 : vector<1x16xf32> to vector<16xf32>
            %mul3A_284 = arith.mulf %get3A_283, %exp3A : vector<16xf32>
            %swap3A_285 = arith.index_cast %scan3A_244 : i32 to index
            %swap3A_286 = arith.constant 32 : index
            %swap3A_287 = tpu.vector_load %arg16[%swap3A_285, %swap3A_286] {strides = array<i32>} : memref<64x144xf32, #tpu.memory_space<vmem>>, vector<1x16xf32>,
            %swap3A_288 = vector.shape_cast %swap3A_287 : vector<1x16xf32> to vector<16xf32>
            %swap3A_289 = vector.shape_cast %mul3A_284 : vector<16xf32> to vector<1x16xf32>
            tpu.vector_store %arg16[%swap3A_285, %swap3A_286], %swap3A_289 {strides = array<i32>} : memref<64x144xf32, #tpu.memory_space<vmem>>, vector<1x16xf32>,
            %get3A_290 = arith.index_cast %scan3A_244 : i32 to index
            %get3A_291 = arith.constant 48 : index
            %get3A_292 = tpu.vector_load %arg16[%get3A_290, %get3A_291] {strides = array<i32>} : memref<64x144xf32, #tpu.memory_space<vmem>>, vector<1x16xf32>,
            %get3A_293 = vector.shape_cast %get3A_292 : vector<1x16xf32> to vector<16xf32>
            %mul3A_294 = arith.mulf %get3A_293, %exp3A : vector<16xf32>
            %swap3A_295 = arith.index_cast %scan3A_244 : i32 to index
            %swap3A_296 = arith.constant 48 : index
            %swap3A_297 = tpu.vector_load %arg16[%swap3A_295, %swap3A_296] {strides = array<i32>} : memref<64x144xf32, #tpu.memory_space<vmem>>, vector<1x16xf32>,
            %swap3A_298 = vector.shape_cast %swap3A_297 : vector<1x16xf32> to vector<16xf32>
            %swap3A_299 = vector.shape_cast %mul3A_294 : vector<16xf32> to vector<1x16xf32>
            tpu.vector_store %arg16[%swap3A_295, %swap3A_296], %swap3A_299 {strides = array<i32>} : memref<64x144xf32, #tpu.memory_space<vmem>>, vector<1x16xf32>,
            %get3A_300 = arith.index_cast %scan3A_244 : i32 to index
            %get3A_301 = arith.constant 64 : index
            %get3A_302 = tpu.vector_load %arg16[%get3A_300, %get3A_301] {strides = array<i32>} : memref<64x144xf32, #tpu.memory_space<vmem>>, vector<1x16xf32>,
            %get3A_303 = vector.shape_cast %get3A_302 : vector<1x16xf32> to vector<16xf32>
            %mul3A_304 = arith.mulf %get3A_303, %exp3A : vector<16xf32>
            %swap3A_305 = arith.index_cast %scan3A_244 : i32 to index
            %swap3A_306 = arith.constant 64 : index
            %swap3A_307 = tpu.vector_load %arg16[%swap3A_305, %swap3A_306] {strides = array<i32>} : memref<64x144xf32, #tpu.memory_space<vmem>>, vector<1x16xf32>,
            %swap3A_308 = vector.shape_cast %swap3A_307 : vector<1x16xf32> to vector<16xf32>
            %swap3A_309 = vector.shape_cast %mul3A_304 : vector<16xf32> to vector<1x16xf32>
            tpu.vector_store %arg16[%swap3A_305, %swap3A_306], %swap3A_309 {strides = array<i32>} : memref<64x144xf32, #tpu.memory_space<vmem>>, vector<1x16xf32>,
            %get3A_310 = arith.index_cast %scan3A_244 : i32 to index
            %get3A_311 = arith.constant 80 : index
            %get3A_312 = tpu.vector_load %arg16[%get3A_310, %get3A_311] {strides = array<i32>} : memref<64x144xf32, #tpu.memory_space<vmem>>, vector<1x16xf32>,
            %get3A_313 = vector.shape_cast %get3A_312 : vector<1x16xf32> to vector<16xf32>
            %mul3A_314 = arith.mulf %get3A_313, %exp3A : vector<16xf32>
            %swap3A_315 = arith.index_cast %scan3A_244 : i32 to index
            %swap3A_316 = arith.constant 80 : index
            %swap3A_317 = tpu.vector_load %arg16[%swap3A_315, %swap3A_316] {strides = array<i32>} : memref<64x144xf32, #tpu.memory_space<vmem>>, vector<1x16xf32>,
            %swap3A_318 = vector.shape_cast %swap3A_317 : vector<1x16xf32> to vector<16xf32>
            %swap3A_319 = vector.shape_cast %mul3A_314 : vector<16xf32> to vector<1x16xf32>
            tpu.vector_store %arg16[%swap3A_315, %swap3A_316], %swap3A_319 {strides = array<i32>} : memref<64x144xf32, #tpu.memory_space<vmem>>, vector<1x16xf32>,
            %get3A_320 = arith.index_cast %scan3A_244 : i32 to index
            %get3A_321 = arith.constant 96 : index
            %get3A_322 = tpu.vector_load %arg16[%get3A_320, %get3A_321] {strides = array<i32>} : memref<64x144xf32, #tpu.memory_space<vmem>>, vector<1x16xf32>,
            %get3A_323 = vector.shape_cast %get3A_322 : vector<1x16xf32> to vector<16xf32>
            %mul3A_324 = arith.mulf %get3A_323, %exp3A : vector<16xf32>
            %swap3A_325 = arith.index_cast %scan3A_244 : i32 to index
            %swap3A_326 = arith.constant 96 : index
            %swap3A_327 = tpu.vector_load %arg16[%swap3A_325, %swap3A_326] {strides = array<i32>} : memref<64x144xf32, #tpu.memory_space<vmem>>, vector<1x16xf32>,
            %swap3A_328 = vector.shape_cast %swap3A_327 : vector<1x16xf32> to vector<16xf32>
            %swap3A_329 = vector.shape_cast %mul3A_324 : vector<16xf32> to vector<1x16xf32>
            tpu.vector_store %arg16[%swap3A_325, %swap3A_326], %swap3A_329 {strides = array<i32>} : memref<64x144xf32, #tpu.memory_space<vmem>>, vector<1x16xf32>,
            %get3A_330 = arith.index_cast %scan3A_244 : i32 to index
            %get3A_331 = arith.constant 112 : index
            %get3A_332 = tpu.vector_load %arg16[%get3A_330, %get3A_331] {strides = array<i32>} : memref<64x144xf32, #tpu.memory_space<vmem>>, vector<1x16xf32>,
            %get3A_333 = vector.shape_cast %get3A_332 : vector<1x16xf32> to vector<16xf32>
            %mul3A_334 = arith.mulf %get3A_333, %exp3A : vector<16xf32>
            %swap3A_335 = arith.index_cast %scan3A_244 : i32 to index
            %swap3A_336 = arith.constant 112 : index
            %swap3A_337 = tpu.vector_load %arg16[%swap3A_335, %swap3A_336] {strides = array<i32>} : memref<64x144xf32, #tpu.memory_space<vmem>>, vector<1x16xf32>,
            %swap3A_338 = vector.shape_cast %swap3A_337 : vector<1x16xf32> to vector<16xf32>
            %swap3A_339 = vector.shape_cast %mul3A_334 : vector<16xf32> to vector<1x16xf32>
            tpu.vector_store %arg16[%swap3A_335, %swap3A_336], %swap3A_339 {strides = array<i32>} : memref<64x144xf32, #tpu.memory_space<vmem>>, vector<1x16xf32>,
          }
          %scan3A_243 = arith.constant 64 : i32
        } else {
        }
        %lt3A_212 = arith.constant 64 : i32
        %lt3A_213 = arith.cmpi slt, %sub3A_207, %lt3A_212 : i32
        %convert_element_type3A_214 = arith.extui %lt3A_213 : i1 to i32
        %cond3A_215 = arith.constant 0 : i32
        %cond3A_216 = arith.cmpi ne, %convert_element_type3A_214, %cond3A_215 : i32
        scf.if %cond3A_216 {
          %scan3A_238 = arith.constant 0 : i32
          %scan3A_239 = arith.constant 0 : i32
          %scan3A_240 = arith.constant 64 : i32
          %scan3A_241 = arith.addi %scan3A_239, %scan3A_240 : i32
          %scan3A_242 = arith.constant 1 : i32
          scf.for %scan3A_244 = %scan3A_239 to %scan3A_241 step %scan3A_242  : i32 {
            %get3A = arith.index_cast %scan3A_244 : i32 to index
            %get3A_245 = arith.constant 0 : index
            %get3A_246 = tpu.vector_load %arg15[%get3A, %get3A_245] {strides = array<i32>} : memref<64x16xf32, #tpu.memory_space<vmem>>, vector<1x16xf32>,
            %get3A_247 = vector.shape_cast %get3A_246 : vector<1x16xf32> to vector<16xf32>
            %get3A_248 = arith.index_cast %scan3A_244 : i32 to index
            %get3A_249 = arith.constant 128 : index
            %get3A_250 = tpu.vector_load %arg16[%get3A_248, %get3A_249] {strides = array<i32>} : memref<64x144xf32, #tpu.memory_space<vmem>>, vector<1x16xf32>,
            %get3A_251 = vector.shape_cast %get3A_250 : vector<1x16xf32> to vector<16xf32>
            %add3A_252 = arith.addf %get3A_247, %get3A_251 : vector<16xf32>
            %lt3A_253 = arith.cmpi slt, %scan3A_244, %sub3A_207 : i32
            %convert_element_type3A_254 = arith.extui %lt3A_253 : i1 to i32
            %convert_element_type3A_255 = arith.sitofp %convert_element_type3A_254 : i32 to f32
            %mul3A_256 = arith.constant 2.000000e-01 : f32
            %mul3A_257 = vector.broadcast %mul3A_256 : f32 to vector<16xf32>
            %mul3A_258 = arith.mulf %add3A_252, %mul3A_257 : vector<16xf32>
            %max3A = arith.maximumf %add3A_252, %mul3A_258 : vector<16xf32>
            %exp3A = math.exp %max3A : vector<16xf32>
            %mul3A_259 = vector.broadcast %convert_element_type3A_255 : f32 to vector<16xf32>
            %mul3A_260 = arith.mulf %exp3A, %mul3A_259 : vector<16xf32>
            %swap3A = arith.index_cast %scan3A_244 : i32 to index
            %swap3A_261 = arith.constant 128 : index
            %swap3A_262 = tpu.vector_load %arg16[%swap3A, %swap3A_261] {strides = array<i32>} : memref<64x144xf32, #tpu.memory_space<vmem>>, vector<1x16xf32>,
            %swap3A_263 = vector.shape_cast %swap3A_262 : vector<1x16xf32> to vector<16xf32>
            %swap3A_264 = vector.shape_cast %mul3A_260 : vector<16xf32> to vector<1x16xf32>
            tpu.vector_store %arg16[%swap3A, %swap3A_261], %swap3A_264 {strides = array<i32>} : memref<64x144xf32, #tpu.memory_space<vmem>>, vector<1x16xf32>,
            %get3A_265 = arith.index_cast %scan3A_244 : i32 to index
            %get3A_266 = arith.constant 0 : index
            %get3A_267 = tpu.vector_load %arg16[%get3A_265, %get3A_266] {strides = array<i32>} : memref<64x144xf32, #tpu.memory_space<vmem>>, vector<1x16xf32>,
            %get3A_268 = vector.shape_cast %get3A_267 : vector<1x16xf32> to vector<16xf32>
            %mul3A_269 = arith.mulf %get3A_268, %mul3A_260 : vector<16xf32>
            %swap3A_270 = arith.index_cast %scan3A_244 : i32 to index
            %swap3A_271 = arith.constant 0 : index
            %swap3A_272 = tpu.vector_load %arg16[%swap3A_270, %swap3A_271] {strides = array<i32>} : memref<64x144xf32, #tpu.memory_space<vmem>>, vector<1x16xf32>,
            %swap3A_273 = vector.shape_cast %swap3A_272 : vector<1x16xf32> to vector<16xf32>
            %swap3A_274 = vector.shape_cast %mul3A_269 : vector<16xf32> to vector<1x16xf32>
            tpu.vector_store %arg16[%swap3A_270, %swap3A_271], %swap3A_274 {strides = array<i32>} : memref<64x144xf32, #tpu.memory_space<vmem>>, vector<1x16xf32>,
            %get3A_275 = arith.index_cast %scan3A_244 : i32 to index
            %get3A_276 = arith.constant 16 : index
            %get3A_277 = tpu.vector_load %arg16[%get3A_275, %get3A_276] {strides = array<i32>} : memref<64x144xf32, #tpu.memory_space<vmem>>, vector<1x16xf32>,
            %get3A_278 = vector.shape_cast %get3A_277 : vector<1x16xf32> to vector<16xf32>
            %mul3A_279 = arith.mulf %get3A_278, %mul3A_260 : vector<16xf32>
            %swap3A_280 = arith.index_cast %scan3A_244 : i32 to index
            %swap3A_281 = arith.constant 16 : index
            %swap3A_282 = tpu.vector_load %arg16[%swap3A_280, %swap3A_281] {strides = array<i32>} : memref<64x144xf32, #tpu.memory_space<vmem>>, vector<1x16xf32>,
            %swap3A_283 = vector.shape_cast %swap3A_282 : vector<1x16xf32> to vector<16xf32>
            %swap3A_284 = vector.shape_cast %mul3A_279 : vector<16xf32> to vector<1x16xf32>
            tpu.vector_store %arg16[%swap3A_280, %swap3A_281], %swap3A_284 {strides = array<i32>} : memref<64x144xf32, #tpu.memory_space<vmem>>, vector<1x16xf32>,
            %get3A_285 = arith.index_cast %scan3A_244 : i32 to index
            %get3A_286 = arith.constant 32 : index
            %get3A_287 = tpu.vector_load %arg16[%get3A_285, %get3A_286] {strides = array<i32>} : memref<64x144xf32, #tpu.memory_space<vmem>>, vector<1x16xf32>,
            %get3A_288 = vector.shape_cast %get3A_287 : vector<1x16xf32> to vector<16xf32>
            %mul3A_289 = arith.mulf %get3A_288, %mul3A_260 : vector<16xf32>
            %swap3A_290 = arith.index_cast %scan3A_244 : i32 to index
            %swap3A_291 = arith.constant 32 : index
            %swap3A_292 = tpu.vector_load %arg16[%swap3A_290, %swap3A_291] {strides = array<i32>} : memref<64x144xf32, #tpu.memory_space<vmem>>, vector<1x16xf32>,
            %swap3A_293 = vector.shape_cast %swap3A_292 : vector<1x16xf32> to vector<16xf32>
            %swap3A_294 = vector.shape_cast %mul3A_289 : vector<16xf32> to vector<1x16xf32>
            tpu.vector_store %arg16[%swap3A_290, %swap3A_291], %swap3A_294 {strides = array<i32>} : memref<64x144xf32, #tpu.memory_space<vmem>>, vector<1x16xf32>,
            %get3A_295 = arith.index_cast %scan3A_244 : i32 to index
            %get3A_296 = arith.constant 48 : index
            %get3A_297 = tpu.vector_load %arg16[%get3A_295, %get3A_296] {strides = array<i32>} : memref<64x144xf32, #tpu.memory_space<vmem>>, vector<1x16xf32>,
            %get3A_298 = vector.shape_cast %get3A_297 : vector<1x16xf32> to vector<16xf32>
            %mul3A_299 = arith.mulf %get3A_298, %mul3A_260 : vector<16xf32>
            %swap3A_300 = arith.index_cast %scan3A_244 : i32 to index
            %swap3A_301 = arith.constant 48 : index
            %swap3A_302 = tpu.vector_load %arg16[%swap3A_300, %swap3A_301] {strides = array<i32>} : memref<64x144xf32, #tpu.memory_space<vmem>>, vector<1x16xf32>,
            %swap3A_303 = vector.shape_cast %swap3A_302 : vector<1x16xf32> to vector<16xf32>
            %swap3A_304 = vector.shape_cast %mul3A_299 : vector<16xf32> to vector<1x16xf32>
            tpu.vector_store %arg16[%swap3A_300, %swap3A_301], %swap3A_304 {strides = array<i32>} : memref<64x144xf32, #tpu.memory_space<vmem>>, vector<1x16xf32>,
            %get3A_305 = arith.index_cast %scan3A_244 : i32 to index
            %get3A_306 = arith.constant 64 : index
            %get3A_307 = tpu.vector_load %arg16[%get3A_305, %get3A_306] {strides = array<i32>} : memref<64x144xf32, #tpu.memory_space<vmem>>, vector<1x16xf32>,
            %get3A_308 = vector.shape_cast %get3A_307 : vector<1x16xf32> to vector<16xf32>
            %mul3A_309 = arith.mulf %get3A_308, %mul3A_260 : vector<16xf32>
            %swap3A_310 = arith.index_cast %scan3A_244 : i32 to index
            %swap3A_311 = arith.constant 64 : index
            %swap3A_312 = tpu.vector_load %arg16[%swap3A_310, %swap3A_311] {strides = array<i32>} : memref<64x144xf32, #tpu.memory_space<vmem>>, vector<1x16xf32>,
            %swap3A_313 = vector.shape_cast %swap3A_312 : vector<1x16xf32> to vector<16xf32>
            %swap3A_314 = vector.shape_cast %mul3A_309 : vector<16xf32> to vector<1x16xf32>
            tpu.vector_store %arg16[%swap3A_310, %swap3A_311], %swap3A_314 {strides = array<i32>} : memref<64x144xf32, #tpu.memory_space<vmem>>, vector<1x16xf32>,
            %get3A_315 = arith.index_cast %scan3A_244 : i32 to index
            %get3A_316 = arith.constant 80 : index
            %get3A_317 = tpu.vector_load %arg16[%get3A_315, %get3A_316] {strides = array<i32>} : memref<64x144xf32, #tpu.memory_space<vmem>>, vector<1x16xf32>,
            %get3A_318 = vector.shape_cast %get3A_317 : vector<1x16xf32> to vector<16xf32>
            %mul3A_319 = arith.mulf %get3A_318, %mul3A_260 : vector<16xf32>
            %swap3A_320 = arith.index_cast %scan3A_244 : i32 to index
            %swap3A_321 = arith.constant 80 : index
            %swap3A_322 = tpu.vector_load %arg16[%swap3A_320, %swap3A_321] {strides = array<i32>} : memref<64x144xf32, #tpu.memory_space<vmem>>, vector<1x16xf32>,
            %swap3A_323 = vector.shape_cast %swap3A_322 : vector<1x16xf32> to vector<16xf32>
            %swap3A_324 = vector.shape_cast %mul3A_319 : vector<16xf32> to vector<1x16xf32>
            tpu.vector_store %arg16[%swap3A_320, %swap3A_321], %swap3A_324 {strides = array<i32>} : memref<64x144xf32, #tpu.memory_space<vmem>>, vector<1x16xf32>,
            %get3A_325 = arith.index_cast %scan3A_244 : i32 to index
            %get3A_326 = arith.constant 96 : index
            %get3A_327 = tpu.vector_load %arg16[%get3A_325, %get3A_326] {strides = array<i32>} : memref<64x144xf32, #tpu.memory_space<vmem>>, vector<1x16xf32>,
            %get3A_328 = vector.shape_cast %get3A_327 : vector<1x16xf32> to vector<16xf32>
            %mul3A_329 = arith.mulf %get3A_328, %mul3A_260 : vector<16xf32>
            %swap3A_330 = arith.index_cast %scan3A_244 : i32 to index
            %swap3A_331 = arith.constant 96 : index
            %swap3A_332 = tpu.vector_load %arg16[%swap3A_330, %swap3A_331] {strides = array<i32>} : memref<64x144xf32, #tpu.memory_space<vmem>>, vector<1x16xf32>,
            %swap3A_333 = vector.shape_cast %swap3A_332 : vector<1x16xf32> to vector<16xf32>
            %swap3A_334 = vector.shape_cast %mul3A_329 : vector<16xf32> to vector<1x16xf32>
            tpu.vector_store %arg16[%swap3A_330, %swap3A_331], %swap3A_334 {strides = array<i32>} : memref<64x144xf32, #tpu.memory_space<vmem>>, vector<1x16xf32>,
            %get3A_335 = arith.index_cast %scan3A_244 : i32 to index
            %get3A_336 = arith.constant 112 : index
            %get3A_337 = tpu.vector_load %arg16[%get3A_335, %get3A_336] {strides = array<i32>} : memref<64x144xf32, #tpu.memory_space<vmem>>, vector<1x16xf32>,
            %get3A_338 = vector.shape_cast %get3A_337 : vector<1x16xf32> to vector<16xf32>
            %mul3A_339 = arith.mulf %get3A_338, %mul3A_260 : vector<16xf32>
            %swap3A_340 = arith.index_cast %scan3A_244 : i32 to index
            %swap3A_341 = arith.constant 112 : index
            %swap3A_342 = tpu.vector_load %arg16[%swap3A_340, %swap3A_341] {strides = array<i32>} : memref<64x144xf32, #tpu.memory_space<vmem>>, vector<1x16xf32>,
            %swap3A_343 = vector.shape_cast %swap3A_342 : vector<1x16xf32> to vector<16xf32>
            %swap3A_344 = vector.shape_cast %mul3A_339 : vector<16xf32> to vector<1x16xf32>
            tpu.vector_store %arg16[%swap3A_340, %swap3A_341], %swap3A_344 {strides = array<i32>} : memref<64x144xf32, #tpu.memory_space<vmem>>, vector<1x16xf32>,
          }
          %scan3A_243 = arith.constant 64 : i32
        } else {
        }
        %dma_start3A_217 = arith.constant 2 : i32
        %dma_start3A_218 = arith.constant 0 : i32
        %dma_start3A_219 = tpu.memref_slice %arg11[%dma_start3A_217, %dma_start3A_218] : memref<3x64xi32, #tpu.memory_space<vmem>> -> memref<1x64xi32, #tpu.memory_space<vmem>>
        %dma_start3A_220 = tpu.memref_squeeze %dma_start3A_219 : memref<1x64xi32, #tpu.memory_space<vmem>> -> memref<64xi32, #tpu.memory_space<vmem>>
        %dma_start3A_221 = arith.constant 0 : i32
        %dma_start3A_222 = arith.constant 0 : i32
        %dma_start3A_223 = tpu.memref_slice %arg6[%dma_start3A_221, %dma_start3A_222] : memref<10240x144xf32, #tpu.memory_space<vmem_shared>> -> memref<10240x144xf32, #tpu.memory_space<vmem_shared>>
        tpu.enqueue_indirect_dma source(%arg16 : memref<64x144xf32, #tpu.memory_space<vmem>>) target(%dma_start3A_223 : memref<10240x144xf32, #tpu.memory_space<vmem_shared>>) offsets(%dma_start3A_220 : memref<64xi32, #tpu.memory_space<vmem>>) semaphore(%arg23 : memref<!tpu.dma_semaphore, #tpu.memory_space<semaphore_mem>>) {add = true}
        %add3A_224 = arith.constant 2 : i32
        %add3A_225 = arith.addi %add3A_175, %add3A_224 : i32
        %lt3A_226 = arith.constant 158 : i32
        %lt3A_227 = arith.cmpi slt, %add3A_225, %lt3A_226 : i32
        %convert_element_type3A_228 = arith.extui %lt3A_227 : i1 to i32
        %cond3A_229 = arith.constant 0 : i32
        %cond3A_230 = arith.cmpi ne, %convert_element_type3A_228, %cond3A_229 : i32
        scf.if %cond3A_230 {
          %add3A_238 = arith.constant 2 : i32
          %add3A_239 = arith.addi %add3A_175, %add3A_238 : i32
          %ge3A_240 = arith.constant 1 : i32
          %ge3A_241 = arith.cmpi sge, %add3A_175, %ge3A_240 : i32
          %dma_wait3A_242 = arith.constant 0 : i32
          %dma_wait3A_243 = arith.constant 0 : i32
          %dma_wait3A_244 = arith.constant 0 : i32
          %dma_wait3A_245 = tpu.memref_slice %arg2[%add3A, %dma_wait3A_242, %dma_wait3A_243, %dma_wait3A_244] : memref<32x158x3x64xi32, #tpu.memory_space<hbm>> -> memref<1x1x3x64xi32, #tpu.memory_space<hbm>>
          %dma_wait3A_246 = tpu.memref_squeeze %dma_wait3A_245 : memref<1x1x3x64xi32, #tpu.memory_space<hbm>> -> memref<3x64xi32, #tpu.memory_space<hbm>>
          %dma_wait3A_247 = arith.constant 0 : i32
          %dma_wait3A_248 = arith.constant 0 : i32
          %dma_wait3A_249 = tpu.memref_slice %arg2[%add3A, %dma_wait3A_242, %dma_wait3A_247, %dma_wait3A_248] : memref<32x158x3x64xi32, #tpu.memory_space<hbm>> -> memref<1x1x3x64xi32, #tpu.memory_space<hbm>>
          %dma_wait3A_250 = tpu.memref_squeeze %dma_wait3A_249 : memref<1x1x3x64xi32, #tpu.memory_space<hbm>> -> memref<3x64xi32, #tpu.memory_space<hbm>>
          tpu.wait_dma2 semaphore(%arg25 : memref<!tpu.dma_semaphore, #tpu.memory_space<semaphore_mem>>) src(%dma_wait3A_250 : memref<3x64xi32, #tpu.memory_space<hbm>>) dst(%arg7 : memref<3x64xi32, #tpu.memory_space<vmem>>)
          %convert_element_type3A_251 = arith.extui %ge3A_241 : i1 to i32
          %cond3A_252 = arith.constant 0 : i32
          %cond3A_253 = arith.cmpi ne, %convert_element_type3A_251, %cond3A_252 : i32
          scf.if %cond3A_253 {
            %dma_wait3A_268 = arith.constant 2 : i32
            %dma_wait3A_269 = arith.constant 0 : i32
            %dma_wait3A_270 = tpu.memref_slice %arg7[%dma_wait3A_268, %dma_wait3A_269] : memref<3x64xi32, #tpu.memory_space<vmem>> -> memref<1x64xi32, #tpu.memory_space<vmem>>
            %dma_wait3A_271 = tpu.memref_squeeze %dma_wait3A_270 : memref<1x64xi32, #tpu.memory_space<vmem>> -> memref<64xi32, #tpu.memory_space<vmem>>
            %dma_wait3A_272 = arith.constant 0 : i32
            %dma_wait3A_273 = arith.constant 0 : i32
            %dma_wait3A_274 = tpu.memref_slice %arg6[%dma_wait3A_272, %dma_wait3A_273] : memref<10240x144xf32, #tpu.memory_space<vmem_shared>> -> memref<10240x144xf32, #tpu.memory_space<vmem_shared>>
            tpu.wait_indirect_dma semaphore(%arg22 : memref<!tpu.dma_semaphore, #tpu.memory_space<semaphore_mem>>) src(%arg14 : memref<64x144xf32, #tpu.memory_space<vmem>>) dst(%dma_wait3A_274 : memref<10240x144xf32, #tpu.memory_space<vmem_shared>>)
          } else {
          }
          %dma_start3A_254 = arith.constant 0 : i32
          %dma_start3A_255 = arith.constant 0 : i32
          %dma_start3A_256 = tpu.memref_slice %arg7[%dma_start3A_254, %dma_start3A_255] : memref<3x64xi32, #tpu.memory_space<vmem>> -> memref<1x64xi32, #tpu.memory_space<vmem>>
          %dma_start3A_257 = tpu.memref_squeeze %dma_start3A_256 : memref<1x64xi32, #tpu.memory_space<vmem>> -> memref<64xi32, #tpu.memory_space<vmem>>
          %dma_start3A_258 = arith.constant 0 : i32
          %dma_start3A_259 = arith.constant 0 : i32
          %dma_start3A_260 = tpu.memref_slice %arg3[%dma_start3A_258, %dma_start3A_259] : memref<80000x16xf32, #tpu.memory_space<hbm>> -> memref<80000x16xf32, #tpu.memory_space<hbm>>
          tpu.enqueue_indirect_dma source(%dma_start3A_260 : memref<80000x16xf32, #tpu.memory_space<hbm>>) target(%arg13 : memref<64x16xf32, #tpu.memory_space<vmem>>) offsets(%dma_start3A_257 : memref<64xi32, #tpu.memory_space<vmem>>) semaphore(%arg19 : memref<!tpu.dma_semaphore, #tpu.memory_space<semaphore_mem>>)
          %dma_start3A_261 = arith.constant 1 : i32
          %dma_start3A_262 = arith.constant 0 : i32
          %dma_start3A_263 = tpu.memref_slice %arg7[%dma_start3A_261, %dma_start3A_262] : memref<3x64xi32, #tpu.memory_space<vmem>> -> memref<1x64xi32, #tpu.memory_space<vmem>>
          %dma_start3A_264 = tpu.memref_squeeze %dma_start3A_263 : memref<1x64xi32, #tpu.memory_space<vmem>> -> memref<64xi32, #tpu.memory_space<vmem>>
          %dma_start3A_265 = arith.constant 0 : i32
          %dma_start3A_266 = arith.constant 0 : i32
          %dma_start3A_267 = tpu.memref_slice %arg4[%dma_start3A_265, %dma_start3A_266] : memref<80000x144xf32, #tpu.memory_space<hbm>> -> memref<80000x144xf32, #tpu.memory_space<hbm>>
          tpu.enqueue_indirect_dma source(%dma_start3A_267 : memref<80000x144xf32, #tpu.memory_space<hbm>>) target(%arg14 : memref<64x144xf32, #tpu.memory_space<vmem>>) offsets(%dma_start3A_264 : memref<64xi32, #tpu.memory_space<vmem>>) semaphore(%arg19 : memref<!tpu.dma_semaphore, #tpu.memory_space<semaphore_mem>>)
        } else {
        }
        %add3A_231 = arith.constant 5 : i32
        %add3A_232 = arith.addi %add3A_175, %add3A_231 : i32
        %lt3A_233 = arith.constant 158 : i32
        %lt3A_234 = arith.cmpi slt, %add3A_232, %lt3A_233 : i32
        %convert_element_type3A_235 = arith.extui %lt3A_234 : i1 to i32
        %cond3A_236 = arith.constant 0 : i32
        %cond3A_237 = arith.cmpi ne, %convert_element_type3A_235, %cond3A_236 : i32
        scf.if %cond3A_237 {
          %add3A_238 = arith.constant 5 : i32
          %add3A_239 = arith.addi %add3A_175, %add3A_238 : i32
          %dma_start3A_240 = arith.constant 0 : i32
          %dma_start3A_241 = arith.constant 0 : i32
          %dma_start3A_242 = tpu.memref_slice %arg2[%add3A, %add3A_239, %dma_start3A_240, %dma_start3A_241] : memref<32x158x3x64xi32, #tpu.memory_space<hbm>> -> memref<1x1x3x64xi32, #tpu.memory_space<hbm>>
          %dma_start3A_243 = tpu.memref_squeeze %dma_start3A_242 : memref<1x1x3x64xi32, #tpu.memory_space<hbm>> -> memref<3x64xi32, #tpu.memory_space<hbm>>
          %dma_start3A_244 = arith.constant 0 : i32
          %dma_start3A_245 = arith.constant 0 : i32
          %dma_start3A_246 = tpu.memref_slice %arg2[%add3A, %add3A_239, %dma_start3A_244, %dma_start3A_245] : memref<32x158x3x64xi32, #tpu.memory_space<hbm>> -> memref<1x1x3x64xi32, #tpu.memory_space<hbm>>
          %dma_start3A_247 = tpu.memref_squeeze %dma_start3A_246 : memref<1x1x3x64xi32, #tpu.memory_space<hbm>> -> memref<3x64xi32, #tpu.memory_space<hbm>>
          tpu.enqueue_dma source(%dma_start3A_247 : memref<3x64xi32, #tpu.memory_space<hbm>>) target(%arg10 : memref<3x64xi32, #tpu.memory_space<vmem>>) target_semaphore(%arg28 : memref<!tpu.dma_semaphore, #tpu.memory_space<semaphore_mem>>)
        } else {
        }
      } else {
      }
      %add3A_181 = arith.constant 5 : i32
      %add3A_182 = arith.addi %mul3A_148, %add3A_181 : i32
      %lt3A_183 = arith.constant 158 : i32
      %lt3A_184 = arith.cmpi slt, %add3A_182, %lt3A_183 : i32
      %convert_element_type3A_185 = arith.extui %lt3A_184 : i1 to i32
      %cond3A_186 = arith.constant 0 : i32
      %cond3A_187 = arith.cmpi ne, %convert_element_type3A_185, %cond3A_186 : i32
      scf.if %cond3A_187 {
        %dma_wait3A_188 = arith.constant 0 : i32
        %dma_wait3A_189 = arith.constant 0 : i32
        %dma_wait3A_190 = tpu.memref_slice %arg12[%dma_wait3A_188, %dma_wait3A_189] : memref<3x64xi32, #tpu.memory_space<vmem>> -> memref<1x64xi32, #tpu.memory_space<vmem>>
        %dma_wait3A_191 = tpu.memref_squeeze %dma_wait3A_190 : memref<1x64xi32, #tpu.memory_space<vmem>> -> memref<64xi32, #tpu.memory_space<vmem>>
        %dma_wait3A_192 = arith.constant 0 : i32
        %dma_wait3A_193 = arith.constant 0 : i32
        %dma_wait3A_194 = tpu.memref_slice %arg3[%dma_wait3A_192, %dma_wait3A_193] : memref<80000x16xf32, #tpu.memory_space<hbm>> -> memref<80000x16xf32, #tpu.memory_space<hbm>>
        tpu.wait_indirect_dma semaphore(%arg21 : memref<!tpu.dma_semaphore, #tpu.memory_space<semaphore_mem>>) src(%dma_wait3A_194 : memref<80000x16xf32, #tpu.memory_space<hbm>>) dst(%arg17 : memref<64x16xf32, #tpu.memory_space<vmem>>)
        %dma_wait3A_195 = arith.constant 1 : i32
        %dma_wait3A_196 = arith.constant 0 : i32
        %dma_wait3A_197 = tpu.memref_slice %arg12[%dma_wait3A_195, %dma_wait3A_196] : memref<3x64xi32, #tpu.memory_space<vmem>> -> memref<1x64xi32, #tpu.memory_space<vmem>>
        %dma_wait3A_198 = tpu.memref_squeeze %dma_wait3A_197 : memref<1x64xi32, #tpu.memory_space<vmem>> -> memref<64xi32, #tpu.memory_space<vmem>>
        %dma_wait3A_199 = arith.constant 0 : i32
        %dma_wait3A_200 = arith.constant 0 : i32
        %dma_wait3A_201 = tpu.memref_slice %arg4[%dma_wait3A_199, %dma_wait3A_200] : memref<80000x144xf32, #tpu.memory_space<hbm>> -> memref<80000x144xf32, #tpu.memory_space<hbm>>
        tpu.wait_indirect_dma semaphore(%arg21 : memref<!tpu.dma_semaphore, #tpu.memory_space<semaphore_mem>>) src(%dma_wait3A_201 : memref<80000x144xf32, #tpu.memory_space<hbm>>) dst(%arg18 : memref<64x144xf32, #tpu.memory_space<vmem>>)
        %mul3A_202 = arith.constant 10112 : i32
        %mul3A_203 = arith.muli %add3A, %mul3A_202 : i32
        %mul3A_204 = arith.constant 64 : i32
        %mul3A_205 = arith.muli %add3A_182, %mul3A_204 : i32
        %add3A_206 = arith.addi %mul3A_203, %mul3A_205 : i32
        %sub3A = arith.constant 320000 : i32
        %sub3A_207 = arith.subi %sub3A, %add3A_206 : i32
        %ge3A = arith.constant 64 : i32
        %ge3A_208 = arith.cmpi sge, %sub3A_207, %ge3A : i32
        %convert_element_type3A_209 = arith.extui %ge3A_208 : i1 to i32
        %cond3A_210 = arith.constant 0 : i32
        %cond3A_211 = arith.cmpi ne, %convert_element_type3A_209, %cond3A_210 : i32
        scf.if %cond3A_211 {
          %scan3A_238 = arith.constant 0 : i32
          %scan3A_239 = arith.constant 0 : i32
          %scan3A_240 = arith.constant 64 : i32
          %scan3A_241 = arith.addi %scan3A_239, %scan3A_240 : i32
          %scan3A_242 = arith.constant 1 : i32
          scf.for %scan3A_244 = %scan3A_239 to %scan3A_241 step %scan3A_242  : i32 {
            %get3A = arith.index_cast %scan3A_244 : i32 to index
            %get3A_245 = arith.constant 0 : index
            %get3A_246 = tpu.vector_load %arg17[%get3A, %get3A_245] {strides = array<i32>} : memref<64x16xf32, #tpu.memory_space<vmem>>, vector<1x16xf32>,
            %get3A_247 = vector.shape_cast %get3A_246 : vector<1x16xf32> to vector<16xf32>
            %get3A_248 = arith.index_cast %scan3A_244 : i32 to index
            %get3A_249 = arith.constant 128 : index
            %get3A_250 = tpu.vector_load %arg18[%get3A_248, %get3A_249] {strides = array<i32>} : memref<64x144xf32, #tpu.memory_space<vmem>>, vector<1x16xf32>,
            %get3A_251 = vector.shape_cast %get3A_250 : vector<1x16xf32> to vector<16xf32>
            %add3A_252 = arith.addf %get3A_247, %get3A_251 : vector<16xf32>
            %mul3A_253 = arith.constant 2.000000e-01 : f32
            %mul3A_254 = vector.broadcast %mul3A_253 : f32 to vector<16xf32>
            %mul3A_255 = arith.mulf %add3A_252, %mul3A_254 : vector<16xf32>
            %max3A = arith.maximumf %add3A_252, %mul3A_255 : vector<16xf32>
            %exp3A = math.exp %max3A : vector<16xf32>
            %swap3A = arith.index_cast %scan3A_244 : i32 to index
            %swap3A_256 = arith.constant 128 : index
            %swap3A_257 = tpu.vector_load %arg18[%swap3A, %swap3A_256] {strides = array<i32>} : memref<64x144xf32, #tpu.memory_space<vmem>>, vector<1x16xf32>,
            %swap3A_258 = vector.shape_cast %swap3A_257 : vector<1x16xf32> to vector<16xf32>
            %swap3A_259 = vector.shape_cast %exp3A : vector<16xf32> to vector<1x16xf32>
            tpu.vector_store %arg18[%swap3A, %swap3A_256], %swap3A_259 {strides = array<i32>} : memref<64x144xf32, #tpu.memory_space<vmem>>, vector<1x16xf32>,
            %get3A_260 = arith.index_cast %scan3A_244 : i32 to index
            %get3A_261 = arith.constant 0 : index
            %get3A_262 = tpu.vector_load %arg18[%get3A_260, %get3A_261] {strides = array<i32>} : memref<64x144xf32, #tpu.memory_space<vmem>>, vector<1x16xf32>,
            %get3A_263 = vector.shape_cast %get3A_262 : vector<1x16xf32> to vector<16xf32>
            %mul3A_264 = arith.mulf %get3A_263, %exp3A : vector<16xf32>
            %swap3A_265 = arith.index_cast %scan3A_244 : i32 to index
            %swap3A_266 = arith.constant 0 : index
            %swap3A_267 = tpu.vector_load %arg18[%swap3A_265, %swap3A_266] {strides = array<i32>} : memref<64x144xf32, #tpu.memory_space<vmem>>, vector<1x16xf32>,
            %swap3A_268 = vector.shape_cast %swap3A_267 : vector<1x16xf32> to vector<16xf32>
            %swap3A_269 = vector.shape_cast %mul3A_264 : vector<16xf32> to vector<1x16xf32>
            tpu.vector_store %arg18[%swap3A_265, %swap3A_266], %swap3A_269 {strides = array<i32>} : memref<64x144xf32, #tpu.memory_space<vmem>>, vector<1x16xf32>,
            %get3A_270 = arith.index_cast %scan3A_244 : i32 to index
            %get3A_271 = arith.constant 16 : index
            %get3A_272 = tpu.vector_load %arg18[%get3A_270, %get3A_271] {strides = array<i32>} : memref<64x144xf32, #tpu.memory_space<vmem>>, vector<1x16xf32>,
            %get3A_273 = vector.shape_cast %get3A_272 : vector<1x16xf32> to vector<16xf32>
            %mul3A_274 = arith.mulf %get3A_273, %exp3A : vector<16xf32>
            %swap3A_275 = arith.index_cast %scan3A_244 : i32 to index
            %swap3A_276 = arith.constant 16 : index
            %swap3A_277 = tpu.vector_load %arg18[%swap3A_275, %swap3A_276] {strides = array<i32>} : memref<64x144xf32, #tpu.memory_space<vmem>>, vector<1x16xf32>,
            %swap3A_278 = vector.shape_cast %swap3A_277 : vector<1x16xf32> to vector<16xf32>
            %swap3A_279 = vector.shape_cast %mul3A_274 : vector<16xf32> to vector<1x16xf32>
            tpu.vector_store %arg18[%swap3A_275, %swap3A_276], %swap3A_279 {strides = array<i32>} : memref<64x144xf32, #tpu.memory_space<vmem>>, vector<1x16xf32>,
            %get3A_280 = arith.index_cast %scan3A_244 : i32 to index
            %get3A_281 = arith.constant 32 : index
            %get3A_282 = tpu.vector_load %arg18[%get3A_280, %get3A_281] {strides = array<i32>} : memref<64x144xf32, #tpu.memory_space<vmem>>, vector<1x16xf32>,
            %get3A_283 = vector.shape_cast %get3A_282 : vector<1x16xf32> to vector<16xf32>
            %mul3A_284 = arith.mulf %get3A_283, %exp3A : vector<16xf32>
            %swap3A_285 = arith.index_cast %scan3A_244 : i32 to index
            %swap3A_286 = arith.constant 32 : index
            %swap3A_287 = tpu.vector_load %arg18[%swap3A_285, %swap3A_286] {strides = array<i32>} : memref<64x144xf32, #tpu.memory_space<vmem>>, vector<1x16xf32>,
            %swap3A_288 = vector.shape_cast %swap3A_287 : vector<1x16xf32> to vector<16xf32>
            %swap3A_289 = vector.shape_cast %mul3A_284 : vector<16xf32> to vector<1x16xf32>
            tpu.vector_store %arg18[%swap3A_285, %swap3A_286], %swap3A_289 {strides = array<i32>} : memref<64x144xf32, #tpu.memory_space<vmem>>, vector<1x16xf32>,
            %get3A_290 = arith.index_cast %scan3A_244 : i32 to index
            %get3A_291 = arith.constant 48 : index
            %get3A_292 = tpu.vector_load %arg18[%get3A_290, %get3A_291] {strides = array<i32>} : memref<64x144xf32, #tpu.memory_space<vmem>>, vector<1x16xf32>,
            %get3A_293 = vector.shape_cast %get3A_292 : vector<1x16xf32> to vector<16xf32>
            %mul3A_294 = arith.mulf %get3A_293, %exp3A : vector<16xf32>
            %swap3A_295 = arith.index_cast %scan3A_244 : i32 to index
            %swap3A_296 = arith.constant 48 : index
            %swap3A_297 = tpu.vector_load %arg18[%swap3A_295, %swap3A_296] {strides = array<i32>} : memref<64x144xf32, #tpu.memory_space<vmem>>, vector<1x16xf32>,
            %swap3A_298 = vector.shape_cast %swap3A_297 : vector<1x16xf32> to vector<16xf32>
            %swap3A_299 = vector.shape_cast %mul3A_294 : vector<16xf32> to vector<1x16xf32>
            tpu.vector_store %arg18[%swap3A_295, %swap3A_296], %swap3A_299 {strides = array<i32>} : memref<64x144xf32, #tpu.memory_space<vmem>>, vector<1x16xf32>,
            %get3A_300 = arith.index_cast %scan3A_244 : i32 to index
            %get3A_301 = arith.constant 64 : index
            %get3A_302 = tpu.vector_load %arg18[%get3A_300, %get3A_301] {strides = array<i32>} : memref<64x144xf32, #tpu.memory_space<vmem>>, vector<1x16xf32>,
            %get3A_303 = vector.shape_cast %get3A_302 : vector<1x16xf32> to vector<16xf32>
            %mul3A_304 = arith.mulf %get3A_303, %exp3A : vector<16xf32>
            %swap3A_305 = arith.index_cast %scan3A_244 : i32 to index
            %swap3A_306 = arith.constant 64 : index
            %swap3A_307 = tpu.vector_load %arg18[%swap3A_305, %swap3A_306] {strides = array<i32>} : memref<64x144xf32, #tpu.memory_space<vmem>>, vector<1x16xf32>,
            %swap3A_308 = vector.shape_cast %swap3A_307 : vector<1x16xf32> to vector<16xf32>
            %swap3A_309 = vector.shape_cast %mul3A_304 : vector<16xf32> to vector<1x16xf32>
            tpu.vector_store %arg18[%swap3A_305, %swap3A_306], %swap3A_309 {strides = array<i32>} : memref<64x144xf32, #tpu.memory_space<vmem>>, vector<1x16xf32>,
            %get3A_310 = arith.index_cast %scan3A_244 : i32 to index
            %get3A_311 = arith.constant 80 : index
            %get3A_312 = tpu.vector_load %arg18[%get3A_310, %get3A_311] {strides = array<i32>} : memref<64x144xf32, #tpu.memory_space<vmem>>, vector<1x16xf32>,
            %get3A_313 = vector.shape_cast %get3A_312 : vector<1x16xf32> to vector<16xf32>
            %mul3A_314 = arith.mulf %get3A_313, %exp3A : vector<16xf32>
            %swap3A_315 = arith.index_cast %scan3A_244 : i32 to index
            %swap3A_316 = arith.constant 80 : index
            %swap3A_317 = tpu.vector_load %arg18[%swap3A_315, %swap3A_316] {strides = array<i32>} : memref<64x144xf32, #tpu.memory_space<vmem>>, vector<1x16xf32>,
            %swap3A_318 = vector.shape_cast %swap3A_317 : vector<1x16xf32> to vector<16xf32>
            %swap3A_319 = vector.shape_cast %mul3A_314 : vector<16xf32> to vector<1x16xf32>
            tpu.vector_store %arg18[%swap3A_315, %swap3A_316], %swap3A_319 {strides = array<i32>} : memref<64x144xf32, #tpu.memory_space<vmem>>, vector<1x16xf32>,
            %get3A_320 = arith.index_cast %scan3A_244 : i32 to index
            %get3A_321 = arith.constant 96 : index
            %get3A_322 = tpu.vector_load %arg18[%get3A_320, %get3A_321] {strides = array<i32>} : memref<64x144xf32, #tpu.memory_space<vmem>>, vector<1x16xf32>,
            %get3A_323 = vector.shape_cast %get3A_322 : vector<1x16xf32> to vector<16xf32>
            %mul3A_324 = arith.mulf %get3A_323, %exp3A : vector<16xf32>
            %swap3A_325 = arith.index_cast %scan3A_244 : i32 to index
            %swap3A_326 = arith.constant 96 : index
            %swap3A_327 = tpu.vector_load %arg18[%swap3A_325, %swap3A_326] {strides = array<i32>} : memref<64x144xf32, #tpu.memory_space<vmem>>, vector<1x16xf32>,
            %swap3A_328 = vector.shape_cast %swap3A_327 : vector<1x16xf32> to vector<16xf32>
            %swap3A_329 = vector.shape_cast %mul3A_324 : vector<16xf32> to vector<1x16xf32>
            tpu.vector_store %arg18[%swap3A_325, %swap3A_326], %swap3A_329 {strides = array<i32>} : memref<64x144xf32, #tpu.memory_space<vmem>>, vector<1x16xf32>,
            %get3A_330 = arith.index_cast %scan3A_244 : i32 to index
            %get3A_331 = arith.constant 112 : index
            %get3A_332 = tpu.vector_load %arg18[%get3A_330, %get3A_331] {strides = array<i32>} : memref<64x144xf32, #tpu.memory_space<vmem>>, vector<1x16xf32>,
            %get3A_333 = vector.shape_cast %get3A_332 : vector<1x16xf32> to vector<16xf32>
            %mul3A_334 = arith.mulf %get3A_333, %exp3A : vector<16xf32>
            %swap3A_335 = arith.index_cast %scan3A_244 : i32 to index
            %swap3A_336 = arith.constant 112 : index
            %swap3A_337 = tpu.vector_load %arg18[%swap3A_335, %swap3A_336] {strides = array<i32>} : memref<64x144xf32, #tpu.memory_space<vmem>>, vector<1x16xf32>,
            %swap3A_338 = vector.shape_cast %swap3A_337 : vector<1x16xf32> to vector<16xf32>
            %swap3A_339 = vector.shape_cast %mul3A_334 : vector<16xf32> to vector<1x16xf32>
            tpu.vector_store %arg18[%swap3A_335, %swap3A_336], %swap3A_339 {strides = array<i32>} : memref<64x144xf32, #tpu.memory_space<vmem>>, vector<1x16xf32>,
          }
          %scan3A_243 = arith.constant 64 : i32
        } else {
        }
        %lt3A_212 = arith.constant 64 : i32
        %lt3A_213 = arith.cmpi slt, %sub3A_207, %lt3A_212 : i32
        %convert_element_type3A_214 = arith.extui %lt3A_213 : i1 to i32
        %cond3A_215 = arith.constant 0 : i32
        %cond3A_216 = arith.cmpi ne, %convert_element_type3A_214, %cond3A_215 : i32
        scf.if %cond3A_216 {
          %scan3A_238 = arith.constant 0 : i32
          %scan3A_239 = arith.constant 0 : i32
          %scan3A_240 = arith.constant 64 : i32
          %scan3A_241 = arith.addi %scan3A_239, %scan3A_240 : i32
          %scan3A_242 = arith.constant 1 : i32
          scf.for %scan3A_244 = %scan3A_239 to %scan3A_241 step %scan3A_242  : i32 {
            %get3A = arith.index_cast %scan3A_244 : i32 to index
            %get3A_245 = arith.constant 0 : index
            %get3A_246 = tpu.vector_load %arg17[%get3A, %get3A_245] {strides = array<i32>} : memref<64x16xf32, #tpu.memory_space<vmem>>, vector<1x16xf32>,
            %get3A_247 = vector.shape_cast %get3A_246 : vector<1x16xf32> to vector<16xf32>
            %get3A_248 = arith.index_cast %scan3A_244 : i32 to index
            %get3A_249 = arith.constant 128 : index
            %get3A_250 = tpu.vector_load %arg18[%get3A_248, %get3A_249] {strides = array<i32>} : memref<64x144xf32, #tpu.memory_space<vmem>>, vector<1x16xf32>,
            %get3A_251 = vector.shape_cast %get3A_250 : vector<1x16xf32> to vector<16xf32>
            %add3A_252 = arith.addf %get3A_247, %get3A_251 : vector<16xf32>
            %lt3A_253 = arith.cmpi slt, %scan3A_244, %sub3A_207 : i32
            %convert_element_type3A_254 = arith.extui %lt3A_253 : i1 to i32
            %convert_element_type3A_255 = arith.sitofp %convert_element_type3A_254 : i32 to f32
            %mul3A_256 = arith.constant 2.000000e-01 : f32
            %mul3A_257 = vector.broadcast %mul3A_256 : f32 to vector<16xf32>
            %mul3A_258 = arith.mulf %add3A_252, %mul3A_257 : vector<16xf32>
            %max3A = arith.maximumf %add3A_252, %mul3A_258 : vector<16xf32>
            %exp3A = math.exp %max3A : vector<16xf32>
            %mul3A_259 = vector.broadcast %convert_element_type3A_255 : f32 to vector<16xf32>
            %mul3A_260 = arith.mulf %exp3A, %mul3A_259 : vector<16xf32>
            %swap3A = arith.index_cast %scan3A_244 : i32 to index
            %swap3A_261 = arith.constant 128 : index
            %swap3A_262 = tpu.vector_load %arg18[%swap3A, %swap3A_261] {strides = array<i32>} : memref<64x144xf32, #tpu.memory_space<vmem>>, vector<1x16xf32>,
            %swap3A_263 = vector.shape_cast %swap3A_262 : vector<1x16xf32> to vector<16xf32>
            %swap3A_264 = vector.shape_cast %mul3A_260 : vector<16xf32> to vector<1x16xf32>
            tpu.vector_store %arg18[%swap3A, %swap3A_261], %swap3A_264 {strides = array<i32>} : memref<64x144xf32, #tpu.memory_space<vmem>>, vector<1x16xf32>,
            %get3A_265 = arith.index_cast %scan3A_244 : i32 to index
            %get3A_266 = arith.constant 0 : index
            %get3A_267 = tpu.vector_load %arg18[%get3A_265, %get3A_266] {strides = array<i32>} : memref<64x144xf32, #tpu.memory_space<vmem>>, vector<1x16xf32>,
            %get3A_268 = vector.shape_cast %get3A_267 : vector<1x16xf32> to vector<16xf32>
            %mul3A_269 = arith.mulf %get3A_268, %mul3A_260 : vector<16xf32>
            %swap3A_270 = arith.index_cast %scan3A_244 : i32 to index
            %swap3A_271 = arith.constant 0 : index
            %swap3A_272 = tpu.vector_load %arg18[%swap3A_270, %swap3A_271] {strides = array<i32>} : memref<64x144xf32, #tpu.memory_space<vmem>>, vector<1x16xf32>,
            %swap3A_273 = vector.shape_cast %swap3A_272 : vector<1x16xf32> to vector<16xf32>
            %swap3A_274 = vector.shape_cast %mul3A_269 : vector<16xf32> to vector<1x16xf32>
            tpu.vector_store %arg18[%swap3A_270, %swap3A_271], %swap3A_274 {strides = array<i32>} : memref<64x144xf32, #tpu.memory_space<vmem>>, vector<1x16xf32>,
            %get3A_275 = arith.index_cast %scan3A_244 : i32 to index
            %get3A_276 = arith.constant 16 : index
            %get3A_277 = tpu.vector_load %arg18[%get3A_275, %get3A_276] {strides = array<i32>} : memref<64x144xf32, #tpu.memory_space<vmem>>, vector<1x16xf32>,
            %get3A_278 = vector.shape_cast %get3A_277 : vector<1x16xf32> to vector<16xf32>
            %mul3A_279 = arith.mulf %get3A_278, %mul3A_260 : vector<16xf32>
            %swap3A_280 = arith.index_cast %scan3A_244 : i32 to index
            %swap3A_281 = arith.constant 16 : index
            %swap3A_282 = tpu.vector_load %arg18[%swap3A_280, %swap3A_281] {strides = array<i32>} : memref<64x144xf32, #tpu.memory_space<vmem>>, vector<1x16xf32>,
            %swap3A_283 = vector.shape_cast %swap3A_282 : vector<1x16xf32> to vector<16xf32>
            %swap3A_284 = vector.shape_cast %mul3A_279 : vector<16xf32> to vector<1x16xf32>
            tpu.vector_store %arg18[%swap3A_280, %swap3A_281], %swap3A_284 {strides = array<i32>} : memref<64x144xf32, #tpu.memory_space<vmem>>, vector<1x16xf32>,
            %get3A_285 = arith.index_cast %scan3A_244 : i32 to index
            %get3A_286 = arith.constant 32 : index
            %get3A_287 = tpu.vector_load %arg18[%get3A_285, %get3A_286] {strides = array<i32>} : memref<64x144xf32, #tpu.memory_space<vmem>>, vector<1x16xf32>,
            %get3A_288 = vector.shape_cast %get3A_287 : vector<1x16xf32> to vector<16xf32>
            %mul3A_289 = arith.mulf %get3A_288, %mul3A_260 : vector<16xf32>
            %swap3A_290 = arith.index_cast %scan3A_244 : i32 to index
            %swap3A_291 = arith.constant 32 : index
            %swap3A_292 = tpu.vector_load %arg18[%swap3A_290, %swap3A_291] {strides = array<i32>} : memref<64x144xf32, #tpu.memory_space<vmem>>, vector<1x16xf32>,
            %swap3A_293 = vector.shape_cast %swap3A_292 : vector<1x16xf32> to vector<16xf32>
            %swap3A_294 = vector.shape_cast %mul3A_289 : vector<16xf32> to vector<1x16xf32>
            tpu.vector_store %arg18[%swap3A_290, %swap3A_291], %swap3A_294 {strides = array<i32>} : memref<64x144xf32, #tpu.memory_space<vmem>>, vector<1x16xf32>,
            %get3A_295 = arith.index_cast %scan3A_244 : i32 to index
            %get3A_296 = arith.constant 48 : index
            %get3A_297 = tpu.vector_load %arg18[%get3A_295, %get3A_296] {strides = array<i32>} : memref<64x144xf32, #tpu.memory_space<vmem>>, vector<1x16xf32>,
            %get3A_298 = vector.shape_cast %get3A_297 : vector<1x16xf32> to vector<16xf32>
            %mul3A_299 = arith.mulf %get3A_298, %mul3A_260 : vector<16xf32>
            %swap3A_300 = arith.index_cast %scan3A_244 : i32 to index
            %swap3A_301 = arith.constant 48 : index
            %swap3A_302 = tpu.vector_load %arg18[%swap3A_300, %swap3A_301] {strides = array<i32>} : memref<64x144xf32, #tpu.memory_space<vmem>>, vector<1x16xf32>,
            %swap3A_303 = vector.shape_cast %swap3A_302 : vector<1x16xf32> to vector<16xf32>
            %swap3A_304 = vector.shape_cast %mul3A_299 : vector<16xf32> to vector<1x16xf32>
            tpu.vector_store %arg18[%swap3A_300, %swap3A_301], %swap3A_304 {strides = array<i32>} : memref<64x144xf32, #tpu.memory_space<vmem>>, vector<1x16xf32>,
            %get3A_305 = arith.index_cast %scan3A_244 : i32 to index
            %get3A_306 = arith.constant 64 : index
            %get3A_307 = tpu.vector_load %arg18[%get3A_305, %get3A_306] {strides = array<i32>} : memref<64x144xf32, #tpu.memory_space<vmem>>, vector<1x16xf32>,
            %get3A_308 = vector.shape_cast %get3A_307 : vector<1x16xf32> to vector<16xf32>
            %mul3A_309 = arith.mulf %get3A_308, %mul3A_260 : vector<16xf32>
            %swap3A_310 = arith.index_cast %scan3A_244 : i32 to index
            %swap3A_311 = arith.constant 64 : index
            %swap3A_312 = tpu.vector_load %arg18[%swap3A_310, %swap3A_311] {strides = array<i32>} : memref<64x144xf32, #tpu.memory_space<vmem>>, vector<1x16xf32>,
            %swap3A_313 = vector.shape_cast %swap3A_312 : vector<1x16xf32> to vector<16xf32>
            %swap3A_314 = vector.shape_cast %mul3A_309 : vector<16xf32> to vector<1x16xf32>
            tpu.vector_store %arg18[%swap3A_310, %swap3A_311], %swap3A_314 {strides = array<i32>} : memref<64x144xf32, #tpu.memory_space<vmem>>, vector<1x16xf32>,
            %get3A_315 = arith.index_cast %scan3A_244 : i32 to index
            %get3A_316 = arith.constant 80 : index
            %get3A_317 = tpu.vector_load %arg18[%get3A_315, %get3A_316] {strides = array<i32>} : memref<64x144xf32, #tpu.memory_space<vmem>>, vector<1x16xf32>,
            %get3A_318 = vector.shape_cast %get3A_317 : vector<1x16xf32> to vector<16xf32>
            %mul3A_319 = arith.mulf %get3A_318, %mul3A_260 : vector<16xf32>
            %swap3A_320 = arith.index_cast %scan3A_244 : i32 to index
            %swap3A_321 = arith.constant 80 : index
            %swap3A_322 = tpu.vector_load %arg18[%swap3A_320, %swap3A_321] {strides = array<i32>} : memref<64x144xf32, #tpu.memory_space<vmem>>, vector<1x16xf32>,
            %swap3A_323 = vector.shape_cast %swap3A_322 : vector<1x16xf32> to vector<16xf32>
            %swap3A_324 = vector.shape_cast %mul3A_319 : vector<16xf32> to vector<1x16xf32>
            tpu.vector_store %arg18[%swap3A_320, %swap3A_321], %swap3A_324 {strides = array<i32>} : memref<64x144xf32, #tpu.memory_space<vmem>>, vector<1x16xf32>,
            %get3A_325 = arith.index_cast %scan3A_244 : i32 to index
            %get3A_326 = arith.constant 96 : index
            %get3A_327 = tpu.vector_load %arg18[%get3A_325, %get3A_326] {strides = array<i32>} : memref<64x144xf32, #tpu.memory_space<vmem>>, vector<1x16xf32>,
            %get3A_328 = vector.shape_cast %get3A_327 : vector<1x16xf32> to vector<16xf32>
            %mul3A_329 = arith.mulf %get3A_328, %mul3A_260 : vector<16xf32>
            %swap3A_330 = arith.index_cast %scan3A_244 : i32 to index
            %swap3A_331 = arith.constant 96 : index
            %swap3A_332 = tpu.vector_load %arg18[%swap3A_330, %swap3A_331] {strides = array<i32>} : memref<64x144xf32, #tpu.memory_space<vmem>>, vector<1x16xf32>,
            %swap3A_333 = vector.shape_cast %swap3A_332 : vector<1x16xf32> to vector<16xf32>
            %swap3A_334 = vector.shape_cast %mul3A_329 : vector<16xf32> to vector<1x16xf32>
            tpu.vector_store %arg18[%swap3A_330, %swap3A_331], %swap3A_334 {strides = array<i32>} : memref<64x144xf32, #tpu.memory_space<vmem>>, vector<1x16xf32>,
            %get3A_335 = arith.index_cast %scan3A_244 : i32 to index
            %get3A_336 = arith.constant 112 : index
            %get3A_337 = tpu.vector_load %arg18[%get3A_335, %get3A_336] {strides = array<i32>} : memref<64x144xf32, #tpu.memory_space<vmem>>, vector<1x16xf32>,
            %get3A_338 = vector.shape_cast %get3A_337 : vector<1x16xf32> to vector<16xf32>
            %mul3A_339 = arith.mulf %get3A_338, %mul3A_260 : vector<16xf32>
            %swap3A_340 = arith.index_cast %scan3A_244 : i32 to index
            %swap3A_341 = arith.constant 112 : index
            %swap3A_342 = tpu.vector_load %arg18[%swap3A_340, %swap3A_341] {strides = array<i32>} : memref<64x144xf32, #tpu.memory_space<vmem>>, vector<1x16xf32>,
            %swap3A_343 = vector.shape_cast %swap3A_342 : vector<1x16xf32> to vector<16xf32>
            %swap3A_344 = vector.shape_cast %mul3A_339 : vector<16xf32> to vector<1x16xf32>
            tpu.vector_store %arg18[%swap3A_340, %swap3A_341], %swap3A_344 {strides = array<i32>} : memref<64x144xf32, #tpu.memory_space<vmem>>, vector<1x16xf32>,
          }
          %scan3A_243 = arith.constant 64 : i32
        } else {
        }
        %dma_start3A_217 = arith.constant 2 : i32
        %dma_start3A_218 = arith.constant 0 : i32
        %dma_start3A_219 = tpu.memref_slice %arg12[%dma_start3A_217, %dma_start3A_218] : memref<3x64xi32, #tpu.memory_space<vmem>> -> memref<1x64xi32, #tpu.memory_space<vmem>>
        %dma_start3A_220 = tpu.memref_squeeze %dma_start3A_219 : memref<1x64xi32, #tpu.memory_space<vmem>> -> memref<64xi32, #tpu.memory_space<vmem>>
        %dma_start3A_221 = arith.constant 0 : i32
        %dma_start3A_222 = arith.constant 0 : i32
        %dma_start3A_223 = tpu.memref_slice %arg6[%dma_start3A_221, %dma_start3A_222] : memref<10240x144xf32, #tpu.memory_space<vmem_shared>> -> memref<10240x144xf32, #tpu.memory_space<vmem_shared>>
        tpu.enqueue_indirect_dma source(%arg18 : memref<64x144xf32, #tpu.memory_space<vmem>>) target(%dma_start3A_223 : memref<10240x144xf32, #tpu.memory_space<vmem_shared>>) offsets(%dma_start3A_220 : memref<64xi32, #tpu.memory_space<vmem>>) semaphore(%arg24 : memref<!tpu.dma_semaphore, #tpu.memory_space<semaphore_mem>>) {add = true}
        %add3A_224 = arith.constant 2 : i32
        %add3A_225 = arith.addi %add3A_182, %add3A_224 : i32
        %lt3A_226 = arith.constant 158 : i32
        %lt3A_227 = arith.cmpi slt, %add3A_225, %lt3A_226 : i32
        %convert_element_type3A_228 = arith.extui %lt3A_227 : i1 to i32
        %cond3A_229 = arith.constant 0 : i32
        %cond3A_230 = arith.cmpi ne, %convert_element_type3A_228, %cond3A_229 : i32
        scf.if %cond3A_230 {
          %add3A_238 = arith.constant 2 : i32
          %add3A_239 = arith.addi %add3A_182, %add3A_238 : i32
          %ge3A_240 = arith.constant 1 : i32
          %ge3A_241 = arith.cmpi sge, %add3A_182, %ge3A_240 : i32
          %dma_wait3A_242 = arith.constant 0 : i32
          %dma_wait3A_243 = arith.constant 0 : i32
          %dma_wait3A_244 = arith.constant 0 : i32
          %dma_wait3A_245 = tpu.memref_slice %arg2[%add3A, %dma_wait3A_242, %dma_wait3A_243, %dma_wait3A_244] : memref<32x158x3x64xi32, #tpu.memory_space<hbm>> -> memref<1x1x3x64xi32, #tpu.memory_space<hbm>>
          %dma_wait3A_246 = tpu.memref_squeeze %dma_wait3A_245 : memref<1x1x3x64xi32, #tpu.memory_space<hbm>> -> memref<3x64xi32, #tpu.memory_space<hbm>>
          %dma_wait3A_247 = arith.constant 0 : i32
          %dma_wait3A_248 = arith.constant 0 : i32
          %dma_wait3A_249 = tpu.memref_slice %arg2[%add3A, %dma_wait3A_242, %dma_wait3A_247, %dma_wait3A_248] : memref<32x158x3x64xi32, #tpu.memory_space<hbm>> -> memref<1x1x3x64xi32, #tpu.memory_space<hbm>>
          %dma_wait3A_250 = tpu.memref_squeeze %dma_wait3A_249 : memref<1x1x3x64xi32, #tpu.memory_space<hbm>> -> memref<3x64xi32, #tpu.memory_space<hbm>>
          tpu.wait_dma2 semaphore(%arg26 : memref<!tpu.dma_semaphore, #tpu.memory_space<semaphore_mem>>) src(%dma_wait3A_250 : memref<3x64xi32, #tpu.memory_space<hbm>>) dst(%arg8 : memref<3x64xi32, #tpu.memory_space<vmem>>)
          %convert_element_type3A_251 = arith.extui %ge3A_241 : i1 to i32
          %cond3A_252 = arith.constant 0 : i32
          %cond3A_253 = arith.cmpi ne, %convert_element_type3A_251, %cond3A_252 : i32
          scf.if %cond3A_253 {
            %dma_wait3A_268 = arith.constant 2 : i32
            %dma_wait3A_269 = arith.constant 0 : i32
            %dma_wait3A_270 = tpu.memref_slice %arg8[%dma_wait3A_268, %dma_wait3A_269] : memref<3x64xi32, #tpu.memory_space<vmem>> -> memref<1x64xi32, #tpu.memory_space<vmem>>
            %dma_wait3A_271 = tpu.memref_squeeze %dma_wait3A_270 : memref<1x64xi32, #tpu.memory_space<vmem>> -> memref<64xi32, #tpu.memory_space<vmem>>
            %dma_wait3A_272 = arith.constant 0 : i32
            %dma_wait3A_273 = arith.constant 0 : i32
            %dma_wait3A_274 = tpu.memref_slice %arg6[%dma_wait3A_272, %dma_wait3A_273] : memref<10240x144xf32, #tpu.memory_space<vmem_shared>> -> memref<10240x144xf32, #tpu.memory_space<vmem_shared>>
            tpu.wait_indirect_dma semaphore(%arg23 : memref<!tpu.dma_semaphore, #tpu.memory_space<semaphore_mem>>) src(%arg16 : memref<64x144xf32, #tpu.memory_space<vmem>>) dst(%dma_wait3A_274 : memref<10240x144xf32, #tpu.memory_space<vmem_shared>>)
          } else {
          }
          %dma_start3A_254 = arith.constant 0 : i32
          %dma_start3A_255 = arith.constant 0 : i32
          %dma_start3A_256 = tpu.memref_slice %arg8[%dma_start3A_254, %dma_start3A_255] : memref<3x64xi32, #tpu.memory_space<vmem>> -> memref<1x64xi32, #tpu.memory_space<vmem>>
          %dma_start3A_257 = tpu.memref_squeeze %dma_start3A_256 : memref<1x64xi32, #tpu.memory_space<vmem>> -> memref<64xi32, #tpu.memory_space<vmem>>
          %dma_start3A_258 = arith.constant 0 : i32
          %dma_start3A_259 = arith.constant 0 : i32
          %dma_start3A_260 = tpu.memref_slice %arg3[%dma_start3A_258, %dma_start3A_259] : memref<80000x16xf32, #tpu.memory_space<hbm>> -> memref<80000x16xf32, #tpu.memory_space<hbm>>
          tpu.enqueue_indirect_dma source(%dma_start3A_260 : memref<80000x16xf32, #tpu.memory_space<hbm>>) target(%arg15 : memref<64x16xf32, #tpu.memory_space<vmem>>) offsets(%dma_start3A_257 : memref<64xi32, #tpu.memory_space<vmem>>) semaphore(%arg20 : memref<!tpu.dma_semaphore, #tpu.memory_space<semaphore_mem>>)
          %dma_start3A_261 = arith.constant 1 : i32
          %dma_start3A_262 = arith.constant 0 : i32
          %dma_start3A_263 = tpu.memref_slice %arg8[%dma_start3A_261, %dma_start3A_262] : memref<3x64xi32, #tpu.memory_space<vmem>> -> memref<1x64xi32, #tpu.memory_space<vmem>>
          %dma_start3A_264 = tpu.memref_squeeze %dma_start3A_263 : memref<1x64xi32, #tpu.memory_space<vmem>> -> memref<64xi32, #tpu.memory_space<vmem>>
          %dma_start3A_265 = arith.constant 0 : i32
          %dma_start3A_266 = arith.constant 0 : i32
          %dma_start3A_267 = tpu.memref_slice %arg4[%dma_start3A_265, %dma_start3A_266] : memref<80000x144xf32, #tpu.memory_space<hbm>> -> memref<80000x144xf32, #tpu.memory_space<hbm>>
          tpu.enqueue_indirect_dma source(%dma_start3A_267 : memref<80000x144xf32, #tpu.memory_space<hbm>>) target(%arg16 : memref<64x144xf32, #tpu.memory_space<vmem>>) offsets(%dma_start3A_264 : memref<64xi32, #tpu.memory_space<vmem>>) semaphore(%arg20 : memref<!tpu.dma_semaphore, #tpu.memory_space<semaphore_mem>>)
        } else {
        }
        %add3A_231 = arith.constant 5 : i32
        %add3A_232 = arith.addi %add3A_182, %add3A_231 : i32
        %lt3A_233 = arith.constant 158 : i32
        %lt3A_234 = arith.cmpi slt, %add3A_232, %lt3A_233 : i32
        %convert_element_type3A_235 = arith.extui %lt3A_234 : i1 to i32
        %cond3A_236 = arith.constant 0 : i32
        %cond3A_237 = arith.cmpi ne, %convert_element_type3A_235, %cond3A_236 : i32
        scf.if %cond3A_237 {
          %add3A_238 = arith.constant 5 : i32
          %add3A_239 = arith.addi %add3A_182, %add3A_238 : i32
          %dma_start3A_240 = arith.constant 0 : i32
          %dma_start3A_241 = arith.constant 0 : i32
          %dma_start3A_242 = tpu.memref_slice %arg2[%add3A, %add3A_239, %dma_start3A_240, %dma_start3A_241] : memref<32x158x3x64xi32, #tpu.memory_space<hbm>> -> memref<1x1x3x64xi32, #tpu.memory_space<hbm>>
          %dma_start3A_243 = tpu.memref_squeeze %dma_start3A_242 : memref<1x1x3x64xi32, #tpu.memory_space<hbm>> -> memref<3x64xi32, #tpu.memory_space<hbm>>
          %dma_start3A_244 = arith.constant 0 : i32
          %dma_start3A_245 = arith.constant 0 : i32
          %dma_start3A_246 = tpu.memref_slice %arg2[%add3A, %add3A_239, %dma_start3A_244, %dma_start3A_245] : memref<32x158x3x64xi32, #tpu.memory_space<hbm>> -> memref<1x1x3x64xi32, #tpu.memory_space<hbm>>
          %dma_start3A_247 = tpu.memref_squeeze %dma_start3A_246 : memref<1x1x3x64xi32, #tpu.memory_space<hbm>> -> memref<3x64xi32, #tpu.memory_space<hbm>>
          tpu.enqueue_dma source(%dma_start3A_247 : memref<3x64xi32, #tpu.memory_space<hbm>>) target(%arg11 : memref<3x64xi32, #tpu.memory_space<vmem>>) target_semaphore(%arg29 : memref<!tpu.dma_semaphore, #tpu.memory_space<semaphore_mem>>)
        } else {
        }
      } else {
      }
    }
    %scan3A_123 = arith.constant 27 : i32
    %dma_wait3A_124 = arith.constant 2 : i32
    %dma_wait3A_125 = arith.constant 0 : i32
    %dma_wait3A_126 = tpu.memref_slice %arg12[%dma_wait3A_124, %dma_wait3A_125] : memref<3x64xi32, #tpu.memory_space<vmem>> -> memref<1x64xi32, #tpu.memory_space<vmem>>
    %dma_wait3A_127 = tpu.memref_squeeze %dma_wait3A_126 : memref<1x64xi32, #tpu.memory_space<vmem>> -> memref<64xi32, #tpu.memory_space<vmem>>
    %dma_wait3A_128 = arith.constant 0 : i32
    %dma_wait3A_129 = arith.constant 0 : i32
    %dma_wait3A_130 = tpu.memref_slice %arg6[%dma_wait3A_128, %dma_wait3A_129] : memref<10240x144xf32, #tpu.memory_space<vmem_shared>> -> memref<10240x144xf32, #tpu.memory_space<vmem_shared>>
    tpu.wait_indirect_dma semaphore(%arg24 : memref<!tpu.dma_semaphore, #tpu.memory_space<semaphore_mem>>) src(%arg18 : memref<64x144xf32, #tpu.memory_space<vmem>>) dst(%dma_wait3A_130 : memref<10240x144xf32, #tpu.memory_space<vmem_shared>>)
    %dma_wait3A_131 = arith.constant 2 : i32
    %dma_wait3A_132 = arith.constant 0 : i32
    %dma_wait3A_133 = tpu.memref_slice %arg7[%dma_wait3A_131, %dma_wait3A_132] : memref<3x64xi32, #tpu.memory_space<vmem>> -> memref<1x64xi32, #tpu.memory_space<vmem>>
    %dma_wait3A_134 = tpu.memref_squeeze %dma_wait3A_133 : memref<1x64xi32, #tpu.memory_space<vmem>> -> memref<64xi32, #tpu.memory_space<vmem>>
    %dma_wait3A_135 = arith.constant 0 : i32
    %dma_wait3A_136 = arith.constant 0 : i32
    %dma_wait3A_137 = tpu.memref_slice %arg6[%dma_wait3A_135, %dma_wait3A_136] : memref<10240x144xf32, #tpu.memory_space<vmem_shared>> -> memref<10240x144xf32, #tpu.memory_space<vmem_shared>>
    tpu.wait_indirect_dma semaphore(%arg22 : memref<!tpu.dma_semaphore, #tpu.memory_space<semaphore_mem>>) src(%arg14 : memref<64x144xf32, #tpu.memory_space<vmem>>) dst(%dma_wait3A_137 : memref<10240x144xf32, #tpu.memory_space<vmem_shared>>)
    %dma_wait3A_138 = arith.constant 2 : i32
    %dma_wait3A_139 = arith.constant 0 : i32
    %dma_wait3A_140 = tpu.memref_slice %arg8[%dma_wait3A_138, %dma_wait3A_139] : memref<3x64xi32, #tpu.memory_space<vmem>> -> memref<1x64xi32, #tpu.memory_space<vmem>>
    %dma_wait3A_141 = tpu.memref_squeeze %dma_wait3A_140 : memref<1x64xi32, #tpu.memory_space<vmem>> -> memref<64xi32, #tpu.memory_space<vmem>>
    %dma_wait3A_142 = arith.constant 0 : i32
    %dma_wait3A_143 = arith.constant 0 : i32
    %dma_wait3A_144 = tpu.memref_slice %arg6[%dma_wait3A_142, %dma_wait3A_143] : memref<10240x144xf32, #tpu.memory_space<vmem_shared>> -> memref<10240x144xf32, #tpu.memory_space<vmem_shared>>
    tpu.wait_indirect_dma semaphore(%arg23 : memref<!tpu.dma_semaphore, #tpu.memory_space<semaphore_mem>>) src(%arg16 : memref<64x144xf32, #tpu.memory_space<vmem>>) dst(%dma_wait3A_144 : memref<10240x144xf32, #tpu.memory_space<vmem_shared>>)
    %barrier3A_145 = arith.constant 0 : index
    tpu.barrier barrier_id(%barrier3A_145)
    "tpu.region"() ({
      %run_scoped3A = tpu.sem_alloc : memref<!tpu.dma_semaphore, #tpu.memory_space<semaphore_mem>>
      %dma_start3A_146 = arith.constant 0 : i32
      %dma_start3A_147 = tpu.memref_slice %arg5[%arg0, %mul3A_2, %dma_start3A_146] : memref<2x10240x144xf32, #tpu.memory_space<hbm>> -> memref<1x640x144xf32, #tpu.memory_space<hbm>>
      %dma_start3A_148 = tpu.memref_squeeze %dma_start3A_147 : memref<1x640x144xf32, #tpu.memory_space<hbm>> -> memref<640x144xf32, #tpu.memory_space<hbm>>
      %dma_start3A_149 = arith.constant 0 : i32
      %dma_start3A_150 = tpu.memref_slice %arg6[%mul3A_2, %dma_start3A_149] : memref<10240x144xf32, #tpu.memory_space<vmem_shared>> -> memref<640x144xf32, #tpu.memory_space<vmem_shared>>
      tpu.enqueue_dma source(%dma_start3A_150 : memref<640x144xf32, #tpu.memory_space<vmem_shared>>) target(%dma_start3A_148 : memref<640x144xf32, #tpu.memory_space<hbm>>) target_semaphore(%run_scoped3A : memref<!tpu.dma_semaphore, #tpu.memory_space<semaphore_mem>>)
      %dma_wait3A_151 = arith.constant 0 : i32
      %dma_wait3A_152 = tpu.memref_slice %arg5[%arg0, %mul3A_2, %dma_wait3A_151] : memref<2x10240x144xf32, #tpu.memory_space<hbm>> -> memref<1x640x144xf32, #tpu.memory_space<hbm>>
      %dma_wait3A_153 = tpu.memref_squeeze %dma_wait3A_152 : memref<1x640x144xf32, #tpu.memory_space<hbm>> -> memref<640x144xf32, #tpu.memory_space<hbm>>
      %dma_wait3A_154 = arith.constant 0 : i32
      %dma_wait3A_155 = tpu.memref_slice %arg6[%mul3A_2, %dma_wait3A_154] : memref<10240x144xf32, #tpu.memory_space<vmem_shared>> -> memref<640x144xf32, #tpu.memory_space<vmem_shared>>
      tpu.wait_dma2 semaphore(%run_scoped3A : memref<!tpu.dma_semaphore, #tpu.memory_space<semaphore_mem>>) src(%dma_wait3A_155 : memref<640x144xf32, #tpu.memory_space<vmem_shared>>) dst(%dma_wait3A_153 : memref<640x144xf32, #tpu.memory_space<hbm>>)
      tpu.yield
    }) : () -> ()
    return
  }
}

module attributes {stable_mosaic.version = 14 : i64} {
  func.func @_tc_index_kernel(%arg0: i32, %arg1: memref<632x128xi32, #tpu.memory_space<vmem>>, %arg2: memref<632x128xi32, #tpu.memory_space<vmem>>, %arg3: memref<632x128xi32, #tpu.memory_space<vmem>>, %arg4: memref<632x128xi32, #tpu.memory_space<vmem>>, %arg5: memref<632x128xi32, #tpu.memory_space<vmem>>) attributes {dimension_semantics = [#tpu.dimension_semantics<arbitrary>], iteration_bounds = array<i64: 4>, scalar_prefetch = 0 : i64, scratch_operands = 0 : i64, tpu.core_type = #tpu.core_type<tc>, window_params = [{transform_indices = @transform_0, window_bounds = array<i64: 632, 128>}, {transform_indices = @transform_1, window_bounds = array<i64: 632, 128>}, {transform_indices = @transform_2, window_bounds = array<i64: 632, 128>}, {transform_indices = @transform_3, window_bounds = array<i64: 632, 128>}, {transform_indices = @transform_4, window_bounds = array<i64: 632, 128>}]} {
    %get3A = arith.constant 0 : index
    %get3A_0 = arith.constant 0 : index
    %get3A_1 = vector.load %arg3[%get3A, %get3A_0] : memref<632x128xi32, #tpu.memory_space<vmem>>, vector<632x128xi32>
    %mul3A = arith.constant 10000 : i32
    %mul3A_2 = vector.broadcast %mul3A : i32 to vector<632x128xi32>
    %mul3A_3 = arith.muli %get3A_1, %mul3A_2 : vector<632x128xi32>
    %get3A_4 = arith.constant 0 : index
    %get3A_5 = arith.constant 0 : index
    %get3A_6 = vector.load %arg2[%get3A_4, %get3A_5] : memref<632x128xi32, #tpu.memory_space<vmem>>, vector<632x128xi32>
    %add3A = arith.addi %mul3A_3, %get3A_6 : vector<632x128xi32>
    %swap3A = arith.constant 0 : index
    %swap3A_7 = arith.constant 0 : index
    %swap3A_8 = vector.load %arg4[%swap3A, %swap3A_7] : memref<632x128xi32, #tpu.memory_space<vmem>>, vector<632x128xi32>
    tpu.vector_store %arg4[%swap3A, %swap3A_7], %add3A {strides = array<i32>} : memref<632x128xi32, #tpu.memory_space<vmem>>, vector<632x128xi32>,
    %get3A_9 = arith.constant 0 : index
    %get3A_10 = arith.constant 0 : index
    %get3A_11 = vector.load %arg1[%get3A_9, %get3A_10] : memref<632x128xi32, #tpu.memory_space<vmem>>, vector<632x128xi32>
    %add3A_12 = arith.addi %mul3A_3, %get3A_11 : vector<632x128xi32>
    %swap3A_13 = arith.constant 0 : index
    %swap3A_14 = arith.constant 0 : index
    %swap3A_15 = vector.load %arg5[%swap3A_13, %swap3A_14] : memref<632x128xi32, #tpu.memory_space<vmem>>, vector<632x128xi32>
    tpu.vector_store %arg5[%swap3A_13, %swap3A_14], %add3A_12 {strides = array<i32>} : memref<632x128xi32, #tpu.memory_space<vmem>>, vector<632x128xi32>,
    return
  }
  func.func @transform_0(%arg0: i32) -> (i32, i32) {
    %c0_i32 = arith.constant 0 : i32
    %c0_i32_0 = arith.constant 0 : i32
    return %arg0, %c0_i32 : i32, i32
  }
  func.func @transform_1(%arg0: i32) -> (i32, i32) {
    %c0_i32 = arith.constant 0 : i32
    %c0_i32_0 = arith.constant 0 : i32
    return %arg0, %c0_i32 : i32, i32
  }
  func.func @transform_2(%arg0: i32) -> (i32, i32) {
    %c0_i32 = arith.constant 0 : i32
    %c0_i32_0 = arith.constant 0 : i32
    return %arg0, %c0_i32 : i32, i32
  }
  func.func @transform_3(%arg0: i32) -> (i32, i32) {
    %c0_i32 = arith.constant 0 : i32
    %c0_i32_0 = arith.constant 0 : i32
    return %arg0, %c0_i32 : i32, i32
  }
  func.func @transform_4(%arg0: i32) -> (i32, i32) {
    %c0_i32 = arith.constant 0 : i32
    %c0_i32_0 = arith.constant 0 : i32
    return %arg0, %c0_i32 : i32, i32
  }
}

module attributes {stable_mosaic.version = 14 : i64} {
  func.func @_tc_transform_kernel(%arg0: i32, %arg1: i32, %arg2: memref<1000x128xf32, #tpu.memory_space<vmem>>, %arg3: memref<1x128x128xf32, #tpu.memory_space<vmem>>, %arg4: memref<128x128xf32, #tpu.memory_space<vmem>>, %arg5: memref<128x16xf32, #tpu.memory_space<vmem>>, %arg6: memref<128x16xf32, #tpu.memory_space<vmem>>, %arg7: memref<1000x144xf32, #tpu.memory_space<vmem>>, %arg8: memref<1000x16xf32, #tpu.memory_space<vmem>>) attributes {dimension_semantics = [#tpu.dimension_semantics<arbitrary>, #tpu.dimension_semantics<arbitrary>], iteration_bounds = array<i64: 8, 10>, scalar_prefetch = 0 : i64, scratch_operands = 0 : i64, tpu.core_type = #tpu.core_type<tc>, window_params = [{transform_indices = @transform_0, window_bounds = array<i64: 1000, 128>}, {transform_indices = @transform_1, window_bounds = array<i64: 1, 128, 128>}, {pipeline_mode = #tpu.pipeline_mode<synchronous>, transform_indices = @transform_2, window_bounds = array<i64: 128, 128>}, {pipeline_mode = #tpu.pipeline_mode<synchronous>, transform_indices = @transform_3, window_bounds = array<i64: 128, 16>}, {pipeline_mode = #tpu.pipeline_mode<synchronous>, transform_indices = @transform_4, window_bounds = array<i64: 128, 16>}, {transform_indices = @transform_5, window_bounds = array<i64: 1000, 144>}, {transform_indices = @transform_6, window_bounds = array<i64: 1000, 16>}]} {
    %get3A = arith.constant 0 : index
    %get3A_0 = arith.constant 0 : index
    %get3A_1 = vector.load %arg2[%get3A, %get3A_0] : memref<1000x128xf32, #tpu.memory_space<vmem>>, vector<1000x128xf32>
    %get3A_2 = arith.constant 0 : index
    %get3A_3 = arith.constant 0 : index
    %get3A_4 = arith.constant 0 : index
    %get3A_5 = vector.load %arg3[%get3A_2, %get3A_3, %get3A_4] : memref<1x128x128xf32, #tpu.memory_space<vmem>>, vector<1x128x128xf32>
    %get3A_6 = vector.shape_cast %get3A_5 : vector<1x128x128xf32> to vector<128x128xf32>
    %dot_general3A = arith.constant dense<0.000000e+00> : vector<1000x128xf32>
    %dot_general3A_7 = tpu.matmul %get3A_1, %get3A_6, %dot_general3A {dimension_numbers = #tpu.dot_dimension_numbers<[1], [0], [0], [1], [0, 0, 1, 1], [], []>, transpose_lhs_hint = false} : vector<1000x128xf32>, vector<128x128xf32>, vector<1000x128xf32> -> vector<1000x128xf32>
    %get3A_8 = arith.constant 0 : index
    %get3A_9 = arith.constant 0 : index
    %get3A_10 = vector.load %arg4[%get3A_8, %get3A_9] : memref<128x128xf32, #tpu.memory_space<vmem>>, vector<128x128xf32>
    %dot_general3A_11 = arith.constant dense<0.000000e+00> : vector<1000x128xf32>
    %dot_general3A_12 = tpu.matmul %dot_general3A_7, %get3A_10, %dot_general3A_11 {dimension_numbers = #tpu.dot_dimension_numbers<[1], [0], [0], [1], [0, 0, 1, 1], [], []>, transpose_lhs_hint = false} : vector<1000x128xf32>, vector<128x128xf32>, vector<1000x128xf32> -> vector<1000x128xf32>
    %get3A_13 = arith.constant 0 : index
    %get3A_14 = arith.constant 0 : index
    %get3A_15 = vector.load %arg6[%get3A_13, %get3A_14] : memref<128x16xf32, #tpu.memory_space<vmem>>, vector<128x16xf32>
    %dot_general3A_16 = arith.constant dense<0.000000e+00> : vector<1000x16xf32>
    %dot_general3A_17 = tpu.matmul %dot_general3A_7, %get3A_15, %dot_general3A_16 {dimension_numbers = #tpu.dot_dimension_numbers<[1], [0], [0], [1], [0, 0, 1, 1], [], []>, transpose_lhs_hint = false} : vector<1000x128xf32>, vector<128x16xf32>, vector<1000x16xf32> -> vector<1000x16xf32>
    %concatenate3A = tpu.concatenate %dot_general3A_12, %dot_general3A_17 in 1 : vector<1000x128xf32>, vector<1000x16xf32> -> vector<1000x144xf32>
    %swap3A = arith.constant 0 : index
    %swap3A_18 = arith.constant 0 : index
    %swap3A_19 = vector.load %arg7[%swap3A, %swap3A_18] : memref<1000x144xf32, #tpu.memory_space<vmem>>, vector<1000x144xf32>
    tpu.vector_store %arg7[%swap3A, %swap3A_18], %concatenate3A {strides = array<i32>} : memref<1000x144xf32, #tpu.memory_space<vmem>>, vector<1000x144xf32>,
    %get3A_20 = arith.constant 0 : index
    %get3A_21 = arith.constant 0 : index
    %get3A_22 = vector.load %arg5[%get3A_20, %get3A_21] : memref<128x16xf32, #tpu.memory_space<vmem>>, vector<128x16xf32>
    %dot_general3A_23 = arith.constant dense<0.000000e+00> : vector<1000x16xf32>
    %dot_general3A_24 = tpu.matmul %dot_general3A_7, %get3A_22, %dot_general3A_23 {dimension_numbers = #tpu.dot_dimension_numbers<[1], [0], [0], [1], [0, 0, 1, 1], [], []>, transpose_lhs_hint = false} : vector<1000x128xf32>, vector<128x16xf32>, vector<1000x16xf32> -> vector<1000x16xf32>
    %swap3A_25 = arith.constant 0 : index
    %swap3A_26 = arith.constant 0 : index
    %swap3A_27 = vector.load %arg8[%swap3A_25, %swap3A_26] : memref<1000x16xf32, #tpu.memory_space<vmem>>, vector<1000x16xf32>
    tpu.vector_store %arg8[%swap3A_25, %swap3A_26], %dot_general3A_24 {strides = array<i32>} : memref<1000x16xf32, #tpu.memory_space<vmem>>, vector<1000x16xf32>,
    return
  }
  func.func @transform_0(%arg0: i32, %arg1: i32) -> (i32, i32) {
    %c0_i32 = arith.constant 0 : i32
    %c0_i32_0 = arith.constant 0 : i32
    return %arg1, %c0_i32 : i32, i32
  }
  func.func @transform_1(%arg0: i32, %arg1: i32) -> (i32, i32, i32) {
    %c0_i32 = arith.constant 0 : i32
    %c0_i32_0 = arith.constant 0 : i32
    %c0_i32_1 = arith.constant 0 : i32
    return %arg0, %c0_i32, %c0_i32_0 : i32, i32, i32
  }
  func.func @transform_2(%arg0: i32, %arg1: i32) -> (i32, i32) {
    %c0_i32 = arith.constant 0 : i32
    %c0_i32_0 = arith.constant 0 : i32
    %c0_i32_1 = arith.constant 0 : i32
    return %c0_i32, %c0_i32_0 : i32, i32
  }
  func.func @transform_3(%arg0: i32, %arg1: i32) -> (i32, i32) {
    %c0_i32 = arith.constant 0 : i32
    %c0_i32_0 = arith.constant 0 : i32
    %c0_i32_1 = arith.constant 0 : i32
    return %c0_i32, %c0_i32_0 : i32, i32
  }
  func.func @transform_4(%arg0: i32, %arg1: i32) -> (i32, i32) {
    %c0_i32 = arith.constant 0 : i32
    %c0_i32_0 = arith.constant 0 : i32
    %c0_i32_1 = arith.constant 0 : i32
    return %c0_i32, %c0_i32_0 : i32, i32
  }
  func.func @transform_5(%arg0: i32, %arg1: i32) -> (i32, i32) {
    %mul3A = arith.constant 10 : i32
    %mul3A_0 = arith.muli %arg0, %mul3A : i32
    %add3A = arith.addi %mul3A_0, %arg1 : i32
    %c0_i32 = arith.constant 0 : i32
    %c0_i32_1 = arith.constant 0 : i32
    return %add3A, %c0_i32 : i32, i32
  }
  func.func @transform_6(%arg0: i32, %arg1: i32) -> (i32, i32) {
    %mul3A = arith.constant 10 : i32
    %mul3A_0 = arith.muli %arg0, %mul3A : i32
    %add3A = arith.addi %mul3A_0, %arg1 : i32
    %c0_i32 = arith.constant 0 : i32
    %c0_i32_1 = arith.constant 0 : i32
    return %add3A, %c0_i32 : i32, i32
  }
}

module attributes {stable_mosaic.version = 14 : i64} {
  func.func @_tc_finalize_kernel(%arg0: i32, %arg1: memref<2x1000x144xf32, #tpu.memory_space<vmem>>, %arg2: memref<128x128xf32, #tpu.memory_space<vmem>>, %arg3: memref<16x128xf32, #tpu.memory_space<vmem>>, %arg4: memref<1x128xf32, #tpu.memory_space<vmem>>, %arg5: memref<1000x128xf32, #tpu.memory_space<vmem>>) attributes {dimension_semantics = [#tpu.dimension_semantics<arbitrary>], iteration_bounds = array<i64: 10>, scalar_prefetch = 0 : i64, scratch_operands = 0 : i64, tpu.core_type = #tpu.core_type<tc>, window_params = [{transform_indices = @transform_0, window_bounds = array<i64: 2, 1000, 144>}, {pipeline_mode = #tpu.pipeline_mode<synchronous>, transform_indices = @transform_1, window_bounds = array<i64: 128, 128>}, {pipeline_mode = #tpu.pipeline_mode<synchronous>, transform_indices = @transform_2, window_bounds = array<i64: 16, 128>}, {pipeline_mode = #tpu.pipeline_mode<synchronous>, transform_indices = @transform_3, window_bounds = array<i64: 1, 128>}, {transform_indices = @transform_4, window_bounds = array<i64: 1000, 128>}]} {
    %get3A = arith.constant 0 : index
    %get3A_0 = arith.constant 0 : index
    %get3A_1 = arith.constant 0 : index
    %get3A_2 = vector.load %arg1[%get3A, %get3A_0, %get3A_1] : memref<2x1000x144xf32, #tpu.memory_space<vmem>>, vector<1x1000x144xf32>
    %get3A_3 = vector.shape_cast %get3A_2 : vector<1x1000x144xf32> to vector<1000x144xf32>
    %get3A_4 = arith.constant 1 : index
    %get3A_5 = arith.constant 0 : index
    %get3A_6 = arith.constant 0 : index
    %get3A_7 = vector.load %arg1[%get3A_4, %get3A_5, %get3A_6] : memref<2x1000x144xf32, #tpu.memory_space<vmem>>, vector<1x1000x144xf32>
    %get3A_8 = vector.shape_cast %get3A_7 : vector<1x1000x144xf32> to vector<1000x144xf32>
    %add3A = arith.addf %get3A_3, %get3A_8 : vector<1000x144xf32>
    %slice3A = vector.extract_strided_slice %add3A {offsets = [0, 0], sizes = [1000, 128], strides = [1, 1]} : vector<1000x144xf32> to vector<1000x128xf32>
    %get3A_9 = arith.constant 0 : index
    %get3A_10 = arith.constant 0 : index
    %get3A_11 = vector.load %arg2[%get3A_9, %get3A_10] : memref<128x128xf32, #tpu.memory_space<vmem>>, vector<128x128xf32>
    %dot_general3A = arith.constant dense<0.000000e+00> : vector<1000x128xf32>
    %dot_general3A_12 = tpu.matmul %slice3A, %get3A_11, %dot_general3A {dimension_numbers = #tpu.dot_dimension_numbers<[1], [0], [0], [1], [0, 0, 1, 1], [], []>, transpose_lhs_hint = false} : vector<1000x128xf32>, vector<128x128xf32>, vector<1000x128xf32> -> vector<1000x128xf32>
    %slice3A_13 = vector.extract_strided_slice %add3A {offsets = [0, 128], sizes = [1000, 16], strides = [1, 1]} : vector<1000x144xf32> to vector<1000x16xf32>
    %get3A_14 = arith.constant 0 : index
    %get3A_15 = arith.constant 0 : index
    %get3A_16 = vector.load %arg3[%get3A_14, %get3A_15] : memref<16x128xf32, #tpu.memory_space<vmem>>, vector<16x128xf32>
    %dot_general3A_17 = arith.constant dense<0.000000e+00> : vector<1000x128xf32>
    %dot_general3A_18 = tpu.matmul %slice3A_13, %get3A_16, %dot_general3A_17 {dimension_numbers = #tpu.dot_dimension_numbers<[1], [0], [0], [1], [0, 0, 1, 1], [], []>, transpose_lhs_hint = false} : vector<1000x16xf32>, vector<16x128xf32>, vector<1000x128xf32> -> vector<1000x128xf32>
    %add3A_19 = arith.constant 1.000000e-16 : f32
    %add3A_20 = vector.broadcast %add3A_19 : f32 to vector<1000x128xf32>
    %add3A_21 = arith.addf %dot_general3A_18, %add3A_20 : vector<1000x128xf32>
    %div3A = arith.divf %dot_general3A_12, %add3A_21 : vector<1000x128xf32>
    %get3A_22 = arith.constant 0 : index
    %get3A_23 = arith.constant 0 : index
    %get3A_24 = vector.load %arg4[%get3A_22, %get3A_23] : memref<1x128xf32, #tpu.memory_space<vmem>>, vector<1x128xf32>
    %add3A_25 = vector.broadcast %get3A_24 : vector<1x128xf32> to vector<1000x128xf32>
    %add3A_26 = arith.addf %div3A, %add3A_25 : vector<1000x128xf32>
    %swap3A = arith.constant 0 : index
    %swap3A_27 = arith.constant 0 : index
    %swap3A_28 = vector.load %arg5[%swap3A, %swap3A_27] : memref<1000x128xf32, #tpu.memory_space<vmem>>, vector<1000x128xf32>
    tpu.vector_store %arg5[%swap3A, %swap3A_27], %add3A_26 {strides = array<i32>} : memref<1000x128xf32, #tpu.memory_space<vmem>>, vector<1000x128xf32>,
    return
  }
  func.func @transform_0(%arg0: i32) -> (i32, i32, i32) {
    %c0_i32 = arith.constant 0 : i32
    %c0_i32_0 = arith.constant 0 : i32
    %c0_i32_1 = arith.constant 0 : i32
    return %c0_i32, %arg0, %c0_i32_0 : i32, i32, i32
  }
  func.func @transform_1(%arg0: i32) -> (i32, i32) {
    %c0_i32 = arith.constant 0 : i32
    %c0_i32_0 = arith.constant 0 : i32
    %c0_i32_1 = arith.constant 0 : i32
    return %c0_i32, %c0_i32_0 : i32, i32
  }
  func.func @transform_2(%arg0: i32) -> (i32, i32) {
    %c0_i32 = arith.constant 0 : i32
    %c0_i32_0 = arith.constant 0 : i32
    %c0_i32_1 = arith.constant 0 : i32
    return %c0_i32, %c0_i32_0 : i32, i32
  }
  func.func @transform_3(%arg0: i32) -> (i32, i32) {
    %c0_i32 = arith.constant 0 : i32
    %c0_i32_0 = arith.constant 0 : i32
    %c0_i32_1 = arith.constant 0 : i32
    return %c0_i32, %c0_i32_0 : i32, i32
  }
  func.func @transform_4(%arg0: i32) -> (i32, i32) {
    %c0_i32 = arith.constant 0 : i32
    %c0_i32_0 = arith.constant 0 : i32
    return %arg0, %c0_i32 : i32, i32
  }
}

</mosaic_0001>

<sc_bundles>
// kernel: kernel.6.cloned.1.call-start
scs
__scs_entry_jumppad:
0x0: {  	(pc) =	sbr.rel $0x88, $3  }
0x1: {  	(tag) =	ssettag $0x0;
	lr =	simm.s32 $0x1  }
0x2: {  	[smem:$0x3F9A] =	sst lr;
	_ =	strace $0xD0000000  }
0x3: {  	_ = 	snop  }
0x4: {  	_ = 	snop  }
0x5: {  	_ = 	snop  }
0x6: {  	_ = 	snop  }
0x7: {  	_ = 	snop  }
__scs_overlays_trampoline_lowered:
0x8: {  	[smem:$0x3FA9] =	sst s0  }
0x9: {  	[smem:$0x3FAA] =	sst s1  }
0xa: {  	[smem:$0x3FAB] =	sst s2  }
0xb: {  	[smem:$0x3FAC] =	sst s3  }
0xc: {  	[smem:$0x3FAD] =	sst s4  }
0xd: {  	[smem:$0x3FAE] =	sst s5  }
0xe: {  	[smem:$0x3FAF] =	sst s6  }
0xf: {  	[smem:$0x3FB0] =	sst s7  }
0x10: {  	[smem:$0x3FB1] =	sst s8  }
0x11: {  	[smem:$0x3FB2] =	sst s9;
	s0 =	simm.s32 @!p0 $0x0  }
0x12: {  	s1 =	sld [smem:$0x3F98];
	s0 =	simm.s32 @p0 $0x1  }
0x13: {  	[smem:$0x3FB3] =	sst s0;
	s0 =	simm.s32 @!p1 $0x0  }
0x14: {  	s2 =	sld [smem:$0x3F97];
	s0 =	simm.s32 @p1 $0x1  }
0x15: {  	[smem:$0x3FB4] =	sst s0;
	s0 =	simm.s32 @!p2 $0x0  }
0x16: {  	s3 =	sld [smem:$0x3FDB];
	s0 =	simm.s32 @p2 $0x1  }
0x17: {  	s4 =	simm.s32 $0x1BF5;
	[smem:$0x3FB6] =	sst s0  }
0x18: {  	s0 =	sld [smem:$0x3F99];
	_ =	swait.ge [sflag:s4], $0x0  }
0x19: {  	s7 =	sld [smem:$0x3F9A]  }
0x1a: {  	s8 =	sadd.s32 $0xFFFFE003, lr  }
0x1b: {  	s9 =	sadd.s32 $0xFFFFFEF7, lr;
	s5 =	simm.s32 $0xFFFFFFFF;
	p2 =	slt.u32 s8, $0xFFFFF086  }
0x1c: {  	p1 =	slt.u32 s9, $0xF7A;
	s5 =	simm.s32 @!p2 $0x0  }
0x1d: {  	s5 =	simm.s32 @p1 $0x1;
	p0 =	seq.s32 s7, s2  }
0x1e: {  	s7 =	smul.u32 @!p0 $0xF7A, s2;
	p2 =	seq.s32 @!p0 s5, $0x0  }
0x1f: {  	s9 =	smul.u32 $0xF7A, s1;
	s8 =	simm.s32 @!p0 $0x1BF5;
	p2 =	por !p2, p0  }
0x20: {  	[sflag:s8] =	ssyncset.s32 @!p0 $0xFFFFF086;
	s6 =	sadd.s32 @!p0 s3, s7;
	s7 =	simm.s32 @!p0 $0x108  }
0x21: {  	s3 =	sadd.s32 s3, s9;
	s6 =	sadd.s32 @!p0 $0x88, s6;
	s7 =	simm.s32 @p2 $0x1082  }
0x22: {  	[simem:s7], [sflag:s8] =	dma.local @!p0 [hbm:s6], $0xF7A  }
0x23: {  	s9 =	sor.u32 $0xD0000000, s2;
	s6 =	simm.s32 $0x108;
	_ =	swait.ge @!p0 [sflag:s8], $0x0  }
0x24: {  	s3 =	sadd.s32 $0x88, s3;
	s6 =	simm.s32 @!p1 $0x1082;
	[sflag:s4] =	ssyncset.s32 $0xFFFFF086  }
0x25: {  	[simem:s6], [sflag:s4] =	dma.local [hbm:s3], $0xF7A  }
0x26: {  	[smem:$0x3F9A] =	sst s1;
	(tag) =	ssettag s2;
	_ =	strace s9  }
0x27: {  	s1 =	sld [smem:$0x3FAA]  }
0x28: {  	s2 =	sld [smem:$0x3FAB]  }
0x29: {  	s4 =	sld [smem:$0x3FAD]  }
0x2a: {  	p0 =	seq.s32 s5, $0x0;
	s5 =	sld [smem:$0x3FAE]  }
0x2b: {  	s6 =	sld [smem:$0x3FAF]  }
0x2c: {  	s7 =	sld [smem:$0x3FB0]  }
0x2d: {  	s3 =	simm.s32 $0x108;
	s8 =	sld [smem:$0x3FB1]  }
0x2e: {  	s3 =	simm.s32 @!p0 $0x1082;
	s9 =	sld [smem:$0x3FB2]  }
0x2f: {  	lr =	sadd.s32 s0, s3;
	s0 =	sld [smem:$0x3FA9]  }
0x30: {  	s3 =	sld [smem:$0x3FAC]  }
0x31: {  	[smem:$0x3FB5] =	sst s10  }
0x32: {  	s10 =	sld [smem:$0x3FB3];
	_ =	sdelay $0x3  }
0x33: {  	p0 =	seq.s32 s10, $0x1;
	s10 =	sld [smem:$0x3FB5];
	_ =	sdelay $0x3  }
0x34: {  	[smem:$0x3FB5] =	sst s10  }
0x35: {  	s10 =	sld [smem:$0x3FB4];
	_ =	sdelay $0x3  }
0x36: {  	p1 =	seq.s32 s10, $0x1;
	s10 =	sld [smem:$0x3FB5];
	_ =	sdelay $0x3  }
0x37: {  	[smem:$0x3FB5] =	sst s10  }
0x38: {  	s10 =	sld [smem:$0x3FB6]  }
0x39: {  	_ = 	snop;
	(pc) =	sbr.ind lr, $3  }
0x3a: {  	_ = 	snop  }
0x3b: {  	_ = 	snop  }
0x3c: {  	p2 =	seq.s32 s10, $0x1;
	s10 =	sld [smem:$0x3FB5]  }
0x3d: {  	_ =	shalt  }
0x3e: {  	_ =	shalt  }
0x3f: {  	_ =	shalt  }
0x40: {  	_ =	shalt  }
0x41: {  	_ =	shalt  }
0x42: {  	_ =	shalt  }
0x43: {  	_ =	shalt  }
0x44: {  	_ =	shalt  }
0x45: {  	_ =	shalt  }
0x46: {  	_ =	shalt  }
0x47: {  	_ =	shalt  }
0x48: {  	_ =	shalt  }
0x49: {  	_ =	shalt  }
0x4a: {  	_ =	shalt  }
0x4b: {  	_ =	shalt  }
0x4c: {  	_ =	shalt  }
0x4d: {  	_ =	shalt  }
0x4e: {  	_ =	shalt  }
0x4f: {  	_ =	shalt  }
0x50: {  	_ =	shalt  }
0x51: {  	_ =	shalt  }
0x52: {  	_ =	shalt  }
0x53: {  	_ =	shalt  }
0x54: {  	_ =	shalt  }
0x55: {  	_ =	shalt  }
0x56: {  	_ =	shalt  }
0x57: {  	_ =	shalt  }
0x58: {  	_ =	shalt  }
0x59: {  	_ =	shalt  }
0x5a: {  	_ =	shalt  }
0x5b: {  	_ =	shalt  }
0x5c: {  	_ =	shalt  }
0x5d: {  	_ =	shalt  }
0x5e: {  	_ =	shalt  }
0x5f: {  	_ =	shalt  }
0x60: {  	_ =	shalt  }
0x61: {  	_ =	shalt  }
0x62: {  	_ =	shalt  }
0x63: {  	_ =	shalt  }
0x64: {  	_ =	shalt  }
0x65: {  	_ =	shalt  }
0x66: {  	_ =	shalt  }
0x67: {  	_ =	shalt  }
0x68: {  	_ =	shalt  }
0x69: {  	_ =	shalt  }
0x6a: {  	_ =	shalt  }
0x6b: {  	_ =	shalt  }
0x6c: {  	_ =	shalt  }
0x6d: {  	_ =	shalt  }
0x6e: {  	_ =	shalt  }
0x6f: {  	_ =	shalt  }
0x70: {  	_ =	shalt  }
0x71: {  	_ =	shalt  }
0x72: {  	_ =	shalt  }
0x73: {  	_ =	shalt  }
0x74: {  	_ =	shalt  }
0x75: {  	_ =	shalt  }
0x76: {  	_ =	shalt  }
0x77: {  	_ =	shalt  }
0x78: {  	_ =	shalt  }
0x79: {  	_ =	shalt  }
0x7a: {  	_ =	shalt  }
0x7b: {  	_ =	shalt  }
0x7c: {  	_ =	shalt  }
0x7d: {  	_ =	shalt  }
0x7e: {  	_ =	shalt  }
0x7f: {  	_ =	shalt  }
0x80: {  	_ =	shalt  }
0x81: {  	_ =	shalt  }
0x82: {  	_ =	shalt  }
0x83: {  	_ =	shalt  }
0x84: {  	_ =	shalt  }
0x85: {  	_ =	shalt  }
0x86: {  	_ =	shalt  }
0x87: {  	_ =	shalt  }
.Lfunc_end0:
.L_simem_size_0:
called_computation_lowered:
.L_overlay_start_0:
0x88: {  	s2 =	sld [smem:$0x3FD9]  }
0x89: {  	s3 =	sld [smem:$0x3FFE];
	_ =	sdelay $0x1  }
0x8a: {  	s1 =	srdreg.scid  }
0x8b: {  	s0 =	sand.u32 $0x1, s1  }
0x8c: {  	s17 =	sshll.u32 s0, $0xA;
	s2 =	sadd.s32 s3, s2  }
0x8d: {  	s2 =	sadd.s32 s2, s17  }
0x8e: {  	[smem:$0x3FC1] =	sst s2  }
0x8f: {  	_ = 	snop  }
0x90: {  	s2 =	sld [smem:$0x3FD0];
	(tm) =	ssettm $0x1  }
0x91: {  	s18 =	sld [smem:$0x3FFB];
	_ =	sdelay $0x3  }
0x92: {  	_ =	strace s18  }
0x93: {  	s3 =	sld [smem:$0x3FFC];
	_ =	sdelay $0x3  }
0x94: {  	_ =	strace s3  }
0x95: {  	s3 =	sld [smem:$0x3FFD];
	_ =	sdelay $0x3  }
0x96: {  	_ =	strace s3  }
0x97: {  	_ =	strace $0x8FFFFFFF  }
0x98: {  	s19 =	sld [smem:$0x3FDB];
	_ =	sdelay $0x1  }
0x99: {  	s4 =	simm.s32 $_scs_section_size  }
0x9a: {  	s5 =	simm.s32 $_size__tile_overlayer_lowered;
	s6 =	simm.s32 $_tile_overlayer_lowered  }
0x9b: {  	s22 =	simm.s32 $0x1BFF;
	s21 =	sshll.u32 s6, $0x1;
	s3 =	sadd.s32 s4, s19  }
0x9c: {  	s7 =	simm.s32 $0x0;
	s20 =	sshll.u32 s5, $0x1;
	s5 =	sadd.s32 s21, s3  }
0x9d: {  	[timem:s7], [sflag:s22] =	dma.local [hbm:s5], s20  }
0x9e: {  	_ =	swait.ge [sflag:s22], s20  }
0x9f: {  	s4 =	ssub.s32 $0x0, s20;
	[sflag:s22] =	ssyncset.done $0x0  }
0xa0: {  	[sflag:s22] =	ssyncadd.s32 s4;
	_ =	sdelay $0x1  }
0xa1: {  	s23 =	simm.s32 $0x1B8B  }
0xa2: {  	_ =	swait.ge [sflag:s23], $0x1  }
0xa3: {  	[sflag:s23] =	ssyncset.done $0x0  }
0xa4: {  	s25 =	simm.s32 $0x1B8E;
	s24 =	sld [smem:$0x3FFE];
	[sflag:s23] =	ssyncadd.s32 $0xFFFFFFFF  }
0xa5: {  	s26 =	simm.s32 $execute0_lowered;
	[smem:$0x3FD2] =	sst s25  }
0xa6: {  	s5 =	sshll.u32 s26, $0x1;
	_ =	strace $0x80000046;
	[dreg:$0x1] =	wrdreg $0xFFFFFFFF  }
0xa7: {  	s28 =	simm.s32 $_size_execute0_lowered;
	s3 =	sadd.s32 s3, s5;
	[dreg:$0x0] =	wrdreg $0x0  }
0xa8: {  	s5 =	sshll.u32 s28, $0x1;
	[dreg:$0x2] =	wrdreg s3  }
0xa9: {  	[dreg:$0x3] =	wrdreg s5  }
0xaa: {  	[dreg:$0x4] =	wrdreg $0xC0  }
0xab: {  	_ =	task [dreg:s7], $0x5FFFF  }
0xac: {  	[dreg:$0x1] =	wrdreg $0xFFFFFFFF  }
0xad: {  	[dreg:$0x0] =	wrdreg $0x60  }
0xae: {  	[dreg:$0x2] =	wrdreg s24  }
0xaf: {  	[dreg:$0x3] =	wrdreg s2  }
0xb0: {  	[dreg:$0x4] =	wrdreg $0x0  }
0xb1: {  	[dreg:$0x5] =	wrdreg $0x9  }
0xb2: {  	_ =	task.clear_ibuf [dreg:s7], $0x6FFFF;
	_ =	strace $0x90000046  }
0xb3: {  	s29 =	simm.s32 $0x9;
	_ =	strace $0x80000048  }
0xb4: {  	_ =	swait.ge [sflag:s29], $0x1  }
0xb5: {  	[sflag:s29] =	ssyncadd.s32 $0xFFFFFFFF  }
0xb6: {  	_ =	strace $0x90000048  }
0xb7: {  	_ =	sfence  }
0xb8: {  	s30 =	sld [smem:$0x0];
	_ =	sdelay $0x2  }
0xb9: {  	s31 =	sshll.u32 s1, $0xD;
	s1 =	sshrl.u32 s1, $0x2  }
0xba: {  	s3 =	sand.u32 $0x4000, s31;
	s1 =	sadd.s32 s1, s30  }
0xbb: {  	s0 =	sor.u32 s3, s0;
	s1 =	sshll.u32 s1, $0x11  }
0xbc: {  	s0 =	sor.u32 s1, s0  }
0xbd: {  	s0 =	sadd.s32 $0x8F2B, s0  }
0xbe: {  	[sflag:s0] =	ssyncadd.remote.s32 $0x1  }
0xbf: {  	_ =	sfence.sel $0xFFFF  }
0xc0: {  	[dreg:$0x0] =	wrdreg $0xFFFFFFFF;
	(pc) =	sbr.abs _section_cstart, $3  }
0xc1: {  	[dreg:$0x1] =	wrdreg $0xFFFFFFFF  }
0xc2: {  	_ =	task.clear_ibuf [dreg:s7], $0x2FFFF;
	_ =	strace $0x9FFFFFFF  }
0xc3: {  	(tm) =	ssettm $0x7FFFFFFF  }
tec
execute0_lowered:
.L_overlay_start_1:
0x0: {  	(tag) =	ssettag $0x1  }
0x1: {  	s0 =	rddreg [dreg:$0x0];
	s10 =	stileid.u32  }
0x2: {  	s2 =	rddreg [dreg:$0x1];
	s8 =	smul.u32 $0x5A000, s10  }
0x3: {  	s3 =	rddreg [dreg:$0x2]  }
0x4: {  	s1 =	srdreg.scid;
	s12 =	simm.s32 $0x0;
	s8 =	sshrl.u32 s8, $0x2  }
0x5: {  	s30 =	simm.s32 $0x7;
	s1 =	sand.u32 $0x1, s1;
	s8 =	sadd.s32 s8, s3  }
0x6: {  	s4 =	smul.u32 $0x16800, s10;
	[smem:$0x7FF] =	sst s12;
	s20 =	sadd.s32 $0x2400, s8  }
0x7: {  	_ =	strace $0x80000047;
	s21 =	sadd.s32 $0x4800, s8;
	[dreg:$0x6] =	wrdreg s20  }
0x8: {  	s5 =	sadd.s32 $0x1800, s0;
	s22 =	sadd.s32 $0x6C00, s8;
	[dreg:$0x7] =	wrdreg s21  }
0x9: {  	s19 =	sshll.u32 s10, $0x1;
	s23 =	sadd.s32 $0x9000, s8;
	[dreg:$0x8] =	wrdreg s22  }
0xa: {  	s6 =	smul.u32 $0x168000, s1;
	s24 =	sadd.s32 $0xB400, s8;
	[dreg:$0x9] =	wrdreg s23  }
0xb: {  	s9 =	ssub.s32 $0x2, s1;
	s25 =	sadd.s32 $0xD800, s8;
	[dreg:$0xa] =	wrdreg s24  }
0xc: {  	s1 =	sor.u32 s1, s19;
	s26 =	sadd.s32 $0xFC00, s8;
	[dreg:$0xb] =	wrdreg s25  }
0xd: {  	s29 =	smul.u32 $0x2780, s1;
	s11 =	sadd.s32 $0x12000, s8;
	[dreg:$0xc] =	wrdreg s26  }
0xe: {  	s18 =	sshrl.u32 s9, $0x1;
	s8 =	sadd.s32 $0x14400, s8;
	[dreg:$0xd] =	wrdreg s11  }
0xf: {  	s7 =	sadd.s32 s4, s6;
	s13 =	sadd.s32 $0x80, s29;
	[dreg:$0xe] =	wrdreg s8  }
0x10: {  	s6 =	sadd.s32 $0x3C8A00, s0;
	s14 =	sadd.s32 $0xC0, s29;
	[dreg:$0x11] =	wrdreg s13  }
0x11: {  	s7 =	sshrl.u32 s7, $0x3;
	s15 =	sadd.s32 $0x100, s29;
	[dreg:$0x12] =	wrdreg s14  }
0x12: {  	s16 =	sadd.s32 $0x140, s29;
	s0 =	sadd.s32 s7, s0;
	[dreg:$0x13] =	wrdreg s15  }
0x13: {  	s7 =	ssub.s32 s9, s18;
	s18 =	sadd.s32 s4, s3;
	[dreg:$0x14] =	wrdreg s16  }
0x14: {  	s4 =	smul.u32 $0x7680, s1;
	s0 =	sadd.s32 $0x1F200, s0;
	[dreg:$0x5] =	wrdreg s18  }
0x15: {  	s1 =	smul.u32 $0xFFFFD880, s1;
	s23 =	smax.u32 s7, $0x1;
	[dreg:$0x1b] =	wrdreg s0  }
0x16: {  	s31 =	simm.s32 $0x40;
	s10 =	simm.s32 $0xD;
	[dreg:$0x1c] =	wrdreg s23  }
0x17: {  	s13 =	simm.s32 $0x16800;
	s17 =	sadd.s32 $0x3C0, s4;
	[dreg:$0x10] =	wrdreg s1  }
0x18: {  	s14 =	simm.s32 $0x168C0;
	s19 =	sadd.s32 $0x480, s4;
	[dreg:$0x15] =	wrdreg s17  }
0x19: {  	s8 =	simm.s32 $0x8;
	s20 =	sadd.s32 $0x540, s4;
	[dreg:$0x16] =	wrdreg s19  }
0x1a: {  	s15 =	simm.s32 $0x2;
	s21 =	sadd.s32 $0x600, s4;
	[dreg:$0x17] =	wrdreg s20  }
0x1b: {  	s16 =	simm.s32 $0x6;
	s22 =	sadd.s32 $0x6C0, s4;
	[dreg:$0x18] =	wrdreg s21  }
0x1c: {  	s28 =	sshrl.u32 s4, $0x3;
	s4 =	sadd.s32 $0x780, s4;
	[dreg:$0x19] =	wrdreg s22  }
0x1d: {  	s7 =	simm.s32 $0x19880;
	s29 =	sadd.s32 $0xFFFFFFC0, s1;
	[dreg:$0x1a] =	wrdreg s4  }
0x1e: {  	s1 =	simm.s32 $0x4;
	s11 =	sadd.s32 s5, s28;
	[smem:$0x7FD] =	sst s29  }
0x1f: {  	s4 =	simm.s32 $0x1;
	s17 =	simm.s32 $0x5;
	s19 =	simm.s32 $0xA  }
.Ltmp0:
0x20: {  	s24 =	sadd.s32 $0x18, s11;
	[dreg:$0xf] =	wrdreg s11;
	(pc) =	sbr.rel .LBB2_1-.Ltmp0, $4  }
0x21: {  	s20 =	simm.s32 $0x3;
	s25 =	sadd.s32 $0x30, s11;
	[dreg:$0x1d] =	wrdreg s24  }
0x22: {  	s21 =	simm.s32 $0x1C080;
	s26 =	sadd.s32 $0x48, s11;
	[dreg:$0x1e] =	wrdreg s25  }
0x23: {  	s22 =	simm.s32 $0xB;
	s28 =	sadd.s32 $0x60, s11;
	[dreg:$0x1f] =	wrdreg s26  }
0x24: {  	v0 =	vimm.f32 $0.0e+00;
	s11 =	simm.s32 $0x17080;
	[smem:$0x7FC] =	sst s28;
	s24 =	simm.s32 $0xC  }
.LBB2_48:
0x25: {  	_ =	swait.ge [sflag:s16], $0x2400  }
0x26: {  	[sflag:s16] =	ssyncset.done $0x0  }
0x27: {  	[sflag:s16] =	ssyncadd.s32 $0xFFFFDC00  }
0x28: {  	_ =	swait.ge [sflag:s1], $0x2400  }
0x29: {  	[sflag:s1] =	ssyncset.done $0x0  }
0x2a: {  	[sflag:s1] =	ssyncadd.s32 $0xFFFFDC00  }
0x2b: {  	_ =	swait.ge [sflag:s17], $0x2400  }
0x2c: {  	[sflag:s17] =	ssyncset.done $0x0  }
0x2d: {  	[sflag:s17] =	ssyncadd.s32 $0xFFFFDC00  }
0x2e: {  	s0 =	stileid.u32;
	[bflag:$0x0] =	sbarrier.arrive $0xFFFF  }
0x2f: {  	s0 =	sshll.u32 s0, $0x6;
	s18 =	rddreg [dreg:$0x5]  }
0x30: {  	s0 =	sor.u32 $0x1C0D, s0;
	s10 =	rddreg [dreg:$0x1b];
	s9 =	sshrl.u32 s18, $0x3  }
0x31: {  	[hbm:s10], [sflag:s0] =	dma.local [spmem:s9], $0x2D00  }
0x32: {  	s10 =	simm.s32 $0xD  }
0x33: {  	_ =	swait.ge [sflag:s10], $0x2D00  }
0x34: {  	s12 =	rddreg [dreg:$0x4]  }
0x35: {  	s29 =	rddreg [dreg:$0x1c];
	s12 =	sadd.s32 $0x1, s12  }
0x36: {  	p0 =	sne.s32 s12, s29  }
.Ltmp1:
0x37: {  	_ = 	snop;
	(pc) =	sbr.rel @!p0 .LBB2_49-.Ltmp1, $3  }
0x38: {  	_ =	sdelay $0x1  }
0x39: {  	[sflag:s10] =	ssyncset.done $0x0  }
0x3a: {  	[sflag:s10] =	ssyncadd.s32 $0xFFFFD300  }
.LBB2_1:
0x3b: {  	[dreg:$0x4] =	wrdreg s12;
	s0 =	simm.s32 $0x0;
	s9 =	simm.s32 $0x240  }
.LBB2_2:
0x3c: {  	p0 =	sne.s32 s9, $0x8DC0;
	[tilespmem:s0+$0x17100] =	vst v0  }
0x3d: {  	[tilespmem:s0+$0x17080] =	vst v0  }
0x3e: {  	[tilespmem:s0+$0x17090] =	vst v0  }
0x3f: {  	[tilespmem:s0+$0x170A0] =	vst v0  }
.Ltmp2:
0x40: {  	[tilespmem:s0+$0x170B0] =	vst v0;
	(pc) =	sbr.rel @p0 .LBB2_2-.Ltmp2, $4  }
0x41: {  	[tilespmem:s0+$0x170C0] =	vst v0  }
0x42: {  	[tilespmem:s0+$0x170D0] =	vst v0  }
0x43: {  	[tilespmem:s0+$0x170E0] =	vst v0  }
0x44: {  	[tilespmem:s0+$0x170F0] =	vst v0;
	s0 =	sshra.s32 s9, $0x2;
	s9 =	sadd.s32 $0x240, s9  }
0x45: {  	[tilespmem:s0+$0x17100] =	vst v0  }
0x46: {  	[tilespmem:s0+$0x17080] =	vst v0  }
0x47: {  	[tilespmem:s0+$0x17090] =	vst v0  }
0x48: {  	[tilespmem:s0+$0x170A0] =	vst v0  }
0x49: {  	[tilespmem:s0+$0x170B0] =	vst v0  }
0x4a: {  	[tilespmem:s0+$0x170C0] =	vst v0  }
0x4b: {  	[tilespmem:s0+$0x170D0] =	vst v0  }
0x4c: {  	[tilespmem:s0+$0x170E0] =	vst v0  }
0x4d: {  	[tilespmem:s0+$0x170F0] =	vst v0  }
0x4e: {  	[spmem:s18] =	stream.linear.scatter [tilespmem:s11], [sflag:$0xD], $0x2400, $0x38;
	[tilespmem:$0x1E480] =	vst v63  }
0x4f: {  	_ =	swait.ge [sflag:s10], $0x2400  }
0x50: {  	[sflag:s10] =	ssyncset.done $0x0  }
0x51: {  	s25 =	rddreg [dreg:$0x6];
	[sflag:s10] =	ssyncadd.s32 $0xFFFFDC00  }
0x52: {  	[spmem:s25] =	stream.linear.scatter [tilespmem:s11], [sflag:$0xD], $0x2400, $0x38;
	[tilespmem:$0x1E480] =	vst v63  }
0x53: {  	_ =	swait.ge [sflag:s10], $0x2400  }
0x54: {  	[sflag:s10] =	ssyncset.done $0x0  }
0x55: {  	s26 =	rddreg [dreg:$0x7];
	[sflag:s10] =	ssyncadd.s32 $0xFFFFDC00  }
0x56: {  	[spmem:s26] =	stream.linear.scatter [tilespmem:s11], [sflag:$0xD], $0x2400, $0x38;
	[tilespmem:$0x1E480] =	vst v63  }
0x57: {  	_ =	swait.ge [sflag:s10], $0x2400  }
0x58: {  	[sflag:s10] =	ssyncset.done $0x0  }
0x59: {  	s28 =	rddreg [dreg:$0x8];
	[sflag:s10] =	ssyncadd.s32 $0xFFFFDC00  }
0x5a: {  	[spmem:s28] =	stream.linear.scatter [tilespmem:s11], [sflag:$0xD], $0x2400, $0x38;
	[tilespmem:$0x1E480] =	vst v63  }
0x5b: {  	_ =	swait.ge [sflag:s10], $0x2400  }
0x5c: {  	[sflag:s10] =	ssyncset.done $0x0  }
0x5d: {  	s29 =	rddreg [dreg:$0x9];
	[sflag:s10] =	ssyncadd.s32 $0xFFFFDC00  }
0x5e: {  	[spmem:s29] =	stream.linear.scatter [tilespmem:s11], [sflag:$0xD], $0x2400, $0x38;
	[tilespmem:$0x1E480] =	vst v63  }
0x5f: {  	_ =	swait.ge [sflag:s10], $0x2400  }
0x60: {  	[sflag:s10] =	ssyncset.done $0x0  }
0x61: {  	s9 =	rddreg [dreg:$0xa];
	[sflag:s10] =	ssyncadd.s32 $0xFFFFDC00  }
0x62: {  	[spmem:s9] =	stream.linear.scatter [tilespmem:s11], [sflag:$0xD], $0x2400, $0x38;
	[tilespmem:$0x1E480] =	vst v63  }
0x63: {  	_ =	swait.ge [sflag:s10], $0x2400  }
0x64: {  	[sflag:s10] =	ssyncset.done $0x0  }
0x65: {  	s12 =	rddreg [dreg:$0xb];
	[sflag:s10] =	ssyncadd.s32 $0xFFFFDC00  }
0x66: {  	[spmem:s12] =	stream.linear.scatter [tilespmem:s11], [sflag:$0xD], $0x2400, $0x38;
	[tilespmem:$0x1E480] =	vst v63  }
0x67: {  	_ =	swait.ge [sflag:s10], $0x2400  }
0x68: {  	[sflag:s10] =	ssyncset.done $0x0  }
0x69: {  	s18 =	rddreg [dreg:$0xc];
	[sflag:s10] =	ssyncadd.s32 $0xFFFFDC00  }
0x6a: {  	[spmem:s18] =	stream.linear.scatter [tilespmem:s11], [sflag:$0xD], $0x2400, $0x38;
	[tilespmem:$0x1E480] =	vst v63  }
0x6b: {  	_ =	swait.ge [sflag:s10], $0x2400  }
0x6c: {  	[sflag:s10] =	ssyncset.done $0x0  }
0x6d: {  	s23 =	rddreg [dreg:$0xd];
	[sflag:s10] =	ssyncadd.s32 $0xFFFFDC00  }
0x6e: {  	[spmem:s23] =	stream.linear.scatter [tilespmem:s11], [sflag:$0xD], $0x2400, $0x38;
	[tilespmem:$0x1E480] =	vst v63  }
0x6f: {  	_ =	swait.ge [sflag:s10], $0x2400  }
0x70: {  	[sflag:s10] =	ssyncset.done $0x0  }
0x71: {  	s25 =	rddreg [dreg:$0xe];
	[sflag:s10] =	ssyncadd.s32 $0xFFFFDC00  }
0x72: {  	[spmem:s25] =	stream.linear.scatter [tilespmem:s11], [sflag:$0xD], $0x2400, $0x38;
	[tilespmem:$0x1E480] =	vst v63  }
0x73: {  	_ =	swait.ge [sflag:s10], $0x2400  }
0x74: {  	[sflag:s10] =	ssyncset.done $0x0  }
0x75: {  	[sflag:s10] =	ssyncadd.s32 $0xFFFFDC00  }
0x76: {  	[bflag:$0x0] =	sbarrier.arrive $0xFFFF  }
0x77: {  	s26 =	rddreg [dreg:$0xf]  }
0x78: {  	s25 =	simm.s32 $0x0;
	s28 =	rddreg [dreg:$0x1d]  }
0x79: {  	[tilespmem:s13], [sflag:$0x7] =	stream.linear.gather [hbm4b:s26+s25], $0xC0, $0x38;
	[tilespmem:$0x1E480] =	vst v63  }
0x7a: {  	s29 =	rddreg [dreg:$0x1e]  }
0x7b: {  	[tilespmem:s14], [sflag:$0x8] =	stream.linear.gather [hbm4b:s28+s25], $0xC0, $0x38;
	[tilespmem:$0x1E480] =	vst v63  }
0x7c: {  	s9 =	simm.s32 $0x16980;
	s12 =	sld [smem:$0x7FC]  }
0x7d: {  	[tilespmem:s9], [sflag:$0x9] =	stream.linear.gather [hbm4b:s29+s25], $0xC0, $0x38;
	[tilespmem:$0x1E480] =	vst v63  }
0x7e: {  	s10 =	simm.s32 $0x16A40;
	s9 =	rddreg [dreg:$0x1f]  }
0x7f: {  	[tilespmem:s10], [sflag:$0xA] =	stream.linear.gather [hbm4b:s9+s25], $0xC0, $0x38;
	[tilespmem:$0x1E480] =	vst v63  }
0x80: {  	s18 =	simm.s32 $0x16B00  }
0x81: {  	[tilespmem:s18], [sflag:$0xB] =	stream.linear.gather [hbm4b:s12+s25], $0xC0, $0x38;
	[tilespmem:$0x1E480] =	vst v63  }
0x82: {  	_ =	swait.ge [sflag:s30], $0xC0  }
0x83: {  	[sflag:s30] =	ssyncset.done $0x0  }
0x84: {  	s23 =	simm.s32 $0x16C80;
	[sflag:s30] =	ssyncadd.s32 $0xFFFFFF40  }
0x85: {  	[tilespmem:s23], [sflag:$0x1] =	stream.indirect.gather [hbm4b:s2+s31], $0x10, s13, s31, $0xb8;
	[tilespmem:$0x1E480] =	vst v63  }
0x86: {  	s26 =	simm.s32 $0x16840  }
0x87: {  	[tilespmem:s11], [sflag:$0x1] =	stream.indirect.gather [hbm4b:s6+s31], $0x90, s26, s31, $0xb8;
	[tilespmem:$0x1E480] =	vst v63  }
0x88: {  	_ =	swait.ge [sflag:s8], $0xC0  }
.Ltmp3:
0x89: {  	[sflag:s8] =	ssyncset.done $0x0;
	(pc) =	sbr.rel .LBB2_4-.Ltmp3, $4  }
0x8a: {  	s28 =	simm.s32 $0x19480;
	[sflag:s8] =	ssyncadd.s32 $0xFFFFFF40  }
0x8b: {  	[tilespmem:s28], [sflag:$0x2] =	stream.indirect.gather [hbm4b:s2+s31], $0x10, s14, s31, $0xb8;
	[tilespmem:$0x1E480] =	vst v63  }
0x8c: {  	s29 =	simm.s32 $0x16900  }
0x8d: {  	[tilespmem:s7], [sflag:$0x2] =	stream.indirect.gather [hbm4b:s6+s31], $0x90, s29, s31, $0xb8;
	[tilespmem:$0x1E480] =	vst v63  }
.LBB2_43:
0x8e: {  	v1 =	vadd.f32 v1, v2;
	_ =	sdelay $0x1  }
0x8f: {  	v2 =	vmul.f32 $2.000000030e-01, v1;
	_ =	sdelay $0x1  }
0x90: {  	v1 =	vmax.f32 v1, v2  }
0x91: {  	v1 =	vmul.f32 $1.442695020e+00, v1;
	_ =	sdelay $0x1  }
0x92: {  	(erf) = vpow2.f32 v1;
	_ =	sdelay $0x6  }
0x93: {  	v3 =	vld [tilespmem:s28+$0xFFFFFFC0]  }
0x94: {  	v4 =	vld [tilespmem:s28+$0xFFFFFFD0];
	p1 =	slt.s32 s23, s10;
	s0 =	simm.f32 $1.000000000e+00  }
0x95: {  	v5 =	vld [tilespmem:s28+$0xFFFFFFE0];
	s0 =	simm.s32 @!p1 $0x0;
	v6 =	vpop (erf)  }
0x96: {  	v1 =	vld [tilespmem:s28+$0xFFFFFFF0];
	v6 =	vmul.f32 s0, v6  }
0x97: {  	v7 =	vld [tilespmem:s28+$0x10]  }
0x98: {  	v8 =	vld [tilespmem:s28+$0x0];
	v3 =	vmul.f32 v6, v3  }
0x99: {  	v9 =	vld [tilespmem:s28+$0x20];
	[tilespmem:s28+$0x40] =	vst v6;
	v4 =	vmul.f32 v6, v4  }
0x9a: {  	v2 =	vld [tilespmem:s28+$0x30];
	v5 =	vmul.f32 v6, v5;
	[tilespmem:s28+$0xFFFFFFC0] =	vst v3  }
0x9b: {  	v1 =	vmul.f32 v1, v6;
	[tilespmem:s28+$0xFFFFFFD0] =	vst v4  }
0x9c: {  	v63 =	vmul.f32 v7, v6;
	[tilespmem:s28+$0xFFFFFFE0] =	vst v5  }
0x9d: {  	v3 =	vmul.f32 v8, v6;
	[tilespmem:s28+$0xFFFFFFF0] =	vst v1  }
0x9e: {  	v1 =	vmul.f32 v9, v6;
	[tilespmem:s28+$0x10] =	vst v63  }
0x9f: {  	v2 =	vmul.f32 v2, v6;
	[tilespmem:s28+$0x0] =	vst v3  }
0xa0: {  	[tilespmem:s18+$0x20] =	vst v1  }
0xa1: {  	[tilespmem:s18+$0x30] =	vst v2  }
.LBB2_47:
0xa2: {  	s0 =	simm.s32 $0x16C40  }
0xa3: {  	[spmem:s3] =	stream.indirect.scatter.add.f32 [tilespmem:s21], [sflag:$0x6], $0x90, s0, s31, $0xb8;
	[tilespmem:$0x1E480] =	vst v63  }
0xa4: {  	_ =	swait.ge [sflag:s8], $0xC0  }
0xa5: {  	[sflag:s8] =	ssyncset.done $0x0  }
0xa6: {  	[sflag:s8] =	ssyncadd.s32 $0xFFFFFF40  }
0xa7: {  	_ =	swait.ge [sflag:s17], $0x2400  }
0xa8: {  	[sflag:s17] =	ssyncset.done $0x0;
	s0 =	rddreg [dreg:$0x1a]  }
0xa9: {  	s28 =	simm.s32 $0x19480;
	[sflag:s17] =	ssyncadd.s32 $0xFFFFDC00;
	s0 =	sadd.s32 @!p0 s26, s0  }
0xaa: {  	[tilespmem:s28], [sflag:$0x2] =	stream.indirect.gather [hbm4b:s2+s31], $0x10, s14, s31, $0xb8;
	[tilespmem:$0x1E480] =	vst v63  }
0xab: {  	s29 =	simm.s32 $0x16900;
	s9 =	simm.s32 @!p0 $0x0;
	s0 =	sshrl.u32 @!p0 s0, $0x3  }
0xac: {  	[tilespmem:s7], [sflag:$0x2] =	stream.indirect.gather [hbm4b:s6+s31], $0x90, s29, s31, $0xb8;
	[tilespmem:$0x1E480] =	vst v63  }
0xad: {  	s10 =	simm.s32 @!p0 $0x16B00;
	s25 =	sadd.s32 $0x1, s25;
	s0 =	sadd.s32 @!p0 s5, s0  }
0xae: {  	[tilespmem:s10], [sflag:$0xB] =	stream.linear.gather @!p0 [hbm4b:s0+s9], $0xC0, $0x38;
	[tilespmem:$0x1E480] =	vst v63  }
0xaf: {  	p0 =	sne.s32 s25, $0x1B  }
.Ltmp4:
0xb0: {  	_ = 	snop;
	(pc) =	sbr.rel @!p0 .LBB2_48-.Ltmp4, $1  }
0xb1: {  	_ =	sdelay $0x3  }
.LBB2_4:
0xb2: {  	_ =	swait.ge [sflag:s4], $0x400  }
0xb3: {  	[sflag:s4] =	ssyncset.done $0x0  }
0xb4: {  	[sflag:s4] =	ssyncadd.s32 $0xFFFFFC00  }
0xb5: {  	s26 =	smul.u32 $0xFFFFFE80, s25;
	_ =	swait.ge [sflag:s4], $0x2400  }
0xb6: {  	s0 =	rddreg [dreg:$0x10]  }
0xb7: {  	s0 =	sadd.s32 s0, s26  }
0xb8: {  	p0 =	slt.s32 s0, $0xFFFB1E40  }
.Ltmp5:
0xb9: {  	_ = 	snop;
	(pc) =	sbr.rel @p0 .LBB2_5-.Ltmp5, $3  }
0xba: {  	_ =	sdelay $0x1  }
0xbb: {  	[sflag:s4] =	ssyncset.done $0x0  }
0xbc: {  	s28 =	simm.s32 $0x170C0;
	[sflag:s4] =	ssyncadd.s32 $0xFFFFDC00  }
0xbd: {  	s9 =	simm.s32 $0x0;
	v1 =	vld [tilespmem:s28+$0x40];
	s0 =	simm.s32 $0x40;
	s18 =	simm.s32 $0x170C0  }
.LBB2_9:
0xbe: {  	p0 =	seq.s32 s0, $0xFC0;
	v2 =	vld [tilespmem:s9+$0x16C80];
	_ =	sdelay $0x4  }
0xbf: {  	v1 =	vadd.f32 v1, v2;
	_ =	sdelay $0x1  }
0xc0: {  	v2 =	vmul.f32 $2.000000030e-01, v1;
	_ =	sdelay $0x1  }
0xc1: {  	v1 =	vmax.f32 v1, v2  }
0xc2: {  	v1 =	vmul.f32 $1.442695020e+00, v1;
	_ =	sdelay $0x1  }
0xc3: {  	(erf) = vpow2.f32 v1  }
0xc4: {  	v1 =	vld [tilespmem:s28+$0xFFFFFFF0]  }
0xc5: {  	v2 =	vld [tilespmem:s28+$0x30]  }
0xc6: {  	v3 =	vld [tilespmem:s28+$0x10]  }
0xc7: {  	v4 =	vld [tilespmem:s28+$0xFFFFFFD0]  }
0xc8: {  	v5 =	vld [tilespmem:s28+$0xFFFFFFC0]  }
0xc9: {  	v6 =	vld [tilespmem:s28+$0xFFFFFFE0]  }
0xca: {  	v7 =	vld [tilespmem:s28+$0x0]  }
0xcb: {  	v8 =	vld [tilespmem:s28+$0x20]  }
0xcc: {  	v9 =	vpop (erf)  }
0xcd: {  	[tilespmem:s28+$0x40] =	vst v9;
	v5 =	vmul.f32 v9, v5;
	v4 =	vmul.f32 v9, v4  }
0xce: {  	v1 =	vmul.f32 v1, v9;
	v6 =	vmul.f32 v6, v9  }
0xcf: {  	v3 =	vmul.f32 v3, v9;
	[tilespmem:s28+$0xFFFFFFC0] =	vst v5;
	v5 =	vmul.f32 v7, v9  }
0xd0: {  	v2 =	vmul.f32 v2, v9;
	[tilespmem:s28+$0xFFFFFFD0] =	vst v4;
	v4 =	vmul.f32 v8, v9  }
0xd1: {  	[tilespmem:s28+$0xFFFFFFE0] =	vst v6  }
.Ltmp6:
0xd2: {  	[tilespmem:s28+$0xFFFFFFF0] =	vst v1;
	(pc) =	sbr.rel @!p0 .LBB2_9-.Ltmp6, $4  }
0xd3: {  	[tilespmem:s28+$0x0] =	vst v5  }
0xd4: {  	[tilespmem:s28+$0x10] =	vst v3  }
0xd5: {  	s28 =	sadd.s32 $0x90, s28;
	[tilespmem:s18+$0x20] =	vst v4  }
0xd6: {  	s9 =	sshra.s32 s0, $0x2;
	s0 =	sadd.s32 $0x40, s0;
	v1 =	vld [tilespmem:s28+$0x40];
	[tilespmem:s18+$0x30] =	vst v2;
	s18 =	smov.u32 s28  }
0xd7: {  	v2 =	vld [tilespmem:s9+$0x16C80];
	_ =	sdelay $0x4  }
0xd8: {  	v1 =	vadd.f32 v1, v2;
	_ =	sdelay $0x1  }
0xd9: {  	v2 =	vmul.f32 $2.000000030e-01, v1;
	_ =	sdelay $0x1  }
0xda: {  	v1 =	vmax.f32 v1, v2  }
0xdb: {  	v1 =	vmul.f32 $1.442695020e+00, v1;
	_ =	sdelay $0x1  }
0xdc: {  	(erf) = vpow2.f32 v1;
	_ =	sdelay $0x4  }
0xdd: {  	v3 =	vld [tilespmem:s28+$0xFFFFFFC0]  }
0xde: {  	v4 =	vld [tilespmem:s28+$0xFFFFFFD0]  }
0xdf: {  	v5 =	vld [tilespmem:s28+$0xFFFFFFE0]  }
0xe0: {  	v1 =	vld [tilespmem:s28+$0xFFFFFFF0]  }
0xe1: {  	v6 =	vld [tilespmem:s28+$0x10];
	v8 =	vpop (erf)  }
0xe2: {  	v7 =	vld [tilespmem:s28+$0x0];
	v3 =	vmul.f32 v8, v3  }
0xe3: {  	v9 =	vld [tilespmem:s28+$0x20];
	[tilespmem:s28+$0x40] =	vst v8;
	v4 =	vmul.f32 v8, v4  }
0xe4: {  	v2 =	vld [tilespmem:s28+$0x30];
	v5 =	vmul.f32 v5, v8;
	[tilespmem:s28+$0xFFFFFFC0] =	vst v3  }
0xe5: {  	v1 =	vmul.f32 v1, v8;
	[tilespmem:s28+$0xFFFFFFD0] =	vst v4  }
0xe6: {  	v63 =	vmul.f32 v6, v8;
	[tilespmem:s28+$0xFFFFFFE0] =	vst v5  }
.Ltmp7:
0xe7: {  	v3 =	vmul.f32 v7, v8;
	[tilespmem:s28+$0xFFFFFFF0] =	vst v1;
	(pc) =	sbr.rel .LBB2_11-.Ltmp7, $4  }
0xe8: {  	v1 =	vmul.f32 v9, v8;
	[tilespmem:s28+$0x10] =	vst v63  }
0xe9: {  	v2 =	vmul.f32 v2, v8;
	[tilespmem:s28+$0x0] =	vst v3  }
0xea: {  	[tilespmem:s18+$0x20] =	vst v1  }
0xeb: {  	[tilespmem:s18+$0x30] =	vst v2  }
.LBB2_5:
0xec: {  	s18 =	sadd.s32 $0x4E200, s0;
	s23 =	simm.s32 $0x16C80;
	v1 =	vld [tilespmem:s28+$0x40]  }
0xed: {  	s0 =	simm.s32 $0x1;
	s10 =	simm.s32 $0x0;
	s29 =	simm.s32 $0x170C0;
	v2 =	vld [tilespmem:s23+$0x0]  }
.LBB2_6:
0xee: {  	p0 =	sne.s32 s0, $0x3F;
	_ =	sdelay $0x3  }
0xef: {  	v1 =	vadd.f32 v1, v2;
	_ =	sdelay $0x1  }
0xf0: {  	v2 =	vmul.f32 $2.000000030e-01, v1;
	_ =	sdelay $0x1  }
0xf1: {  	v1 =	vmax.f32 v1, v2  }
0xf2: {  	v1 =	vmul.f32 $1.442695020e+00, v1;
	_ =	sdelay $0x1  }
0xf3: {  	(erf) = vpow2.f32 v1;
	_ =	sdelay $0x2  }
0xf4: {  	v1 =	vld [tilespmem:s28+$0xFFFFFFF0]  }
0xf5: {  	v2 =	vld [tilespmem:s28+$0x30]  }
0xf6: {  	v3 =	vld [tilespmem:s28+$0x10]  }
0xf7: {  	v4 =	vld [tilespmem:s28+$0xFFFFFFD0]  }
0xf8: {  	v5 =	vld [tilespmem:s28+$0xFFFFFFC0]  }
0xf9: {  	p1 =	slt.s32 s10, s18;
	s10 =	smov.u32 s0;
	s9 =	simm.f32 $1.000000000e+00;
	v6 =	vld [tilespmem:s28+$0xFFFFFFE0]  }
0xfa: {  	s9 =	simm.s32 @!p1 $0x0;
	v7 =	vld [tilespmem:s28+$0x0];
	v8 =	vpop (erf)  }
0xfb: {  	v8 =	vmul.f32 s9, v8;
	v9 =	vld [tilespmem:s28+$0x20];
	_ =	sdelay $0x1  }
0xfc: {  	[tilespmem:s28+$0x40] =	vst v8;
	v5 =	vmul.f32 v8, v5;
	v4 =	vmul.f32 v8, v4  }
0xfd: {  	v1 =	vmul.f32 v1, v8;
	v6 =	vmul.f32 v8, v6  }
0xfe: {  	v3 =	vmul.f32 v3, v8;
	[tilespmem:s28+$0xFFFFFFC0] =	vst v5;
	v5 =	vmul.f32 v7, v8  }
0xff: {  	v2 =	vmul.f32 v2, v8;
	[tilespmem:s28+$0xFFFFFFD0] =	vst v4;
	v4 =	vmul.f32 v9, v8  }
0x100: {  	[tilespmem:s28+$0xFFFFFFE0] =	vst v6  }
0x101: {  	[tilespmem:s28+$0xFFFFFFF0] =	vst v1  }
.Ltmp8:
0x102: {  	[tilespmem:s28+$0x0] =	vst v5;
	(pc) =	sbr.rel @p0 .LBB2_6-.Ltmp8, $4  }
0x103: {  	[tilespmem:s28+$0x10] =	vst v3  }
0x104: {  	s28 =	sadd.s32 $0x90, s28;
	[tilespmem:s29+$0x20] =	vst v4  }
0x105: {  	s23 =	sadd.s32 $0x10, s23;
	v1 =	vld [tilespmem:s28+$0x40];
	[tilespmem:s29+$0x30] =	vst v2;
	s29 =	smov.u32 s28  }
0x106: {  	s0 =	sadd.s32 $0x1, s0;
	v2 =	vld [tilespmem:s23+$0x0]  }
0x107: {  	_ =	sdelay $0x3  }
0x108: {  	v1 =	vadd.f32 v1, v2;
	_ =	sdelay $0x1  }
0x109: {  	v2 =	vmul.f32 $2.000000030e-01, v1;
	_ =	sdelay $0x1  }
0x10a: {  	v1 =	vmax.f32 v1, v2  }
0x10b: {  	v1 =	vmul.f32 $1.442695020e+00, v1;
	_ =	sdelay $0x1  }
0x10c: {  	(erf) = vpow2.f32 v1;
	_ =	sdelay $0x6  }
0x10d: {  	v3 =	vld [tilespmem:s28+$0xFFFFFFC0]  }
0x10e: {  	v4 =	vld [tilespmem:s28+$0xFFFFFFD0];
	p0 =	slt.s32 s10, s18;
	s0 =	simm.f32 $1.000000000e+00  }
0x10f: {  	v5 =	vld [tilespmem:s28+$0xFFFFFFE0];
	s0 =	simm.s32 @!p0 $0x0;
	v6 =	vpop (erf)  }
0x110: {  	v1 =	vld [tilespmem:s28+$0xFFFFFFF0];
	v6 =	vmul.f32 s0, v6  }
0x111: {  	v7 =	vld [tilespmem:s28+$0x10]  }
0x112: {  	v8 =	vld [tilespmem:s28+$0x0];
	v3 =	vmul.f32 v6, v3  }
0x113: {  	v9 =	vld [tilespmem:s28+$0x20];
	[tilespmem:s28+$0x40] =	vst v6;
	v4 =	vmul.f32 v6, v4  }
0x114: {  	v2 =	vld [tilespmem:s28+$0x30];
	v5 =	vmul.f32 v6, v5;
	[tilespmem:s28+$0xFFFFFFC0] =	vst v3  }
0x115: {  	v1 =	vmul.f32 v1, v6;
	[tilespmem:s28+$0xFFFFFFD0] =	vst v4  }
0x116: {  	v63 =	vmul.f32 v7, v6;
	[tilespmem:s28+$0xFFFFFFE0] =	vst v5  }
0x117: {  	v3 =	vmul.f32 v8, v6;
	[tilespmem:s28+$0xFFFFFFF0] =	vst v1  }
0x118: {  	v1 =	vmul.f32 v9, v6;
	[tilespmem:s28+$0x10] =	vst v63  }
0x119: {  	v2 =	vmul.f32 v2, v6;
	[tilespmem:s28+$0x0] =	vst v3  }
0x11a: {  	[tilespmem:s29+$0x20] =	vst v1  }
0x11b: {  	[tilespmem:s29+$0x30] =	vst v2  }
.LBB2_11:
0x11c: {  	s0 =	simm.s32 $0x16880;
	p0 =	seq.s32 s25, $0x1A  }
0x11d: {  	[spmem:s3] =	stream.indirect.scatter.add.f32 [tilespmem:s11], [sflag:$0x4], $0x90, s0, s31, $0xb8;
	[tilespmem:$0x1E480] =	vst v63  }
0x11e: {  	s0 =	simm.s32 @!p0 $0x9  }
0x11f: {  	p1 =	seq.s32 @!p0 s25, $0x0;
	_ =	swait.ge @!p0 [sflag:s0], $0xC0  }
0x120: {  	p1 =	por p1, p0;
	[sflag:s0] =	ssyncset.done @!p0 $0x0  }
0x121: {  	[sflag:s0] =	ssyncadd.s32 @!p0 $0xFFFFFF40;
	s0 =	simm.s32 @!p1 $0x6  }
0x122: {  	_ =	swait.ge @!p1 [sflag:s0], $0x2400  }
0x123: {  	s9 =	simm.s32 @!p0 $0x16980;
	[sflag:s0] =	ssyncset.done @!p1 $0x0  }
0x124: {  	s10 =	simm.s32 @!p0 $0x1BC80;
	[sflag:s0] =	ssyncadd.s32 @!p1 $0xFFFFDC00;
	s0 =	simm.s32 @!p0 $0x40  }
0x125: {  	[tilespmem:s10], [sflag:$0x3] =	stream.indirect.gather @!p0 [hbm4b:s2+s0], $0x10, s9, s0, $0xb8;
	[tilespmem:$0x1E480] =	vst v63  }
0x126: {  	s18 =	smul.u32 @!p0 $0x480, s25;
	s9 =	simm.s32 @!p0 $0x169C0;
	s10 =	simm.s32 @!p0 $0x1C080  }
0x127: {  	[tilespmem:s10], [sflag:$0x3] =	stream.indirect.gather @!p0 [hbm4b:s6+s0], $0x90, s9, s0, $0xb8;
	[tilespmem:$0x1E480] =	vst v63  }
0x128: {  	s0 =	rddreg [dreg:$0x15]  }
0x129: {  	s0 =	sadd.s32 @!p0 s18, s0  }
0x12a: {  	s0 =	sshrl.u32 @!p0 s0, $0x3  }
0x12b: {  	s9 =	simm.s32 @!p0 $0x0;
	s10 =	simm.s32 @!p0 $0x16BC0;
	s0 =	sadd.s32 @!p0 s5, s0  }
0x12c: {  	[tilespmem:s10], [sflag:$0xC] =	stream.linear.gather @!p0 [hbm4b:s0+s9], $0xC0, $0x38;
	[tilespmem:$0x1E480] =	vst v63  }
0x12d: {  	_ =	swait.ge [sflag:s15], $0x400  }
0x12e: {  	[sflag:s15] =	ssyncset.done $0x0  }
0x12f: {  	[sflag:s15] =	ssyncadd.s32 $0xFFFFFC00  }
0x130: {  	_ =	swait.ge [sflag:s15], $0x2400  }
0x131: {  	s29 =	sld [smem:$0x7FD];
	_ =	sdelay $0x2  }
0x132: {  	s0 =	sadd.s32 s29, s26  }
0x133: {  	p1 =	slt.u32 s0, $0xFFFB1E40  }
.Ltmp9:
0x134: {  	_ = 	snop;
	(pc) =	sbr.rel @p1 .LBB2_12-.Ltmp9, $3  }
0x135: {  	_ =	sdelay $0x1  }
0x136: {  	[sflag:s15] =	ssyncset.done $0x0  }
0x137: {  	s18 =	simm.s32 $0x0;
	[sflag:s15] =	ssyncadd.s32 $0xFFFFDC00;
	s26 =	simm.s32 $0x198C0  }
0x138: {  	s9 =	simm.s32 $0x0;
	v1 =	vld [tilespmem:s26+$0x40];
	s0 =	simm.s32 $0x40;
	s18 =	simm.s32 $0x198C0  }
.LBB2_16:
0x139: {  	p1 =	seq.s32 s0, $0xFC0;
	v2 =	vld [tilespmem:s9+$0x19480];
	_ =	sdelay $0x4  }
0x13a: {  	v1 =	vadd.f32 v1, v2;
	_ =	sdelay $0x1  }
0x13b: {  	v2 =	vmul.f32 $2.000000030e-01, v1;
	_ =	sdelay $0x1  }
0x13c: {  	v1 =	vmax.f32 v1, v2  }
0x13d: {  	v1 =	vmul.f32 $1.442695020e+00, v1;
	_ =	sdelay $0x1  }
0x13e: {  	(erf) = vpow2.f32 v1  }
0x13f: {  	v1 =	vld [tilespmem:s26+$0xFFFFFFF0]  }
0x140: {  	v2 =	vld [tilespmem:s26+$0x30]  }
0x141: {  	v3 =	vld [tilespmem:s26+$0x10]  }
0x142: {  	v4 =	vld [tilespmem:s26+$0xFFFFFFD0]  }
0x143: {  	v5 =	vld [tilespmem:s26+$0xFFFFFFC0]  }
0x144: {  	v6 =	vld [tilespmem:s26+$0xFFFFFFE0]  }
0x145: {  	v7 =	vld [tilespmem:s26+$0x0]  }
0x146: {  	v8 =	vld [tilespmem:s26+$0x20]  }
0x147: {  	v9 =	vpop (erf)  }
0x148: {  	[tilespmem:s26+$0x40] =	vst v9;
	v5 =	vmul.f32 v9, v5;
	v4 =	vmul.f32 v9, v4  }
0x149: {  	v1 =	vmul.f32 v1, v9;
	v6 =	vmul.f32 v6, v9  }
0x14a: {  	v3 =	vmul.f32 v3, v9;
	[tilespmem:s26+$0xFFFFFFC0] =	vst v5;
	v5 =	vmul.f32 v7, v9  }
0x14b: {  	v2 =	vmul.f32 v2, v9;
	[tilespmem:s26+$0xFFFFFFD0] =	vst v4;
	v4 =	vmul.f32 v8, v9  }
0x14c: {  	[tilespmem:s26+$0xFFFFFFE0] =	vst v6  }
.Ltmp10:
0x14d: {  	[tilespmem:s26+$0xFFFFFFF0] =	vst v1;
	(pc) =	sbr.rel @!p1 .LBB2_16-.Ltmp10, $4  }
0x14e: {  	[tilespmem:s26+$0x0] =	vst v5  }
0x14f: {  	[tilespmem:s26+$0x10] =	vst v3  }
0x150: {  	s26 =	sadd.s32 $0x90, s26;
	[tilespmem:s18+$0x20] =	vst v4  }
0x151: {  	s9 =	sshra.s32 s0, $0x2;
	s0 =	sadd.s32 $0x40, s0;
	v1 =	vld [tilespmem:s26+$0x40];
	[tilespmem:s18+$0x30] =	vst v2;
	s18 =	smov.u32 s26  }
0x152: {  	v2 =	vld [tilespmem:s9+$0x19480];
	_ =	sdelay $0x4  }
0x153: {  	v1 =	vadd.f32 v1, v2;
	_ =	sdelay $0x1  }
0x154: {  	v2 =	vmul.f32 $2.000000030e-01, v1;
	_ =	sdelay $0x1  }
0x155: {  	v1 =	vmax.f32 v1, v2  }
0x156: {  	v1 =	vmul.f32 $1.442695020e+00, v1;
	_ =	sdelay $0x1  }
0x157: {  	(erf) = vpow2.f32 v1;
	_ =	sdelay $0x4  }
0x158: {  	v3 =	vld [tilespmem:s26+$0xFFFFFFC0]  }
0x159: {  	v4 =	vld [tilespmem:s26+$0xFFFFFFD0]  }
0x15a: {  	v5 =	vld [tilespmem:s26+$0xFFFFFFE0]  }
0x15b: {  	v1 =	vld [tilespmem:s26+$0xFFFFFFF0]  }
0x15c: {  	v6 =	vld [tilespmem:s26+$0x10];
	v8 =	vpop (erf)  }
0x15d: {  	v7 =	vld [tilespmem:s26+$0x0];
	v3 =	vmul.f32 v8, v3  }
0x15e: {  	v9 =	vld [tilespmem:s26+$0x20];
	[tilespmem:s26+$0x40] =	vst v8;
	v4 =	vmul.f32 v8, v4  }
0x15f: {  	v2 =	vld [tilespmem:s26+$0x30];
	v5 =	vmul.f32 v5, v8;
	[tilespmem:s26+$0xFFFFFFC0] =	vst v3  }
0x160: {  	v1 =	vmul.f32 v1, v8;
	[tilespmem:s26+$0xFFFFFFD0] =	vst v4  }
0x161: {  	v63 =	vmul.f32 v6, v8;
	[tilespmem:s26+$0xFFFFFFE0] =	vst v5  }
.Ltmp11:
0x162: {  	v3 =	vmul.f32 v7, v8;
	[tilespmem:s26+$0xFFFFFFF0] =	vst v1;
	(pc) =	sbr.rel .LBB2_18-.Ltmp11, $4  }
0x163: {  	v1 =	vmul.f32 v9, v8;
	[tilespmem:s26+$0x10] =	vst v63  }
0x164: {  	v2 =	vmul.f32 v2, v8;
	[tilespmem:s26+$0x0] =	vst v3  }
0x165: {  	[tilespmem:s18+$0x20] =	vst v1  }
0x166: {  	[tilespmem:s18+$0x30] =	vst v2  }
.LBB2_12:
0x167: {  	s10 =	simm.s32 $0x19480;
	v1 =	vld [tilespmem:s26+$0x40]  }
0x168: {  	s23 =	sadd.s32 $0x4E200, s0;
	s0 =	simm.s32 $0x1;
	s28 =	simm.s32 $0x198C0;
	v2 =	vld [tilespmem:s10+$0x0]  }
.LBB2_13:
0x169: {  	p1 =	sne.s32 s0, $0x3F;
	_ =	sdelay $0x3  }
0x16a: {  	v1 =	vadd.f32 v1, v2;
	_ =	sdelay $0x1  }
0x16b: {  	v2 =	vmul.f32 $2.000000030e-01, v1;
	_ =	sdelay $0x1  }
0x16c: {  	v1 =	vmax.f32 v1, v2  }
0x16d: {  	v1 =	vmul.f32 $1.442695020e+00, v1;
	_ =	sdelay $0x1  }
0x16e: {  	(erf) = vpow2.f32 v1;
	_ =	sdelay $0x2  }
0x16f: {  	v1 =	vld [tilespmem:s26+$0xFFFFFFF0]  }
0x170: {  	v2 =	vld [tilespmem:s26+$0x30]  }
0x171: {  	v3 =	vld [tilespmem:s26+$0x10]  }
0x172: {  	v4 =	vld [tilespmem:s26+$0xFFFFFFD0]  }
0x173: {  	v5 =	vld [tilespmem:s26+$0xFFFFFFC0]  }
0x174: {  	p2 =	slt.s32 s18, s23;
	s18 =	smov.u32 s0;
	s9 =	simm.f32 $1.000000000e+00;
	v6 =	vld [tilespmem:s26+$0xFFFFFFE0]  }
0x175: {  	s9 =	simm.s32 @!p2 $0x0;
	v7 =	vld [tilespmem:s26+$0x0];
	v8 =	vpop (erf)  }
0x176: {  	v8 =	vmul.f32 s9, v8;
	v9 =	vld [tilespmem:s26+$0x20];
	_ =	sdelay $0x1  }
0x177: {  	[tilespmem:s26+$0x40] =	vst v8;
	v5 =	vmul.f32 v8, v5;
	v4 =	vmul.f32 v8, v4  }
0x178: {  	v1 =	vmul.f32 v1, v8;
	v6 =	vmul.f32 v8, v6  }
0x179: {  	v3 =	vmul.f32 v3, v8;
	[tilespmem:s26+$0xFFFFFFC0] =	vst v5;
	v5 =	vmul.f32 v7, v8  }
0x17a: {  	v2 =	vmul.f32 v2, v8;
	[tilespmem:s26+$0xFFFFFFD0] =	vst v4;
	v4 =	vmul.f32 v9, v8  }
0x17b: {  	[tilespmem:s26+$0xFFFFFFE0] =	vst v6  }
0x17c: {  	[tilespmem:s26+$0xFFFFFFF0] =	vst v1  }
.Ltmp12:
0x17d: {  	[tilespmem:s26+$0x0] =	vst v5;
	(pc) =	sbr.rel @p1 .LBB2_13-.Ltmp12, $4  }
0x17e: {  	[tilespmem:s26+$0x10] =	vst v3  }
0x17f: {  	s26 =	sadd.s32 $0x90, s26;
	[tilespmem:s28+$0x20] =	vst v4  }
0x180: {  	s10 =	sadd.s32 $0x10, s10;
	v1 =	vld [tilespmem:s26+$0x40];
	[tilespmem:s28+$0x30] =	vst v2;
	s28 =	smov.u32 s26  }
0x181: {  	s0 =	sadd.s32 $0x1, s0;
	v2 =	vld [tilespmem:s10+$0x0]  }
0x182: {  	_ =	sdelay $0x3  }
0x183: {  	v1 =	vadd.f32 v1, v2;
	_ =	sdelay $0x1  }
0x184: {  	v2 =	vmul.f32 $2.000000030e-01, v1;
	_ =	sdelay $0x1  }
0x185: {  	v1 =	vmax.f32 v1, v2  }
0x186: {  	v1 =	vmul.f32 $1.442695020e+00, v1;
	_ =	sdelay $0x1  }
0x187: {  	(erf) = vpow2.f32 v1;
	_ =	sdelay $0x6  }
0x188: {  	v3 =	vld [tilespmem:s26+$0xFFFFFFC0]  }
0x189: {  	v4 =	vld [tilespmem:s26+$0xFFFFFFD0];
	p1 =	slt.s32 s18, s23;
	s0 =	simm.f32 $1.000000000e+00  }
0x18a: {  	v5 =	vld [tilespmem:s26+$0xFFFFFFE0];
	s0 =	simm.s32 @!p1 $0x0;
	v6 =	vpop (erf)  }
0x18b: {  	v1 =	vld [tilespmem:s26+$0xFFFFFFF0];
	v6 =	vmul.f32 s0, v6  }
0x18c: {  	v7 =	vld [tilespmem:s26+$0x10]  }
0x18d: {  	v8 =	vld [tilespmem:s26+$0x0];
	v3 =	vmul.f32 v6, v3  }
0x18e: {  	v9 =	vld [tilespmem:s26+$0x20];
	[tilespmem:s26+$0x40] =	vst v6;
	v4 =	vmul.f32 v6, v4  }
0x18f: {  	v2 =	vld [tilespmem:s26+$0x30];
	v5 =	vmul.f32 v6, v5;
	[tilespmem:s26+$0xFFFFFFC0] =	vst v3  }
0x190: {  	v1 =	vmul.f32 v1, v6;
	[tilespmem:s26+$0xFFFFFFD0] =	vst v4  }
0x191: {  	v63 =	vmul.f32 v7, v6;
	[tilespmem:s26+$0xFFFFFFE0] =	vst v5  }
0x192: {  	v3 =	vmul.f32 v8, v6;
	[tilespmem:s26+$0xFFFFFFF0] =	vst v1  }
0x193: {  	v1 =	vmul.f32 v9, v6;
	[tilespmem:s26+$0x10] =	vst v63  }
0x194: {  	v2 =	vmul.f32 v2, v6;
	[tilespmem:s26+$0x0] =	vst v3  }
0x195: {  	[tilespmem:s28+$0x20] =	vst v1  }
0x196: {  	[tilespmem:s28+$0x30] =	vst v2  }
.LBB2_18:
.Ltmp13:
0x197: {  	(pc) =	sbr.rel @p0 .LBB2_48-.Ltmp13, $3  }
0x198: {  	_ =	sdelay $0x1  }
0x199: {  	s0 =	simm.s32 $0x16940  }
0x19a: {  	[spmem:s3] =	stream.indirect.scatter.add.f32 [tilespmem:s7], [sflag:$0x5], $0x90, s0, s31, $0xb8;
	[tilespmem:$0x1E480] =	vst v63  }
0x19b: {  	_ =	swait.ge [sflag:s19], $0xC0  }
0x19c: {  	[sflag:s19] =	ssyncset.done $0x0  }
0x19d: {  	[sflag:s19] =	ssyncadd.s32 $0xFFFFFF40  }
0x19e: {  	_ =	swait.ge [sflag:s1], $0x2400  }
0x19f: {  	s0 =	simm.s32 $0x16A40;
	s9 =	simm.s32 $0x16C80;
	[sflag:s1] =	ssyncset.done $0x0  }
0x1a0: {  	s26 =	smul.u32 $0x480, s25;
	s12 =	rddreg [dreg:$0x16];
	[sflag:s1] =	ssyncadd.s32 $0xFFFFDC00  }
0x1a1: {  	[tilespmem:s9], [sflag:$0x1] =	stream.indirect.gather [hbm4b:s2+s31], $0x10, s0, s31, $0xb8;
	[tilespmem:$0x1E480] =	vst v63  }
0x1a2: {  	s0 =	sadd.s32 s26, s12  }
0x1a3: {  	s10 =	simm.s32 $0x16A80;
	s0 =	sshrl.u32 s0, $0x3  }
0x1a4: {  	[tilespmem:s11], [sflag:$0x1] =	stream.indirect.gather [hbm4b:s6+s31], $0x90, s10, s31, $0xb8;
	[tilespmem:$0x1E480] =	vst v63  }
0x1a5: {  	s23 =	simm.s32 $0x0;
	s0 =	sadd.s32 s5, s0  }
0x1a6: {  	[tilespmem:s13], [sflag:$0x7] =	stream.linear.gather [hbm4b:s0+s23], $0xC0, $0x38;
	[tilespmem:$0x1E480] =	vst v63  }
0x1a7: {  	_ =	swait.ge [sflag:s20], $0x400  }
0x1a8: {  	[sflag:s20] =	ssyncset.done $0x0  }
0x1a9: {  	[sflag:s20] =	ssyncadd.s32 $0xFFFFFC00  }
0x1aa: {  	s28 =	smul.u32 $0x180, s25;
	_ =	swait.ge [sflag:s20], $0x2400  }
0x1ab: {  	s18 =	rddreg [dreg:$0x11]  }
0x1ac: {  	s0 =	sadd.s32 s18, s28  }
0x1ad: {  	p0 =	sgt.u32 s0, $0x4E1C0  }
.Ltmp14:
0x1ae: {  	_ = 	snop;
	(pc) =	sbr.rel @p0 .LBB2_20-.Ltmp14, $3  }
0x1af: {  	_ =	sdelay $0x1  }
0x1b0: {  	[sflag:s20] =	ssyncset.done $0x0  }
0x1b1: {  	s29 =	simm.s32 $0x1C0C0;
	[sflag:s20] =	ssyncadd.s32 $0xFFFFDC00  }
0x1b2: {  	s9 =	simm.s32 $0x0;
	v1 =	vld [tilespmem:s29+$0x40];
	s0 =	simm.s32 $0x40;
	s18 =	simm.s32 $0x1C0C0  }
.LBB2_24:
0x1b3: {  	p0 =	seq.s32 s0, $0xFC0;
	v2 =	vld [tilespmem:s9+$0x1BC80];
	_ =	sdelay $0x4  }
0x1b4: {  	v1 =	vadd.f32 v1, v2;
	_ =	sdelay $0x1  }
0x1b5: {  	v2 =	vmul.f32 $2.000000030e-01, v1;
	_ =	sdelay $0x1  }
0x1b6: {  	v1 =	vmax.f32 v1, v2  }
0x1b7: {  	v1 =	vmul.f32 $1.442695020e+00, v1;
	_ =	sdelay $0x1  }
0x1b8: {  	(erf) = vpow2.f32 v1  }
0x1b9: {  	v1 =	vld [tilespmem:s29+$0xFFFFFFF0]  }
0x1ba: {  	v2 =	vld [tilespmem:s29+$0x30]  }
0x1bb: {  	v3 =	vld [tilespmem:s29+$0x10]  }
0x1bc: {  	v4 =	vld [tilespmem:s29+$0xFFFFFFD0]  }
0x1bd: {  	v5 =	vld [tilespmem:s29+$0xFFFFFFC0]  }
0x1be: {  	v6 =	vld [tilespmem:s29+$0xFFFFFFE0]  }
0x1bf: {  	v7 =	vld [tilespmem:s29+$0x0]  }
0x1c0: {  	v8 =	vld [tilespmem:s29+$0x20]  }
0x1c1: {  	v9 =	vpop (erf)  }
0x1c2: {  	[tilespmem:s29+$0x40] =	vst v9;
	v5 =	vmul.f32 v9, v5;
	v4 =	vmul.f32 v9, v4  }
0x1c3: {  	v1 =	vmul.f32 v1, v9;
	v6 =	vmul.f32 v6, v9  }
0x1c4: {  	v3 =	vmul.f32 v3, v9;
	[tilespmem:s29+$0xFFFFFFC0] =	vst v5;
	v5 =	vmul.f32 v7, v9  }
0x1c5: {  	v2 =	vmul.f32 v2, v9;
	[tilespmem:s29+$0xFFFFFFD0] =	vst v4;
	v4 =	vmul.f32 v8, v9  }
0x1c6: {  	[tilespmem:s29+$0xFFFFFFE0] =	vst v6  }
.Ltmp15:
0x1c7: {  	[tilespmem:s29+$0xFFFFFFF0] =	vst v1;
	(pc) =	sbr.rel @!p0 .LBB2_24-.Ltmp15, $4  }
0x1c8: {  	[tilespmem:s29+$0x0] =	vst v5  }
0x1c9: {  	[tilespmem:s29+$0x10] =	vst v3  }
0x1ca: {  	s29 =	sadd.s32 $0x90, s29;
	[tilespmem:s18+$0x20] =	vst v4  }
0x1cb: {  	s9 =	sshra.s32 s0, $0x2;
	s0 =	sadd.s32 $0x40, s0;
	v1 =	vld [tilespmem:s29+$0x40];
	[tilespmem:s18+$0x30] =	vst v2;
	s18 =	smov.u32 s29  }
0x1cc: {  	v2 =	vld [tilespmem:s9+$0x1BC80];
	_ =	sdelay $0x4  }
0x1cd: {  	v1 =	vadd.f32 v1, v2;
	_ =	sdelay $0x1  }
0x1ce: {  	v2 =	vmul.f32 $2.000000030e-01, v1;
	_ =	sdelay $0x1  }
0x1cf: {  	v1 =	vmax.f32 v1, v2  }
0x1d0: {  	v1 =	vmul.f32 $1.442695020e+00, v1;
	_ =	sdelay $0x1  }
0x1d1: {  	(erf) = vpow2.f32 v1;
	_ =	sdelay $0x4  }
0x1d2: {  	v3 =	vld [tilespmem:s29+$0xFFFFFFC0]  }
0x1d3: {  	v4 =	vld [tilespmem:s29+$0xFFFFFFD0]  }
0x1d4: {  	v5 =	vld [tilespmem:s29+$0xFFFFFFE0]  }
0x1d5: {  	v1 =	vld [tilespmem:s29+$0xFFFFFFF0]  }
0x1d6: {  	v6 =	vld [tilespmem:s29+$0x10];
	v8 =	vpop (erf)  }
0x1d7: {  	v7 =	vld [tilespmem:s29+$0x0];
	v3 =	vmul.f32 v8, v3  }
0x1d8: {  	v9 =	vld [tilespmem:s29+$0x20];
	[tilespmem:s29+$0x40] =	vst v8;
	v4 =	vmul.f32 v8, v4  }
0x1d9: {  	v2 =	vld [tilespmem:s29+$0x30];
	v5 =	vmul.f32 v5, v8;
	[tilespmem:s29+$0xFFFFFFC0] =	vst v3  }
0x1da: {  	v1 =	vmul.f32 v1, v8;
	[tilespmem:s29+$0xFFFFFFD0] =	vst v4  }
0x1db: {  	v63 =	vmul.f32 v6, v8;
	[tilespmem:s29+$0xFFFFFFE0] =	vst v5  }
.Ltmp16:
0x1dc: {  	v3 =	vmul.f32 v7, v8;
	[tilespmem:s29+$0xFFFFFFF0] =	vst v1;
	(pc) =	sbr.rel .LBB2_26-.Ltmp16, $4  }
0x1dd: {  	v1 =	vmul.f32 v9, v8;
	[tilespmem:s29+$0x10] =	vst v63  }
0x1de: {  	v2 =	vmul.f32 v2, v8;
	[tilespmem:s29+$0x0] =	vst v3  }
0x1df: {  	[tilespmem:s18+$0x20] =	vst v1  }
0x1e0: {  	[tilespmem:s18+$0x30] =	vst v2  }
.LBB2_20:
0x1e1: {  	s10 =	ssub.s32 $0x4E200, s0;
	s0 =	simm.s32 $0x1BC80;
	v1 =	vld [tilespmem:s29+$0x40]  }
0x1e2: {  	s9 =	simm.s32 $0x1;
	s18 =	simm.s32 $0x1C0C0;
	v2 =	vld [tilespmem:s0+$0x0]  }
.LBB2_21:
0x1e3: {  	p0 =	sne.s32 s9, $0x3F;
	_ =	sdelay $0x3  }
0x1e4: {  	v1 =	vadd.f32 v1, v2;
	_ =	sdelay $0x1  }
0x1e5: {  	v2 =	vmul.f32 $2.000000030e-01, v1;
	_ =	sdelay $0x1  }
0x1e6: {  	v1 =	vmax.f32 v1, v2  }
0x1e7: {  	v1 =	vmul.f32 $1.442695020e+00, v1;
	_ =	sdelay $0x1  }
0x1e8: {  	(erf) = vpow2.f32 v1;
	_ =	sdelay $0x2  }
0x1e9: {  	v1 =	vld [tilespmem:s29+$0xFFFFFFF0]  }
0x1ea: {  	v2 =	vld [tilespmem:s29+$0x30]  }
0x1eb: {  	v3 =	vld [tilespmem:s29+$0x10]  }
0x1ec: {  	v4 =	vld [tilespmem:s29+$0xFFFFFFD0]  }
0x1ed: {  	v5 =	vld [tilespmem:s29+$0xFFFFFFC0]  }
0x1ee: {  	p1 =	slt.s32 s23, s10;
	s23 =	smov.u32 s9;
	s12 =	simm.f32 $1.000000000e+00;
	v6 =	vld [tilespmem:s29+$0xFFFFFFE0]  }
0x1ef: {  	s12 =	simm.s32 @!p1 $0x0;
	v7 =	vld [tilespmem:s29+$0x0];
	v8 =	vpop (erf)  }
0x1f0: {  	v8 =	vmul.f32 s12, v8;
	v9 =	vld [tilespmem:s29+$0x20];
	_ =	sdelay $0x1  }
0x1f1: {  	[tilespmem:s29+$0x40] =	vst v8;
	v5 =	vmul.f32 v8, v5;
	v4 =	vmul.f32 v8, v4  }
0x1f2: {  	v1 =	vmul.f32 v1, v8;
	v6 =	vmul.f32 v8, v6  }
0x1f3: {  	v3 =	vmul.f32 v3, v8;
	[tilespmem:s29+$0xFFFFFFC0] =	vst v5;
	v5 =	vmul.f32 v7, v8  }
0x1f4: {  	v2 =	vmul.f32 v2, v8;
	[tilespmem:s29+$0xFFFFFFD0] =	vst v4;
	v4 =	vmul.f32 v9, v8  }
0x1f5: {  	[tilespmem:s29+$0xFFFFFFE0] =	vst v6  }
0x1f6: {  	[tilespmem:s29+$0xFFFFFFF0] =	vst v1  }
.Ltmp17:
0x1f7: {  	[tilespmem:s29+$0x0] =	vst v5;
	(pc) =	sbr.rel @p0 .LBB2_21-.Ltmp17, $4  }
0x1f8: {  	[tilespmem:s29+$0x10] =	vst v3  }
0x1f9: {  	s29 =	sadd.s32 $0x90, s29;
	[tilespmem:s18+$0x20] =	vst v4  }
0x1fa: {  	s0 =	sadd.s32 $0x10, s0;
	v1 =	vld [tilespmem:s29+$0x40];
	[tilespmem:s18+$0x30] =	vst v2;
	s18 =	smov.u32 s29  }
0x1fb: {  	s9 =	sadd.s32 $0x1, s9;
	v2 =	vld [tilespmem:s0+$0x0]  }
0x1fc: {  	_ =	sdelay $0x3  }
0x1fd: {  	v1 =	vadd.f32 v1, v2;
	_ =	sdelay $0x1  }
0x1fe: {  	v2 =	vmul.f32 $2.000000030e-01, v1;
	_ =	sdelay $0x1  }
0x1ff: {  	v1 =	vmax.f32 v1, v2  }
0x200: {  	v1 =	vmul.f32 $1.442695020e+00, v1;
	_ =	sdelay $0x1  }
0x201: {  	(erf) = vpow2.f32 v1;
	_ =	sdelay $0x6  }
0x202: {  	v3 =	vld [tilespmem:s29+$0xFFFFFFC0]  }
0x203: {  	v4 =	vld [tilespmem:s29+$0xFFFFFFD0];
	p0 =	slt.s32 s23, s10;
	s0 =	simm.f32 $1.000000000e+00  }
0x204: {  	v5 =	vld [tilespmem:s29+$0xFFFFFFE0];
	s0 =	simm.s32 @!p0 $0x0;
	v6 =	vpop (erf)  }
0x205: {  	v1 =	vld [tilespmem:s29+$0xFFFFFFF0];
	v6 =	vmul.f32 s0, v6  }
0x206: {  	v7 =	vld [tilespmem:s29+$0x10]  }
0x207: {  	v8 =	vld [tilespmem:s29+$0x0];
	v3 =	vmul.f32 v6, v3  }
0x208: {  	v9 =	vld [tilespmem:s29+$0x20];
	[tilespmem:s29+$0x40] =	vst v6;
	v4 =	vmul.f32 v6, v4  }
0x209: {  	v2 =	vld [tilespmem:s29+$0x30];
	v5 =	vmul.f32 v6, v5;
	[tilespmem:s29+$0xFFFFFFC0] =	vst v3  }
0x20a: {  	v1 =	vmul.f32 v1, v6;
	[tilespmem:s29+$0xFFFFFFD0] =	vst v4  }
0x20b: {  	v63 =	vmul.f32 v7, v6;
	[tilespmem:s29+$0xFFFFFFE0] =	vst v5  }
0x20c: {  	v3 =	vmul.f32 v8, v6;
	[tilespmem:s29+$0xFFFFFFF0] =	vst v1  }
0x20d: {  	v1 =	vmul.f32 v9, v6;
	[tilespmem:s29+$0x10] =	vst v63  }
0x20e: {  	v2 =	vmul.f32 v2, v6;
	[tilespmem:s29+$0x0] =	vst v3  }
0x20f: {  	[tilespmem:s18+$0x20] =	vst v1  }
0x210: {  	[tilespmem:s18+$0x30] =	vst v2  }
.LBB2_26:
0x211: {  	s0 =	simm.s32 $0x16A00  }
0x212: {  	[spmem:s3] =	stream.indirect.scatter.add.f32 [tilespmem:s21], [sflag:$0x6], $0x90, s0, s31, $0xb8;
	[tilespmem:$0x1E480] =	vst v63  }
0x213: {  	_ =	swait.ge [sflag:s22], $0xC0  }
0x214: {  	[sflag:s22] =	ssyncset.done $0x0  }
0x215: {  	[sflag:s22] =	ssyncadd.s32 $0xFFFFFF40  }
0x216: {  	_ =	swait.ge [sflag:s17], $0x2400  }
0x217: {  	s23 =	simm.s32 $0x16B00;
	[sflag:s17] =	ssyncset.done $0x0;
	s12 =	rddreg [dreg:$0x17]  }
0x218: {  	s9 =	simm.s32 $0x19480;
	[sflag:s17] =	ssyncadd.s32 $0xFFFFDC00;
	s0 =	sadd.s32 s26, s12  }
0x219: {  	[tilespmem:s9], [sflag:$0x2] =	stream.indirect.gather [hbm4b:s2+s31], $0x10, s23, s31, $0xb8;
	[tilespmem:$0x1E480] =	vst v63  }
0x21a: {  	s10 =	simm.s32 $0x16B40;
	s0 =	sshrl.u32 s0, $0x3  }
0x21b: {  	[tilespmem:s7], [sflag:$0x2] =	stream.indirect.gather [hbm4b:s6+s31], $0x90, s10, s31, $0xb8;
	[tilespmem:$0x1E480] =	vst v63  }
0x21c: {  	s23 =	simm.s32 $0x0;
	s0 =	sadd.s32 s5, s0  }
0x21d: {  	[tilespmem:s14], [sflag:$0x8] =	stream.linear.gather [hbm4b:s0+s23], $0xC0, $0x38;
	[tilespmem:$0x1E480] =	vst v63  }
0x21e: {  	_ =	swait.ge [sflag:s4], $0x400  }
0x21f: {  	[sflag:s4] =	ssyncset.done $0x0  }
0x220: {  	[sflag:s4] =	ssyncadd.s32 $0xFFFFFC00  }
0x221: {  	_ =	swait.ge [sflag:s4], $0x2400  }
0x222: {  	s18 =	rddreg [dreg:$0x12]  }
0x223: {  	s0 =	sadd.s32 s18, s28  }
0x224: {  	p0 =	sgt.u32 s0, $0x4E1C0  }
.Ltmp18:
0x225: {  	_ = 	snop;
	(pc) =	sbr.rel @p0 .LBB2_27-.Ltmp18, $3  }
0x226: {  	_ =	sdelay $0x1  }
0x227: {  	[sflag:s4] =	ssyncset.done $0x0  }
0x228: {  	s29 =	simm.s32 $0x170C0;
	[sflag:s4] =	ssyncadd.s32 $0xFFFFDC00  }
0x229: {  	s9 =	simm.s32 $0x0;
	v1 =	vld [tilespmem:s29+$0x40];
	s0 =	simm.s32 $0x40;
	s18 =	simm.s32 $0x170C0  }
.LBB2_31:
0x22a: {  	p0 =	seq.s32 s0, $0xFC0;
	v2 =	vld [tilespmem:s9+$0x16C80];
	_ =	sdelay $0x4  }
0x22b: {  	v1 =	vadd.f32 v1, v2;
	_ =	sdelay $0x1  }
0x22c: {  	v2 =	vmul.f32 $2.000000030e-01, v1;
	_ =	sdelay $0x1  }
0x22d: {  	v1 =	vmax.f32 v1, v2  }
0x22e: {  	v1 =	vmul.f32 $1.442695020e+00, v1;
	_ =	sdelay $0x1  }
0x22f: {  	(erf) = vpow2.f32 v1  }
0x230: {  	v1 =	vld [tilespmem:s29+$0xFFFFFFF0]  }
0x231: {  	v2 =	vld [tilespmem:s29+$0x30]  }
0x232: {  	v3 =	vld [tilespmem:s29+$0x10]  }
0x233: {  	v4 =	vld [tilespmem:s29+$0xFFFFFFD0]  }
0x234: {  	v5 =	vld [tilespmem:s29+$0xFFFFFFC0]  }
0x235: {  	v6 =	vld [tilespmem:s29+$0xFFFFFFE0]  }
0x236: {  	v7 =	vld [tilespmem:s29+$0x0]  }
0x237: {  	v8 =	vld [tilespmem:s29+$0x20]  }
0x238: {  	v9 =	vpop (erf)  }
0x239: {  	[tilespmem:s29+$0x40] =	vst v9;
	v5 =	vmul.f32 v9, v5;
	v4 =	vmul.f32 v9, v4  }
0x23a: {  	v1 =	vmul.f32 v1, v9;
	v6 =	vmul.f32 v6, v9  }
0x23b: {  	v3 =	vmul.f32 v3, v9;
	[tilespmem:s29+$0xFFFFFFC0] =	vst v5;
	v5 =	vmul.f32 v7, v9  }
0x23c: {  	v2 =	vmul.f32 v2, v9;
	[tilespmem:s29+$0xFFFFFFD0] =	vst v4;
	v4 =	vmul.f32 v8, v9  }
0x23d: {  	[tilespmem:s29+$0xFFFFFFE0] =	vst v6  }
.Ltmp19:
0x23e: {  	[tilespmem:s29+$0xFFFFFFF0] =	vst v1;
	(pc) =	sbr.rel @!p0 .LBB2_31-.Ltmp19, $4  }
0x23f: {  	[tilespmem:s29+$0x0] =	vst v5  }
0x240: {  	[tilespmem:s29+$0x10] =	vst v3  }
0x241: {  	s29 =	sadd.s32 $0x90, s29;
	[tilespmem:s18+$0x20] =	vst v4  }
0x242: {  	s9 =	sshra.s32 s0, $0x2;
	s0 =	sadd.s32 $0x40, s0;
	v1 =	vld [tilespmem:s29+$0x40];
	[tilespmem:s18+$0x30] =	vst v2;
	s18 =	smov.u32 s29  }
0x243: {  	v2 =	vld [tilespmem:s9+$0x16C80];
	_ =	sdelay $0x4  }
0x244: {  	v1 =	vadd.f32 v1, v2;
	_ =	sdelay $0x1  }
0x245: {  	v2 =	vmul.f32 $2.000000030e-01, v1;
	_ =	sdelay $0x1  }
0x246: {  	v1 =	vmax.f32 v1, v2  }
0x247: {  	v1 =	vmul.f32 $1.442695020e+00, v1;
	_ =	sdelay $0x1  }
0x248: {  	(erf) = vpow2.f32 v1;
	_ =	sdelay $0x4  }
0x249: {  	v3 =	vld [tilespmem:s29+$0xFFFFFFC0]  }
0x24a: {  	v4 =	vld [tilespmem:s29+$0xFFFFFFD0]  }
0x24b: {  	v5 =	vld [tilespmem:s29+$0xFFFFFFE0]  }
0x24c: {  	v1 =	vld [tilespmem:s29+$0xFFFFFFF0]  }
0x24d: {  	v6 =	vld [tilespmem:s29+$0x10];
	v8 =	vpop (erf)  }
0x24e: {  	v7 =	vld [tilespmem:s29+$0x0];
	v3 =	vmul.f32 v8, v3  }
0x24f: {  	v9 =	vld [tilespmem:s29+$0x20];
	[tilespmem:s29+$0x40] =	vst v8;
	v4 =	vmul.f32 v8, v4  }
0x250: {  	v2 =	vld [tilespmem:s29+$0x30];
	v5 =	vmul.f32 v5, v8;
	[tilespmem:s29+$0xFFFFFFC0] =	vst v3  }
0x251: {  	v1 =	vmul.f32 v1, v8;
	[tilespmem:s29+$0xFFFFFFD0] =	vst v4  }
0x252: {  	v63 =	vmul.f32 v6, v8;
	[tilespmem:s29+$0xFFFFFFE0] =	vst v5  }
.Ltmp20:
0x253: {  	v3 =	vmul.f32 v7, v8;
	[tilespmem:s29+$0xFFFFFFF0] =	vst v1;
	(pc) =	sbr.rel .LBB2_33-.Ltmp20, $4  }
0x254: {  	v1 =	vmul.f32 v9, v8;
	[tilespmem:s29+$0x10] =	vst v63  }
0x255: {  	v2 =	vmul.f32 v2, v8;
	[tilespmem:s29+$0x0] =	vst v3  }
0x256: {  	[tilespmem:s18+$0x20] =	vst v1  }
0x257: {  	[tilespmem:s18+$0x30] =	vst v2  }
.LBB2_27:
0x258: {  	s10 =	ssub.s32 $0x4E200, s0;
	s0 =	simm.s32 $0x16C80;
	v1 =	vld [tilespmem:s29+$0x40]  }
0x259: {  	s9 =	simm.s32 $0x1;
	s18 =	simm.s32 $0x170C0;
	v2 =	vld [tilespmem:s0+$0x0]  }
.LBB2_28:
0x25a: {  	p0 =	sne.s32 s9, $0x3F;
	_ =	sdelay $0x3  }
0x25b: {  	v1 =	vadd.f32 v1, v2;
	_ =	sdelay $0x1  }
0x25c: {  	v2 =	vmul.f32 $2.000000030e-01, v1;
	_ =	sdelay $0x1  }
0x25d: {  	v1 =	vmax.f32 v1, v2  }
0x25e: {  	v1 =	vmul.f32 $1.442695020e+00, v1;
	_ =	sdelay $0x1  }
0x25f: {  	(erf) = vpow2.f32 v1;
	_ =	sdelay $0x2  }
0x260: {  	v1 =	vld [tilespmem:s29+$0xFFFFFFF0]  }
0x261: {  	v2 =	vld [tilespmem:s29+$0x30]  }
0x262: {  	v3 =	vld [tilespmem:s29+$0x10]  }
0x263: {  	v4 =	vld [tilespmem:s29+$0xFFFFFFD0]  }
0x264: {  	v5 =	vld [tilespmem:s29+$0xFFFFFFC0]  }
0x265: {  	p1 =	slt.s32 s23, s10;
	s23 =	smov.u32 s9;
	s12 =	simm.f32 $1.000000000e+00;
	v6 =	vld [tilespmem:s29+$0xFFFFFFE0]  }
0x266: {  	s12 =	simm.s32 @!p1 $0x0;
	v7 =	vld [tilespmem:s29+$0x0];
	v8 =	vpop (erf)  }
0x267: {  	v8 =	vmul.f32 s12, v8;
	v9 =	vld [tilespmem:s29+$0x20];
	_ =	sdelay $0x1  }
0x268: {  	[tilespmem:s29+$0x40] =	vst v8;
	v5 =	vmul.f32 v8, v5;
	v4 =	vmul.f32 v8, v4  }
0x269: {  	v1 =	vmul.f32 v1, v8;
	v6 =	vmul.f32 v8, v6  }
0x26a: {  	v3 =	vmul.f32 v3, v8;
	[tilespmem:s29+$0xFFFFFFC0] =	vst v5;
	v5 =	vmul.f32 v7, v8  }
0x26b: {  	v2 =	vmul.f32 v2, v8;
	[tilespmem:s29+$0xFFFFFFD0] =	vst v4;
	v4 =	vmul.f32 v9, v8  }
0x26c: {  	[tilespmem:s29+$0xFFFFFFE0] =	vst v6  }
0x26d: {  	[tilespmem:s29+$0xFFFFFFF0] =	vst v1  }
.Ltmp21:
0x26e: {  	[tilespmem:s29+$0x0] =	vst v5;
	(pc) =	sbr.rel @p0 .LBB2_28-.Ltmp21, $4  }
0x26f: {  	[tilespmem:s29+$0x10] =	vst v3  }
0x270: {  	s29 =	sadd.s32 $0x90, s29;
	[tilespmem:s18+$0x20] =	vst v4  }
0x271: {  	s0 =	sadd.s32 $0x10, s0;
	v1 =	vld [tilespmem:s29+$0x40];
	[tilespmem:s18+$0x30] =	vst v2;
	s18 =	smov.u32 s29  }
0x272: {  	s9 =	sadd.s32 $0x1, s9;
	v2 =	vld [tilespmem:s0+$0x0]  }
0x273: {  	_ =	sdelay $0x3  }
0x274: {  	v1 =	vadd.f32 v1, v2;
	_ =	sdelay $0x1  }
0x275: {  	v2 =	vmul.f32 $2.000000030e-01, v1;
	_ =	sdelay $0x1  }
0x276: {  	v1 =	vmax.f32 v1, v2  }
0x277: {  	v1 =	vmul.f32 $1.442695020e+00, v1;
	_ =	sdelay $0x1  }
0x278: {  	(erf) = vpow2.f32 v1;
	_ =	sdelay $0x6  }
0x279: {  	v3 =	vld [tilespmem:s29+$0xFFFFFFC0]  }
0x27a: {  	v4 =	vld [tilespmem:s29+$0xFFFFFFD0];
	p0 =	slt.s32 s23, s10;
	s0 =	simm.f32 $1.000000000e+00  }
0x27b: {  	v5 =	vld [tilespmem:s29+$0xFFFFFFE0];
	s0 =	simm.s32 @!p0 $0x0;
	v6 =	vpop (erf)  }
0x27c: {  	v1 =	vld [tilespmem:s29+$0xFFFFFFF0];
	v6 =	vmul.f32 s0, v6  }
0x27d: {  	v7 =	vld [tilespmem:s29+$0x10]  }
0x27e: {  	v8 =	vld [tilespmem:s29+$0x0];
	v3 =	vmul.f32 v6, v3  }
0x27f: {  	v9 =	vld [tilespmem:s29+$0x20];
	[tilespmem:s29+$0x40] =	vst v6;
	v4 =	vmul.f32 v6, v4  }
0x280: {  	v2 =	vld [tilespmem:s29+$0x30];
	v5 =	vmul.f32 v6, v5;
	[tilespmem:s29+$0xFFFFFFC0] =	vst v3  }
0x281: {  	v1 =	vmul.f32 v1, v6;
	[tilespmem:s29+$0xFFFFFFD0] =	vst v4  }
0x282: {  	v63 =	vmul.f32 v7, v6;
	[tilespmem:s29+$0xFFFFFFE0] =	vst v5  }
0x283: {  	v3 =	vmul.f32 v8, v6;
	[tilespmem:s29+$0xFFFFFFF0] =	vst v1  }
0x284: {  	v1 =	vmul.f32 v9, v6;
	[tilespmem:s29+$0x10] =	vst v63  }
0x285: {  	v2 =	vmul.f32 v2, v6;
	[tilespmem:s29+$0x0] =	vst v3  }
0x286: {  	[tilespmem:s18+$0x20] =	vst v1  }
0x287: {  	[tilespmem:s18+$0x30] =	vst v2  }
.LBB2_33:
0x288: {  	s0 =	simm.s32 $0x16AC0  }
0x289: {  	[spmem:s3] =	stream.indirect.scatter.add.f32 [tilespmem:s11], [sflag:$0x4], $0x90, s0, s31, $0xb8;
	[tilespmem:$0x1E480] =	vst v63  }
0x28a: {  	_ =	swait.ge [sflag:s24], $0xC0  }
0x28b: {  	[sflag:s24] =	ssyncset.done $0x0  }
0x28c: {  	[sflag:s24] =	ssyncadd.s32 $0xFFFFFF40  }
0x28d: {  	s12 =	simm.s32 $0x16BC0;
	_ =	swait.ge [sflag:s16], $0x2400  }
0x28e: {  	p0 =	sgt.u32 s25, $0x18;
	[sflag:s16] =	ssyncset.done $0x0;
	s0 =	rddreg [dreg:$0x18]  }
0x28f: {  	s9 =	simm.s32 $0x1BC80;
	[sflag:s16] =	ssyncadd.s32 $0xFFFFDC00;
	s0 =	sadd.s32 @!p0 s26, s0  }
0x290: {  	[tilespmem:s9], [sflag:$0x3] =	stream.indirect.gather [hbm4b:s2+s31], $0x10, s12, s31, $0xb8;
	[tilespmem:$0x1E480] =	vst v63  }
0x291: {  	s18 =	simm.s32 $0x16C00;
	s0 =	sshrl.u32 @!p0 s0, $0x3  }
0x292: {  	[tilespmem:s21], [sflag:$0x3] =	stream.indirect.gather [hbm4b:s6+s31], $0x90, s18, s31, $0xb8;
	[tilespmem:$0x1E480] =	vst v63  }
0x293: {  	s10 =	simm.s32 @!p0 $0x16980;
	s9 =	simm.s32 @!p0 $0x0;
	s0 =	sadd.s32 @!p0 s5, s0  }
0x294: {  	[tilespmem:s10], [sflag:$0x9] =	stream.linear.gather @!p0 [hbm4b:s0+s9], $0xC0, $0x38;
	[tilespmem:$0x1E480] =	vst v63  }
0x295: {  	_ =	swait.ge [sflag:s15], $0x400  }
0x296: {  	[sflag:s15] =	ssyncset.done $0x0  }
0x297: {  	[sflag:s15] =	ssyncadd.s32 $0xFFFFFC00  }
0x298: {  	_ =	swait.ge [sflag:s15], $0x2400  }
0x299: {  	s23 =	rddreg [dreg:$0x13]  }
0x29a: {  	s0 =	sadd.s32 s23, s28  }
0x29b: {  	p1 =	sgt.u32 s0, $0x4E1C0  }
.Ltmp22:
0x29c: {  	_ = 	snop;
	(pc) =	sbr.rel @p1 .LBB2_34-.Ltmp22, $3  }
0x29d: {  	_ =	sdelay $0x1  }
0x29e: {  	[sflag:s15] =	ssyncset.done $0x0  }
0x29f: {  	s29 =	simm.s32 $0x198C0;
	[sflag:s15] =	ssyncadd.s32 $0xFFFFDC00;
	s23 =	simm.s32 $0x0  }
0x2a0: {  	s9 =	simm.s32 $0x0;
	v1 =	vld [tilespmem:s29+$0x40];
	s0 =	simm.s32 $0x40;
	s18 =	simm.s32 $0x198C0  }
.LBB2_38:
0x2a1: {  	p1 =	seq.s32 s0, $0xFC0;
	v2 =	vld [tilespmem:s9+$0x19480];
	_ =	sdelay $0x4  }
0x2a2: {  	v1 =	vadd.f32 v1, v2;
	_ =	sdelay $0x1  }
0x2a3: {  	v2 =	vmul.f32 $2.000000030e-01, v1;
	_ =	sdelay $0x1  }
0x2a4: {  	v1 =	vmax.f32 v1, v2  }
0x2a5: {  	v1 =	vmul.f32 $1.442695020e+00, v1;
	_ =	sdelay $0x1  }
0x2a6: {  	(erf) = vpow2.f32 v1  }
0x2a7: {  	v1 =	vld [tilespmem:s29+$0xFFFFFFF0]  }
0x2a8: {  	v2 =	vld [tilespmem:s29+$0x30]  }
0x2a9: {  	v3 =	vld [tilespmem:s29+$0x10]  }
0x2aa: {  	v4 =	vld [tilespmem:s29+$0xFFFFFFD0]  }
0x2ab: {  	v5 =	vld [tilespmem:s29+$0xFFFFFFC0]  }
0x2ac: {  	v6 =	vld [tilespmem:s29+$0xFFFFFFE0]  }
0x2ad: {  	v7 =	vld [tilespmem:s29+$0x0]  }
0x2ae: {  	v8 =	vld [tilespmem:s29+$0x20]  }
0x2af: {  	v9 =	vpop (erf)  }
0x2b0: {  	[tilespmem:s29+$0x40] =	vst v9;
	v5 =	vmul.f32 v9, v5;
	v4 =	vmul.f32 v9, v4  }
0x2b1: {  	v1 =	vmul.f32 v1, v9;
	v6 =	vmul.f32 v6, v9  }
0x2b2: {  	v3 =	vmul.f32 v3, v9;
	[tilespmem:s29+$0xFFFFFFC0] =	vst v5;
	v5 =	vmul.f32 v7, v9  }
0x2b3: {  	v2 =	vmul.f32 v2, v9;
	[tilespmem:s29+$0xFFFFFFD0] =	vst v4;
	v4 =	vmul.f32 v8, v9  }
0x2b4: {  	[tilespmem:s29+$0xFFFFFFE0] =	vst v6  }
.Ltmp23:
0x2b5: {  	[tilespmem:s29+$0xFFFFFFF0] =	vst v1;
	(pc) =	sbr.rel @!p1 .LBB2_38-.Ltmp23, $4  }
0x2b6: {  	[tilespmem:s29+$0x0] =	vst v5  }
0x2b7: {  	[tilespmem:s29+$0x10] =	vst v3  }
0x2b8: {  	s29 =	sadd.s32 $0x90, s29;
	[tilespmem:s18+$0x20] =	vst v4  }
0x2b9: {  	s9 =	sshra.s32 s0, $0x2;
	s0 =	sadd.s32 $0x40, s0;
	v1 =	vld [tilespmem:s29+$0x40];
	[tilespmem:s18+$0x30] =	vst v2;
	s18 =	smov.u32 s29  }
0x2ba: {  	v2 =	vld [tilespmem:s9+$0x19480];
	_ =	sdelay $0x4  }
0x2bb: {  	v1 =	vadd.f32 v1, v2;
	_ =	sdelay $0x1  }
0x2bc: {  	v2 =	vmul.f32 $2.000000030e-01, v1;
	_ =	sdelay $0x1  }
0x2bd: {  	v1 =	vmax.f32 v1, v2  }
0x2be: {  	v1 =	vmul.f32 $1.442695020e+00, v1;
	_ =	sdelay $0x1  }
0x2bf: {  	(erf) = vpow2.f32 v1;
	_ =	sdelay $0x4  }
0x2c0: {  	v3 =	vld [tilespmem:s29+$0xFFFFFFC0]  }
0x2c1: {  	v4 =	vld [tilespmem:s29+$0xFFFFFFD0]  }
0x2c2: {  	v5 =	vld [tilespmem:s29+$0xFFFFFFE0]  }
0x2c3: {  	v1 =	vld [tilespmem:s29+$0xFFFFFFF0]  }
0x2c4: {  	v6 =	vld [tilespmem:s29+$0x10];
	v8 =	vpop (erf)  }
0x2c5: {  	v7 =	vld [tilespmem:s29+$0x0];
	v3 =	vmul.f32 v8, v3  }
0x2c6: {  	v9 =	vld [tilespmem:s29+$0x20];
	[tilespmem:s29+$0x40] =	vst v8;
	v4 =	vmul.f32 v8, v4  }
0x2c7: {  	v2 =	vld [tilespmem:s29+$0x30];
	v5 =	vmul.f32 v5, v8;
	[tilespmem:s29+$0xFFFFFFC0] =	vst v3  }
0x2c8: {  	v1 =	vmul.f32 v1, v8;
	[tilespmem:s29+$0xFFFFFFD0] =	vst v4  }
0x2c9: {  	v63 =	vmul.f32 v6, v8;
	[tilespmem:s29+$0xFFFFFFE0] =	vst v5  }
.Ltmp24:
0x2ca: {  	v3 =	vmul.f32 v7, v8;
	[tilespmem:s29+$0xFFFFFFF0] =	vst v1;
	(pc) =	sbr.rel .LBB2_40-.Ltmp24, $4  }
0x2cb: {  	v1 =	vmul.f32 v9, v8;
	[tilespmem:s29+$0x10] =	vst v63  }
0x2cc: {  	v2 =	vmul.f32 v2, v8;
	[tilespmem:s29+$0x0] =	vst v3  }
0x2cd: {  	[tilespmem:s18+$0x20] =	vst v1  }
0x2ce: {  	[tilespmem:s18+$0x30] =	vst v2  }
.LBB2_34:
0x2cf: {  	s10 =	ssub.s32 $0x4E200, s0;
	s0 =	simm.s32 $0x19480;
	v1 =	vld [tilespmem:s29+$0x40]  }
0x2d0: {  	s9 =	simm.s32 $0x1;
	s18 =	simm.s32 $0x198C0;
	v2 =	vld [tilespmem:s0+$0x0]  }
.LBB2_35:
0x2d1: {  	p1 =	sne.s32 s9, $0x3F;
	_ =	sdelay $0x3  }
0x2d2: {  	v1 =	vadd.f32 v1, v2;
	_ =	sdelay $0x1  }
0x2d3: {  	v2 =	vmul.f32 $2.000000030e-01, v1;
	_ =	sdelay $0x1  }
0x2d4: {  	v1 =	vmax.f32 v1, v2  }
0x2d5: {  	v1 =	vmul.f32 $1.442695020e+00, v1;
	_ =	sdelay $0x1  }
0x2d6: {  	(erf) = vpow2.f32 v1;
	_ =	sdelay $0x2  }
0x2d7: {  	v1 =	vld [tilespmem:s29+$0xFFFFFFF0]  }
0x2d8: {  	v2 =	vld [tilespmem:s29+$0x30]  }
0x2d9: {  	v3 =	vld [tilespmem:s29+$0x10]  }
0x2da: {  	v4 =	vld [tilespmem:s29+$0xFFFFFFD0]  }
0x2db: {  	v5 =	vld [tilespmem:s29+$0xFFFFFFC0]  }
0x2dc: {  	p2 =	slt.s32 s23, s10;
	s23 =	smov.u32 s9;
	s12 =	simm.f32 $1.000000000e+00;
	v6 =	vld [tilespmem:s29+$0xFFFFFFE0]  }
0x2dd: {  	s12 =	simm.s32 @!p2 $0x0;
	v7 =	vld [tilespmem:s29+$0x0];
	v8 =	vpop (erf)  }
0x2de: {  	v8 =	vmul.f32 s12, v8;
	v9 =	vld [tilespmem:s29+$0x20];
	_ =	sdelay $0x1  }
0x2df: {  	[tilespmem:s29+$0x40] =	vst v8;
	v5 =	vmul.f32 v8, v5;
	v4 =	vmul.f32 v8, v4  }
0x2e0: {  	v1 =	vmul.f32 v1, v8;
	v6 =	vmul.f32 v8, v6  }
0x2e1: {  	v3 =	vmul.f32 v3, v8;
	[tilespmem:s29+$0xFFFFFFC0] =	vst v5;
	v5 =	vmul.f32 v7, v8  }
0x2e2: {  	v2 =	vmul.f32 v2, v8;
	[tilespmem:s29+$0xFFFFFFD0] =	vst v4;
	v4 =	vmul.f32 v9, v8  }
0x2e3: {  	[tilespmem:s29+$0xFFFFFFE0] =	vst v6  }
0x2e4: {  	[tilespmem:s29+$0xFFFFFFF0] =	vst v1  }
.Ltmp25:
0x2e5: {  	[tilespmem:s29+$0x0] =	vst v5;
	(pc) =	sbr.rel @p1 .LBB2_35-.Ltmp25, $4  }
0x2e6: {  	[tilespmem:s29+$0x10] =	vst v3  }
0x2e7: {  	s29 =	sadd.s32 $0x90, s29;
	[tilespmem:s18+$0x20] =	vst v4  }
0x2e8: {  	s0 =	sadd.s32 $0x10, s0;
	v1 =	vld [tilespmem:s29+$0x40];
	[tilespmem:s18+$0x30] =	vst v2;
	s18 =	smov.u32 s29  }
0x2e9: {  	s9 =	sadd.s32 $0x1, s9;
	v2 =	vld [tilespmem:s0+$0x0]  }
0x2ea: {  	_ =	sdelay $0x3  }
0x2eb: {  	v1 =	vadd.f32 v1, v2;
	_ =	sdelay $0x1  }
0x2ec: {  	v2 =	vmul.f32 $2.000000030e-01, v1;
	_ =	sdelay $0x1  }
0x2ed: {  	v1 =	vmax.f32 v1, v2  }
0x2ee: {  	v1 =	vmul.f32 $1.442695020e+00, v1;
	_ =	sdelay $0x1  }
0x2ef: {  	(erf) = vpow2.f32 v1;
	_ =	sdelay $0x6  }
0x2f0: {  	v3 =	vld [tilespmem:s29+$0xFFFFFFC0]  }
0x2f1: {  	v4 =	vld [tilespmem:s29+$0xFFFFFFD0];
	p1 =	slt.s32 s23, s10;
	s0 =	simm.f32 $1.000000000e+00  }
0x2f2: {  	v5 =	vld [tilespmem:s29+$0xFFFFFFE0];
	s0 =	simm.s32 @!p1 $0x0;
	v6 =	vpop (erf)  }
0x2f3: {  	v1 =	vld [tilespmem:s29+$0xFFFFFFF0];
	v6 =	vmul.f32 s0, v6  }
0x2f4: {  	v7 =	vld [tilespmem:s29+$0x10]  }
0x2f5: {  	v8 =	vld [tilespmem:s29+$0x0];
	v3 =	vmul.f32 v6, v3  }
0x2f6: {  	v9 =	vld [tilespmem:s29+$0x20];
	[tilespmem:s29+$0x40] =	vst v6;
	v4 =	vmul.f32 v6, v4  }
0x2f7: {  	v2 =	vld [tilespmem:s29+$0x30];
	v5 =	vmul.f32 v6, v5;
	[tilespmem:s29+$0xFFFFFFC0] =	vst v3  }
0x2f8: {  	v1 =	vmul.f32 v1, v6;
	[tilespmem:s29+$0xFFFFFFD0] =	vst v4  }
0x2f9: {  	v63 =	vmul.f32 v7, v6;
	[tilespmem:s29+$0xFFFFFFE0] =	vst v5  }
0x2fa: {  	v3 =	vmul.f32 v8, v6;
	[tilespmem:s29+$0xFFFFFFF0] =	vst v1  }
0x2fb: {  	v1 =	vmul.f32 v9, v6;
	[tilespmem:s29+$0x10] =	vst v63  }
0x2fc: {  	v2 =	vmul.f32 v2, v6;
	[tilespmem:s29+$0x0] =	vst v3  }
0x2fd: {  	[tilespmem:s18+$0x20] =	vst v1  }
0x2fe: {  	[tilespmem:s18+$0x30] =	vst v2  }
.LBB2_40:
0x2ff: {  	s0 =	simm.s32 $0x16B80  }
0x300: {  	[spmem:s3] =	stream.indirect.scatter.add.f32 [tilespmem:s7], [sflag:$0x5], $0x90, s0, s31, $0xb8;
	[tilespmem:$0x1E480] =	vst v63  }
0x301: {  	_ =	swait.ge [sflag:s30], $0xC0  }
0x302: {  	[sflag:s30] =	ssyncset.done $0x0  }
0x303: {  	[sflag:s30] =	ssyncadd.s32 $0xFFFFFF40  }
0x304: {  	_ =	swait.ge [sflag:s1], $0x2400  }
0x305: {  	[sflag:s1] =	ssyncset.done $0x0;
	s0 =	rddreg [dreg:$0x19]  }
0x306: {  	s18 =	simm.s32 $0x16C80;
	[sflag:s1] =	ssyncadd.s32 $0xFFFFDC00;
	s0 =	sadd.s32 @!p0 s26, s0  }
0x307: {  	[tilespmem:s18], [sflag:$0x1] =	stream.indirect.gather [hbm4b:s2+s31], $0x10, s13, s31, $0xb8;
	[tilespmem:$0x1E480] =	vst v63  }
0x308: {  	s23 =	simm.s32 $0x16840;
	s0 =	sshrl.u32 @!p0 s0, $0x3  }
0x309: {  	[tilespmem:s11], [sflag:$0x1] =	stream.indirect.gather [hbm4b:s6+s31], $0x90, s23, s31, $0xb8;
	[tilespmem:$0x1E480] =	vst v63  }
0x30a: {  	s9 =	simm.s32 @!p0 $0x0;
	s10 =	simm.s32 @!p0 $0x16A40;
	s0 =	sadd.s32 @!p0 s5, s0  }
0x30b: {  	[tilespmem:s10], [sflag:$0xA] =	stream.linear.gather @!p0 [hbm4b:s0+s9], $0xC0, $0x38;
	[tilespmem:$0x1E480] =	vst v63  }
0x30c: {  	_ =	swait.ge [sflag:s20], $0x400  }
0x30d: {  	[sflag:s20] =	ssyncset.done $0x0  }
0x30e: {  	[sflag:s20] =	ssyncadd.s32 $0xFFFFFC00  }
0x30f: {  	_ =	swait.ge [sflag:s20], $0x2400  }
0x310: {  	s29 =	rddreg [dreg:$0x14]  }
0x311: {  	s0 =	sadd.s32 s29, s28  }
0x312: {  	p1 =	sgt.u32 s0, $0x4E1C0  }
.Ltmp26:
0x313: {  	_ = 	snop;
	(pc) =	sbr.rel @p1 .LBB2_41-.Ltmp26, $3  }
0x314: {  	_ =	sdelay $0x1  }
0x315: {  	[sflag:s20] =	ssyncset.done $0x0  }
0x316: {  	s23 =	simm.s32 $0x0;
	[sflag:s20] =	ssyncadd.s32 $0xFFFFDC00;
	s28 =	simm.s32 $0x1C0C0  }
0x317: {  	s9 =	simm.s32 $0x0;
	v1 =	vld [tilespmem:s28+$0x40];
	s0 =	simm.s32 $0x40;
	s18 =	simm.s32 $0x1C0C0  }
.LBB2_45:
0x318: {  	p1 =	seq.s32 s0, $0xFC0;
	v2 =	vld [tilespmem:s9+$0x1BC80];
	_ =	sdelay $0x4  }
0x319: {  	v1 =	vadd.f32 v1, v2;
	_ =	sdelay $0x1  }
0x31a: {  	v2 =	vmul.f32 $2.000000030e-01, v1;
	_ =	sdelay $0x1  }
0x31b: {  	v1 =	vmax.f32 v1, v2  }
0x31c: {  	v1 =	vmul.f32 $1.442695020e+00, v1;
	_ =	sdelay $0x1  }
0x31d: {  	(erf) = vpow2.f32 v1  }
0x31e: {  	v1 =	vld [tilespmem:s28+$0xFFFFFFF0]  }
0x31f: {  	v2 =	vld [tilespmem:s28+$0x30]  }
0x320: {  	v3 =	vld [tilespmem:s28+$0x10]  }
0x321: {  	v4 =	vld [tilespmem:s28+$0xFFFFFFD0]  }
0x322: {  	v5 =	vld [tilespmem:s28+$0xFFFFFFC0]  }
0x323: {  	v6 =	vld [tilespmem:s28+$0xFFFFFFE0]  }
0x324: {  	v7 =	vld [tilespmem:s28+$0x0]  }
0x325: {  	v8 =	vld [tilespmem:s28+$0x20]  }
0x326: {  	v9 =	vpop (erf)  }
0x327: {  	[tilespmem:s28+$0x40] =	vst v9;
	v5 =	vmul.f32 v9, v5;
	v4 =	vmul.f32 v9, v4  }
0x328: {  	v1 =	vmul.f32 v1, v9;
	v6 =	vmul.f32 v6, v9  }
0x329: {  	v3 =	vmul.f32 v3, v9;
	[tilespmem:s28+$0xFFFFFFC0] =	vst v5;
	v5 =	vmul.f32 v7, v9  }
0x32a: {  	v2 =	vmul.f32 v2, v9;
	[tilespmem:s28+$0xFFFFFFD0] =	vst v4;
	v4 =	vmul.f32 v8, v9  }
0x32b: {  	[tilespmem:s28+$0xFFFFFFE0] =	vst v6  }
.Ltmp27:
0x32c: {  	[tilespmem:s28+$0xFFFFFFF0] =	vst v1;
	(pc) =	sbr.rel @!p1 .LBB2_45-.Ltmp27, $4  }
0x32d: {  	[tilespmem:s28+$0x0] =	vst v5  }
0x32e: {  	[tilespmem:s28+$0x10] =	vst v3  }
0x32f: {  	s28 =	sadd.s32 $0x90, s28;
	[tilespmem:s18+$0x20] =	vst v4  }
0x330: {  	s9 =	sshra.s32 s0, $0x2;
	s0 =	sadd.s32 $0x40, s0;
	v1 =	vld [tilespmem:s28+$0x40];
	[tilespmem:s18+$0x30] =	vst v2;
	s18 =	smov.u32 s28  }
0x331: {  	v2 =	vld [tilespmem:s9+$0x1BC80];
	_ =	sdelay $0x4  }
0x332: {  	v1 =	vadd.f32 v1, v2;
	_ =	sdelay $0x1  }
0x333: {  	v2 =	vmul.f32 $2.000000030e-01, v1;
	_ =	sdelay $0x1  }
0x334: {  	v1 =	vmax.f32 v1, v2  }
0x335: {  	v1 =	vmul.f32 $1.442695020e+00, v1;
	_ =	sdelay $0x1  }
0x336: {  	(erf) = vpow2.f32 v1;
	_ =	sdelay $0x4  }
0x337: {  	v3 =	vld [tilespmem:s28+$0xFFFFFFC0]  }
0x338: {  	v4 =	vld [tilespmem:s28+$0xFFFFFFD0]  }
0x339: {  	v5 =	vld [tilespmem:s28+$0xFFFFFFE0]  }
0x33a: {  	v1 =	vld [tilespmem:s28+$0xFFFFFFF0]  }
0x33b: {  	v6 =	vld [tilespmem:s28+$0x10];
	v8 =	vpop (erf)  }
0x33c: {  	v7 =	vld [tilespmem:s28+$0x0];
	v3 =	vmul.f32 v8, v3  }
0x33d: {  	v9 =	vld [tilespmem:s28+$0x20];
	[tilespmem:s28+$0x40] =	vst v8;
	v4 =	vmul.f32 v8, v4  }
0x33e: {  	v2 =	vld [tilespmem:s28+$0x30];
	v5 =	vmul.f32 v5, v8;
	[tilespmem:s28+$0xFFFFFFC0] =	vst v3  }
0x33f: {  	v1 =	vmul.f32 v1, v8;
	[tilespmem:s28+$0xFFFFFFD0] =	vst v4  }
0x340: {  	v63 =	vmul.f32 v6, v8;
	[tilespmem:s28+$0xFFFFFFE0] =	vst v5  }
.Ltmp28:
0x341: {  	v3 =	vmul.f32 v7, v8;
	[tilespmem:s28+$0xFFFFFFF0] =	vst v1;
	(pc) =	sbr.rel .LBB2_47-.Ltmp28, $4  }
0x342: {  	v1 =	vmul.f32 v9, v8;
	[tilespmem:s28+$0x10] =	vst v63  }
0x343: {  	v2 =	vmul.f32 v2, v8;
	[tilespmem:s28+$0x0] =	vst v3  }
0x344: {  	[tilespmem:s18+$0x20] =	vst v1  }
0x345: {  	[tilespmem:s18+$0x30] =	vst v2  }
.LBB2_41:
0x346: {  	s10 =	ssub.s32 $0x4E200, s0;
	s0 =	simm.s32 $0x1BC80;
	v1 =	vld [tilespmem:s28+$0x40]  }
0x347: {  	s9 =	simm.s32 $0x1;
	s18 =	simm.s32 $0x1C0C0;
	v2 =	vld [tilespmem:s0+$0x0]  }
.LBB2_42:
0x348: {  	p1 =	sne.s32 s9, $0x3F;
	_ =	sdelay $0x3  }
0x349: {  	v1 =	vadd.f32 v1, v2;
	_ =	sdelay $0x1  }
0x34a: {  	v2 =	vmul.f32 $2.000000030e-01, v1;
	_ =	sdelay $0x1  }
0x34b: {  	v1 =	vmax.f32 v1, v2  }
0x34c: {  	v1 =	vmul.f32 $1.442695020e+00, v1;
	_ =	sdelay $0x1  }
0x34d: {  	(erf) = vpow2.f32 v1;
	_ =	sdelay $0x2  }
0x34e: {  	v1 =	vld [tilespmem:s28+$0xFFFFFFF0]  }
0x34f: {  	v2 =	vld [tilespmem:s28+$0x30]  }
0x350: {  	v3 =	vld [tilespmem:s28+$0x10]  }
0x351: {  	v4 =	vld [tilespmem:s28+$0xFFFFFFD0]  }
0x352: {  	v5 =	vld [tilespmem:s28+$0xFFFFFFC0]  }
0x353: {  	p2 =	slt.s32 s23, s10;
	s23 =	smov.u32 s9;
	s12 =	simm.f32 $1.000000000e+00;
	v6 =	vld [tilespmem:s28+$0xFFFFFFE0]  }
0x354: {  	s12 =	simm.s32 @!p2 $0x0;
	v7 =	vld [tilespmem:s28+$0x0];
	v8 =	vpop (erf)  }
0x355: {  	v8 =	vmul.f32 s12, v8;
	v9 =	vld [tilespmem:s28+$0x20];
	_ =	sdelay $0x1  }
0x356: {  	[tilespmem:s28+$0x40] =	vst v8;
	v5 =	vmul.f32 v8, v5;
	v4 =	vmul.f32 v8, v4  }
0x357: {  	v1 =	vmul.f32 v1, v8;
	v6 =	vmul.f32 v8, v6  }
0x358: {  	v3 =	vmul.f32 v3, v8;
	[tilespmem:s28+$0xFFFFFFC0] =	vst v5;
	v5 =	vmul.f32 v7, v8  }
0x359: {  	v2 =	vmul.f32 v2, v8;
	[tilespmem:s28+$0xFFFFFFD0] =	vst v4;
	v4 =	vmul.f32 v9, v8  }
0x35a: {  	[tilespmem:s28+$0xFFFFFFE0] =	vst v6  }
0x35b: {  	[tilespmem:s28+$0xFFFFFFF0] =	vst v1  }
.Ltmp29:
0x35c: {  	[tilespmem:s28+$0x0] =	vst v5;
	(pc) =	sbr.rel @p1 .LBB2_42-.Ltmp29, $4  }
0x35d: {  	[tilespmem:s28+$0x10] =	vst v3  }
0x35e: {  	s28 =	sadd.s32 $0x90, s28;
	[tilespmem:s18+$0x20] =	vst v4  }
0x35f: {  	s0 =	sadd.s32 $0x10, s0;
	v1 =	vld [tilespmem:s28+$0x40];
	[tilespmem:s18+$0x30] =	vst v2;
	s18 =	smov.u32 s28  }
0x360: {  	s9 =	sadd.s32 $0x1, s9;
	v2 =	vld [tilespmem:s0+$0x0]  }
.Ltmp30:
0x361: {  	_ = 	snop;
	(pc) =	sbr.rel .LBB2_43-.Ltmp30, $1  }
0x362: {  	_ =	sdelay $0x3  }
.LBB2_49:
0x363: {  	_ =	sfence.sel $0x180000  }
0x364: {  	[bflag:$0x0] =	sbarrier.arrive $0xFFFF  }
0x365: {  	_ =	strace $0x90000047  }
0x366: {  	s0 =	stileid.u32;
	[bflag:$0x2] =	sbarrier.arrive $0xFFFF  }
0x367: {  	p0 =	sne.s32 s0, $0x0;
	s0 =	rddreg [dreg:$0x3]  }
0x368: {  	s0 =	sadd.s32 @!p0 $0x100000, s0  }
0x369: {  	[sflag:s0] =	ssyncadd.tile.s32 @!p0 $0x1;
	_ =	shalt  }
.Lfunc_end2:
_tile_overlayer_lowered:
.L_overlay_start_2:
0x36a: {  	(tag) =	ssettag $0x2  }
0x36b: {  	s0 =	rddreg [dreg:$0x0];
	s2 =	stileid.u32  }
0x36c: {  	s1 =	rddreg [dreg:$0x1];
	p0 =	sne.s32 s2, $0x0  }
0x36d: {  	s3 =	rddreg [dreg:$0x2];
	[bflag:$0x3] =	sbarrier.arrive $0xFFFF;
	s2 =	simm.s32 @!p0 $0x1C0D  }
0x36e: {  	[timem:s3], [sflag:s2] =	dma.local @!p0 [hbm:s0], s1  }
0x36f: {  	s0 =	simm.s32 @!p0 $0xD  }
0x370: {  	_ =	swait.ge @!p0 [sflag:s0], s1  }
0x371: {  	s1 =	ssub.s32 @!p0 $0x0, s1;
	[sflag:s0] =	ssyncset.done @!p0 $0x0  }
0x372: {  	[sflag:s0] =	ssyncadd.s32 @!p0 s1  }
0x373: {  	[bflag:$0x3] =	sbarrier.arrive $0xFFFF  }
0x374: {  	_ =	shalt  }

</sc_bundles>
